<compile_context>
chip_gen: v7x
topology: tpu7x:2x2x1
jax: 0.10.2.dev20260603
libtpu: 0.0.44.dev20260713+nightly
codegen_flags: <defaults>
</compile_context>

<pallas_src>
import jax
import jax.numpy as jnp
from jax import lax
from jax.experimental import pallas as pl
from jax.experimental.pallas import tpu as pltpu
from jax.experimental.pallas import tpu_sc as plsc

NC = 2
NS = 16
NW = NC * NS
LANES = 16
CHUNK = 80


def _make_agg(N, Npad, D, E, with_counts):
    ept = E // NW
    nchunk = ept // CHUNK
    rpt = Npad // NS
    mesh = plsc.VectorSubcoreMesh(core_axis_name="c", subcore_axis_name="s")

    NR = 3
    NI = 6
    out_type = [jax.ShapeDtypeStruct((NC, Npad, D), jnp.float32)]
    scratch = (
        [pltpu.VMEM((CHUNK,), jnp.int32) for _ in range(NI)]
        + [pltpu.VMEM((CHUNK,), jnp.int32) for _ in range(NI)]
        + [pltpu.VMEM((CHUNK, D), jnp.float32) for _ in range(NR)]
        + [pltpu.VMEM_SHARED((Npad, D), jnp.float32)]
        + [pltpu.SemaphoreType.DMA] * (2 * NR + 2 * NI)
    )
    if with_counts:
        out_type.append(jax.ShapeDtypeStruct((NW, N), jnp.float32))
        scratch.append(pltpu.VMEM((N,), jnp.float32))

    def body(y_hbm, src_hbm, dst_hbm, zeros_hbm, *rest):
        out_hbm = rest[0]
        rest = list(rest[1:])
        if with_counts:
            cnt_hbm = rest.pop(0)
            cnt_v = rest.pop(-1)
        idxs = rest[0:NI]
        didxs = rest[NI:2 * NI]
        rows = rest[2 * NI:2 * NI + NR]
        acc = rest[2 * NI + NR]
        sems = rest[2 * NI + NR + 1:]
        semg = sems[0:NR]
        semsc = sems[NR:2 * NR]
        semi = sems[2 * NR:2 * NR + NI]
        semd = sems[2 * NR + NI:]
        cid = lax.axis_index("c")
        sid = lax.axis_index("s")
        wid = sid * NC + cid
        stripe = pl.ds(sid * rpt, rpt)
        base = wid * ept
        ones = jnp.ones((LANES,), jnp.float32)

        pltpu.sync_copy(zeros_hbm, acc.at[stripe])
        if with_counts:
            zv = jnp.zeros((LANES,), jnp.float32)

            def zbody(i, carry):
                cnt_v[pl.ds(i * LANES, LANES)] = zv
                return carry

            lax.fori_loop(0, N // LANES, zbody, 0)
        plsc.subcore_barrier()

        def idx_descr(b, c):
            off = pl.multiple_of(base + c * CHUNK, 8)
            return (pltpu.make_async_copy(src_hbm.at[pl.ds(off, CHUNK)],
                                          idxs[b], semi[b]),
                    pltpu.make_async_copy(dst_hbm.at[pl.ds(off, CHUNK)],
                                          didxs[b], semd[b]))

        def gather_descr(rb, ib):
            return pltpu.make_async_copy(y_hbm.at[idxs[ib]], rows[rb],
                                         semg[rb])

        def scatter_start(rb, ib):
            pltpu.async_copy(rows[rb], acc.at[didxs[ib]], semsc[rb], add=True)

        def scatter_wait(rb, ib):
            pltpu.make_async_copy(rows[rb], acc.at[didxs[ib]],
                                  semsc[rb]).wait()

        def counts(ib):
            if with_counts:
                for i in range(CHUNK // LANES):
                    iv = didxs[ib][pl.ds(i * LANES, LANES)]
                    plsc.addupdate_scatter(cnt_v, [iv], ones)

        def steady(c, u, drain, gather, idx):
            rb, ib = u % NR, u % NI
            gather_descr(rb, ib).wait()
            scatter_start(rb, ib)
            counts(ib)
            if drain:
                scatter_wait((u + 2) % NR, (u + 5) % NI)
            if gather:
                rb2, ib2 = (u + 2) % NR, (u + 2) % NI
                for d in idx_descr(ib2, c + 2):
                    d.wait()
                gather_descr(rb2, ib2).start()
            if idx:
                for d in idx_descr((u + 4) % NI, c + 4):
                    d.start()

        for c in range(4):
            for d in idx_descr(c % NI, c):
                d.start()
        for c in range(2):
            for d in idx_descr(c % NI, c):
                d.wait()
            gather_descr(c % NR, c % NI).start()

        for c in range(6):
            steady(c, c, drain=(c > 0), gather=True, idx=(c + 4 < nchunk))

        G = (nchunk - 6 - 5) // 6

        def group_body(g, carry):
            c0 = 6 * g
            for u in range(6):
                steady(c0 + u, u, drain=True, gather=True, idx=True)
            return carry

        lax.fori_loop(1, G + 1, group_body, 0)

        for c in range(6 * (G + 1), nchunk):
            steady(c, c % 6, drain=True,
                   gather=(c + 2 < nchunk), idx=(c + 4 < nchunk))
        scatter_wait((nchunk - 1) % NR, (nchunk - 1) % NI)
        plsc.subcore_barrier()

        pltpu.sync_copy(acc.at[stripe], out_hbm.at[cid, stripe])
        if with_counts:
            pltpu.sync_copy(cnt_v, cnt_hbm.at[wid])

    params = pltpu.CompilerParams(needs_layout_passes=False) if with_counts \
        else None
    return pl.kernel(body, out_type=out_type, mesh=mesh,
                     scratch_types=scratch, compiler_params=params)


_DOT = (((1,), (1,)), ((), ()))


def _tc_pre(x, W_r):
    N, D = x.shape
    BR = N

    def body(x_ref, wr_ref, r_ref):
        r_ref[...] = lax.dot_general(x_ref[...], wr_ref[...], _DOT,
                                     preferred_element_type=jnp.float32)

    return pl.pallas_call(
        body,
        grid=(N // BR,),
        in_specs=[pl.BlockSpec((BR, D), lambda i: (i, 0)),
                  pl.BlockSpec((D, D), lambda i: (0, 0))],
        out_specs=pl.BlockSpec((BR, D), lambda i: (i, 0)),
        out_shape=jax.ShapeDtypeStruct((N, D), jnp.float32),
    )(x, W_r)


def _tc_mid(s1, cntT, r1, W1_l, b1, W2_r):
    N, D = r1.shape
    BR = 2000

    def body(s_ref, c_ref, r_ref, wl_ref, b_ref, wr_ref, h_ref, rr_ref):
        s = s_ref[0] + s_ref[1]
        t = lax.dot_general(s, wl_ref[...], _DOT,
                            preferred_element_type=jnp.float32)
        c = jnp.sum(c_ref[...], axis=1, keepdims=True)
        pre = t / jnp.maximum(c, 1.0) + b_ref[...] + r_ref[...]
        nrm = jnp.sqrt(jnp.sum(pre * pre, axis=1, keepdims=True))
        h = jnp.maximum(pre / jnp.maximum(nrm, 1e-12), 0.0)
        h_ref[...] = h
        rr_ref[...] = lax.dot_general(h, wr_ref[...], _DOT,
                                      preferred_element_type=jnp.float32)

    return pl.pallas_call(
        body,
        grid=(N // BR,),
        in_specs=[pl.BlockSpec((NC, BR, D), lambda i: (0, i, 0)),
                  pl.BlockSpec((BR, NW), lambda i: (i, 0)),
                  pl.BlockSpec((BR, D), lambda i: (i, 0)),
                  pl.BlockSpec((D, D), lambda i: (0, 0)),
                  pl.BlockSpec((1, D), lambda i: (0, 0)),
                  pl.BlockSpec((D, D), lambda i: (0, 0))],
        out_specs=[pl.BlockSpec((BR, D), lambda i: (i, 0)),
                   pl.BlockSpec((BR, D), lambda i: (i, 0))],
        out_shape=[jax.ShapeDtypeStruct((N, D), jnp.float32)] * 2,
    )(s1, cntT, r1, W1_l, b1.reshape(1, D), W2_r)


def _tc_post(s2, cntT, r2, W2_l, b2):
    N, D = r2.shape
    BR = 2000

    def body(s_ref, c_ref, r_ref, wl_ref, b_ref, o_ref):
        s = s_ref[0] + s_ref[1]
        t = lax.dot_general(s, wl_ref[...], _DOT,
                            preferred_element_type=jnp.float32)
        c = jnp.sum(c_ref[...], axis=1, keepdims=True)
        o_ref[...] = t / jnp.maximum(c, 1.0) + b_ref[...] + r_ref[...]

    return pl.pallas_call(
        body,
        grid=(N // BR,),
        in_specs=[pl.BlockSpec((NC, BR, D), lambda i: (0, i, 0)),
                  pl.BlockSpec((BR, NW), lambda i: (i, 0)),
                  pl.BlockSpec((BR, D), lambda i: (i, 0)),
                  pl.BlockSpec((D, D), lambda i: (0, 0)),
                  pl.BlockSpec((1, D), lambda i: (0, 0))],
        out_specs=pl.BlockSpec((BR, D), lambda i: (i, 0)),
        out_shape=jax.ShapeDtypeStruct((N, D), jnp.float32),
    )(s2, cntT, r2, W2_l, b2.reshape(1, D))


def kernel(x, edge_index, W1_l, b1_l, W1_r, W2_l, b2_l, W2_r):
    N, D = x.shape
    E = edge_index.shape[1]
    src = edge_index[0].astype(jnp.int32)
    dst = edge_index[1].astype(jnp.int32)
    Npad = -(-N // 128) * 128
    zeros = jnp.zeros((Npad // NS, D), jnp.float32)

    part1, cnt = _make_agg(N, Npad, D, E, True)(x, src, dst, zeros)
    r1 = _tc_pre(x, W1_r)
    cntT = cnt.T
    h, r2 = _tc_mid(part1, cntT, r1, W1_l, b1_l, W2_r)
    part2, = _make_agg(N, Npad, D, E, False)(h, src, dst, zeros)
    return _tc_post(part2, cntT, r2, W2_l, b2_l)

# --- scband reference (transcript-rebuilt; emitter-appended) ---
"""Pipeline reference for scband-gnn-90606630076834 (READ-ONLY COPY).

The authoritative reference and input builder live on the scoring server;
editing this copy changes nothing except your own understanding.
"""

import jax, jax.numpy as jnp
import numpy as np

N_NODES = 10000
N_EDGES = 320000
D = 128


def sage_conv(x, edge_index, W_l, b_l, W_r, normalize):
    # PyG SAGEConv, aggr='mean', root_weight=True:
    # out = lin_l(mean_{j in N(i)} x_j) + lin_r(x_i)
    src = edge_index[0]
    dst = edge_index[1]
    msg = jnp.take(x, src, axis=0)
    summed = jax.ops.segment_sum(msg, dst, num_segments=N_NODES)
    count = jax.ops.segment_sum(jnp.ones((msg.shape[0],), dtype=x.dtype), dst, num_segments=N_NODES)
    mean = summed / jnp.clip(count, 1.0, None)[:, None]
    out = mean @ W_l.T + b_l + x @ W_r.T
    if normalize:
        norm = jnp.linalg.norm(out, axis=-1, keepdims=True)
        out = out / jnp.clip(norm, 1e-12, None)
    return out


def setup_inputs(seed: int = 0) -> dict:
    key = jax.random.key(seed)
    ks = jax.random.split(key, 8)
    x = jax.random.normal(ks[0], (N_NODES, D), dtype=jnp.float32)
    edge_index = jax.random.randint(ks[1], (2, N_EDGES), 0, N_NODES, dtype=jnp.int64)
    s = 1.0 / np.sqrt(D)
    W1_l = jax.random.uniform(ks[2], (D, D), jnp.float32, -s, s)
    b1_l = jax.random.uniform(ks[3], (D,), jnp.float32, -s, s)
    W1_r = jax.random.uniform(ks[4], (D, D), jnp.float32, -s, s)
    W2_l = jax.random.uniform(ks[5], (D, D), jnp.float32, -s, s)
    b2_l = jax.random.uniform(ks[6], (D,), jnp.float32, -s, s)
    W2_r = jax.random.uniform(ks[7], (D, D), jnp.float32, -s, s)
    return {"x": x, "edge_index": edge_index, "W1_l": W1_l, "b1_l": b1_l, "W1_r": W1_r, "W2_l": W2_l, "b2_l": b2_l, "W2_r": W2_r}


def reference(x, edge_index, W1_l, b1_l, W1_r, W2_l, b2_l, W2_r):
    h = sage_conv(x, edge_index, W1_l, b1_l, W1_r, normalize=True)
    h = jax.nn.relu(h)
    out = sage_conv(h, edge_index, W2_l, b2_l, W2_r, normalize=False)
    return out

if __name__ == "__main__":
    import jax
    _d = setup_inputs()
    print(jax.jit(kernel)(*tuple(_d.values())))

</pallas_src>

<mosaic_0001>
#map = affine_map<(d0, d1) -> (0, 0)>
#map1 = affine_map<(d0, d1) -> (0)>
#map2 = affine_map<(d0, d1) -> (0, 0, 0)>
module attributes {stable_mosaic.version = 14 : i64} {
  func.func @body(%arg0: i32, %arg1: i32, %arg2: memref<10000x128xf32, #tpu.memory_space<hbm>>, %arg3: memref<320000xi32, #tpu.memory_space<hbm>>, %arg4: memref<320000xi32, #tpu.memory_space<hbm>>, %arg5: memref<632x128xf32, #tpu.memory_space<hbm>>, %arg6: memref<2x10112x128xf32, #tpu.memory_space<hbm>>, %arg7: memref<32x10000xf32, #tpu.memory_space<hbm>>, %arg8: memref<80xi32, #tpu.memory_space<vmem>>, %arg9: memref<80xi32, #tpu.memory_space<vmem>>, %arg10: memref<80xi32, #tpu.memory_space<vmem>>, %arg11: memref<80xi32, #tpu.memory_space<vmem>>, %arg12: memref<80xi32, #tpu.memory_space<vmem>>, %arg13: memref<80xi32, #tpu.memory_space<vmem>>, %arg14: memref<80xi32, #tpu.memory_space<vmem>>, %arg15: memref<80xi32, #tpu.memory_space<vmem>>, %arg16: memref<80xi32, #tpu.memory_space<vmem>>, %arg17: memref<80xi32, #tpu.memory_space<vmem>>, %arg18: memref<80xi32, #tpu.memory_space<vmem>>, %arg19: memref<80xi32, #tpu.memory_space<vmem>>, %arg20: memref<80x128xf32, #tpu.memory_space<vmem>>, %arg21: memref<80x128xf32, #tpu.memory_space<vmem>>, %arg22: memref<80x128xf32, #tpu.memory_space<vmem>>, %arg23: memref<10112x128xf32, #tpu.memory_space<vmem_shared>>, %arg24: memref<!tpu.dma_semaphore, #tpu.memory_space<semaphore_mem>>, %arg25: memref<!tpu.dma_semaphore, #tpu.memory_space<semaphore_mem>>, %arg26: memref<!tpu.dma_semaphore, #tpu.memory_space<semaphore_mem>>, %arg27: memref<!tpu.dma_semaphore, #tpu.memory_space<semaphore_mem>>, %arg28: memref<!tpu.dma_semaphore, #tpu.memory_space<semaphore_mem>>, %arg29: memref<!tpu.dma_semaphore, #tpu.memory_space<semaphore_mem>>, %arg30: memref<!tpu.dma_semaphore, #tpu.memory_space<semaphore_mem>>, %arg31: memref<!tpu.dma_semaphore, #tpu.memory_space<semaphore_mem>>, %arg32: memref<!tpu.dma_semaphore, #tpu.memory_space<semaphore_mem>>, %arg33: memref<!tpu.dma_semaphore, #tpu.memory_space<semaphore_mem>>, %arg34: memref<!tpu.dma_semaphore, #tpu.memory_space<semaphore_mem>>, %arg35: memref<!tpu.dma_semaphore, #tpu.memory_space<semaphore_mem>>, %arg36: memref<!tpu.dma_semaphore, #tpu.memory_space<semaphore_mem>>, %arg37: memref<!tpu.dma_semaphore, #tpu.memory_space<semaphore_mem>>, %arg38: memref<!tpu.dma_semaphore, #tpu.memory_space<semaphore_mem>>, %arg39: memref<!tpu.dma_semaphore, #tpu.memory_space<semaphore_mem>>, %arg40: memref<!tpu.dma_semaphore, #tpu.memory_space<semaphore_mem>>, %arg41: memref<!tpu.dma_semaphore, #tpu.memory_space<semaphore_mem>>, %arg42: memref<10000xf32, #tpu.memory_space<vmem>>) attributes {dimension_semantics = [#tpu.dimension_semantics<core_parallel>, #tpu.dimension_semantics<subcore_parallel>], iteration_bounds = array<i64: 2, 16>, scalar_prefetch = 0 : i64, scratch_operands = 35 : i64, tpu.core_type = #tpu.core_type<sc_vector_subcore>, window_params = [{transform_indices = #map}, {transform_indices = #map1}, {transform_indices = #map1}, {transform_indices = #map}, {transform_indices = #map2}, {transform_indices = #map}]} {
    %mul3A = arith.constant 2 : i32
    %mul3A_0 = arith.muli %arg1, %mul3A : i32
    %add3A = arith.addi %mul3A_0, %arg0 : i32
    %mul3A_1 = arith.constant 632 : i32
    %mul3A_2 = arith.muli %arg1, %mul3A_1 : i32
    %mul3A_3 = arith.constant 10000 : i32
    %mul3A_4 = arith.muli %add3A, %mul3A_3 : i32
    %broadcast_in_dim3A = arith.constant 1.000000e+00 : f32
    %broadcast_in_dim3A_5 = vector.broadcast %broadcast_in_dim3A : f32 to vector<16xf32>
    "tpu.region"() ({
      %run_scoped3A = tpu.sem_alloc : memref<!tpu.dma_semaphore, #tpu.memory_space<semaphore_mem>>
      %dma_start3A_412 = arith.constant 0 : i32
      %dma_start3A_413 = tpu.memref_slice %arg23[%mul3A_2, %dma_start3A_412] : memref<10112x128xf32, #tpu.memory_space<vmem_shared>> -> memref<632x128xf32, #tpu.memory_space<vmem_shared>>
      tpu.enqueue_dma source(%arg5 : memref<632x128xf32, #tpu.memory_space<hbm>>) target(%dma_start3A_413 : memref<632x128xf32, #tpu.memory_space<vmem_shared>>) target_semaphore(%run_scoped3A : memref<!tpu.dma_semaphore, #tpu.memory_space<semaphore_mem>>)
      %dma_wait3A_414 = arith.constant 0 : i32
      %dma_wait3A_415 = tpu.memref_slice %arg23[%mul3A_2, %dma_wait3A_414] : memref<10112x128xf32, #tpu.memory_space<vmem_shared>> -> memref<632x128xf32, #tpu.memory_space<vmem_shared>>
      tpu.wait_dma2 semaphore(%run_scoped3A : memref<!tpu.dma_semaphore, #tpu.memory_space<semaphore_mem>>) src(%arg5 : memref<632x128xf32, #tpu.memory_space<hbm>>) dst(%dma_wait3A_415 : memref<632x128xf32, #tpu.memory_space<vmem_shared>>)
      tpu.yield
    }) : () -> ()
    %broadcast_in_dim3A_6 = arith.constant 0.000000e+00 : f32
    %broadcast_in_dim3A_7 = vector.broadcast %broadcast_in_dim3A_6 : f32 to vector<16xf32>
    %scan3A = arith.constant 0 : i32
    %scan3A_8 = arith.constant 0 : i32
    %scan3A_9 = arith.constant 625 : i32
    %scan3A_10 = arith.addi %scan3A_8, %scan3A_9 : i32
    %scan3A_11 = arith.constant 1 : i32
    scf.for %scan3A_412 = %scan3A_8 to %scan3A_10 step %scan3A_11  : i32 {
      %mul3A_413 = arith.constant 16 : i32
      %mul3A_414 = arith.muli %scan3A_412, %mul3A_413 : i32
      %swap3A = arith.index_cast %mul3A_414 : i32 to index
      %swap3A_415 = tpu.vector_load %arg42[%swap3A] {strides = array<i32>} : memref<10000xf32, #tpu.memory_space<vmem>>, vector<16xf32>,
      tpu.vector_store %arg42[%swap3A], %broadcast_in_dim3A_7 {strides = array<i32>} : memref<10000xf32, #tpu.memory_space<vmem>>, vector<16xf32>,
    }
    %scan3A_12 = arith.constant 625 : i32
    %barrier3A = arith.constant 0 : index
    tpu.barrier barrier_id(%barrier3A)
    %add3A_13 = arith.constant 0 : i32
    %add3A_14 = arith.addi %mul3A_4, %add3A_13 : i32
    %multiple_of3A = tpu.assume_multiple %add3A_14, 8 : i32
    %dma_start3A = tpu.memref_slice %arg3[%multiple_of3A] : memref<320000xi32, #tpu.memory_space<hbm>> -> memref<80xi32, #tpu.memory_space<hbm>>
    %dma_start3A_15 = tpu.memref_slice %arg3[%multiple_of3A] : memref<320000xi32, #tpu.memory_space<hbm>> -> memref<80xi32, #tpu.memory_space<hbm>>
    tpu.enqueue_dma source(%dma_start3A_15 : memref<80xi32, #tpu.memory_space<hbm>>) target(%arg8 : memref<80xi32, #tpu.memory_space<vmem>>) target_semaphore(%arg30 : memref<!tpu.dma_semaphore, #tpu.memory_space<semaphore_mem>>)
    %dma_start3A_16 = tpu.memref_slice %arg4[%multiple_of3A] : memref<320000xi32, #tpu.memory_space<hbm>> -> memref<80xi32, #tpu.memory_space<hbm>>
    %dma_start3A_17 = tpu.memref_slice %arg4[%multiple_of3A] : memref<320000xi32, #tpu.memory_space<hbm>> -> memref<80xi32, #tpu.memory_space<hbm>>
    tpu.enqueue_dma source(%dma_start3A_17 : memref<80xi32, #tpu.memory_space<hbm>>) target(%arg14 : memref<80xi32, #tpu.memory_space<vmem>>) target_semaphore(%arg36 : memref<!tpu.dma_semaphore, #tpu.memory_space<semaphore_mem>>)
    %add3A_18 = arith.constant 80 : i32
    %add3A_19 = arith.addi %mul3A_4, %add3A_18 : i32
    %multiple_of3A_20 = tpu.assume_multiple %add3A_19, 8 : i32
    %dma_start3A_21 = tpu.memref_slice %arg3[%multiple_of3A_20] : memref<320000xi32, #tpu.memory_space<hbm>> -> memref<80xi32, #tpu.memory_space<hbm>>
    %dma_start3A_22 = tpu.memref_slice %arg3[%multiple_of3A_20] : memref<320000xi32, #tpu.memory_space<hbm>> -> memref<80xi32, #tpu.memory_space<hbm>>
    tpu.enqueue_dma source(%dma_start3A_22 : memref<80xi32, #tpu.memory_space<hbm>>) target(%arg9 : memref<80xi32, #tpu.memory_space<vmem>>) target_semaphore(%arg31 : memref<!tpu.dma_semaphore, #tpu.memory_space<semaphore_mem>>)
    %dma_start3A_23 = tpu.memref_slice %arg4[%multiple_of3A_20] : memref<320000xi32, #tpu.memory_space<hbm>> -> memref<80xi32, #tpu.memory_space<hbm>>
    %dma_start3A_24 = tpu.memref_slice %arg4[%multiple_of3A_20] : memref<320000xi32, #tpu.memory_space<hbm>> -> memref<80xi32, #tpu.memory_space<hbm>>
    tpu.enqueue_dma source(%dma_start3A_24 : memref<80xi32, #tpu.memory_space<hbm>>) target(%arg15 : memref<80xi32, #tpu.memory_space<vmem>>) target_semaphore(%arg37 : memref<!tpu.dma_semaphore, #tpu.memory_space<semaphore_mem>>)
    %add3A_25 = arith.constant 160 : i32
    %add3A_26 = arith.addi %mul3A_4, %add3A_25 : i32
    %multiple_of3A_27 = tpu.assume_multiple %add3A_26, 8 : i32
    %dma_start3A_28 = tpu.memref_slice %arg3[%multiple_of3A_27] : memref<320000xi32, #tpu.memory_space<hbm>> -> memref<80xi32, #tpu.memory_space<hbm>>
    %dma_start3A_29 = tpu.memref_slice %arg3[%multiple_of3A_27] : memref<320000xi32, #tpu.memory_space<hbm>> -> memref<80xi32, #tpu.memory_space<hbm>>
    tpu.enqueue_dma source(%dma_start3A_29 : memref<80xi32, #tpu.memory_space<hbm>>) target(%arg10 : memref<80xi32, #tpu.memory_space<vmem>>) target_semaphore(%arg32 : memref<!tpu.dma_semaphore, #tpu.memory_space<semaphore_mem>>)
    %dma_start3A_30 = tpu.memref_slice %arg4[%multiple_of3A_27] : memref<320000xi32, #tpu.memory_space<hbm>> -> memref<80xi32, #tpu.memory_space<hbm>>
    %dma_start3A_31 = tpu.memref_slice %arg4[%multiple_of3A_27] : memref<320000xi32, #tpu.memory_space<hbm>> -> memref<80xi32, #tpu.memory_space<hbm>>
    tpu.enqueue_dma source(%dma_start3A_31 : memref<80xi32, #tpu.memory_space<hbm>>) target(%arg16 : memref<80xi32, #tpu.memory_space<vmem>>) target_semaphore(%arg38 : memref<!tpu.dma_semaphore, #tpu.memory_space<semaphore_mem>>)
    %add3A_32 = arith.constant 240 : i32
    %add3A_33 = arith.addi %mul3A_4, %add3A_32 : i32
    %multiple_of3A_34 = tpu.assume_multiple %add3A_33, 8 : i32
    %dma_start3A_35 = tpu.memref_slice %arg3[%multiple_of3A_34] : memref<320000xi32, #tpu.memory_space<hbm>> -> memref<80xi32, #tpu.memory_space<hbm>>
    %dma_start3A_36 = tpu.memref_slice %arg3[%multiple_of3A_34] : memref<320000xi32, #tpu.memory_space<hbm>> -> memref<80xi32, #tpu.memory_space<hbm>>
    tpu.enqueue_dma source(%dma_start3A_36 : memref<80xi32, #tpu.memory_space<hbm>>) target(%arg11 : memref<80xi32, #tpu.memory_space<vmem>>) target_semaphore(%arg33 : memref<!tpu.dma_semaphore, #tpu.memory_space<semaphore_mem>>)
    %dma_start3A_37 = tpu.memref_slice %arg4[%multiple_of3A_34] : memref<320000xi32, #tpu.memory_space<hbm>> -> memref<80xi32, #tpu.memory_space<hbm>>
    %dma_start3A_38 = tpu.memref_slice %arg4[%multiple_of3A_34] : memref<320000xi32, #tpu.memory_space<hbm>> -> memref<80xi32, #tpu.memory_space<hbm>>
    tpu.enqueue_dma source(%dma_start3A_38 : memref<80xi32, #tpu.memory_space<hbm>>) target(%arg17 : memref<80xi32, #tpu.memory_space<vmem>>) target_semaphore(%arg39 : memref<!tpu.dma_semaphore, #tpu.memory_space<semaphore_mem>>)
    %add3A_39 = arith.constant 0 : i32
    %add3A_40 = arith.addi %mul3A_4, %add3A_39 : i32
    %multiple_of3A_41 = tpu.assume_multiple %add3A_40, 8 : i32
    %dma_wait3A = tpu.memref_slice %arg3[%multiple_of3A_41] : memref<320000xi32, #tpu.memory_space<hbm>> -> memref<80xi32, #tpu.memory_space<hbm>>
    %dma_wait3A_42 = tpu.memref_slice %arg3[%multiple_of3A_41] : memref<320000xi32, #tpu.memory_space<hbm>> -> memref<80xi32, #tpu.memory_space<hbm>>
    tpu.wait_dma2 semaphore(%arg30 : memref<!tpu.dma_semaphore, #tpu.memory_space<semaphore_mem>>) src(%dma_wait3A_42 : memref<80xi32, #tpu.memory_space<hbm>>) dst(%arg8 : memref<80xi32, #tpu.memory_space<vmem>>)
    %dma_wait3A_43 = tpu.memref_slice %arg4[%multiple_of3A_41] : memref<320000xi32, #tpu.memory_space<hbm>> -> memref<80xi32, #tpu.memory_space<hbm>>
    %dma_wait3A_44 = tpu.memref_slice %arg4[%multiple_of3A_41] : memref<320000xi32, #tpu.memory_space<hbm>> -> memref<80xi32, #tpu.memory_space<hbm>>
    tpu.wait_dma2 semaphore(%arg36 : memref<!tpu.dma_semaphore, #tpu.memory_space<semaphore_mem>>) src(%dma_wait3A_44 : memref<80xi32, #tpu.memory_space<hbm>>) dst(%arg14 : memref<80xi32, #tpu.memory_space<vmem>>)
    %dma_start3A_45 = arith.constant 0 : i32
    %dma_start3A_46 = arith.constant 0 : i32
    %dma_start3A_47 = tpu.memref_slice %arg2[%dma_start3A_45, %dma_start3A_46] : memref<10000x128xf32, #tpu.memory_space<hbm>> -> memref<10000x128xf32, #tpu.memory_space<hbm>>
    tpu.enqueue_indirect_dma source(%dma_start3A_47 : memref<10000x128xf32, #tpu.memory_space<hbm>>) target(%arg20 : memref<80x128xf32, #tpu.memory_space<vmem>>) offsets(%arg8 : memref<80xi32, #tpu.memory_space<vmem>>) semaphore(%arg24 : memref<!tpu.dma_semaphore, #tpu.memory_space<semaphore_mem>>)
    %add3A_48 = arith.constant 80 : i32
    %add3A_49 = arith.addi %mul3A_4, %add3A_48 : i32
    %multiple_of3A_50 = tpu.assume_multiple %add3A_49, 8 : i32
    %dma_wait3A_51 = tpu.memref_slice %arg3[%multiple_of3A_50] : memref<320000xi32, #tpu.memory_space<hbm>> -> memref<80xi32, #tpu.memory_space<hbm>>
    %dma_wait3A_52 = tpu.memref_slice %arg3[%multiple_of3A_50] : memref<320000xi32, #tpu.memory_space<hbm>> -> memref<80xi32, #tpu.memory_space<hbm>>
    tpu.wait_dma2 semaphore(%arg31 : memref<!tpu.dma_semaphore, #tpu.memory_space<semaphore_mem>>) src(%dma_wait3A_52 : memref<80xi32, #tpu.memory_space<hbm>>) dst(%arg9 : memref<80xi32, #tpu.memory_space<vmem>>)
    %dma_wait3A_53 = tpu.memref_slice %arg4[%multiple_of3A_50] : memref<320000xi32, #tpu.memory_space<hbm>> -> memref<80xi32, #tpu.memory_space<hbm>>
    %dma_wait3A_54 = tpu.memref_slice %arg4[%multiple_of3A_50] : memref<320000xi32, #tpu.memory_space<hbm>> -> memref<80xi32, #tpu.memory_space<hbm>>
    tpu.wait_dma2 semaphore(%arg37 : memref<!tpu.dma_semaphore, #tpu.memory_space<semaphore_mem>>) src(%dma_wait3A_54 : memref<80xi32, #tpu.memory_space<hbm>>) dst(%arg15 : memref<80xi32, #tpu.memory_space<vmem>>)
    %dma_start3A_55 = arith.constant 0 : i32
    %dma_start3A_56 = arith.constant 0 : i32
    %dma_start3A_57 = tpu.memref_slice %arg2[%dma_start3A_55, %dma_start3A_56] : memref<10000x128xf32, #tpu.memory_space<hbm>> -> memref<10000x128xf32, #tpu.memory_space<hbm>>
    tpu.enqueue_indirect_dma source(%dma_start3A_57 : memref<10000x128xf32, #tpu.memory_space<hbm>>) target(%arg21 : memref<80x128xf32, #tpu.memory_space<vmem>>) offsets(%arg9 : memref<80xi32, #tpu.memory_space<vmem>>) semaphore(%arg25 : memref<!tpu.dma_semaphore, #tpu.memory_space<semaphore_mem>>)
    %dma_wait3A_58 = arith.constant 0 : i32
    %dma_wait3A_59 = arith.constant 0 : i32
    %dma_wait3A_60 = tpu.memref_slice %arg2[%dma_wait3A_58, %dma_wait3A_59] : memref<10000x128xf32, #tpu.memory_space<hbm>> -> memref<10000x128xf32, #tpu.memory_space<hbm>>
    tpu.wait_indirect_dma semaphore(%arg24 : memref<!tpu.dma_semaphore, #tpu.memory_space<semaphore_mem>>) src(%dma_wait3A_60 : memref<10000x128xf32, #tpu.memory_space<hbm>>) dst(%arg20 : memref<80x128xf32, #tpu.memory_space<vmem>>)
    %dma_start3A_61 = arith.constant 0 : i32
    %dma_start3A_62 = arith.constant 0 : i32
    %dma_start3A_63 = tpu.memref_slice %arg23[%dma_start3A_61, %dma_start3A_62] : memref<10112x128xf32, #tpu.memory_space<vmem_shared>> -> memref<10112x128xf32, #tpu.memory_space<vmem_shared>>
    tpu.enqueue_indirect_dma source(%arg20 : memref<80x128xf32, #tpu.memory_space<vmem>>) target(%dma_start3A_63 : memref<10112x128xf32, #tpu.memory_space<vmem_shared>>) offsets(%arg14 : memref<80xi32, #tpu.memory_space<vmem>>) semaphore(%arg27 : memref<!tpu.dma_semaphore, #tpu.memory_space<semaphore_mem>>) {add = true}
    %get3A = arith.constant 0 : index
    %get3A_64 = tpu.vector_load %arg14[%get3A] {strides = array<i32>} : memref<80xi32, #tpu.memory_space<vmem>>, vector<16xi32>,
    tpu.vector_store_idx %arg42[%get3A_64], %broadcast_in_dim3A_5 {add = true} : memref<10000xf32, #tpu.memory_space<vmem>>[vector<16xi32>], vector<16xf32>,
    %get3A_65 = arith.constant 16 : index
    %get3A_66 = tpu.vector_load %arg14[%get3A_65] {strides = array<i32>} : memref<80xi32, #tpu.memory_space<vmem>>, vector<16xi32>,
    tpu.vector_store_idx %arg42[%get3A_66], %broadcast_in_dim3A_5 {add = true} : memref<10000xf32, #tpu.memory_space<vmem>>[vector<16xi32>], vector<16xf32>,
    %get3A_67 = arith.constant 32 : index
    %get3A_68 = tpu.vector_load %arg14[%get3A_67] {strides = array<i32>} : memref<80xi32, #tpu.memory_space<vmem>>, vector<16xi32>,
    tpu.vector_store_idx %arg42[%get3A_68], %broadcast_in_dim3A_5 {add = true} : memref<10000xf32, #tpu.memory_space<vmem>>[vector<16xi32>], vector<16xf32>,
    %get3A_69 = arith.constant 48 : index
    %get3A_70 = tpu.vector_load %arg14[%get3A_69] {strides = array<i32>} : memref<80xi32, #tpu.memory_space<vmem>>, vector<16xi32>,
    tpu.vector_store_idx %arg42[%get3A_70], %broadcast_in_dim3A_5 {add = true} : memref<10000xf32, #tpu.memory_space<vmem>>[vector<16xi32>], vector<16xf32>,
    %get3A_71 = arith.constant 64 : index
    %get3A_72 = tpu.vector_load %arg14[%get3A_71] {strides = array<i32>} : memref<80xi32, #tpu.memory_space<vmem>>, vector<16xi32>,
    tpu.vector_store_idx %arg42[%get3A_72], %broadcast_in_dim3A_5 {add = true} : memref<10000xf32, #tpu.memory_space<vmem>>[vector<16xi32>], vector<16xf32>,
    %add3A_73 = arith.constant 160 : i32
    %add3A_74 = arith.addi %mul3A_4, %add3A_73 : i32
    %multiple_of3A_75 = tpu.assume_multiple %add3A_74, 8 : i32
    %dma_wait3A_76 = tpu.memref_slice %arg3[%multiple_of3A_75] : memref<320000xi32, #tpu.memory_space<hbm>> -> memref<80xi32, #tpu.memory_space<hbm>>
    %dma_wait3A_77 = tpu.memref_slice %arg3[%multiple_of3A_75] : memref<320000xi32, #tpu.memory_space<hbm>> -> memref<80xi32, #tpu.memory_space<hbm>>
    tpu.wait_dma2 semaphore(%arg32 : memref<!tpu.dma_semaphore, #tpu.memory_space<semaphore_mem>>) src(%dma_wait3A_77 : memref<80xi32, #tpu.memory_space<hbm>>) dst(%arg10 : memref<80xi32, #tpu.memory_space<vmem>>)
    %dma_wait3A_78 = tpu.memref_slice %arg4[%multiple_of3A_75] : memref<320000xi32, #tpu.memory_space<hbm>> -> memref<80xi32, #tpu.memory_space<hbm>>
    %dma_wait3A_79 = tpu.memref_slice %arg4[%multiple_of3A_75] : memref<320000xi32, #tpu.memory_space<hbm>> -> memref<80xi32, #tpu.memory_space<hbm>>
    tpu.wait_dma2 semaphore(%arg38 : memref<!tpu.dma_semaphore, #tpu.memory_space<semaphore_mem>>) src(%dma_wait3A_79 : memref<80xi32, #tpu.memory_space<hbm>>) dst(%arg16 : memref<80xi32, #tpu.memory_space<vmem>>)
    %dma_start3A_80 = arith.constant 0 : i32
    %dma_start3A_81 = arith.constant 0 : i32
    %dma_start3A_82 = tpu.memref_slice %arg2[%dma_start3A_80, %dma_start3A_81] : memref<10000x128xf32, #tpu.memory_space<hbm>> -> memref<10000x128xf32, #tpu.memory_space<hbm>>
    tpu.enqueue_indirect_dma source(%dma_start3A_82 : memref<10000x128xf32, #tpu.memory_space<hbm>>) target(%arg22 : memref<80x128xf32, #tpu.memory_space<vmem>>) offsets(%arg10 : memref<80xi32, #tpu.memory_space<vmem>>) semaphore(%arg26 : memref<!tpu.dma_semaphore, #tpu.memory_space<semaphore_mem>>)
    %add3A_83 = arith.constant 320 : i32
    %add3A_84 = arith.addi %mul3A_4, %add3A_83 : i32
    %multiple_of3A_85 = tpu.assume_multiple %add3A_84, 8 : i32
    %dma_start3A_86 = tpu.memref_slice %arg3[%multiple_of3A_85] : memref<320000xi32, #tpu.memory_space<hbm>> -> memref<80xi32, #tpu.memory_space<hbm>>
    %dma_start3A_87 = tpu.memref_slice %arg3[%multiple_of3A_85] : memref<320000xi32, #tpu.memory_space<hbm>> -> memref<80xi32, #tpu.memory_space<hbm>>
    tpu.enqueue_dma source(%dma_start3A_87 : memref<80xi32, #tpu.memory_space<hbm>>) target(%arg12 : memref<80xi32, #tpu.memory_space<vmem>>) target_semaphore(%arg34 : memref<!tpu.dma_semaphore, #tpu.memory_space<semaphore_mem>>)
    %dma_start3A_88 = tpu.memref_slice %arg4[%multiple_of3A_85] : memref<320000xi32, #tpu.memory_space<hbm>> -> memref<80xi32, #tpu.memory_space<hbm>>
    %dma_start3A_89 = tpu.memref_slice %arg4[%multiple_of3A_85] : memref<320000xi32, #tpu.memory_space<hbm>> -> memref<80xi32, #tpu.memory_space<hbm>>
    tpu.enqueue_dma source(%dma_start3A_89 : memref<80xi32, #tpu.memory_space<hbm>>) target(%arg18 : memref<80xi32, #tpu.memory_space<vmem>>) target_semaphore(%arg40 : memref<!tpu.dma_semaphore, #tpu.memory_space<semaphore_mem>>)
    %dma_wait3A_90 = arith.constant 0 : i32
    %dma_wait3A_91 = arith.constant 0 : i32
    %dma_wait3A_92 = tpu.memref_slice %arg2[%dma_wait3A_90, %dma_wait3A_91] : memref<10000x128xf32, #tpu.memory_space<hbm>> -> memref<10000x128xf32, #tpu.memory_space<hbm>>
    tpu.wait_indirect_dma semaphore(%arg25 : memref<!tpu.dma_semaphore, #tpu.memory_space<semaphore_mem>>) src(%dma_wait3A_92 : memref<10000x128xf32, #tpu.memory_space<hbm>>) dst(%arg21 : memref<80x128xf32, #tpu.memory_space<vmem>>)
    %dma_start3A_93 = arith.constant 0 : i32
    %dma_start3A_94 = arith.constant 0 : i32
    %dma_start3A_95 = tpu.memref_slice %arg23[%dma_start3A_93, %dma_start3A_94] : memref<10112x128xf32, #tpu.memory_space<vmem_shared>> -> memref<10112x128xf32, #tpu.memory_space<vmem_shared>>
    tpu.enqueue_indirect_dma source(%arg21 : memref<80x128xf32, #tpu.memory_space<vmem>>) target(%dma_start3A_95 : memref<10112x128xf32, #tpu.memory_space<vmem_shared>>) offsets(%arg15 : memref<80xi32, #tpu.memory_space<vmem>>) semaphore(%arg28 : memref<!tpu.dma_semaphore, #tpu.memory_space<semaphore_mem>>) {add = true}
    %get3A_96 = arith.constant 0 : index
    %get3A_97 = tpu.vector_load %arg15[%get3A_96] {strides = array<i32>} : memref<80xi32, #tpu.memory_space<vmem>>, vector<16xi32>,
    tpu.vector_store_idx %arg42[%get3A_97], %broadcast_in_dim3A_5 {add = true} : memref<10000xf32, #tpu.memory_space<vmem>>[vector<16xi32>], vector<16xf32>,
    %get3A_98 = arith.constant 16 : index
    %get3A_99 = tpu.vector_load %arg15[%get3A_98] {strides = array<i32>} : memref<80xi32, #tpu.memory_space<vmem>>, vector<16xi32>,
    tpu.vector_store_idx %arg42[%get3A_99], %broadcast_in_dim3A_5 {add = true} : memref<10000xf32, #tpu.memory_space<vmem>>[vector<16xi32>], vector<16xf32>,
    %get3A_100 = arith.constant 32 : index
    %get3A_101 = tpu.vector_load %arg15[%get3A_100] {strides = array<i32>} : memref<80xi32, #tpu.memory_space<vmem>>, vector<16xi32>,
    tpu.vector_store_idx %arg42[%get3A_101], %broadcast_in_dim3A_5 {add = true} : memref<10000xf32, #tpu.memory_space<vmem>>[vector<16xi32>], vector<16xf32>,
    %get3A_102 = arith.constant 48 : index
    %get3A_103 = tpu.vector_load %arg15[%get3A_102] {strides = array<i32>} : memref<80xi32, #tpu.memory_space<vmem>>, vector<16xi32>,
    tpu.vector_store_idx %arg42[%get3A_103], %broadcast_in_dim3A_5 {add = true} : memref<10000xf32, #tpu.memory_space<vmem>>[vector<16xi32>], vector<16xf32>,
    %get3A_104 = arith.constant 64 : index
    %get3A_105 = tpu.vector_load %arg15[%get3A_104] {strides = array<i32>} : memref<80xi32, #tpu.memory_space<vmem>>, vector<16xi32>,
    tpu.vector_store_idx %arg42[%get3A_105], %broadcast_in_dim3A_5 {add = true} : memref<10000xf32, #tpu.memory_space<vmem>>[vector<16xi32>], vector<16xf32>,
    %dma_wait3A_106 = arith.constant 0 : i32
    %dma_wait3A_107 = arith.constant 0 : i32
    %dma_wait3A_108 = tpu.memref_slice %arg23[%dma_wait3A_106, %dma_wait3A_107] : memref<10112x128xf32, #tpu.memory_space<vmem_shared>> -> memref<10112x128xf32, #tpu.memory_space<vmem_shared>>
    tpu.wait_indirect_dma semaphore(%arg27 : memref<!tpu.dma_semaphore, #tpu.memory_space<semaphore_mem>>) src(%arg20 : memref<80x128xf32, #tpu.memory_space<vmem>>) dst(%dma_wait3A_108 : memref<10112x128xf32, #tpu.memory_space<vmem_shared>>)
    %add3A_109 = arith.constant 240 : i32
    %add3A_110 = arith.addi %mul3A_4, %add3A_109 : i32
    %multiple_of3A_111 = tpu.assume_multiple %add3A_110, 8 : i32
    %dma_wait3A_112 = tpu.memref_slice %arg3[%multiple_of3A_111] : memref<320000xi32, #tpu.memory_space<hbm>> -> memref<80xi32, #tpu.memory_space<hbm>>
    %dma_wait3A_113 = tpu.memref_slice %arg3[%multiple_of3A_111] : memref<320000xi32, #tpu.memory_space<hbm>> -> memref<80xi32, #tpu.memory_space<hbm>>
    tpu.wait_dma2 semaphore(%arg33 : memref<!tpu.dma_semaphore, #tpu.memory_space<semaphore_mem>>) src(%dma_wait3A_113 : memref<80xi32, #tpu.memory_space<hbm>>) dst(%arg11 : memref<80xi32, #tpu.memory_space<vmem>>)
    %dma_wait3A_114 = tpu.memref_slice %arg4[%multiple_of3A_111] : memref<320000xi32, #tpu.memory_space<hbm>> -> memref<80xi32, #tpu.memory_space<hbm>>
    %dma_wait3A_115 = tpu.memref_slice %arg4[%multiple_of3A_111] : memref<320000xi32, #tpu.memory_space<hbm>> -> memref<80xi32, #tpu.memory_space<hbm>>
    tpu.wait_dma2 semaphore(%arg39 : memref<!tpu.dma_semaphore, #tpu.memory_space<semaphore_mem>>) src(%dma_wait3A_115 : memref<80xi32, #tpu.memory_space<hbm>>) dst(%arg17 : memref<80xi32, #tpu.memory_space<vmem>>)
    %dma_start3A_116 = arith.constant 0 : i32
    %dma_start3A_117 = arith.constant 0 : i32
    %dma_start3A_118 = tpu.memref_slice %arg2[%dma_start3A_116, %dma_start3A_117] : memref<10000x128xf32, #tpu.memory_space<hbm>> -> memref<10000x128xf32, #tpu.memory_space<hbm>>
    tpu.enqueue_indirect_dma source(%dma_start3A_118 : memref<10000x128xf32, #tpu.memory_space<hbm>>) target(%arg20 : memref<80x128xf32, #tpu.memory_space<vmem>>) offsets(%arg11 : memref<80xi32, #tpu.memory_space<vmem>>) semaphore(%arg24 : memref<!tpu.dma_semaphore, #tpu.memory_space<semaphore_mem>>)
    %add3A_119 = arith.constant 400 : i32
    %add3A_120 = arith.addi %mul3A_4, %add3A_119 : i32
    %multiple_of3A_121 = tpu.assume_multiple %add3A_120, 8 : i32
    %dma_start3A_122 = tpu.memref_slice %arg3[%multiple_of3A_121] : memref<320000xi32, #tpu.memory_space<hbm>> -> memref<80xi32, #tpu.memory_space<hbm>>
    %dma_start3A_123 = tpu.memref_slice %arg3[%multiple_of3A_121] : memref<320000xi32, #tpu.memory_space<hbm>> -> memref<80xi32, #tpu.memory_space<hbm>>
    tpu.enqueue_dma source(%dma_start3A_123 : memref<80xi32, #tpu.memory_space<hbm>>) target(%arg13 : memref<80xi32, #tpu.memory_space<vmem>>) target_semaphore(%arg35 : memref<!tpu.dma_semaphore, #tpu.memory_space<semaphore_mem>>)
    %dma_start3A_124 = tpu.memref_slice %arg4[%multiple_of3A_121] : memref<320000xi32, #tpu.memory_space<hbm>> -> memref<80xi32, #tpu.memory_space<hbm>>
    %dma_start3A_125 = tpu.memref_slice %arg4[%multiple_of3A_121] : memref<320000xi32, #tpu.memory_space<hbm>> -> memref<80xi32, #tpu.memory_space<hbm>>
    tpu.enqueue_dma source(%dma_start3A_125 : memref<80xi32, #tpu.memory_space<hbm>>) target(%arg19 : memref<80xi32, #tpu.memory_space<vmem>>) target_semaphore(%arg41 : memref<!tpu.dma_semaphore, #tpu.memory_space<semaphore_mem>>)
    %dma_wait3A_126 = arith.constant 0 : i32
    %dma_wait3A_127 = arith.constant 0 : i32
    %dma_wait3A_128 = tpu.memref_slice %arg2[%dma_wait3A_126, %dma_wait3A_127] : memref<10000x128xf32, #tpu.memory_space<hbm>> -> memref<10000x128xf32, #tpu.memory_space<hbm>>
    tpu.wait_indirect_dma semaphore(%arg26 : memref<!tpu.dma_semaphore, #tpu.memory_space<semaphore_mem>>) src(%dma_wait3A_128 : memref<10000x128xf32, #tpu.memory_space<hbm>>) dst(%arg22 : memref<80x128xf32, #tpu.memory_space<vmem>>)
    %dma_start3A_129 = arith.constant 0 : i32
    %dma_start3A_130 = arith.constant 0 : i32
    %dma_start3A_131 = tpu.memref_slice %arg23[%dma_start3A_129, %dma_start3A_130] : memref<10112x128xf32, #tpu.memory_space<vmem_shared>> -> memref<10112x128xf32, #tpu.memory_space<vmem_shared>>
    tpu.enqueue_indirect_dma source(%arg22 : memref<80x128xf32, #tpu.memory_space<vmem>>) target(%dma_start3A_131 : memref<10112x128xf32, #tpu.memory_space<vmem_shared>>) offsets(%arg16 : memref<80xi32, #tpu.memory_space<vmem>>) semaphore(%arg29 : memref<!tpu.dma_semaphore, #tpu.memory_space<semaphore_mem>>) {add = true}
    %get3A_132 = arith.constant 0 : index
    %get3A_133 = tpu.vector_load %arg16[%get3A_132] {strides = array<i32>} : memref<80xi32, #tpu.memory_space<vmem>>, vector<16xi32>,
    tpu.vector_store_idx %arg42[%get3A_133], %broadcast_in_dim3A_5 {add = true} : memref<10000xf32, #tpu.memory_space<vmem>>[vector<16xi32>], vector<16xf32>,
    %get3A_134 = arith.constant 16 : index
    %get3A_135 = tpu.vector_load %arg16[%get3A_134] {strides = array<i32>} : memref<80xi32, #tpu.memory_space<vmem>>, vector<16xi32>,
    tpu.vector_store_idx %arg42[%get3A_135], %broadcast_in_dim3A_5 {add = true} : memref<10000xf32, #tpu.memory_space<vmem>>[vector<16xi32>], vector<16xf32>,
    %get3A_136 = arith.constant 32 : index
    %get3A_137 = tpu.vector_load %arg16[%get3A_136] {strides = array<i32>} : memref<80xi32, #tpu.memory_space<vmem>>, vector<16xi32>,
    tpu.vector_store_idx %arg42[%get3A_137], %broadcast_in_dim3A_5 {add = true} : memref<10000xf32, #tpu.memory_space<vmem>>[vector<16xi32>], vector<16xf32>,
    %get3A_138 = arith.constant 48 : index
    %get3A_139 = tpu.vector_load %arg16[%get3A_138] {strides = array<i32>} : memref<80xi32, #tpu.memory_space<vmem>>, vector<16xi32>,
    tpu.vector_store_idx %arg42[%get3A_139], %broadcast_in_dim3A_5 {add = true} : memref<10000xf32, #tpu.memory_space<vmem>>[vector<16xi32>], vector<16xf32>,
    %get3A_140 = arith.constant 64 : index
    %get3A_141 = tpu.vector_load %arg16[%get3A_140] {strides = array<i32>} : memref<80xi32, #tpu.memory_space<vmem>>, vector<16xi32>,
    tpu.vector_store_idx %arg42[%get3A_141], %broadcast_in_dim3A_5 {add = true} : memref<10000xf32, #tpu.memory_space<vmem>>[vector<16xi32>], vector<16xf32>,
    %dma_wait3A_142 = arith.constant 0 : i32
    %dma_wait3A_143 = arith.constant 0 : i32
    %dma_wait3A_144 = tpu.memref_slice %arg23[%dma_wait3A_142, %dma_wait3A_143] : memref<10112x128xf32, #tpu.memory_space<vmem_shared>> -> memref<10112x128xf32, #tpu.memory_space<vmem_shared>>
    tpu.wait_indirect_dma semaphore(%arg28 : memref<!tpu.dma_semaphore, #tpu.memory_space<semaphore_mem>>) src(%arg21 : memref<80x128xf32, #tpu.memory_space<vmem>>) dst(%dma_wait3A_144 : memref<10112x128xf32, #tpu.memory_space<vmem_shared>>)
    %add3A_145 = arith.constant 320 : i32
    %add3A_146 = arith.addi %mul3A_4, %add3A_145 : i32
    %multiple_of3A_147 = tpu.assume_multiple %add3A_146, 8 : i32
    %dma_wait3A_148 = tpu.memref_slice %arg3[%multiple_of3A_147] : memref<320000xi32, #tpu.memory_space<hbm>> -> memref<80xi32, #tpu.memory_space<hbm>>
    %dma_wait3A_149 = tpu.memref_slice %arg3[%multiple_of3A_147] : memref<320000xi32, #tpu.memory_space<hbm>> -> memref<80xi32, #tpu.memory_space<hbm>>
    tpu.wait_dma2 semaphore(%arg34 : memref<!tpu.dma_semaphore, #tpu.memory_space<semaphore_mem>>) src(%dma_wait3A_149 : memref<80xi32, #tpu.memory_space<hbm>>) dst(%arg12 : memref<80xi32, #tpu.memory_space<vmem>>)
    %dma_wait3A_150 = tpu.memref_slice %arg4[%multiple_of3A_147] : memref<320000xi32, #tpu.memory_space<hbm>> -> memref<80xi32, #tpu.memory_space<hbm>>
    %dma_wait3A_151 = tpu.memref_slice %arg4[%multiple_of3A_147] : memref<320000xi32, #tpu.memory_space<hbm>> -> memref<80xi32, #tpu.memory_space<hbm>>
    tpu.wait_dma2 semaphore(%arg40 : memref<!tpu.dma_semaphore, #tpu.memory_space<semaphore_mem>>) src(%dma_wait3A_151 : memref<80xi32, #tpu.memory_space<hbm>>) dst(%arg18 : memref<80xi32, #tpu.memory_space<vmem>>)
    %dma_start3A_152 = arith.constant 0 : i32
    %dma_start3A_153 = arith.constant 0 : i32
    %dma_start3A_154 = tpu.memref_slice %arg2[%dma_start3A_152, %dma_start3A_153] : memref<10000x128xf32, #tpu.memory_space<hbm>> -> memref<10000x128xf32, #tpu.memory_space<hbm>>
    tpu.enqueue_indirect_dma source(%dma_start3A_154 : memref<10000x128xf32, #tpu.memory_space<hbm>>) target(%arg21 : memref<80x128xf32, #tpu.memory_space<vmem>>) offsets(%arg12 : memref<80xi32, #tpu.memory_space<vmem>>) semaphore(%arg25 : memref<!tpu.dma_semaphore, #tpu.memory_space<semaphore_mem>>)
    %add3A_155 = arith.constant 480 : i32
    %add3A_156 = arith.addi %mul3A_4, %add3A_155 : i32
    %multiple_of3A_157 = tpu.assume_multiple %add3A_156, 8 : i32
    %dma_start3A_158 = tpu.memref_slice %arg3[%multiple_of3A_157] : memref<320000xi32, #tpu.memory_space<hbm>> -> memref<80xi32, #tpu.memory_space<hbm>>
    %dma_start3A_159 = tpu.memref_slice %arg3[%multiple_of3A_157] : memref<320000xi32, #tpu.memory_space<hbm>> -> memref<80xi32, #tpu.memory_space<hbm>>
    tpu.enqueue_dma source(%dma_start3A_159 : memref<80xi32, #tpu.memory_space<hbm>>) target(%arg8 : memref<80xi32, #tpu.memory_space<vmem>>) target_semaphore(%arg30 : memref<!tpu.dma_semaphore, #tpu.memory_space<semaphore_mem>>)
    %dma_start3A_160 = tpu.memref_slice %arg4[%multiple_of3A_157] : memref<320000xi32, #tpu.memory_space<hbm>> -> memref<80xi32, #tpu.memory_space<hbm>>
    %dma_start3A_161 = tpu.memref_slice %arg4[%multiple_of3A_157] : memref<320000xi32, #tpu.memory_space<hbm>> -> memref<80xi32, #tpu.memory_space<hbm>>
    tpu.enqueue_dma source(%dma_start3A_161 : memref<80xi32, #tpu.memory_space<hbm>>) target(%arg14 : memref<80xi32, #tpu.memory_space<vmem>>) target_semaphore(%arg36 : memref<!tpu.dma_semaphore, #tpu.memory_space<semaphore_mem>>)
    %dma_wait3A_162 = arith.constant 0 : i32
    %dma_wait3A_163 = arith.constant 0 : i32
    %dma_wait3A_164 = tpu.memref_slice %arg2[%dma_wait3A_162, %dma_wait3A_163] : memref<10000x128xf32, #tpu.memory_space<hbm>> -> memref<10000x128xf32, #tpu.memory_space<hbm>>
    tpu.wait_indirect_dma semaphore(%arg24 : memref<!tpu.dma_semaphore, #tpu.memory_space<semaphore_mem>>) src(%dma_wait3A_164 : memref<10000x128xf32, #tpu.memory_space<hbm>>) dst(%arg20 : memref<80x128xf32, #tpu.memory_space<vmem>>)
    %dma_start3A_165 = arith.constant 0 : i32
    %dma_start3A_166 = arith.constant 0 : i32
    %dma_start3A_167 = tpu.memref_slice %arg23[%dma_start3A_165, %dma_start3A_166] : memref<10112x128xf32, #tpu.memory_space<vmem_shared>> -> memref<10112x128xf32, #tpu.memory_space<vmem_shared>>
    tpu.enqueue_indirect_dma source(%arg20 : memref<80x128xf32, #tpu.memory_space<vmem>>) target(%dma_start3A_167 : memref<10112x128xf32, #tpu.memory_space<vmem_shared>>) offsets(%arg17 : memref<80xi32, #tpu.memory_space<vmem>>) semaphore(%arg27 : memref<!tpu.dma_semaphore, #tpu.memory_space<semaphore_mem>>) {add = true}
    %get3A_168 = arith.constant 0 : index
    %get3A_169 = tpu.vector_load %arg17[%get3A_168] {strides = array<i32>} : memref<80xi32, #tpu.memory_space<vmem>>, vector<16xi32>,
    tpu.vector_store_idx %arg42[%get3A_169], %broadcast_in_dim3A_5 {add = true} : memref<10000xf32, #tpu.memory_space<vmem>>[vector<16xi32>], vector<16xf32>,
    %get3A_170 = arith.constant 16 : index
    %get3A_171 = tpu.vector_load %arg17[%get3A_170] {strides = array<i32>} : memref<80xi32, #tpu.memory_space<vmem>>, vector<16xi32>,
    tpu.vector_store_idx %arg42[%get3A_171], %broadcast_in_dim3A_5 {add = true} : memref<10000xf32, #tpu.memory_space<vmem>>[vector<16xi32>], vector<16xf32>,
    %get3A_172 = arith.constant 32 : index
    %get3A_173 = tpu.vector_load %arg17[%get3A_172] {strides = array<i32>} : memref<80xi32, #tpu.memory_space<vmem>>, vector<16xi32>,
    tpu.vector_store_idx %arg42[%get3A_173], %broadcast_in_dim3A_5 {add = true} : memref<10000xf32, #tpu.memory_space<vmem>>[vector<16xi32>], vector<16xf32>,
    %get3A_174 = arith.constant 48 : index
    %get3A_175 = tpu.vector_load %arg17[%get3A_174] {strides = array<i32>} : memref<80xi32, #tpu.memory_space<vmem>>, vector<16xi32>,
    tpu.vector_store_idx %arg42[%get3A_175], %broadcast_in_dim3A_5 {add = true} : memref<10000xf32, #tpu.memory_space<vmem>>[vector<16xi32>], vector<16xf32>,
    %get3A_176 = arith.constant 64 : index
    %get3A_177 = tpu.vector_load %arg17[%get3A_176] {strides = array<i32>} : memref<80xi32, #tpu.memory_space<vmem>>, vector<16xi32>,
    tpu.vector_store_idx %arg42[%get3A_177], %broadcast_in_dim3A_5 {add = true} : memref<10000xf32, #tpu.memory_space<vmem>>[vector<16xi32>], vector<16xf32>,
    %dma_wait3A_178 = arith.constant 0 : i32
    %dma_wait3A_179 = arith.constant 0 : i32
    %dma_wait3A_180 = tpu.memref_slice %arg23[%dma_wait3A_178, %dma_wait3A_179] : memref<10112x128xf32, #tpu.memory_space<vmem_shared>> -> memref<10112x128xf32, #tpu.memory_space<vmem_shared>>
    tpu.wait_indirect_dma semaphore(%arg29 : memref<!tpu.dma_semaphore, #tpu.memory_space<semaphore_mem>>) src(%arg22 : memref<80x128xf32, #tpu.memory_space<vmem>>) dst(%dma_wait3A_180 : memref<10112x128xf32, #tpu.memory_space<vmem_shared>>)
    %add3A_181 = arith.constant 400 : i32
    %add3A_182 = arith.addi %mul3A_4, %add3A_181 : i32
    %multiple_of3A_183 = tpu.assume_multiple %add3A_182, 8 : i32
    %dma_wait3A_184 = tpu.memref_slice %arg3[%multiple_of3A_183] : memref<320000xi32, #tpu.memory_space<hbm>> -> memref<80xi32, #tpu.memory_space<hbm>>
    %dma_wait3A_185 = tpu.memref_slice %arg3[%multiple_of3A_183] : memref<320000xi32, #tpu.memory_space<hbm>> -> memref<80xi32, #tpu.memory_space<hbm>>
    tpu.wait_dma2 semaphore(%arg35 : memref<!tpu.dma_semaphore, #tpu.memory_space<semaphore_mem>>) src(%dma_wait3A_185 : memref<80xi32, #tpu.memory_space<hbm>>) dst(%arg13 : memref<80xi32, #tpu.memory_space<vmem>>)
    %dma_wait3A_186 = tpu.memref_slice %arg4[%multiple_of3A_183] : memref<320000xi32, #tpu.memory_space<hbm>> -> memref<80xi32, #tpu.memory_space<hbm>>
    %dma_wait3A_187 = tpu.memref_slice %arg4[%multiple_of3A_183] : memref<320000xi32, #tpu.memory_space<hbm>> -> memref<80xi32, #tpu.memory_space<hbm>>
    tpu.wait_dma2 semaphore(%arg41 : memref<!tpu.dma_semaphore, #tpu.memory_space<semaphore_mem>>) src(%dma_wait3A_187 : memref<80xi32, #tpu.memory_space<hbm>>) dst(%arg19 : memref<80xi32, #tpu.memory_space<vmem>>)
    %dma_start3A_188 = arith.constant 0 : i32
    %dma_start3A_189 = arith.constant 0 : i32
    %dma_start3A_190 = tpu.memref_slice %arg2[%dma_start3A_188, %dma_start3A_189] : memref<10000x128xf32, #tpu.memory_space<hbm>> -> memref<10000x128xf32, #tpu.memory_space<hbm>>
    tpu.enqueue_indirect_dma source(%dma_start3A_190 : memref<10000x128xf32, #tpu.memory_space<hbm>>) target(%arg22 : memref<80x128xf32, #tpu.memory_space<vmem>>) offsets(%arg13 : memref<80xi32, #tpu.memory_space<vmem>>) semaphore(%arg26 : memref<!tpu.dma_semaphore, #tpu.memory_space<semaphore_mem>>)
    %add3A_191 = arith.constant 560 : i32
    %add3A_192 = arith.addi %mul3A_4, %add3A_191 : i32
    %multiple_of3A_193 = tpu.assume_multiple %add3A_192, 8 : i32
    %dma_start3A_194 = tpu.memref_slice %arg3[%multiple_of3A_193] : memref<320000xi32, #tpu.memory_space<hbm>> -> memref<80xi32, #tpu.memory_space<hbm>>
    %dma_start3A_195 = tpu.memref_slice %arg3[%multiple_of3A_193] : memref<320000xi32, #tpu.memory_space<hbm>> -> memref<80xi32, #tpu.memory_space<hbm>>
    tpu.enqueue_dma source(%dma_start3A_195 : memref<80xi32, #tpu.memory_space<hbm>>) target(%arg9 : memref<80xi32, #tpu.memory_space<vmem>>) target_semaphore(%arg31 : memref<!tpu.dma_semaphore, #tpu.memory_space<semaphore_mem>>)
    %dma_start3A_196 = tpu.memref_slice %arg4[%multiple_of3A_193] : memref<320000xi32, #tpu.memory_space<hbm>> -> memref<80xi32, #tpu.memory_space<hbm>>
    %dma_start3A_197 = tpu.memref_slice %arg4[%multiple_of3A_193] : memref<320000xi32, #tpu.memory_space<hbm>> -> memref<80xi32, #tpu.memory_space<hbm>>
    tpu.enqueue_dma source(%dma_start3A_197 : memref<80xi32, #tpu.memory_space<hbm>>) target(%arg15 : memref<80xi32, #tpu.memory_space<vmem>>) target_semaphore(%arg37 : memref<!tpu.dma_semaphore, #tpu.memory_space<semaphore_mem>>)
    %dma_wait3A_198 = arith.constant 0 : i32
    %dma_wait3A_199 = arith.constant 0 : i32
    %dma_wait3A_200 = tpu.memref_slice %arg2[%dma_wait3A_198, %dma_wait3A_199] : memref<10000x128xf32, #tpu.memory_space<hbm>> -> memref<10000x128xf32, #tpu.memory_space<hbm>>
    tpu.wait_indirect_dma semaphore(%arg25 : memref<!tpu.dma_semaphore, #tpu.memory_space<semaphore_mem>>) src(%dma_wait3A_200 : memref<10000x128xf32, #tpu.memory_space<hbm>>) dst(%arg21 : memref<80x128xf32, #tpu.memory_space<vmem>>)
    %dma_start3A_201 = arith.constant 0 : i32
    %dma_start3A_202 = arith.constant 0 : i32
    %dma_start3A_203 = tpu.memref_slice %arg23[%dma_start3A_201, %dma_start3A_202] : memref<10112x128xf32, #tpu.memory_space<vmem_shared>> -> memref<10112x128xf32, #tpu.memory_space<vmem_shared>>
    tpu.enqueue_indirect_dma source(%arg21 : memref<80x128xf32, #tpu.memory_space<vmem>>) target(%dma_start3A_203 : memref<10112x128xf32, #tpu.memory_space<vmem_shared>>) offsets(%arg18 : memref<80xi32, #tpu.memory_space<vmem>>) semaphore(%arg28 : memref<!tpu.dma_semaphore, #tpu.memory_space<semaphore_mem>>) {add = true}
    %get3A_204 = arith.constant 0 : index
    %get3A_205 = tpu.vector_load %arg18[%get3A_204] {strides = array<i32>} : memref<80xi32, #tpu.memory_space<vmem>>, vector<16xi32>,
    tpu.vector_store_idx %arg42[%get3A_205], %broadcast_in_dim3A_5 {add = true} : memref<10000xf32, #tpu.memory_space<vmem>>[vector<16xi32>], vector<16xf32>,
    %get3A_206 = arith.constant 16 : index
    %get3A_207 = tpu.vector_load %arg18[%get3A_206] {strides = array<i32>} : memref<80xi32, #tpu.memory_space<vmem>>, vector<16xi32>,
    tpu.vector_store_idx %arg42[%get3A_207], %broadcast_in_dim3A_5 {add = true} : memref<10000xf32, #tpu.memory_space<vmem>>[vector<16xi32>], vector<16xf32>,
    %get3A_208 = arith.constant 32 : index
    %get3A_209 = tpu.vector_load %arg18[%get3A_208] {strides = array<i32>} : memref<80xi32, #tpu.memory_space<vmem>>, vector<16xi32>,
    tpu.vector_store_idx %arg42[%get3A_209], %broadcast_in_dim3A_5 {add = true} : memref<10000xf32, #tpu.memory_space<vmem>>[vector<16xi32>], vector<16xf32>,
    %get3A_210 = arith.constant 48 : index
    %get3A_211 = tpu.vector_load %arg18[%get3A_210] {strides = array<i32>} : memref<80xi32, #tpu.memory_space<vmem>>, vector<16xi32>,
    tpu.vector_store_idx %arg42[%get3A_211], %broadcast_in_dim3A_5 {add = true} : memref<10000xf32, #tpu.memory_space<vmem>>[vector<16xi32>], vector<16xf32>,
    %get3A_212 = arith.constant 64 : index
    %get3A_213 = tpu.vector_load %arg18[%get3A_212] {strides = array<i32>} : memref<80xi32, #tpu.memory_space<vmem>>, vector<16xi32>,
    tpu.vector_store_idx %arg42[%get3A_213], %broadcast_in_dim3A_5 {add = true} : memref<10000xf32, #tpu.memory_space<vmem>>[vector<16xi32>], vector<16xf32>,
    %dma_wait3A_214 = arith.constant 0 : i32
    %dma_wait3A_215 = arith.constant 0 : i32
    %dma_wait3A_216 = tpu.memref_slice %arg23[%dma_wait3A_214, %dma_wait3A_215] : memref<10112x128xf32, #tpu.memory_space<vmem_shared>> -> memref<10112x128xf32, #tpu.memory_space<vmem_shared>>
    tpu.wait_indirect_dma semaphore(%arg27 : memref<!tpu.dma_semaphore, #tpu.memory_space<semaphore_mem>>) src(%arg20 : memref<80x128xf32, #tpu.memory_space<vmem>>) dst(%dma_wait3A_216 : memref<10112x128xf32, #tpu.memory_space<vmem_shared>>)
    %add3A_217 = arith.constant 480 : i32
    %add3A_218 = arith.addi %mul3A_4, %add3A_217 : i32
    %multiple_of3A_219 = tpu.assume_multiple %add3A_218, 8 : i32
    %dma_wait3A_220 = tpu.memref_slice %arg3[%multiple_of3A_219] : memref<320000xi32, #tpu.memory_space<hbm>> -> memref<80xi32, #tpu.memory_space<hbm>>
    %dma_wait3A_221 = tpu.memref_slice %arg3[%multiple_of3A_219] : memref<320000xi32, #tpu.memory_space<hbm>> -> memref<80xi32, #tpu.memory_space<hbm>>
    tpu.wait_dma2 semaphore(%arg30 : memref<!tpu.dma_semaphore, #tpu.memory_space<semaphore_mem>>) src(%dma_wait3A_221 : memref<80xi32, #tpu.memory_space<hbm>>) dst(%arg8 : memref<80xi32, #tpu.memory_space<vmem>>)
    %dma_wait3A_222 = tpu.memref_slice %arg4[%multiple_of3A_219] : memref<320000xi32, #tpu.memory_space<hbm>> -> memref<80xi32, #tpu.memory_space<hbm>>
    %dma_wait3A_223 = tpu.memref_slice %arg4[%multiple_of3A_219] : memref<320000xi32, #tpu.memory_space<hbm>> -> memref<80xi32, #tpu.memory_space<hbm>>
    tpu.wait_dma2 semaphore(%arg36 : memref<!tpu.dma_semaphore, #tpu.memory_space<semaphore_mem>>) src(%dma_wait3A_223 : memref<80xi32, #tpu.memory_space<hbm>>) dst(%arg14 : memref<80xi32, #tpu.memory_space<vmem>>)
    %dma_start3A_224 = arith.constant 0 : i32
    %dma_start3A_225 = arith.constant 0 : i32
    %dma_start3A_226 = tpu.memref_slice %arg2[%dma_start3A_224, %dma_start3A_225] : memref<10000x128xf32, #tpu.memory_space<hbm>> -> memref<10000x128xf32, #tpu.memory_space<hbm>>
    tpu.enqueue_indirect_dma source(%dma_start3A_226 : memref<10000x128xf32, #tpu.memory_space<hbm>>) target(%arg20 : memref<80x128xf32, #tpu.memory_space<vmem>>) offsets(%arg8 : memref<80xi32, #tpu.memory_space<vmem>>) semaphore(%arg24 : memref<!tpu.dma_semaphore, #tpu.memory_space<semaphore_mem>>)
    %add3A_227 = arith.constant 640 : i32
    %add3A_228 = arith.addi %mul3A_4, %add3A_227 : i32
    %multiple_of3A_229 = tpu.assume_multiple %add3A_228, 8 : i32
    %dma_start3A_230 = tpu.memref_slice %arg3[%multiple_of3A_229] : memref<320000xi32, #tpu.memory_space<hbm>> -> memref<80xi32, #tpu.memory_space<hbm>>
    %dma_start3A_231 = tpu.memref_slice %arg3[%multiple_of3A_229] : memref<320000xi32, #tpu.memory_space<hbm>> -> memref<80xi32, #tpu.memory_space<hbm>>
    tpu.enqueue_dma source(%dma_start3A_231 : memref<80xi32, #tpu.memory_space<hbm>>) target(%arg10 : memref<80xi32, #tpu.memory_space<vmem>>) target_semaphore(%arg32 : memref<!tpu.dma_semaphore, #tpu.memory_space<semaphore_mem>>)
    %dma_start3A_232 = tpu.memref_slice %arg4[%multiple_of3A_229] : memref<320000xi32, #tpu.memory_space<hbm>> -> memref<80xi32, #tpu.memory_space<hbm>>
    %dma_start3A_233 = tpu.memref_slice %arg4[%multiple_of3A_229] : memref<320000xi32, #tpu.memory_space<hbm>> -> memref<80xi32, #tpu.memory_space<hbm>>
    tpu.enqueue_dma source(%dma_start3A_233 : memref<80xi32, #tpu.memory_space<hbm>>) target(%arg16 : memref<80xi32, #tpu.memory_space<vmem>>) target_semaphore(%arg38 : memref<!tpu.dma_semaphore, #tpu.memory_space<semaphore_mem>>)
    %dma_wait3A_234 = arith.constant 0 : i32
    %dma_wait3A_235 = arith.constant 0 : i32
    %dma_wait3A_236 = tpu.memref_slice %arg2[%dma_wait3A_234, %dma_wait3A_235] : memref<10000x128xf32, #tpu.memory_space<hbm>> -> memref<10000x128xf32, #tpu.memory_space<hbm>>
    tpu.wait_indirect_dma semaphore(%arg26 : memref<!tpu.dma_semaphore, #tpu.memory_space<semaphore_mem>>) src(%dma_wait3A_236 : memref<10000x128xf32, #tpu.memory_space<hbm>>) dst(%arg22 : memref<80x128xf32, #tpu.memory_space<vmem>>)
    %dma_start3A_237 = arith.constant 0 : i32
    %dma_start3A_238 = arith.constant 0 : i32
    %dma_start3A_239 = tpu.memref_slice %arg23[%dma_start3A_237, %dma_start3A_238] : memref<10112x128xf32, #tpu.memory_space<vmem_shared>> -> memref<10112x128xf32, #tpu.memory_space<vmem_shared>>
    tpu.enqueue_indirect_dma source(%arg22 : memref<80x128xf32, #tpu.memory_space<vmem>>) target(%dma_start3A_239 : memref<10112x128xf32, #tpu.memory_space<vmem_shared>>) offsets(%arg19 : memref<80xi32, #tpu.memory_space<vmem>>) semaphore(%arg29 : memref<!tpu.dma_semaphore, #tpu.memory_space<semaphore_mem>>) {add = true}
    %get3A_240 = arith.constant 0 : index
    %get3A_241 = tpu.vector_load %arg19[%get3A_240] {strides = array<i32>} : memref<80xi32, #tpu.memory_space<vmem>>, vector<16xi32>,
    tpu.vector_store_idx %arg42[%get3A_241], %broadcast_in_dim3A_5 {add = true} : memref<10000xf32, #tpu.memory_space<vmem>>[vector<16xi32>], vector<16xf32>,
    %get3A_242 = arith.constant 16 : index
    %get3A_243 = tpu.vector_load %arg19[%get3A_242] {strides = array<i32>} : memref<80xi32, #tpu.memory_space<vmem>>, vector<16xi32>,
    tpu.vector_store_idx %arg42[%get3A_243], %broadcast_in_dim3A_5 {add = true} : memref<10000xf32, #tpu.memory_space<vmem>>[vector<16xi32>], vector<16xf32>,
    %get3A_244 = arith.constant 32 : index
    %get3A_245 = tpu.vector_load %arg19[%get3A_244] {strides = array<i32>} : memref<80xi32, #tpu.memory_space<vmem>>, vector<16xi32>,
    tpu.vector_store_idx %arg42[%get3A_245], %broadcast_in_dim3A_5 {add = true} : memref<10000xf32, #tpu.memory_space<vmem>>[vector<16xi32>], vector<16xf32>,
    %get3A_246 = arith.constant 48 : index
    %get3A_247 = tpu.vector_load %arg19[%get3A_246] {strides = array<i32>} : memref<80xi32, #tpu.memory_space<vmem>>, vector<16xi32>,
    tpu.vector_store_idx %arg42[%get3A_247], %broadcast_in_dim3A_5 {add = true} : memref<10000xf32, #tpu.memory_space<vmem>>[vector<16xi32>], vector<16xf32>,
    %get3A_248 = arith.constant 64 : index
    %get3A_249 = tpu.vector_load %arg19[%get3A_248] {strides = array<i32>} : memref<80xi32, #tpu.memory_space<vmem>>, vector<16xi32>,
    tpu.vector_store_idx %arg42[%get3A_249], %broadcast_in_dim3A_5 {add = true} : memref<10000xf32, #tpu.memory_space<vmem>>[vector<16xi32>], vector<16xf32>,
    %dma_wait3A_250 = arith.constant 0 : i32
    %dma_wait3A_251 = arith.constant 0 : i32
    %dma_wait3A_252 = tpu.memref_slice %arg23[%dma_wait3A_250, %dma_wait3A_251] : memref<10112x128xf32, #tpu.memory_space<vmem_shared>> -> memref<10112x128xf32, #tpu.memory_space<vmem_shared>>
    tpu.wait_indirect_dma semaphore(%arg28 : memref<!tpu.dma_semaphore, #tpu.memory_space<semaphore_mem>>) src(%arg21 : memref<80x128xf32, #tpu.memory_space<vmem>>) dst(%dma_wait3A_252 : memref<10112x128xf32, #tpu.memory_space<vmem_shared>>)
    %add3A_253 = arith.constant 560 : i32
    %add3A_254 = arith.addi %mul3A_4, %add3A_253 : i32
    %multiple_of3A_255 = tpu.assume_multiple %add3A_254, 8 : i32
    %dma_wait3A_256 = tpu.memref_slice %arg3[%multiple_of3A_255] : memref<320000xi32, #tpu.memory_space<hbm>> -> memref<80xi32, #tpu.memory_space<hbm>>
    %dma_wait3A_257 = tpu.memref_slice %arg3[%multiple_of3A_255] : memref<320000xi32, #tpu.memory_space<hbm>> -> memref<80xi32, #tpu.memory_space<hbm>>
    tpu.wait_dma2 semaphore(%arg31 : memref<!tpu.dma_semaphore, #tpu.memory_space<semaphore_mem>>) src(%dma_wait3A_257 : memref<80xi32, #tpu.memory_space<hbm>>) dst(%arg9 : memref<80xi32, #tpu.memory_space<vmem>>)
    %dma_wait3A_258 = tpu.memref_slice %arg4[%multiple_of3A_255] : memref<320000xi32, #tpu.memory_space<hbm>> -> memref<80xi32, #tpu.memory_space<hbm>>
    %dma_wait3A_259 = tpu.memref_slice %arg4[%multiple_of3A_255] : memref<320000xi32, #tpu.memory_space<hbm>> -> memref<80xi32, #tpu.memory_space<hbm>>
    tpu.wait_dma2 semaphore(%arg37 : memref<!tpu.dma_semaphore, #tpu.memory_space<semaphore_mem>>) src(%dma_wait3A_259 : memref<80xi32, #tpu.memory_space<hbm>>) dst(%arg15 : memref<80xi32, #tpu.memory_space<vmem>>)
    %dma_start3A_260 = arith.constant 0 : i32
    %dma_start3A_261 = arith.constant 0 : i32
    %dma_start3A_262 = tpu.memref_slice %arg2[%dma_start3A_260, %dma_start3A_261] : memref<10000x128xf32, #tpu.memory_space<hbm>> -> memref<10000x128xf32, #tpu.memory_space<hbm>>
    tpu.enqueue_indirect_dma source(%dma_start3A_262 : memref<10000x128xf32, #tpu.memory_space<hbm>>) target(%arg21 : memref<80x128xf32, #tpu.memory_space<vmem>>) offsets(%arg9 : memref<80xi32, #tpu.memory_space<vmem>>) semaphore(%arg25 : memref<!tpu.dma_semaphore, #tpu.memory_space<semaphore_mem>>)
    %add3A_263 = arith.constant 720 : i32
    %add3A_264 = arith.addi %mul3A_4, %add3A_263 : i32
    %multiple_of3A_265 = tpu.assume_multiple %add3A_264, 8 : i32
    %dma_start3A_266 = tpu.memref_slice %arg3[%multiple_of3A_265] : memref<320000xi32, #tpu.memory_space<hbm>> -> memref<80xi32, #tpu.memory_space<hbm>>
    %dma_start3A_267 = tpu.memref_slice %arg3[%multiple_of3A_265] : memref<320000xi32, #tpu.memory_space<hbm>> -> memref<80xi32, #tpu.memory_space<hbm>>
    tpu.enqueue_dma source(%dma_start3A_267 : memref<80xi32, #tpu.memory_space<hbm>>) target(%arg11 : memref<80xi32, #tpu.memory_space<vmem>>) target_semaphore(%arg33 : memref<!tpu.dma_semaphore, #tpu.memory_space<semaphore_mem>>)
    %dma_start3A_268 = tpu.memref_slice %arg4[%multiple_of3A_265] : memref<320000xi32, #tpu.memory_space<hbm>> -> memref<80xi32, #tpu.memory_space<hbm>>
    %dma_start3A_269 = tpu.memref_slice %arg4[%multiple_of3A_265] : memref<320000xi32, #tpu.memory_space<hbm>> -> memref<80xi32, #tpu.memory_space<hbm>>
    tpu.enqueue_dma source(%dma_start3A_269 : memref<80xi32, #tpu.memory_space<hbm>>) target(%arg17 : memref<80xi32, #tpu.memory_space<vmem>>) target_semaphore(%arg39 : memref<!tpu.dma_semaphore, #tpu.memory_space<semaphore_mem>>)
    %scan3A_270 = arith.constant 0 : i32
    %scan3A_271 = arith.constant 1 : i32
    %scan3A_272 = arith.constant 19 : i32
    %scan3A_273 = arith.addi %scan3A_271, %scan3A_272 : i32
    %scan3A_274 = arith.constant 1 : i32
    scf.for %scan3A_412 = %scan3A_271 to %scan3A_273 step %scan3A_274  : i32 {
      %mul3A_413 = arith.constant 6 : i32
      %mul3A_414 = arith.muli %mul3A_413, %scan3A_412 : i32
      %add3A_415 = arith.constant 0 : i32
      %add3A_416 = arith.addi %mul3A_414, %add3A_415 : i32
      %dma_wait3A_417 = arith.constant 0 : i32
      %dma_wait3A_418 = arith.constant 0 : i32
      %dma_wait3A_419 = tpu.memref_slice %arg2[%dma_wait3A_417, %dma_wait3A_418] : memref<10000x128xf32, #tpu.memory_space<hbm>> -> memref<10000x128xf32, #tpu.memory_space<hbm>>
      tpu.wait_indirect_dma semaphore(%arg24 : memref<!tpu.dma_semaphore, #tpu.memory_space<semaphore_mem>>) src(%dma_wait3A_419 : memref<10000x128xf32, #tpu.memory_space<hbm>>) dst(%arg20 : memref<80x128xf32, #tpu.memory_space<vmem>>)
      %dma_start3A_420 = arith.constant 0 : i32
      %dma_start3A_421 = arith.constant 0 : i32
      %dma_start3A_422 = tpu.memref_slice %arg23[%dma_start3A_420, %dma_start3A_421] : memref<10112x128xf32, #tpu.memory_space<vmem_shared>> -> memref<10112x128xf32, #tpu.memory_space<vmem_shared>>
      tpu.enqueue_indirect_dma source(%arg20 : memref<80x128xf32, #tpu.memory_space<vmem>>) target(%dma_start3A_422 : memref<10112x128xf32, #tpu.memory_space<vmem_shared>>) offsets(%arg14 : memref<80xi32, #tpu.memory_space<vmem>>) semaphore(%arg27 : memref<!tpu.dma_semaphore, #tpu.memory_space<semaphore_mem>>) {add = true}
      %get3A_423 = arith.constant 0 : index
      %get3A_424 = tpu.vector_load %arg14[%get3A_423] {strides = array<i32>} : memref<80xi32, #tpu.memory_space<vmem>>, vector<16xi32>,
      tpu.vector_store_idx %arg42[%get3A_424], %broadcast_in_dim3A_5 {add = true} : memref<10000xf32, #tpu.memory_space<vmem>>[vector<16xi32>], vector<16xf32>,
      %get3A_425 = arith.constant 16 : index
      %get3A_426 = tpu.vector_load %arg14[%get3A_425] {strides = array<i32>} : memref<80xi32, #tpu.memory_space<vmem>>, vector<16xi32>,
      tpu.vector_store_idx %arg42[%get3A_426], %broadcast_in_dim3A_5 {add = true} : memref<10000xf32, #tpu.memory_space<vmem>>[vector<16xi32>], vector<16xf32>,
      %get3A_427 = arith.constant 32 : index
      %get3A_428 = tpu.vector_load %arg14[%get3A_427] {strides = array<i32>} : memref<80xi32, #tpu.memory_space<vmem>>, vector<16xi32>,
      tpu.vector_store_idx %arg42[%get3A_428], %broadcast_in_dim3A_5 {add = true} : memref<10000xf32, #tpu.memory_space<vmem>>[vector<16xi32>], vector<16xf32>,
      %get3A_429 = arith.constant 48 : index
      %get3A_430 = tpu.vector_load %arg14[%get3A_429] {strides = array<i32>} : memref<80xi32, #tpu.memory_space<vmem>>, vector<16xi32>,
      tpu.vector_store_idx %arg42[%get3A_430], %broadcast_in_dim3A_5 {add = true} : memref<10000xf32, #tpu.memory_space<vmem>>[vector<16xi32>], vector<16xf32>,
      %get3A_431 = arith.constant 64 : index
      %get3A_432 = tpu.vector_load %arg14[%get3A_431] {strides = array<i32>} : memref<80xi32, #tpu.memory_space<vmem>>, vector<16xi32>,
      tpu.vector_store_idx %arg42[%get3A_432], %broadcast_in_dim3A_5 {add = true} : memref<10000xf32, #tpu.memory_space<vmem>>[vector<16xi32>], vector<16xf32>,
      %dma_wait3A_433 = arith.constant 0 : i32
      %dma_wait3A_434 = arith.constant 0 : i32
      %dma_wait3A_435 = tpu.memref_slice %arg23[%dma_wait3A_433, %dma_wait3A_434] : memref<10112x128xf32, #tpu.memory_space<vmem_shared>> -> memref<10112x128xf32, #tpu.memory_space<vmem_shared>>
      tpu.wait_indirect_dma semaphore(%arg29 : memref<!tpu.dma_semaphore, #tpu.memory_space<semaphore_mem>>) src(%arg22 : memref<80x128xf32, #tpu.memory_space<vmem>>) dst(%dma_wait3A_435 : memref<10112x128xf32, #tpu.memory_space<vmem_shared>>)
      %add3A_436 = arith.constant 2 : i32
      %add3A_437 = arith.addi %add3A_416, %add3A_436 : i32
      %mul3A_438 = arith.constant 80 : i32
      %mul3A_439 = arith.muli %add3A_437, %mul3A_438 : i32
      %add3A_440 = arith.addi %mul3A_4, %mul3A_439 : i32
      %multiple_of3A_441 = tpu.assume_multiple %add3A_440, 8 : i32
      %dma_wait3A_442 = tpu.memref_slice %arg3[%multiple_of3A_441] : memref<320000xi32, #tpu.memory_space<hbm>> -> memref<80xi32, #tpu.memory_space<hbm>>
      %dma_wait3A_443 = tpu.memref_slice %arg3[%multiple_of3A_441] : memref<320000xi32, #tpu.memory_space<hbm>> -> memref<80xi32, #tpu.memory_space<hbm>>
      tpu.wait_dma2 semaphore(%arg32 : memref<!tpu.dma_semaphore, #tpu.memory_space<semaphore_mem>>) src(%dma_wait3A_443 : memref<80xi32, #tpu.memory_space<hbm>>) dst(%arg10 : memref<80xi32, #tpu.memory_space<vmem>>)
      %dma_wait3A_444 = tpu.memref_slice %arg4[%multiple_of3A_441] : memref<320000xi32, #tpu.memory_space<hbm>> -> memref<80xi32, #tpu.memory_space<hbm>>
      %dma_wait3A_445 = tpu.memref_slice %arg4[%multiple_of3A_441] : memref<320000xi32, #tpu.memory_space<hbm>> -> memref<80xi32, #tpu.memory_space<hbm>>
      tpu.wait_dma2 semaphore(%arg38 : memref<!tpu.dma_semaphore, #tpu.memory_space<semaphore_mem>>) src(%dma_wait3A_445 : memref<80xi32, #tpu.memory_space<hbm>>) dst(%arg16 : memref<80xi32, #tpu.memory_space<vmem>>)
      %dma_start3A_446 = arith.constant 0 : i32
      %dma_start3A_447 = arith.constant 0 : i32
      %dma_start3A_448 = tpu.memref_slice %arg2[%dma_start3A_446, %dma_start3A_447] : memref<10000x128xf32, #tpu.memory_space<hbm>> -> memref<10000x128xf32, #tpu.memory_space<hbm>>
      tpu.enqueue_indirect_dma source(%dma_start3A_448 : memref<10000x128xf32, #tpu.memory_space<hbm>>) target(%arg22 : memref<80x128xf32, #tpu.memory_space<vmem>>) offsets(%arg10 : memref<80xi32, #tpu.memory_space<vmem>>) semaphore(%arg26 : memref<!tpu.dma_semaphore, #tpu.memory_space<semaphore_mem>>)
      %add3A_449 = arith.constant 4 : i32
      %add3A_450 = arith.addi %add3A_416, %add3A_449 : i32
      %mul3A_451 = arith.constant 80 : i32
      %mul3A_452 = arith.muli %add3A_450, %mul3A_451 : i32
      %add3A_453 = arith.addi %mul3A_4, %mul3A_452 : i32
      %multiple_of3A_454 = tpu.assume_multiple %add3A_453, 8 : i32
      %dma_start3A_455 = tpu.memref_slice %arg3[%multiple_of3A_454] : memref<320000xi32, #tpu.memory_space<hbm>> -> memref<80xi32, #tpu.memory_space<hbm>>
      %dma_start3A_456 = tpu.memref_slice %arg3[%multiple_of3A_454] : memref<320000xi32, #tpu.memory_space<hbm>> -> memref<80xi32, #tpu.memory_space<hbm>>
      tpu.enqueue_dma source(%dma_start3A_456 : memref<80xi32, #tpu.memory_space<hbm>>) target(%arg12 : memref<80xi32, #tpu.memory_space<vmem>>) target_semaphore(%arg34 : memref<!tpu.dma_semaphore, #tpu.memory_space<semaphore_mem>>)
      %dma_start3A_457 = tpu.memref_slice %arg4[%multiple_of3A_454] : memref<320000xi32, #tpu.memory_space<hbm>> -> memref<80xi32, #tpu.memory_space<hbm>>
      %dma_start3A_458 = tpu.memref_slice %arg4[%multiple_of3A_454] : memref<320000xi32, #tpu.memory_space<hbm>> -> memref<80xi32, #tpu.memory_space<hbm>>
      tpu.enqueue_dma source(%dma_start3A_458 : memref<80xi32, #tpu.memory_space<hbm>>) target(%arg18 : memref<80xi32, #tpu.memory_space<vmem>>) target_semaphore(%arg40 : memref<!tpu.dma_semaphore, #tpu.memory_space<semaphore_mem>>)
      %add3A_459 = arith.constant 1 : i32
      %add3A_460 = arith.addi %mul3A_414, %add3A_459 : i32
      %dma_wait3A_461 = arith.constant 0 : i32
      %dma_wait3A_462 = arith.constant 0 : i32
      %dma_wait3A_463 = tpu.memref_slice %arg2[%dma_wait3A_461, %dma_wait3A_462] : memref<10000x128xf32, #tpu.memory_space<hbm>> -> memref<10000x128xf32, #tpu.memory_space<hbm>>
      tpu.wait_indirect_dma semaphore(%arg25 : memref<!tpu.dma_semaphore, #tpu.memory_space<semaphore_mem>>) src(%dma_wait3A_463 : memref<10000x128xf32, #tpu.memory_space<hbm>>) dst(%arg21 : memref<80x128xf32, #tpu.memory_space<vmem>>)
      %dma_start3A_464 = arith.constant 0 : i32
      %dma_start3A_465 = arith.constant 0 : i32
      %dma_start3A_466 = tpu.memref_slice %arg23[%dma_start3A_464, %dma_start3A_465] : memref<10112x128xf32, #tpu.memory_space<vmem_shared>> -> memref<10112x128xf32, #tpu.memory_space<vmem_shared>>
      tpu.enqueue_indirect_dma source(%arg21 : memref<80x128xf32, #tpu.memory_space<vmem>>) target(%dma_start3A_466 : memref<10112x128xf32, #tpu.memory_space<vmem_shared>>) offsets(%arg15 : memref<80xi32, #tpu.memory_space<vmem>>) semaphore(%arg28 : memref<!tpu.dma_semaphore, #tpu.memory_space<semaphore_mem>>) {add = true}
      %get3A_467 = arith.constant 0 : index
      %get3A_468 = tpu.vector_load %arg15[%get3A_467] {strides = array<i32>} : memref<80xi32, #tpu.memory_space<vmem>>, vector<16xi32>,
      tpu.vector_store_idx %arg42[%get3A_468], %broadcast_in_dim3A_5 {add = true} : memref<10000xf32, #tpu.memory_space<vmem>>[vector<16xi32>], vector<16xf32>,
      %get3A_469 = arith.constant 16 : index
      %get3A_470 = tpu.vector_load %arg15[%get3A_469] {strides = array<i32>} : memref<80xi32, #tpu.memory_space<vmem>>, vector<16xi32>,
      tpu.vector_store_idx %arg42[%get3A_470], %broadcast_in_dim3A_5 {add = true} : memref<10000xf32, #tpu.memory_space<vmem>>[vector<16xi32>], vector<16xf32>,
      %get3A_471 = arith.constant 32 : index
      %get3A_472 = tpu.vector_load %arg15[%get3A_471] {strides = array<i32>} : memref<80xi32, #tpu.memory_space<vmem>>, vector<16xi32>,
      tpu.vector_store_idx %arg42[%get3A_472], %broadcast_in_dim3A_5 {add = true} : memref<10000xf32, #tpu.memory_space<vmem>>[vector<16xi32>], vector<16xf32>,
      %get3A_473 = arith.constant 48 : index
      %get3A_474 = tpu.vector_load %arg15[%get3A_473] {strides = array<i32>} : memref<80xi32, #tpu.memory_space<vmem>>, vector<16xi32>,
      tpu.vector_store_idx %arg42[%get3A_474], %broadcast_in_dim3A_5 {add = true} : memref<10000xf32, #tpu.memory_space<vmem>>[vector<16xi32>], vector<16xf32>,
      %get3A_475 = arith.constant 64 : index
      %get3A_476 = tpu.vector_load %arg15[%get3A_475] {strides = array<i32>} : memref<80xi32, #tpu.memory_space<vmem>>, vector<16xi32>,
      tpu.vector_store_idx %arg42[%get3A_476], %broadcast_in_dim3A_5 {add = true} : memref<10000xf32, #tpu.memory_space<vmem>>[vector<16xi32>], vector<16xf32>,
      %dma_wait3A_477 = arith.constant 0 : i32
      %dma_wait3A_478 = arith.constant 0 : i32
      %dma_wait3A_479 = tpu.memref_slice %arg23[%dma_wait3A_477, %dma_wait3A_478] : memref<10112x128xf32, #tpu.memory_space<vmem_shared>> -> memref<10112x128xf32, #tpu.memory_space<vmem_shared>>
      tpu.wait_indirect_dma semaphore(%arg27 : memref<!tpu.dma_semaphore, #tpu.memory_space<semaphore_mem>>) src(%arg20 : memref<80x128xf32, #tpu.memory_space<vmem>>) dst(%dma_wait3A_479 : memref<10112x128xf32, #tpu.memory_space<vmem_shared>>)
      %add3A_480 = arith.constant 2 : i32
      %add3A_481 = arith.addi %add3A_460, %add3A_480 : i32
      %mul3A_482 = arith.constant 80 : i32
      %mul3A_483 = arith.muli %add3A_481, %mul3A_482 : i32
      %add3A_484 = arith.addi %mul3A_4, %mul3A_483 : i32
      %multiple_of3A_485 = tpu.assume_multiple %add3A_484, 8 : i32
      %dma_wait3A_486 = tpu.memref_slice %arg3[%multiple_of3A_485] : memref<320000xi32, #tpu.memory_space<hbm>> -> memref<80xi32, #tpu.memory_space<hbm>>
      %dma_wait3A_487 = tpu.memref_slice %arg3[%multiple_of3A_485] : memref<320000xi32, #tpu.memory_space<hbm>> -> memref<80xi32, #tpu.memory_space<hbm>>
      tpu.wait_dma2 semaphore(%arg33 : memref<!tpu.dma_semaphore, #tpu.memory_space<semaphore_mem>>) src(%dma_wait3A_487 : memref<80xi32, #tpu.memory_space<hbm>>) dst(%arg11 : memref<80xi32, #tpu.memory_space<vmem>>)
      %dma_wait3A_488 = tpu.memref_slice %arg4[%multiple_of3A_485] : memref<320000xi32, #tpu.memory_space<hbm>> -> memref<80xi32, #tpu.memory_space<hbm>>
      %dma_wait3A_489 = tpu.memref_slice %arg4[%multiple_of3A_485] : memref<320000xi32, #tpu.memory_space<hbm>> -> memref<80xi32, #tpu.memory_space<hbm>>
      tpu.wait_dma2 semaphore(%arg39 : memref<!tpu.dma_semaphore, #tpu.memory_space<semaphore_mem>>) src(%dma_wait3A_489 : memref<80xi32, #tpu.memory_space<hbm>>) dst(%arg17 : memref<80xi32, #tpu.memory_space<vmem>>)
      %dma_start3A_490 = arith.constant 0 : i32
      %dma_start3A_491 = arith.constant 0 : i32
      %dma_start3A_492 = tpu.memref_slice %arg2[%dma_start3A_490, %dma_start3A_491] : memref<10000x128xf32, #tpu.memory_space<hbm>> -> memref<10000x128xf32, #tpu.memory_space<hbm>>
      tpu.enqueue_indirect_dma source(%dma_start3A_492 : memref<10000x128xf32, #tpu.memory_space<hbm>>) target(%arg20 : memref<80x128xf32, #tpu.memory_space<vmem>>) offsets(%arg11 : memref<80xi32, #tpu.memory_space<vmem>>) semaphore(%arg24 : memref<!tpu.dma_semaphore, #tpu.memory_space<semaphore_mem>>)
      %add3A_493 = arith.constant 4 : i32
      %add3A_494 = arith.addi %add3A_460, %add3A_493 : i32
      %mul3A_495 = arith.constant 80 : i32
      %mul3A_496 = arith.muli %add3A_494, %mul3A_495 : i32
      %add3A_497 = arith.addi %mul3A_4, %mul3A_496 : i32
      %multiple_of3A_498 = tpu.assume_multiple %add3A_497, 8 : i32
      %dma_start3A_499 = tpu.memref_slice %arg3[%multiple_of3A_498] : memref<320000xi32, #tpu.memory_space<hbm>> -> memref<80xi32, #tpu.memory_space<hbm>>
      %dma_start3A_500 = tpu.memref_slice %arg3[%multiple_of3A_498] : memref<320000xi32, #tpu.memory_space<hbm>> -> memref<80xi32, #tpu.memory_space<hbm>>
      tpu.enqueue_dma source(%dma_start3A_500 : memref<80xi32, #tpu.memory_space<hbm>>) target(%arg13 : memref<80xi32, #tpu.memory_space<vmem>>) target_semaphore(%arg35 : memref<!tpu.dma_semaphore, #tpu.memory_space<semaphore_mem>>)
      %dma_start3A_501 = tpu.memref_slice %arg4[%multiple_of3A_498] : memref<320000xi32, #tpu.memory_space<hbm>> -> memref<80xi32, #tpu.memory_space<hbm>>
      %dma_start3A_502 = tpu.memref_slice %arg4[%multiple_of3A_498] : memref<320000xi32, #tpu.memory_space<hbm>> -> memref<80xi32, #tpu.memory_space<hbm>>
      tpu.enqueue_dma source(%dma_start3A_502 : memref<80xi32, #tpu.memory_space<hbm>>) target(%arg19 : memref<80xi32, #tpu.memory_space<vmem>>) target_semaphore(%arg41 : memref<!tpu.dma_semaphore, #tpu.memory_space<semaphore_mem>>)
      %add3A_503 = arith.constant 2 : i32
      %add3A_504 = arith.addi %mul3A_414, %add3A_503 : i32
      %dma_wait3A_505 = arith.constant 0 : i32
      %dma_wait3A_506 = arith.constant 0 : i32
      %dma_wait3A_507 = tpu.memref_slice %arg2[%dma_wait3A_505, %dma_wait3A_506] : memref<10000x128xf32, #tpu.memory_space<hbm>> -> memref<10000x128xf32, #tpu.memory_space<hbm>>
      tpu.wait_indirect_dma semaphore(%arg26 : memref<!tpu.dma_semaphore, #tpu.memory_space<semaphore_mem>>) src(%dma_wait3A_507 : memref<10000x128xf32, #tpu.memory_space<hbm>>) dst(%arg22 : memref<80x128xf32, #tpu.memory_space<vmem>>)
      %dma_start3A_508 = arith.constant 0 : i32
      %dma_start3A_509 = arith.constant 0 : i32
      %dma_start3A_510 = tpu.memref_slice %arg23[%dma_start3A_508, %dma_start3A_509] : memref<10112x128xf32, #tpu.memory_space<vmem_shared>> -> memref<10112x128xf32, #tpu.memory_space<vmem_shared>>
      tpu.enqueue_indirect_dma source(%arg22 : memref<80x128xf32, #tpu.memory_space<vmem>>) target(%dma_start3A_510 : memref<10112x128xf32, #tpu.memory_space<vmem_shared>>) offsets(%arg16 : memref<80xi32, #tpu.memory_space<vmem>>) semaphore(%arg29 : memref<!tpu.dma_semaphore, #tpu.memory_space<semaphore_mem>>) {add = true}
      %get3A_511 = arith.constant 0 : index
      %get3A_512 = tpu.vector_load %arg16[%get3A_511] {strides = array<i32>} : memref<80xi32, #tpu.memory_space<vmem>>, vector<16xi32>,
      tpu.vector_store_idx %arg42[%get3A_512], %broadcast_in_dim3A_5 {add = true} : memref<10000xf32, #tpu.memory_space<vmem>>[vector<16xi32>], vector<16xf32>,
      %get3A_513 = arith.constant 16 : index
      %get3A_514 = tpu.vector_load %arg16[%get3A_513] {strides = array<i32>} : memref<80xi32, #tpu.memory_space<vmem>>, vector<16xi32>,
      tpu.vector_store_idx %arg42[%get3A_514], %broadcast_in_dim3A_5 {add = true} : memref<10000xf32, #tpu.memory_space<vmem>>[vector<16xi32>], vector<16xf32>,
      %get3A_515 = arith.constant 32 : index
      %get3A_516 = tpu.vector_load %arg16[%get3A_515] {strides = array<i32>} : memref<80xi32, #tpu.memory_space<vmem>>, vector<16xi32>,
      tpu.vector_store_idx %arg42[%get3A_516], %broadcast_in_dim3A_5 {add = true} : memref<10000xf32, #tpu.memory_space<vmem>>[vector<16xi32>], vector<16xf32>,
      %get3A_517 = arith.constant 48 : index
      %get3A_518 = tpu.vector_load %arg16[%get3A_517] {strides = array<i32>} : memref<80xi32, #tpu.memory_space<vmem>>, vector<16xi32>,
      tpu.vector_store_idx %arg42[%get3A_518], %broadcast_in_dim3A_5 {add = true} : memref<10000xf32, #tpu.memory_space<vmem>>[vector<16xi32>], vector<16xf32>,
      %get3A_519 = arith.constant 64 : index
      %get3A_520 = tpu.vector_load %arg16[%get3A_519] {strides = array<i32>} : memref<80xi32, #tpu.memory_space<vmem>>, vector<16xi32>,
      tpu.vector_store_idx %arg42[%get3A_520], %broadcast_in_dim3A_5 {add = true} : memref<10000xf32, #tpu.memory_space<vmem>>[vector<16xi32>], vector<16xf32>,
      %dma_wait3A_521 = arith.constant 0 : i32
      %dma_wait3A_522 = arith.constant 0 : i32
      %dma_wait3A_523 = tpu.memref_slice %arg23[%dma_wait3A_521, %dma_wait3A_522] : memref<10112x128xf32, #tpu.memory_space<vmem_shared>> -> memref<10112x128xf32, #tpu.memory_space<vmem_shared>>
      tpu.wait_indirect_dma semaphore(%arg28 : memref<!tpu.dma_semaphore, #tpu.memory_space<semaphore_mem>>) src(%arg21 : memref<80x128xf32, #tpu.memory_space<vmem>>) dst(%dma_wait3A_523 : memref<10112x128xf32, #tpu.memory_space<vmem_shared>>)
      %add3A_524 = arith.constant 2 : i32
      %add3A_525 = arith.addi %add3A_504, %add3A_524 : i32
      %mul3A_526 = arith.constant 80 : i32
      %mul3A_527 = arith.muli %add3A_525, %mul3A_526 : i32
      %add3A_528 = arith.addi %mul3A_4, %mul3A_527 : i32
      %multiple_of3A_529 = tpu.assume_multiple %add3A_528, 8 : i32
      %dma_wait3A_530 = tpu.memref_slice %arg3[%multiple_of3A_529] : memref<320000xi32, #tpu.memory_space<hbm>> -> memref<80xi32, #tpu.memory_space<hbm>>
      %dma_wait3A_531 = tpu.memref_slice %arg3[%multiple_of3A_529] : memref<320000xi32, #tpu.memory_space<hbm>> -> memref<80xi32, #tpu.memory_space<hbm>>
      tpu.wait_dma2 semaphore(%arg34 : memref<!tpu.dma_semaphore, #tpu.memory_space<semaphore_mem>>) src(%dma_wait3A_531 : memref<80xi32, #tpu.memory_space<hbm>>) dst(%arg12 : memref<80xi32, #tpu.memory_space<vmem>>)
      %dma_wait3A_532 = tpu.memref_slice %arg4[%multiple_of3A_529] : memref<320000xi32, #tpu.memory_space<hbm>> -> memref<80xi32, #tpu.memory_space<hbm>>
      %dma_wait3A_533 = tpu.memref_slice %arg4[%multiple_of3A_529] : memref<320000xi32, #tpu.memory_space<hbm>> -> memref<80xi32, #tpu.memory_space<hbm>>
      tpu.wait_dma2 semaphore(%arg40 : memref<!tpu.dma_semaphore, #tpu.memory_space<semaphore_mem>>) src(%dma_wait3A_533 : memref<80xi32, #tpu.memory_space<hbm>>) dst(%arg18 : memref<80xi32, #tpu.memory_space<vmem>>)
      %dma_start3A_534 = arith.constant 0 : i32
      %dma_start3A_535 = arith.constant 0 : i32
      %dma_start3A_536 = tpu.memref_slice %arg2[%dma_start3A_534, %dma_start3A_535] : memref<10000x128xf32, #tpu.memory_space<hbm>> -> memref<10000x128xf32, #tpu.memory_space<hbm>>
      tpu.enqueue_indirect_dma source(%dma_start3A_536 : memref<10000x128xf32, #tpu.memory_space<hbm>>) target(%arg21 : memref<80x128xf32, #tpu.memory_space<vmem>>) offsets(%arg12 : memref<80xi32, #tpu.memory_space<vmem>>) semaphore(%arg25 : memref<!tpu.dma_semaphore, #tpu.memory_space<semaphore_mem>>)
      %add3A_537 = arith.constant 4 : i32
      %add3A_538 = arith.addi %add3A_504, %add3A_537 : i32
      %mul3A_539 = arith.constant 80 : i32
      %mul3A_540 = arith.muli %add3A_538, %mul3A_539 : i32
      %add3A_541 = arith.addi %mul3A_4, %mul3A_540 : i32
      %multiple_of3A_542 = tpu.assume_multiple %add3A_541, 8 : i32
      %dma_start3A_543 = tpu.memref_slice %arg3[%multiple_of3A_542] : memref<320000xi32, #tpu.memory_space<hbm>> -> memref<80xi32, #tpu.memory_space<hbm>>
      %dma_start3A_544 = tpu.memref_slice %arg3[%multiple_of3A_542] : memref<320000xi32, #tpu.memory_space<hbm>> -> memref<80xi32, #tpu.memory_space<hbm>>
      tpu.enqueue_dma source(%dma_start3A_544 : memref<80xi32, #tpu.memory_space<hbm>>) target(%arg8 : memref<80xi32, #tpu.memory_space<vmem>>) target_semaphore(%arg30 : memref<!tpu.dma_semaphore, #tpu.memory_space<semaphore_mem>>)
      %dma_start3A_545 = tpu.memref_slice %arg4[%multiple_of3A_542] : memref<320000xi32, #tpu.memory_space<hbm>> -> memref<80xi32, #tpu.memory_space<hbm>>
      %dma_start3A_546 = tpu.memref_slice %arg4[%multiple_of3A_542] : memref<320000xi32, #tpu.memory_space<hbm>> -> memref<80xi32, #tpu.memory_space<hbm>>
      tpu.enqueue_dma source(%dma_start3A_546 : memref<80xi32, #tpu.memory_space<hbm>>) target(%arg14 : memref<80xi32, #tpu.memory_space<vmem>>) target_semaphore(%arg36 : memref<!tpu.dma_semaphore, #tpu.memory_space<semaphore_mem>>)
      %add3A_547 = arith.constant 3 : i32
      %add3A_548 = arith.addi %mul3A_414, %add3A_547 : i32
      %dma_wait3A_549 = arith.constant 0 : i32
      %dma_wait3A_550 = arith.constant 0 : i32
      %dma_wait3A_551 = tpu.memref_slice %arg2[%dma_wait3A_549, %dma_wait3A_550] : memref<10000x128xf32, #tpu.memory_space<hbm>> -> memref<10000x128xf32, #tpu.memory_space<hbm>>
      tpu.wait_indirect_dma semaphore(%arg24 : memref<!tpu.dma_semaphore, #tpu.memory_space<semaphore_mem>>) src(%dma_wait3A_551 : memref<10000x128xf32, #tpu.memory_space<hbm>>) dst(%arg20 : memref<80x128xf32, #tpu.memory_space<vmem>>)
      %dma_start3A_552 = arith.constant 0 : i32
      %dma_start3A_553 = arith.constant 0 : i32
      %dma_start3A_554 = tpu.memref_slice %arg23[%dma_start3A_552, %dma_start3A_553] : memref<10112x128xf32, #tpu.memory_space<vmem_shared>> -> memref<10112x128xf32, #tpu.memory_space<vmem_shared>>
      tpu.enqueue_indirect_dma source(%arg20 : memref<80x128xf32, #tpu.memory_space<vmem>>) target(%dma_start3A_554 : memref<10112x128xf32, #tpu.memory_space<vmem_shared>>) offsets(%arg17 : memref<80xi32, #tpu.memory_space<vmem>>) semaphore(%arg27 : memref<!tpu.dma_semaphore, #tpu.memory_space<semaphore_mem>>) {add = true}
      %get3A_555 = arith.constant 0 : index
      %get3A_556 = tpu.vector_load %arg17[%get3A_555] {strides = array<i32>} : memref<80xi32, #tpu.memory_space<vmem>>, vector<16xi32>,
      tpu.vector_store_idx %arg42[%get3A_556], %broadcast_in_dim3A_5 {add = true} : memref<10000xf32, #tpu.memory_space<vmem>>[vector<16xi32>], vector<16xf32>,
      %get3A_557 = arith.constant 16 : index
      %get3A_558 = tpu.vector_load %arg17[%get3A_557] {strides = array<i32>} : memref<80xi32, #tpu.memory_space<vmem>>, vector<16xi32>,
      tpu.vector_store_idx %arg42[%get3A_558], %broadcast_in_dim3A_5 {add = true} : memref<10000xf32, #tpu.memory_space<vmem>>[vector<16xi32>], vector<16xf32>,
      %get3A_559 = arith.constant 32 : index
      %get3A_560 = tpu.vector_load %arg17[%get3A_559] {strides = array<i32>} : memref<80xi32, #tpu.memory_space<vmem>>, vector<16xi32>,
      tpu.vector_store_idx %arg42[%get3A_560], %broadcast_in_dim3A_5 {add = true} : memref<10000xf32, #tpu.memory_space<vmem>>[vector<16xi32>], vector<16xf32>,
      %get3A_561 = arith.constant 48 : index
      %get3A_562 = tpu.vector_load %arg17[%get3A_561] {strides = array<i32>} : memref<80xi32, #tpu.memory_space<vmem>>, vector<16xi32>,
      tpu.vector_store_idx %arg42[%get3A_562], %broadcast_in_dim3A_5 {add = true} : memref<10000xf32, #tpu.memory_space<vmem>>[vector<16xi32>], vector<16xf32>,
      %get3A_563 = arith.constant 64 : index
      %get3A_564 = tpu.vector_load %arg17[%get3A_563] {strides = array<i32>} : memref<80xi32, #tpu.memory_space<vmem>>, vector<16xi32>,
      tpu.vector_store_idx %arg42[%get3A_564], %broadcast_in_dim3A_5 {add = true} : memref<10000xf32, #tpu.memory_space<vmem>>[vector<16xi32>], vector<16xf32>,
      %dma_wait3A_565 = arith.constant 0 : i32
      %dma_wait3A_566 = arith.constant 0 : i32
      %dma_wait3A_567 = tpu.memref_slice %arg23[%dma_wait3A_565, %dma_wait3A_566] : memref<10112x128xf32, #tpu.memory_space<vmem_shared>> -> memref<10112x128xf32, #tpu.memory_space<vmem_shared>>
      tpu.wait_indirect_dma semaphore(%arg29 : memref<!tpu.dma_semaphore, #tpu.memory_space<semaphore_mem>>) src(%arg22 : memref<80x128xf32, #tpu.memory_space<vmem>>) dst(%dma_wait3A_567 : memref<10112x128xf32, #tpu.memory_space<vmem_shared>>)
      %add3A_568 = arith.constant 2 : i32
      %add3A_569 = arith.addi %add3A_548, %add3A_568 : i32
      %mul3A_570 = arith.constant 80 : i32
      %mul3A_571 = arith.muli %add3A_569, %mul3A_570 : i32
      %add3A_572 = arith.addi %mul3A_4, %mul3A_571 : i32
      %multiple_of3A_573 = tpu.assume_multiple %add3A_572, 8 : i32
      %dma_wait3A_574 = tpu.memref_slice %arg3[%multiple_of3A_573] : memref<320000xi32, #tpu.memory_space<hbm>> -> memref<80xi32, #tpu.memory_space<hbm>>
      %dma_wait3A_575 = tpu.memref_slice %arg3[%multiple_of3A_573] : memref<320000xi32, #tpu.memory_space<hbm>> -> memref<80xi32, #tpu.memory_space<hbm>>
      tpu.wait_dma2 semaphore(%arg35 : memref<!tpu.dma_semaphore, #tpu.memory_space<semaphore_mem>>) src(%dma_wait3A_575 : memref<80xi32, #tpu.memory_space<hbm>>) dst(%arg13 : memref<80xi32, #tpu.memory_space<vmem>>)
      %dma_wait3A_576 = tpu.memref_slice %arg4[%multiple_of3A_573] : memref<320000xi32, #tpu.memory_space<hbm>> -> memref<80xi32, #tpu.memory_space<hbm>>
      %dma_wait3A_577 = tpu.memref_slice %arg4[%multiple_of3A_573] : memref<320000xi32, #tpu.memory_space<hbm>> -> memref<80xi32, #tpu.memory_space<hbm>>
      tpu.wait_dma2 semaphore(%arg41 : memref<!tpu.dma_semaphore, #tpu.memory_space<semaphore_mem>>) src(%dma_wait3A_577 : memref<80xi32, #tpu.memory_space<hbm>>) dst(%arg19 : memref<80xi32, #tpu.memory_space<vmem>>)
      %dma_start3A_578 = arith.constant 0 : i32
      %dma_start3A_579 = arith.constant 0 : i32
      %dma_start3A_580 = tpu.memref_slice %arg2[%dma_start3A_578, %dma_start3A_579] : memref<10000x128xf32, #tpu.memory_space<hbm>> -> memref<10000x128xf32, #tpu.memory_space<hbm>>
      tpu.enqueue_indirect_dma source(%dma_start3A_580 : memref<10000x128xf32, #tpu.memory_space<hbm>>) target(%arg22 : memref<80x128xf32, #tpu.memory_space<vmem>>) offsets(%arg13 : memref<80xi32, #tpu.memory_space<vmem>>) semaphore(%arg26 : memref<!tpu.dma_semaphore, #tpu.memory_space<semaphore_mem>>)
      %add3A_581 = arith.constant 4 : i32
      %add3A_582 = arith.addi %add3A_548, %add3A_581 : i32
      %mul3A_583 = arith.constant 80 : i32
      %mul3A_584 = arith.muli %add3A_582, %mul3A_583 : i32
      %add3A_585 = arith.addi %mul3A_4, %mul3A_584 : i32
      %multiple_of3A_586 = tpu.assume_multiple %add3A_585, 8 : i32
      %dma_start3A_587 = tpu.memref_slice %arg3[%multiple_of3A_586] : memref<320000xi32, #tpu.memory_space<hbm>> -> memref<80xi32, #tpu.memory_space<hbm>>
      %dma_start3A_588 = tpu.memref_slice %arg3[%multiple_of3A_586] : memref<320000xi32, #tpu.memory_space<hbm>> -> memref<80xi32, #tpu.memory_space<hbm>>
      tpu.enqueue_dma source(%dma_start3A_588 : memref<80xi32, #tpu.memory_space<hbm>>) target(%arg9 : memref<80xi32, #tpu.memory_space<vmem>>) target_semaphore(%arg31 : memref<!tpu.dma_semaphore, #tpu.memory_space<semaphore_mem>>)
      %dma_start3A_589 = tpu.memref_slice %arg4[%multiple_of3A_586] : memref<320000xi32, #tpu.memory_space<hbm>> -> memref<80xi32, #tpu.memory_space<hbm>>
      %dma_start3A_590 = tpu.memref_slice %arg4[%multiple_of3A_586] : memref<320000xi32, #tpu.memory_space<hbm>> -> memref<80xi32, #tpu.memory_space<hbm>>
      tpu.enqueue_dma source(%dma_start3A_590 : memref<80xi32, #tpu.memory_space<hbm>>) target(%arg15 : memref<80xi32, #tpu.memory_space<vmem>>) target_semaphore(%arg37 : memref<!tpu.dma_semaphore, #tpu.memory_space<semaphore_mem>>)
      %add3A_591 = arith.constant 4 : i32
      %add3A_592 = arith.addi %mul3A_414, %add3A_591 : i32
      %dma_wait3A_593 = arith.constant 0 : i32
      %dma_wait3A_594 = arith.constant 0 : i32
      %dma_wait3A_595 = tpu.memref_slice %arg2[%dma_wait3A_593, %dma_wait3A_594] : memref<10000x128xf32, #tpu.memory_space<hbm>> -> memref<10000x128xf32, #tpu.memory_space<hbm>>
      tpu.wait_indirect_dma semaphore(%arg25 : memref<!tpu.dma_semaphore, #tpu.memory_space<semaphore_mem>>) src(%dma_wait3A_595 : memref<10000x128xf32, #tpu.memory_space<hbm>>) dst(%arg21 : memref<80x128xf32, #tpu.memory_space<vmem>>)
      %dma_start3A_596 = arith.constant 0 : i32
      %dma_start3A_597 = arith.constant 0 : i32
      %dma_start3A_598 = tpu.memref_slice %arg23[%dma_start3A_596, %dma_start3A_597] : memref<10112x128xf32, #tpu.memory_space<vmem_shared>> -> memref<10112x128xf32, #tpu.memory_space<vmem_shared>>
      tpu.enqueue_indirect_dma source(%arg21 : memref<80x128xf32, #tpu.memory_space<vmem>>) target(%dma_start3A_598 : memref<10112x128xf32, #tpu.memory_space<vmem_shared>>) offsets(%arg18 : memref<80xi32, #tpu.memory_space<vmem>>) semaphore(%arg28 : memref<!tpu.dma_semaphore, #tpu.memory_space<semaphore_mem>>) {add = true}
      %get3A_599 = arith.constant 0 : index
      %get3A_600 = tpu.vector_load %arg18[%get3A_599] {strides = array<i32>} : memref<80xi32, #tpu.memory_space<vmem>>, vector<16xi32>,
      tpu.vector_store_idx %arg42[%get3A_600], %broadcast_in_dim3A_5 {add = true} : memref<10000xf32, #tpu.memory_space<vmem>>[vector<16xi32>], vector<16xf32>,
      %get3A_601 = arith.constant 16 : index
      %get3A_602 = tpu.vector_load %arg18[%get3A_601] {strides = array<i32>} : memref<80xi32, #tpu.memory_space<vmem>>, vector<16xi32>,
      tpu.vector_store_idx %arg42[%get3A_602], %broadcast_in_dim3A_5 {add = true} : memref<10000xf32, #tpu.memory_space<vmem>>[vector<16xi32>], vector<16xf32>,
      %get3A_603 = arith.constant 32 : index
      %get3A_604 = tpu.vector_load %arg18[%get3A_603] {strides = array<i32>} : memref<80xi32, #tpu.memory_space<vmem>>, vector<16xi32>,
      tpu.vector_store_idx %arg42[%get3A_604], %broadcast_in_dim3A_5 {add = true} : memref<10000xf32, #tpu.memory_space<vmem>>[vector<16xi32>], vector<16xf32>,
      %get3A_605 = arith.constant 48 : index
      %get3A_606 = tpu.vector_load %arg18[%get3A_605] {strides = array<i32>} : memref<80xi32, #tpu.memory_space<vmem>>, vector<16xi32>,
      tpu.vector_store_idx %arg42[%get3A_606], %broadcast_in_dim3A_5 {add = true} : memref<10000xf32, #tpu.memory_space<vmem>>[vector<16xi32>], vector<16xf32>,
      %get3A_607 = arith.constant 64 : index
      %get3A_608 = tpu.vector_load %arg18[%get3A_607] {strides = array<i32>} : memref<80xi32, #tpu.memory_space<vmem>>, vector<16xi32>,
      tpu.vector_store_idx %arg42[%get3A_608], %broadcast_in_dim3A_5 {add = true} : memref<10000xf32, #tpu.memory_space<vmem>>[vector<16xi32>], vector<16xf32>,
      %dma_wait3A_609 = arith.constant 0 : i32
      %dma_wait3A_610 = arith.constant 0 : i32
      %dma_wait3A_611 = tpu.memref_slice %arg23[%dma_wait3A_609, %dma_wait3A_610] : memref<10112x128xf32, #tpu.memory_space<vmem_shared>> -> memref<10112x128xf32, #tpu.memory_space<vmem_shared>>
      tpu.wait_indirect_dma semaphore(%arg27 : memref<!tpu.dma_semaphore, #tpu.memory_space<semaphore_mem>>) src(%arg20 : memref<80x128xf32, #tpu.memory_space<vmem>>) dst(%dma_wait3A_611 : memref<10112x128xf32, #tpu.memory_space<vmem_shared>>)
      %add3A_612 = arith.constant 2 : i32
      %add3A_613 = arith.addi %add3A_592, %add3A_612 : i32
      %mul3A_614 = arith.constant 80 : i32
      %mul3A_615 = arith.muli %add3A_613, %mul3A_614 : i32
      %add3A_616 = arith.addi %mul3A_4, %mul3A_615 : i32
      %multiple_of3A_617 = tpu.assume_multiple %add3A_616, 8 : i32
      %dma_wait3A_618 = tpu.memref_slice %arg3[%multiple_of3A_617] : memref<320000xi32, #tpu.memory_space<hbm>> -> memref<80xi32, #tpu.memory_space<hbm>>
      %dma_wait3A_619 = tpu.memref_slice %arg3[%multiple_of3A_617] : memref<320000xi32, #tpu.memory_space<hbm>> -> memref<80xi32, #tpu.memory_space<hbm>>
      tpu.wait_dma2 semaphore(%arg30 : memref<!tpu.dma_semaphore, #tpu.memory_space<semaphore_mem>>) src(%dma_wait3A_619 : memref<80xi32, #tpu.memory_space<hbm>>) dst(%arg8 : memref<80xi32, #tpu.memory_space<vmem>>)
      %dma_wait3A_620 = tpu.memref_slice %arg4[%multiple_of3A_617] : memref<320000xi32, #tpu.memory_space<hbm>> -> memref<80xi32, #tpu.memory_space<hbm>>
      %dma_wait3A_621 = tpu.memref_slice %arg4[%multiple_of3A_617] : memref<320000xi32, #tpu.memory_space<hbm>> -> memref<80xi32, #tpu.memory_space<hbm>>
      tpu.wait_dma2 semaphore(%arg36 : memref<!tpu.dma_semaphore, #tpu.memory_space<semaphore_mem>>) src(%dma_wait3A_621 : memref<80xi32, #tpu.memory_space<hbm>>) dst(%arg14 : memref<80xi32, #tpu.memory_space<vmem>>)
      %dma_start3A_622 = arith.constant 0 : i32
      %dma_start3A_623 = arith.constant 0 : i32
      %dma_start3A_624 = tpu.memref_slice %arg2[%dma_start3A_622, %dma_start3A_623] : memref<10000x128xf32, #tpu.memory_space<hbm>> -> memref<10000x128xf32, #tpu.memory_space<hbm>>
      tpu.enqueue_indirect_dma source(%dma_start3A_624 : memref<10000x128xf32, #tpu.memory_space<hbm>>) target(%arg20 : memref<80x128xf32, #tpu.memory_space<vmem>>) offsets(%arg8 : memref<80xi32, #tpu.memory_space<vmem>>) semaphore(%arg24 : memref<!tpu.dma_semaphore, #tpu.memory_space<semaphore_mem>>)
      %add3A_625 = arith.constant 4 : i32
      %add3A_626 = arith.addi %add3A_592, %add3A_625 : i32
      %mul3A_627 = arith.constant 80 : i32
      %mul3A_628 = arith.muli %add3A_626, %mul3A_627 : i32
      %add3A_629 = arith.addi %mul3A_4, %mul3A_628 : i32
      %multiple_of3A_630 = tpu.assume_multiple %add3A_629, 8 : i32
      %dma_start3A_631 = tpu.memref_slice %arg3[%multiple_of3A_630] : memref<320000xi32, #tpu.memory_space<hbm>> -> memref<80xi32, #tpu.memory_space<hbm>>
      %dma_start3A_632 = tpu.memref_slice %arg3[%multiple_of3A_630] : memref<320000xi32, #tpu.memory_space<hbm>> -> memref<80xi32, #tpu.memory_space<hbm>>
      tpu.enqueue_dma source(%dma_start3A_632 : memref<80xi32, #tpu.memory_space<hbm>>) target(%arg10 : memref<80xi32, #tpu.memory_space<vmem>>) target_semaphore(%arg32 : memref<!tpu.dma_semaphore, #tpu.memory_space<semaphore_mem>>)
      %dma_start3A_633 = tpu.memref_slice %arg4[%multiple_of3A_630] : memref<320000xi32, #tpu.memory_space<hbm>> -> memref<80xi32, #tpu.memory_space<hbm>>
      %dma_start3A_634 = tpu.memref_slice %arg4[%multiple_of3A_630] : memref<320000xi32, #tpu.memory_space<hbm>> -> memref<80xi32, #tpu.memory_space<hbm>>
      tpu.enqueue_dma source(%dma_start3A_634 : memref<80xi32, #tpu.memory_space<hbm>>) target(%arg16 : memref<80xi32, #tpu.memory_space<vmem>>) target_semaphore(%arg38 : memref<!tpu.dma_semaphore, #tpu.memory_space<semaphore_mem>>)
      %add3A_635 = arith.constant 5 : i32
      %add3A_636 = arith.addi %mul3A_414, %add3A_635 : i32
      %dma_wait3A_637 = arith.constant 0 : i32
      %dma_wait3A_638 = arith.constant 0 : i32
      %dma_wait3A_639 = tpu.memref_slice %arg2[%dma_wait3A_637, %dma_wait3A_638] : memref<10000x128xf32, #tpu.memory_space<hbm>> -> memref<10000x128xf32, #tpu.memory_space<hbm>>
      tpu.wait_indirect_dma semaphore(%arg26 : memref<!tpu.dma_semaphore, #tpu.memory_space<semaphore_mem>>) src(%dma_wait3A_639 : memref<10000x128xf32, #tpu.memory_space<hbm>>) dst(%arg22 : memref<80x128xf32, #tpu.memory_space<vmem>>)
      %dma_start3A_640 = arith.constant 0 : i32
      %dma_start3A_641 = arith.constant 0 : i32
      %dma_start3A_642 = tpu.memref_slice %arg23[%dma_start3A_640, %dma_start3A_641] : memref<10112x128xf32, #tpu.memory_space<vmem_shared>> -> memref<10112x128xf32, #tpu.memory_space<vmem_shared>>
      tpu.enqueue_indirect_dma source(%arg22 : memref<80x128xf32, #tpu.memory_space<vmem>>) target(%dma_start3A_642 : memref<10112x128xf32, #tpu.memory_space<vmem_shared>>) offsets(%arg19 : memref<80xi32, #tpu.memory_space<vmem>>) semaphore(%arg29 : memref<!tpu.dma_semaphore, #tpu.memory_space<semaphore_mem>>) {add = true}
      %get3A_643 = arith.constant 0 : index
      %get3A_644 = tpu.vector_load %arg19[%get3A_643] {strides = array<i32>} : memref<80xi32, #tpu.memory_space<vmem>>, vector<16xi32>,
      tpu.vector_store_idx %arg42[%get3A_644], %broadcast_in_dim3A_5 {add = true} : memref<10000xf32, #tpu.memory_space<vmem>>[vector<16xi32>], vector<16xf32>,
      %get3A_645 = arith.constant 16 : index
      %get3A_646 = tpu.vector_load %arg19[%get3A_645] {strides = array<i32>} : memref<80xi32, #tpu.memory_space<vmem>>, vector<16xi32>,
      tpu.vector_store_idx %arg42[%get3A_646], %broadcast_in_dim3A_5 {add = true} : memref<10000xf32, #tpu.memory_space<vmem>>[vector<16xi32>], vector<16xf32>,
      %get3A_647 = arith.constant 32 : index
      %get3A_648 = tpu.vector_load %arg19[%get3A_647] {strides = array<i32>} : memref<80xi32, #tpu.memory_space<vmem>>, vector<16xi32>,
      tpu.vector_store_idx %arg42[%get3A_648], %broadcast_in_dim3A_5 {add = true} : memref<10000xf32, #tpu.memory_space<vmem>>[vector<16xi32>], vector<16xf32>,
      %get3A_649 = arith.constant 48 : index
      %get3A_650 = tpu.vector_load %arg19[%get3A_649] {strides = array<i32>} : memref<80xi32, #tpu.memory_space<vmem>>, vector<16xi32>,
      tpu.vector_store_idx %arg42[%get3A_650], %broadcast_in_dim3A_5 {add = true} : memref<10000xf32, #tpu.memory_space<vmem>>[vector<16xi32>], vector<16xf32>,
      %get3A_651 = arith.constant 64 : index
      %get3A_652 = tpu.vector_load %arg19[%get3A_651] {strides = array<i32>} : memref<80xi32, #tpu.memory_space<vmem>>, vector<16xi32>,
      tpu.vector_store_idx %arg42[%get3A_652], %broadcast_in_dim3A_5 {add = true} : memref<10000xf32, #tpu.memory_space<vmem>>[vector<16xi32>], vector<16xf32>,
      %dma_wait3A_653 = arith.constant 0 : i32
      %dma_wait3A_654 = arith.constant 0 : i32
      %dma_wait3A_655 = tpu.memref_slice %arg23[%dma_wait3A_653, %dma_wait3A_654] : memref<10112x128xf32, #tpu.memory_space<vmem_shared>> -> memref<10112x128xf32, #tpu.memory_space<vmem_shared>>
      tpu.wait_indirect_dma semaphore(%arg28 : memref<!tpu.dma_semaphore, #tpu.memory_space<semaphore_mem>>) src(%arg21 : memref<80x128xf32, #tpu.memory_space<vmem>>) dst(%dma_wait3A_655 : memref<10112x128xf32, #tpu.memory_space<vmem_shared>>)
      %add3A_656 = arith.constant 2 : i32
      %add3A_657 = arith.addi %add3A_636, %add3A_656 : i32
      %mul3A_658 = arith.constant 80 : i32
      %mul3A_659 = arith.muli %add3A_657, %mul3A_658 : i32
      %add3A_660 = arith.addi %mul3A_4, %mul3A_659 : i32
      %multiple_of3A_661 = tpu.assume_multiple %add3A_660, 8 : i32
      %dma_wait3A_662 = tpu.memref_slice %arg3[%multiple_of3A_661] : memref<320000xi32, #tpu.memory_space<hbm>> -> memref<80xi32, #tpu.memory_space<hbm>>
      %dma_wait3A_663 = tpu.memref_slice %arg3[%multiple_of3A_661] : memref<320000xi32, #tpu.memory_space<hbm>> -> memref<80xi32, #tpu.memory_space<hbm>>
      tpu.wait_dma2 semaphore(%arg31 : memref<!tpu.dma_semaphore, #tpu.memory_space<semaphore_mem>>) src(%dma_wait3A_663 : memref<80xi32, #tpu.memory_space<hbm>>) dst(%arg9 : memref<80xi32, #tpu.memory_space<vmem>>)
      %dma_wait3A_664 = tpu.memref_slice %arg4[%multiple_of3A_661] : memref<320000xi32, #tpu.memory_space<hbm>> -> memref<80xi32, #tpu.memory_space<hbm>>
      %dma_wait3A_665 = tpu.memref_slice %arg4[%multiple_of3A_661] : memref<320000xi32, #tpu.memory_space<hbm>> -> memref<80xi32, #tpu.memory_space<hbm>>
      tpu.wait_dma2 semaphore(%arg37 : memref<!tpu.dma_semaphore, #tpu.memory_space<semaphore_mem>>) src(%dma_wait3A_665 : memref<80xi32, #tpu.memory_space<hbm>>) dst(%arg15 : memref<80xi32, #tpu.memory_space<vmem>>)
      %dma_start3A_666 = arith.constant 0 : i32
      %dma_start3A_667 = arith.constant 0 : i32
      %dma_start3A_668 = tpu.memref_slice %arg2[%dma_start3A_666, %dma_start3A_667] : memref<10000x128xf32, #tpu.memory_space<hbm>> -> memref<10000x128xf32, #tpu.memory_space<hbm>>
      tpu.enqueue_indirect_dma source(%dma_start3A_668 : memref<10000x128xf32, #tpu.memory_space<hbm>>) target(%arg21 : memref<80x128xf32, #tpu.memory_space<vmem>>) offsets(%arg9 : memref<80xi32, #tpu.memory_space<vmem>>) semaphore(%arg25 : memref<!tpu.dma_semaphore, #tpu.memory_space<semaphore_mem>>)
      %add3A_669 = arith.constant 4 : i32
      %add3A_670 = arith.addi %add3A_636, %add3A_669 : i32
      %mul3A_671 = arith.constant 80 : i32
      %mul3A_672 = arith.muli %add3A_670, %mul3A_671 : i32
      %add3A_673 = arith.addi %mul3A_4, %mul3A_672 : i32
      %multiple_of3A_674 = tpu.assume_multiple %add3A_673, 8 : i32
      %dma_start3A_675 = tpu.memref_slice %arg3[%multiple_of3A_674] : memref<320000xi32, #tpu.memory_space<hbm>> -> memref<80xi32, #tpu.memory_space<hbm>>
      %dma_start3A_676 = tpu.memref_slice %arg3[%multiple_of3A_674] : memref<320000xi32, #tpu.memory_space<hbm>> -> memref<80xi32, #tpu.memory_space<hbm>>
      tpu.enqueue_dma source(%dma_start3A_676 : memref<80xi32, #tpu.memory_space<hbm>>) target(%arg11 : memref<80xi32, #tpu.memory_space<vmem>>) target_semaphore(%arg33 : memref<!tpu.dma_semaphore, #tpu.memory_space<semaphore_mem>>)
      %dma_start3A_677 = tpu.memref_slice %arg4[%multiple_of3A_674] : memref<320000xi32, #tpu.memory_space<hbm>> -> memref<80xi32, #tpu.memory_space<hbm>>
      %dma_start3A_678 = tpu.memref_slice %arg4[%multiple_of3A_674] : memref<320000xi32, #tpu.memory_space<hbm>> -> memref<80xi32, #tpu.memory_space<hbm>>
      tpu.enqueue_dma source(%dma_start3A_678 : memref<80xi32, #tpu.memory_space<hbm>>) target(%arg17 : memref<80xi32, #tpu.memory_space<vmem>>) target_semaphore(%arg39 : memref<!tpu.dma_semaphore, #tpu.memory_space<semaphore_mem>>)
    }
    %scan3A_275 = arith.constant 19 : i32
    %dma_wait3A_276 = arith.constant 0 : i32
    %dma_wait3A_277 = arith.constant 0 : i32
    %dma_wait3A_278 = tpu.memref_slice %arg2[%dma_wait3A_276, %dma_wait3A_277] : memref<10000x128xf32, #tpu.memory_space<hbm>> -> memref<10000x128xf32, #tpu.memory_space<hbm>>
    tpu.wait_indirect_dma semaphore(%arg24 : memref<!tpu.dma_semaphore, #tpu.memory_space<semaphore_mem>>) src(%dma_wait3A_278 : memref<10000x128xf32, #tpu.memory_space<hbm>>) dst(%arg20 : memref<80x128xf32, #tpu.memory_space<vmem>>)
    %dma_start3A_279 = arith.constant 0 : i32
    %dma_start3A_280 = arith.constant 0 : i32
    %dma_start3A_281 = tpu.memref_slice %arg23[%dma_start3A_279, %dma_start3A_280] : memref<10112x128xf32, #tpu.memory_space<vmem_shared>> -> memref<10112x128xf32, #tpu.memory_space<vmem_shared>>
    tpu.enqueue_indirect_dma source(%arg20 : memref<80x128xf32, #tpu.memory_space<vmem>>) target(%dma_start3A_281 : memref<10112x128xf32, #tpu.memory_space<vmem_shared>>) offsets(%arg14 : memref<80xi32, #tpu.memory_space<vmem>>) semaphore(%arg27 : memref<!tpu.dma_semaphore, #tpu.memory_space<semaphore_mem>>) {add = true}
    %get3A_282 = arith.constant 0 : index
    %get3A_283 = tpu.vector_load %arg14[%get3A_282] {strides = array<i32>} : memref<80xi32, #tpu.memory_space<vmem>>, vector<16xi32>,
    tpu.vector_store_idx %arg42[%get3A_283], %broadcast_in_dim3A_5 {add = true} : memref<10000xf32, #tpu.memory_space<vmem>>[vector<16xi32>], vector<16xf32>,
    %get3A_284 = arith.constant 16 : index
    %get3A_285 = tpu.vector_load %arg14[%get3A_284] {strides = array<i32>} : memref<80xi32, #tpu.memory_space<vmem>>, vector<16xi32>,
    tpu.vector_store_idx %arg42[%get3A_285], %broadcast_in_dim3A_5 {add = true} : memref<10000xf32, #tpu.memory_space<vmem>>[vector<16xi32>], vector<16xf32>,
    %get3A_286 = arith.constant 32 : index
    %get3A_287 = tpu.vector_load %arg14[%get3A_286] {strides = array<i32>} : memref<80xi32, #tpu.memory_space<vmem>>, vector<16xi32>,
    tpu.vector_store_idx %arg42[%get3A_287], %broadcast_in_dim3A_5 {add = true} : memref<10000xf32, #tpu.memory_space<vmem>>[vector<16xi32>], vector<16xf32>,
    %get3A_288 = arith.constant 48 : index
    %get3A_289 = tpu.vector_load %arg14[%get3A_288] {strides = array<i32>} : memref<80xi32, #tpu.memory_space<vmem>>, vector<16xi32>,
    tpu.vector_store_idx %arg42[%get3A_289], %broadcast_in_dim3A_5 {add = true} : memref<10000xf32, #tpu.memory_space<vmem>>[vector<16xi32>], vector<16xf32>,
    %get3A_290 = arith.constant 64 : index
    %get3A_291 = tpu.vector_load %arg14[%get3A_290] {strides = array<i32>} : memref<80xi32, #tpu.memory_space<vmem>>, vector<16xi32>,
    tpu.vector_store_idx %arg42[%get3A_291], %broadcast_in_dim3A_5 {add = true} : memref<10000xf32, #tpu.memory_space<vmem>>[vector<16xi32>], vector<16xf32>,
    %dma_wait3A_292 = arith.constant 0 : i32
    %dma_wait3A_293 = arith.constant 0 : i32
    %dma_wait3A_294 = tpu.memref_slice %arg23[%dma_wait3A_292, %dma_wait3A_293] : memref<10112x128xf32, #tpu.memory_space<vmem_shared>> -> memref<10112x128xf32, #tpu.memory_space<vmem_shared>>
    tpu.wait_indirect_dma semaphore(%arg29 : memref<!tpu.dma_semaphore, #tpu.memory_space<semaphore_mem>>) src(%arg22 : memref<80x128xf32, #tpu.memory_space<vmem>>) dst(%dma_wait3A_294 : memref<10112x128xf32, #tpu.memory_space<vmem_shared>>)
    %add3A_295 = arith.constant 9760 : i32
    %add3A_296 = arith.addi %mul3A_4, %add3A_295 : i32
    %multiple_of3A_297 = tpu.assume_multiple %add3A_296, 8 : i32
    %dma_wait3A_298 = tpu.memref_slice %arg3[%multiple_of3A_297] : memref<320000xi32, #tpu.memory_space<hbm>> -> memref<80xi32, #tpu.memory_space<hbm>>
    %dma_wait3A_299 = tpu.memref_slice %arg3[%multiple_of3A_297] : memref<320000xi32, #tpu.memory_space<hbm>> -> memref<80xi32, #tpu.memory_space<hbm>>
    tpu.wait_dma2 semaphore(%arg32 : memref<!tpu.dma_semaphore, #tpu.memory_space<semaphore_mem>>) src(%dma_wait3A_299 : memref<80xi32, #tpu.memory_space<hbm>>) dst(%arg10 : memref<80xi32, #tpu.memory_space<vmem>>)
    %dma_wait3A_300 = tpu.memref_slice %arg4[%multiple_of3A_297] : memref<320000xi32, #tpu.memory_space<hbm>> -> memref<80xi32, #tpu.memory_space<hbm>>
    %dma_wait3A_301 = tpu.memref_slice %arg4[%multiple_of3A_297] : memref<320000xi32, #tpu.memory_space<hbm>> -> memref<80xi32, #tpu.memory_space<hbm>>
    tpu.wait_dma2 semaphore(%arg38 : memref<!tpu.dma_semaphore, #tpu.memory_space<semaphore_mem>>) src(%dma_wait3A_301 : memref<80xi32, #tpu.memory_space<hbm>>) dst(%arg16 : memref<80xi32, #tpu.memory_space<vmem>>)
    %dma_start3A_302 = arith.constant 0 : i32
    %dma_start3A_303 = arith.constant 0 : i32
    %dma_start3A_304 = tpu.memref_slice %arg2[%dma_start3A_302, %dma_start3A_303] : memref<10000x128xf32, #tpu.memory_space<hbm>> -> memref<10000x128xf32, #tpu.memory_space<hbm>>
    tpu.enqueue_indirect_dma source(%dma_start3A_304 : memref<10000x128xf32, #tpu.memory_space<hbm>>) target(%arg22 : memref<80x128xf32, #tpu.memory_space<vmem>>) offsets(%arg10 : memref<80xi32, #tpu.memory_space<vmem>>) semaphore(%arg26 : memref<!tpu.dma_semaphore, #tpu.memory_space<semaphore_mem>>)
    %add3A_305 = arith.constant 9920 : i32
    %add3A_306 = arith.addi %mul3A_4, %add3A_305 : i32
    %multiple_of3A_307 = tpu.assume_multiple %add3A_306, 8 : i32
    %dma_start3A_308 = tpu.memref_slice %arg3[%multiple_of3A_307] : memref<320000xi32, #tpu.memory_space<hbm>> -> memref<80xi32, #tpu.memory_space<hbm>>
    %dma_start3A_309 = tpu.memref_slice %arg3[%multiple_of3A_307] : memref<320000xi32, #tpu.memory_space<hbm>> -> memref<80xi32, #tpu.memory_space<hbm>>
    tpu.enqueue_dma source(%dma_start3A_309 : memref<80xi32, #tpu.memory_space<hbm>>) target(%arg12 : memref<80xi32, #tpu.memory_space<vmem>>) target_semaphore(%arg34 : memref<!tpu.dma_semaphore, #tpu.memory_space<semaphore_mem>>)
    %dma_start3A_310 = tpu.memref_slice %arg4[%multiple_of3A_307] : memref<320000xi32, #tpu.memory_space<hbm>> -> memref<80xi32, #tpu.memory_space<hbm>>
    %dma_start3A_311 = tpu.memref_slice %arg4[%multiple_of3A_307] : memref<320000xi32, #tpu.memory_space<hbm>> -> memref<80xi32, #tpu.memory_space<hbm>>
    tpu.enqueue_dma source(%dma_start3A_311 : memref<80xi32, #tpu.memory_space<hbm>>) target(%arg18 : memref<80xi32, #tpu.memory_space<vmem>>) target_semaphore(%arg40 : memref<!tpu.dma_semaphore, #tpu.memory_space<semaphore_mem>>)
    %dma_wait3A_312 = arith.constant 0 : i32
    %dma_wait3A_313 = arith.constant 0 : i32
    %dma_wait3A_314 = tpu.memref_slice %arg2[%dma_wait3A_312, %dma_wait3A_313] : memref<10000x128xf32, #tpu.memory_space<hbm>> -> memref<10000x128xf32, #tpu.memory_space<hbm>>
    tpu.wait_indirect_dma semaphore(%arg25 : memref<!tpu.dma_semaphore, #tpu.memory_space<semaphore_mem>>) src(%dma_wait3A_314 : memref<10000x128xf32, #tpu.memory_space<hbm>>) dst(%arg21 : memref<80x128xf32, #tpu.memory_space<vmem>>)
    %dma_start3A_315 = arith.constant 0 : i32
    %dma_start3A_316 = arith.constant 0 : i32
    %dma_start3A_317 = tpu.memref_slice %arg23[%dma_start3A_315, %dma_start3A_316] : memref<10112x128xf32, #tpu.memory_space<vmem_shared>> -> memref<10112x128xf32, #tpu.memory_space<vmem_shared>>
    tpu.enqueue_indirect_dma source(%arg21 : memref<80x128xf32, #tpu.memory_space<vmem>>) target(%dma_start3A_317 : memref<10112x128xf32, #tpu.memory_space<vmem_shared>>) offsets(%arg15 : memref<80xi32, #tpu.memory_space<vmem>>) semaphore(%arg28 : memref<!tpu.dma_semaphore, #tpu.memory_space<semaphore_mem>>) {add = true}
    %get3A_318 = arith.constant 0 : index
    %get3A_319 = tpu.vector_load %arg15[%get3A_318] {strides = array<i32>} : memref<80xi32, #tpu.memory_space<vmem>>, vector<16xi32>,
    tpu.vector_store_idx %arg42[%get3A_319], %broadcast_in_dim3A_5 {add = true} : memref<10000xf32, #tpu.memory_space<vmem>>[vector<16xi32>], vector<16xf32>,
    %get3A_320 = arith.constant 16 : index
    %get3A_321 = tpu.vector_load %arg15[%get3A_320] {strides = array<i32>} : memref<80xi32, #tpu.memory_space<vmem>>, vector<16xi32>,
    tpu.vector_store_idx %arg42[%get3A_321], %broadcast_in_dim3A_5 {add = true} : memref<10000xf32, #tpu.memory_space<vmem>>[vector<16xi32>], vector<16xf32>,
    %get3A_322 = arith.constant 32 : index
    %get3A_323 = tpu.vector_load %arg15[%get3A_322] {strides = array<i32>} : memref<80xi32, #tpu.memory_space<vmem>>, vector<16xi32>,
    tpu.vector_store_idx %arg42[%get3A_323], %broadcast_in_dim3A_5 {add = true} : memref<10000xf32, #tpu.memory_space<vmem>>[vector<16xi32>], vector<16xf32>,
    %get3A_324 = arith.constant 48 : index
    %get3A_325 = tpu.vector_load %arg15[%get3A_324] {strides = array<i32>} : memref<80xi32, #tpu.memory_space<vmem>>, vector<16xi32>,
    tpu.vector_store_idx %arg42[%get3A_325], %broadcast_in_dim3A_5 {add = true} : memref<10000xf32, #tpu.memory_space<vmem>>[vector<16xi32>], vector<16xf32>,
    %get3A_326 = arith.constant 64 : index
    %get3A_327 = tpu.vector_load %arg15[%get3A_326] {strides = array<i32>} : memref<80xi32, #tpu.memory_space<vmem>>, vector<16xi32>,
    tpu.vector_store_idx %arg42[%get3A_327], %broadcast_in_dim3A_5 {add = true} : memref<10000xf32, #tpu.memory_space<vmem>>[vector<16xi32>], vector<16xf32>,
    %dma_wait3A_328 = arith.constant 0 : i32
    %dma_wait3A_329 = arith.constant 0 : i32
    %dma_wait3A_330 = tpu.memref_slice %arg23[%dma_wait3A_328, %dma_wait3A_329] : memref<10112x128xf32, #tpu.memory_space<vmem_shared>> -> memref<10112x128xf32, #tpu.memory_space<vmem_shared>>
    tpu.wait_indirect_dma semaphore(%arg27 : memref<!tpu.dma_semaphore, #tpu.memory_space<semaphore_mem>>) src(%arg20 : memref<80x128xf32, #tpu.memory_space<vmem>>) dst(%dma_wait3A_330 : memref<10112x128xf32, #tpu.memory_space<vmem_shared>>)
    %add3A_331 = arith.constant 9840 : i32
    %add3A_332 = arith.addi %mul3A_4, %add3A_331 : i32
    %multiple_of3A_333 = tpu.assume_multiple %add3A_332, 8 : i32
    %dma_wait3A_334 = tpu.memref_slice %arg3[%multiple_of3A_333] : memref<320000xi32, #tpu.memory_space<hbm>> -> memref<80xi32, #tpu.memory_space<hbm>>
    %dma_wait3A_335 = tpu.memref_slice %arg3[%multiple_of3A_333] : memref<320000xi32, #tpu.memory_space<hbm>> -> memref<80xi32, #tpu.memory_space<hbm>>
    tpu.wait_dma2 semaphore(%arg33 : memref<!tpu.dma_semaphore, #tpu.memory_space<semaphore_mem>>) src(%dma_wait3A_335 : memref<80xi32, #tpu.memory_space<hbm>>) dst(%arg11 : memref<80xi32, #tpu.memory_space<vmem>>)
    %dma_wait3A_336 = tpu.memref_slice %arg4[%multiple_of3A_333] : memref<320000xi32, #tpu.memory_space<hbm>> -> memref<80xi32, #tpu.memory_space<hbm>>
    %dma_wait3A_337 = tpu.memref_slice %arg4[%multiple_of3A_333] : memref<320000xi32, #tpu.memory_space<hbm>> -> memref<80xi32, #tpu.memory_space<hbm>>
    tpu.wait_dma2 semaphore(%arg39 : memref<!tpu.dma_semaphore, #tpu.memory_space<semaphore_mem>>) src(%dma_wait3A_337 : memref<80xi32, #tpu.memory_space<hbm>>) dst(%arg17 : memref<80xi32, #tpu.memory_space<vmem>>)
    %dma_start3A_338 = arith.constant 0 : i32
    %dma_start3A_339 = arith.constant 0 : i32
    %dma_start3A_340 = tpu.memref_slice %arg2[%dma_start3A_338, %dma_start3A_339] : memref<10000x128xf32, #tpu.memory_space<hbm>> -> memref<10000x128xf32, #tpu.memory_space<hbm>>
    tpu.enqueue_indirect_dma source(%dma_start3A_340 : memref<10000x128xf32, #tpu.memory_space<hbm>>) target(%arg20 : memref<80x128xf32, #tpu.memory_space<vmem>>) offsets(%arg11 : memref<80xi32, #tpu.memory_space<vmem>>) semaphore(%arg24 : memref<!tpu.dma_semaphore, #tpu.memory_space<semaphore_mem>>)
    %dma_wait3A_341 = arith.constant 0 : i32
    %dma_wait3A_342 = arith.constant 0 : i32
    %dma_wait3A_343 = tpu.memref_slice %arg2[%dma_wait3A_341, %dma_wait3A_342] : memref<10000x128xf32, #tpu.memory_space<hbm>> -> memref<10000x128xf32, #tpu.memory_space<hbm>>
    tpu.wait_indirect_dma semaphore(%arg26 : memref<!tpu.dma_semaphore, #tpu.memory_space<semaphore_mem>>) src(%dma_wait3A_343 : memref<10000x128xf32, #tpu.memory_space<hbm>>) dst(%arg22 : memref<80x128xf32, #tpu.memory_space<vmem>>)
    %dma_start3A_344 = arith.constant 0 : i32
    %dma_start3A_345 = arith.constant 0 : i32
    %dma_start3A_346 = tpu.memref_slice %arg23[%dma_start3A_344, %dma_start3A_345] : memref<10112x128xf32, #tpu.memory_space<vmem_shared>> -> memref<10112x128xf32, #tpu.memory_space<vmem_shared>>
    tpu.enqueue_indirect_dma source(%arg22 : memref<80x128xf32, #tpu.memory_space<vmem>>) target(%dma_start3A_346 : memref<10112x128xf32, #tpu.memory_space<vmem_shared>>) offsets(%arg16 : memref<80xi32, #tpu.memory_space<vmem>>) semaphore(%arg29 : memref<!tpu.dma_semaphore, #tpu.memory_space<semaphore_mem>>) {add = true}
    %get3A_347 = arith.constant 0 : index
    %get3A_348 = tpu.vector_load %arg16[%get3A_347] {strides = array<i32>} : memref<80xi32, #tpu.memory_space<vmem>>, vector<16xi32>,
    tpu.vector_store_idx %arg42[%get3A_348], %broadcast_in_dim3A_5 {add = true} : memref<10000xf32, #tpu.memory_space<vmem>>[vector<16xi32>], vector<16xf32>,
    %get3A_349 = arith.constant 16 : index
    %get3A_350 = tpu.vector_load %arg16[%get3A_349] {strides = array<i32>} : memref<80xi32, #tpu.memory_space<vmem>>, vector<16xi32>,
    tpu.vector_store_idx %arg42[%get3A_350], %broadcast_in_dim3A_5 {add = true} : memref<10000xf32, #tpu.memory_space<vmem>>[vector<16xi32>], vector<16xf32>,
    %get3A_351 = arith.constant 32 : index
    %get3A_352 = tpu.vector_load %arg16[%get3A_351] {strides = array<i32>} : memref<80xi32, #tpu.memory_space<vmem>>, vector<16xi32>,
    tpu.vector_store_idx %arg42[%get3A_352], %broadcast_in_dim3A_5 {add = true} : memref<10000xf32, #tpu.memory_space<vmem>>[vector<16xi32>], vector<16xf32>,
    %get3A_353 = arith.constant 48 : index
    %get3A_354 = tpu.vector_load %arg16[%get3A_353] {strides = array<i32>} : memref<80xi32, #tpu.memory_space<vmem>>, vector<16xi32>,
    tpu.vector_store_idx %arg42[%get3A_354], %broadcast_in_dim3A_5 {add = true} : memref<10000xf32, #tpu.memory_space<vmem>>[vector<16xi32>], vector<16xf32>,
    %get3A_355 = arith.constant 64 : index
    %get3A_356 = tpu.vector_load %arg16[%get3A_355] {strides = array<i32>} : memref<80xi32, #tpu.memory_space<vmem>>, vector<16xi32>,
    tpu.vector_store_idx %arg42[%get3A_356], %broadcast_in_dim3A_5 {add = true} : memref<10000xf32, #tpu.memory_space<vmem>>[vector<16xi32>], vector<16xf32>,
    %dma_wait3A_357 = arith.constant 0 : i32
    %dma_wait3A_358 = arith.constant 0 : i32
    %dma_wait3A_359 = tpu.memref_slice %arg23[%dma_wait3A_357, %dma_wait3A_358] : memref<10112x128xf32, #tpu.memory_space<vmem_shared>> -> memref<10112x128xf32, #tpu.memory_space<vmem_shared>>
    tpu.wait_indirect_dma semaphore(%arg28 : memref<!tpu.dma_semaphore, #tpu.memory_space<semaphore_mem>>) src(%arg21 : memref<80x128xf32, #tpu.memory_space<vmem>>) dst(%dma_wait3A_359 : memref<10112x128xf32, #tpu.memory_space<vmem_shared>>)
    %add3A_360 = arith.constant 9920 : i32
    %add3A_361 = arith.addi %mul3A_4, %add3A_360 : i32
    %multiple_of3A_362 = tpu.assume_multiple %add3A_361, 8 : i32
    %dma_wait3A_363 = tpu.memref_slice %arg3[%multiple_of3A_362] : memref<320000xi32, #tpu.memory_space<hbm>> -> memref<80xi32, #tpu.memory_space<hbm>>
    %dma_wait3A_364 = tpu.memref_slice %arg3[%multiple_of3A_362] : memref<320000xi32, #tpu.memory_space<hbm>> -> memref<80xi32, #tpu.memory_space<hbm>>
    tpu.wait_dma2 semaphore(%arg34 : memref<!tpu.dma_semaphore, #tpu.memory_space<semaphore_mem>>) src(%dma_wait3A_364 : memref<80xi32, #tpu.memory_space<hbm>>) dst(%arg12 : memref<80xi32, #tpu.memory_space<vmem>>)
    %dma_wait3A_365 = tpu.memref_slice %arg4[%multiple_of3A_362] : memref<320000xi32, #tpu.memory_space<hbm>> -> memref<80xi32, #tpu.memory_space<hbm>>
    %dma_wait3A_366 = tpu.memref_slice %arg4[%multiple_of3A_362] : memref<320000xi32, #tpu.memory_space<hbm>> -> memref<80xi32, #tpu.memory_space<hbm>>
    tpu.wait_dma2 semaphore(%arg40 : memref<!tpu.dma_semaphore, #tpu.memory_space<semaphore_mem>>) src(%dma_wait3A_366 : memref<80xi32, #tpu.memory_space<hbm>>) dst(%arg18 : memref<80xi32, #tpu.memory_space<vmem>>)
    %dma_start3A_367 = arith.constant 0 : i32
    %dma_start3A_368 = arith.constant 0 : i32
    %dma_start3A_369 = tpu.memref_slice %arg2[%dma_start3A_367, %dma_start3A_368] : memref<10000x128xf32, #tpu.memory_space<hbm>> -> memref<10000x128xf32, #tpu.memory_space<hbm>>
    tpu.enqueue_indirect_dma source(%dma_start3A_369 : memref<10000x128xf32, #tpu.memory_space<hbm>>) target(%arg21 : memref<80x128xf32, #tpu.memory_space<vmem>>) offsets(%arg12 : memref<80xi32, #tpu.memory_space<vmem>>) semaphore(%arg25 : memref<!tpu.dma_semaphore, #tpu.memory_space<semaphore_mem>>)
    %dma_wait3A_370 = arith.constant 0 : i32
    %dma_wait3A_371 = arith.constant 0 : i32
    %dma_wait3A_372 = tpu.memref_slice %arg2[%dma_wait3A_370, %dma_wait3A_371] : memref<10000x128xf32, #tpu.memory_space<hbm>> -> memref<10000x128xf32, #tpu.memory_space<hbm>>
    tpu.wait_indirect_dma semaphore(%arg24 : memref<!tpu.dma_semaphore, #tpu.memory_space<semaphore_mem>>) src(%dma_wait3A_372 : memref<10000x128xf32, #tpu.memory_space<hbm>>) dst(%arg20 : memref<80x128xf32, #tpu.memory_space<vmem>>)
    %dma_start3A_373 = arith.constant 0 : i32
    %dma_start3A_374 = arith.constant 0 : i32
    %dma_start3A_375 = tpu.memref_slice %arg23[%dma_start3A_373, %dma_start3A_374] : memref<10112x128xf32, #tpu.memory_space<vmem_shared>> -> memref<10112x128xf32, #tpu.memory_space<vmem_shared>>
    tpu.enqueue_indirect_dma source(%arg20 : memref<80x128xf32, #tpu.memory_space<vmem>>) target(%dma_start3A_375 : memref<10112x128xf32, #tpu.memory_space<vmem_shared>>) offsets(%arg17 : memref<80xi32, #tpu.memory_space<vmem>>) semaphore(%arg27 : memref<!tpu.dma_semaphore, #tpu.memory_space<semaphore_mem>>) {add = true}
    %get3A_376 = arith.constant 0 : index
    %get3A_377 = tpu.vector_load %arg17[%get3A_376] {strides = array<i32>} : memref<80xi32, #tpu.memory_space<vmem>>, vector<16xi32>,
    tpu.vector_store_idx %arg42[%get3A_377], %broadcast_in_dim3A_5 {add = true} : memref<10000xf32, #tpu.memory_space<vmem>>[vector<16xi32>], vector<16xf32>,
    %get3A_378 = arith.constant 16 : index
    %get3A_379 = tpu.vector_load %arg17[%get3A_378] {strides = array<i32>} : memref<80xi32, #tpu.memory_space<vmem>>, vector<16xi32>,
    tpu.vector_store_idx %arg42[%get3A_379], %broadcast_in_dim3A_5 {add = true} : memref<10000xf32, #tpu.memory_space<vmem>>[vector<16xi32>], vector<16xf32>,
    %get3A_380 = arith.constant 32 : index
    %get3A_381 = tpu.vector_load %arg17[%get3A_380] {strides = array<i32>} : memref<80xi32, #tpu.memory_space<vmem>>, vector<16xi32>,
    tpu.vector_store_idx %arg42[%get3A_381], %broadcast_in_dim3A_5 {add = true} : memref<10000xf32, #tpu.memory_space<vmem>>[vector<16xi32>], vector<16xf32>,
    %get3A_382 = arith.constant 48 : index
    %get3A_383 = tpu.vector_load %arg17[%get3A_382] {strides = array<i32>} : memref<80xi32, #tpu.memory_space<vmem>>, vector<16xi32>,
    tpu.vector_store_idx %arg42[%get3A_383], %broadcast_in_dim3A_5 {add = true} : memref<10000xf32, #tpu.memory_space<vmem>>[vector<16xi32>], vector<16xf32>,
    %get3A_384 = arith.constant 64 : index
    %get3A_385 = tpu.vector_load %arg17[%get3A_384] {strides = array<i32>} : memref<80xi32, #tpu.memory_space<vmem>>, vector<16xi32>,
    tpu.vector_store_idx %arg42[%get3A_385], %broadcast_in_dim3A_5 {add = true} : memref<10000xf32, #tpu.memory_space<vmem>>[vector<16xi32>], vector<16xf32>,
    %dma_wait3A_386 = arith.constant 0 : i32
    %dma_wait3A_387 = arith.constant 0 : i32
    %dma_wait3A_388 = tpu.memref_slice %arg23[%dma_wait3A_386, %dma_wait3A_387] : memref<10112x128xf32, #tpu.memory_space<vmem_shared>> -> memref<10112x128xf32, #tpu.memory_space<vmem_shared>>
    tpu.wait_indirect_dma semaphore(%arg29 : memref<!tpu.dma_semaphore, #tpu.memory_space<semaphore_mem>>) src(%arg22 : memref<80x128xf32, #tpu.memory_space<vmem>>) dst(%dma_wait3A_388 : memref<10112x128xf32, #tpu.memory_space<vmem_shared>>)
    %dma_wait3A_389 = arith.constant 0 : i32
    %dma_wait3A_390 = arith.constant 0 : i32
    %dma_wait3A_391 = tpu.memref_slice %arg2[%dma_wait3A_389, %dma_wait3A_390] : memref<10000x128xf32, #tpu.memory_space<hbm>> -> memref<10000x128xf32, #tpu.memory_space<hbm>>
    tpu.wait_indirect_dma semaphore(%arg25 : memref<!tpu.dma_semaphore, #tpu.memory_space<semaphore_mem>>) src(%dma_wait3A_391 : memref<10000x128xf32, #tpu.memory_space<hbm>>) dst(%arg21 : memref<80x128xf32, #tpu.memory_space<vmem>>)
    %dma_start3A_392 = arith.constant 0 : i32
    %dma_start3A_393 = arith.constant 0 : i32
    %dma_start3A_394 = tpu.memref_slice %arg23[%dma_start3A_392, %dma_start3A_393] : memref<10112x128xf32, #tpu.memory_space<vmem_shared>> -> memref<10112x128xf32, #tpu.memory_space<vmem_shared>>
    tpu.enqueue_indirect_dma source(%arg21 : memref<80x128xf32, #tpu.memory_space<vmem>>) target(%dma_start3A_394 : memref<10112x128xf32, #tpu.memory_space<vmem_shared>>) offsets(%arg18 : memref<80xi32, #tpu.memory_space<vmem>>) semaphore(%arg28 : memref<!tpu.dma_semaphore, #tpu.memory_space<semaphore_mem>>) {add = true}
    %get3A_395 = arith.constant 0 : index
    %get3A_396 = tpu.vector_load %arg18[%get3A_395] {strides = array<i32>} : memref<80xi32, #tpu.memory_space<vmem>>, vector<16xi32>,
    tpu.vector_store_idx %arg42[%get3A_396], %broadcast_in_dim3A_5 {add = true} : memref<10000xf32, #tpu.memory_space<vmem>>[vector<16xi32>], vector<16xf32>,
    %get3A_397 = arith.constant 16 : index
    %get3A_398 = tpu.vector_load %arg18[%get3A_397] {strides = array<i32>} : memref<80xi32, #tpu.memory_space<vmem>>, vector<16xi32>,
    tpu.vector_store_idx %arg42[%get3A_398], %broadcast_in_dim3A_5 {add = true} : memref<10000xf32, #tpu.memory_space<vmem>>[vector<16xi32>], vector<16xf32>,
    %get3A_399 = arith.constant 32 : index
    %get3A_400 = tpu.vector_load %arg18[%get3A_399] {strides = array<i32>} : memref<80xi32, #tpu.memory_space<vmem>>, vector<16xi32>,
    tpu.vector_store_idx %arg42[%get3A_400], %broadcast_in_dim3A_5 {add = true} : memref<10000xf32, #tpu.memory_space<vmem>>[vector<16xi32>], vector<16xf32>,
    %get3A_401 = arith.constant 48 : index
    %get3A_402 = tpu.vector_load %arg18[%get3A_401] {strides = array<i32>} : memref<80xi32, #tpu.memory_space<vmem>>, vector<16xi32>,
    tpu.vector_store_idx %arg42[%get3A_402], %broadcast_in_dim3A_5 {add = true} : memref<10000xf32, #tpu.memory_space<vmem>>[vector<16xi32>], vector<16xf32>,
    %get3A_403 = arith.constant 64 : index
    %get3A_404 = tpu.vector_load %arg18[%get3A_403] {strides = array<i32>} : memref<80xi32, #tpu.memory_space<vmem>>, vector<16xi32>,
    tpu.vector_store_idx %arg42[%get3A_404], %broadcast_in_dim3A_5 {add = true} : memref<10000xf32, #tpu.memory_space<vmem>>[vector<16xi32>], vector<16xf32>,
    %dma_wait3A_405 = arith.constant 0 : i32
    %dma_wait3A_406 = arith.constant 0 : i32
    %dma_wait3A_407 = tpu.memref_slice %arg23[%dma_wait3A_405, %dma_wait3A_406] : memref<10112x128xf32, #tpu.memory_space<vmem_shared>> -> memref<10112x128xf32, #tpu.memory_space<vmem_shared>>
    tpu.wait_indirect_dma semaphore(%arg27 : memref<!tpu.dma_semaphore, #tpu.memory_space<semaphore_mem>>) src(%arg20 : memref<80x128xf32, #tpu.memory_space<vmem>>) dst(%dma_wait3A_407 : memref<10112x128xf32, #tpu.memory_space<vmem_shared>>)
    %dma_wait3A_408 = arith.constant 0 : i32
    %dma_wait3A_409 = arith.constant 0 : i32
    %dma_wait3A_410 = tpu.memref_slice %arg23[%dma_wait3A_408, %dma_wait3A_409] : memref<10112x128xf32, #tpu.memory_space<vmem_shared>> -> memref<10112x128xf32, #tpu.memory_space<vmem_shared>>
    tpu.wait_indirect_dma semaphore(%arg28 : memref<!tpu.dma_semaphore, #tpu.memory_space<semaphore_mem>>) src(%arg21 : memref<80x128xf32, #tpu.memory_space<vmem>>) dst(%dma_wait3A_410 : memref<10112x128xf32, #tpu.memory_space<vmem_shared>>)
    %barrier3A_411 = arith.constant 0 : index
    tpu.barrier barrier_id(%barrier3A_411)
    "tpu.region"() ({
      %run_scoped3A = tpu.sem_alloc : memref<!tpu.dma_semaphore, #tpu.memory_space<semaphore_mem>>
      %dma_start3A_412 = arith.constant 0 : i32
      %dma_start3A_413 = tpu.memref_slice %arg6[%arg0, %mul3A_2, %dma_start3A_412] : memref<2x10112x128xf32, #tpu.memory_space<hbm>> -> memref<1x632x128xf32, #tpu.memory_space<hbm>>
      %dma_start3A_414 = tpu.memref_squeeze %dma_start3A_413 : memref<1x632x128xf32, #tpu.memory_space<hbm>> -> memref<632x128xf32, #tpu.memory_space<hbm>>
      %dma_start3A_415 = arith.constant 0 : i32
      %dma_start3A_416 = tpu.memref_slice %arg23[%mul3A_2, %dma_start3A_415] : memref<10112x128xf32, #tpu.memory_space<vmem_shared>> -> memref<632x128xf32, #tpu.memory_space<vmem_shared>>
      tpu.enqueue_dma source(%dma_start3A_416 : memref<632x128xf32, #tpu.memory_space<vmem_shared>>) target(%dma_start3A_414 : memref<632x128xf32, #tpu.memory_space<hbm>>) target_semaphore(%run_scoped3A : memref<!tpu.dma_semaphore, #tpu.memory_space<semaphore_mem>>)
      %dma_wait3A_417 = arith.constant 0 : i32
      %dma_wait3A_418 = tpu.memref_slice %arg6[%arg0, %mul3A_2, %dma_wait3A_417] : memref<2x10112x128xf32, #tpu.memory_space<hbm>> -> memref<1x632x128xf32, #tpu.memory_space<hbm>>
      %dma_wait3A_419 = tpu.memref_squeeze %dma_wait3A_418 : memref<1x632x128xf32, #tpu.memory_space<hbm>> -> memref<632x128xf32, #tpu.memory_space<hbm>>
      %dma_wait3A_420 = arith.constant 0 : i32
      %dma_wait3A_421 = tpu.memref_slice %arg23[%mul3A_2, %dma_wait3A_420] : memref<10112x128xf32, #tpu.memory_space<vmem_shared>> -> memref<632x128xf32, #tpu.memory_space<vmem_shared>>
      tpu.wait_dma2 semaphore(%run_scoped3A : memref<!tpu.dma_semaphore, #tpu.memory_space<semaphore_mem>>) src(%dma_wait3A_421 : memref<632x128xf32, #tpu.memory_space<vmem_shared>>) dst(%dma_wait3A_419 : memref<632x128xf32, #tpu.memory_space<hbm>>)
      tpu.yield
    }) : () -> ()
    "tpu.region"() ({
      %run_scoped3A = tpu.sem_alloc : memref<!tpu.dma_semaphore, #tpu.memory_space<semaphore_mem>>
      %dma_start3A_412 = arith.constant 0 : i32
      %dma_start3A_413 = tpu.memref_slice %arg7[%add3A, %dma_start3A_412] : memref<32x10000xf32, #tpu.memory_space<hbm>> -> memref<1x10000xf32, #tpu.memory_space<hbm>>
      %dma_start3A_414 = tpu.memref_squeeze %dma_start3A_413 : memref<1x10000xf32, #tpu.memory_space<hbm>> -> memref<10000xf32, #tpu.memory_space<hbm>>
      %dma_start3A_415 = arith.constant 0 : i32
      %dma_start3A_416 = tpu.memref_slice %arg7[%add3A, %dma_start3A_415] : memref<32x10000xf32, #tpu.memory_space<hbm>> -> memref<1x10000xf32, #tpu.memory_space<hbm>>
      %dma_start3A_417 = tpu.memref_squeeze %dma_start3A_416 : memref<1x10000xf32, #tpu.memory_space<hbm>> -> memref<10000xf32, #tpu.memory_space<hbm>>
      tpu.enqueue_dma source(%arg42 : memref<10000xf32, #tpu.memory_space<vmem>>) target(%dma_start3A_417 : memref<10000xf32, #tpu.memory_space<hbm>>) target_semaphore(%run_scoped3A : memref<!tpu.dma_semaphore, #tpu.memory_space<semaphore_mem>>)
      %dma_wait3A_418 = arith.constant 0 : i32
      %dma_wait3A_419 = tpu.memref_slice %arg7[%add3A, %dma_wait3A_418] : memref<32x10000xf32, #tpu.memory_space<hbm>> -> memref<1x10000xf32, #tpu.memory_space<hbm>>
      %dma_wait3A_420 = tpu.memref_squeeze %dma_wait3A_419 : memref<1x10000xf32, #tpu.memory_space<hbm>> -> memref<10000xf32, #tpu.memory_space<hbm>>
      %dma_wait3A_421 = arith.constant 0 : i32
      %dma_wait3A_422 = tpu.memref_slice %arg7[%add3A, %dma_wait3A_421] : memref<32x10000xf32, #tpu.memory_space<hbm>> -> memref<1x10000xf32, #tpu.memory_space<hbm>>
      %dma_wait3A_423 = tpu.memref_squeeze %dma_wait3A_422 : memref<1x10000xf32, #tpu.memory_space<hbm>> -> memref<10000xf32, #tpu.memory_space<hbm>>
      tpu.wait_dma2 semaphore(%run_scoped3A : memref<!tpu.dma_semaphore, #tpu.memory_space<semaphore_mem>>) src(%arg42 : memref<10000xf32, #tpu.memory_space<vmem>>) dst(%dma_wait3A_423 : memref<10000xf32, #tpu.memory_space<hbm>>)
      tpu.yield
    }) : () -> ()
    return
  }
}

#map = affine_map<(d0, d1) -> (0, 0)>
#map1 = affine_map<(d0, d1) -> (0)>
#map2 = affine_map<(d0, d1) -> (0, 0, 0)>
module attributes {stable_mosaic.version = 14 : i64} {
  func.func @body(%arg0: i32, %arg1: i32, %arg2: memref<10000x128xf32, #tpu.memory_space<hbm>>, %arg3: memref<320000xi32, #tpu.memory_space<hbm>>, %arg4: memref<320000xi32, #tpu.memory_space<hbm>>, %arg5: memref<632x128xf32, #tpu.memory_space<hbm>>, %arg6: memref<2x10112x128xf32, #tpu.memory_space<hbm>>, %arg7: memref<80xi32, #tpu.memory_space<vmem>>, %arg8: memref<80xi32, #tpu.memory_space<vmem>>, %arg9: memref<80xi32, #tpu.memory_space<vmem>>, %arg10: memref<80xi32, #tpu.memory_space<vmem>>, %arg11: memref<80xi32, #tpu.memory_space<vmem>>, %arg12: memref<80xi32, #tpu.memory_space<vmem>>, %arg13: memref<80xi32, #tpu.memory_space<vmem>>, %arg14: memref<80xi32, #tpu.memory_space<vmem>>, %arg15: memref<80xi32, #tpu.memory_space<vmem>>, %arg16: memref<80xi32, #tpu.memory_space<vmem>>, %arg17: memref<80xi32, #tpu.memory_space<vmem>>, %arg18: memref<80xi32, #tpu.memory_space<vmem>>, %arg19: memref<80x128xf32, #tpu.memory_space<vmem>>, %arg20: memref<80x128xf32, #tpu.memory_space<vmem>>, %arg21: memref<80x128xf32, #tpu.memory_space<vmem>>, %arg22: memref<10112x128xf32, #tpu.memory_space<vmem_shared>>, %arg23: memref<!tpu.dma_semaphore, #tpu.memory_space<semaphore_mem>>, %arg24: memref<!tpu.dma_semaphore, #tpu.memory_space<semaphore_mem>>, %arg25: memref<!tpu.dma_semaphore, #tpu.memory_space<semaphore_mem>>, %arg26: memref<!tpu.dma_semaphore, #tpu.memory_space<semaphore_mem>>, %arg27: memref<!tpu.dma_semaphore, #tpu.memory_space<semaphore_mem>>, %arg28: memref<!tpu.dma_semaphore, #tpu.memory_space<semaphore_mem>>, %arg29: memref<!tpu.dma_semaphore, #tpu.memory_space<semaphore_mem>>, %arg30: memref<!tpu.dma_semaphore, #tpu.memory_space<semaphore_mem>>, %arg31: memref<!tpu.dma_semaphore, #tpu.memory_space<semaphore_mem>>, %arg32: memref<!tpu.dma_semaphore, #tpu.memory_space<semaphore_mem>>, %arg33: memref<!tpu.dma_semaphore, #tpu.memory_space<semaphore_mem>>, %arg34: memref<!tpu.dma_semaphore, #tpu.memory_space<semaphore_mem>>, %arg35: memref<!tpu.dma_semaphore, #tpu.memory_space<semaphore_mem>>, %arg36: memref<!tpu.dma_semaphore, #tpu.memory_space<semaphore_mem>>, %arg37: memref<!tpu.dma_semaphore, #tpu.memory_space<semaphore_mem>>, %arg38: memref<!tpu.dma_semaphore, #tpu.memory_space<semaphore_mem>>, %arg39: memref<!tpu.dma_semaphore, #tpu.memory_space<semaphore_mem>>, %arg40: memref<!tpu.dma_semaphore, #tpu.memory_space<semaphore_mem>>) attributes {dimension_semantics = [#tpu.dimension_semantics<core_parallel>, #tpu.dimension_semantics<subcore_parallel>], iteration_bounds = array<i64: 2, 16>, scalar_prefetch = 0 : i64, scratch_operands = 34 : i64, tpu.core_type = #tpu.core_type<sc_vector_subcore>, window_params = [{transform_indices = #map}, {transform_indices = #map1}, {transform_indices = #map1}, {transform_indices = #map}, {transform_indices = #map2}]} {
    %mul3A = arith.constant 2 : i32
    %mul3A_0 = arith.muli %arg1, %mul3A : i32
    %add3A = arith.addi %mul3A_0, %arg0 : i32
    %mul3A_1 = arith.constant 632 : i32
    %mul3A_2 = arith.muli %arg1, %mul3A_1 : i32
    %mul3A_3 = arith.constant 10000 : i32
    %mul3A_4 = arith.muli %add3A, %mul3A_3 : i32
    %broadcast_in_dim3A = arith.constant 1.000000e+00 : f32
    %broadcast_in_dim3A_5 = vector.broadcast %broadcast_in_dim3A : f32 to vector<16xf32>
    "tpu.region"() ({
      %run_scoped3A = tpu.sem_alloc : memref<!tpu.dma_semaphore, #tpu.memory_space<semaphore_mem>>
      %dma_start3A_295 = arith.constant 0 : i32
      %dma_start3A_296 = tpu.memref_slice %arg22[%mul3A_2, %dma_start3A_295] : memref<10112x128xf32, #tpu.memory_space<vmem_shared>> -> memref<632x128xf32, #tpu.memory_space<vmem_shared>>
      tpu.enqueue_dma source(%arg5 : memref<632x128xf32, #tpu.memory_space<hbm>>) target(%dma_start3A_296 : memref<632x128xf32, #tpu.memory_space<vmem_shared>>) target_semaphore(%run_scoped3A : memref<!tpu.dma_semaphore, #tpu.memory_space<semaphore_mem>>)
      %dma_wait3A_297 = arith.constant 0 : i32
      %dma_wait3A_298 = tpu.memref_slice %arg22[%mul3A_2, %dma_wait3A_297] : memref<10112x128xf32, #tpu.memory_space<vmem_shared>> -> memref<632x128xf32, #tpu.memory_space<vmem_shared>>
      tpu.wait_dma2 semaphore(%run_scoped3A : memref<!tpu.dma_semaphore, #tpu.memory_space<semaphore_mem>>) src(%arg5 : memref<632x128xf32, #tpu.memory_space<hbm>>) dst(%dma_wait3A_298 : memref<632x128xf32, #tpu.memory_space<vmem_shared>>)
      tpu.yield
    }) : () -> ()
    %barrier3A = arith.constant 0 : index
    tpu.barrier barrier_id(%barrier3A)
    %add3A_6 = arith.constant 0 : i32
    %add3A_7 = arith.addi %mul3A_4, %add3A_6 : i32
    %multiple_of3A = tpu.assume_multiple %add3A_7, 8 : i32
    %dma_start3A = tpu.memref_slice %arg3[%multiple_of3A] : memref<320000xi32, #tpu.memory_space<hbm>> -> memref<80xi32, #tpu.memory_space<hbm>>
    %dma_start3A_8 = tpu.memref_slice %arg3[%multiple_of3A] : memref<320000xi32, #tpu.memory_space<hbm>> -> memref<80xi32, #tpu.memory_space<hbm>>
    tpu.enqueue_dma source(%dma_start3A_8 : memref<80xi32, #tpu.memory_space<hbm>>) target(%arg7 : memref<80xi32, #tpu.memory_space<vmem>>) target_semaphore(%arg29 : memref<!tpu.dma_semaphore, #tpu.memory_space<semaphore_mem>>)
    %dma_start3A_9 = tpu.memref_slice %arg4[%multiple_of3A] : memref<320000xi32, #tpu.memory_space<hbm>> -> memref<80xi32, #tpu.memory_space<hbm>>
    %dma_start3A_10 = tpu.memref_slice %arg4[%multiple_of3A] : memref<320000xi32, #tpu.memory_space<hbm>> -> memref<80xi32, #tpu.memory_space<hbm>>
    tpu.enqueue_dma source(%dma_start3A_10 : memref<80xi32, #tpu.memory_space<hbm>>) target(%arg13 : memref<80xi32, #tpu.memory_space<vmem>>) target_semaphore(%arg35 : memref<!tpu.dma_semaphore, #tpu.memory_space<semaphore_mem>>)
    %add3A_11 = arith.constant 80 : i32
    %add3A_12 = arith.addi %mul3A_4, %add3A_11 : i32
    %multiple_of3A_13 = tpu.assume_multiple %add3A_12, 8 : i32
    %dma_start3A_14 = tpu.memref_slice %arg3[%multiple_of3A_13] : memref<320000xi32, #tpu.memory_space<hbm>> -> memref<80xi32, #tpu.memory_space<hbm>>
    %dma_start3A_15 = tpu.memref_slice %arg3[%multiple_of3A_13] : memref<320000xi32, #tpu.memory_space<hbm>> -> memref<80xi32, #tpu.memory_space<hbm>>
    tpu.enqueue_dma source(%dma_start3A_15 : memref<80xi32, #tpu.memory_space<hbm>>) target(%arg8 : memref<80xi32, #tpu.memory_space<vmem>>) target_semaphore(%arg30 : memref<!tpu.dma_semaphore, #tpu.memory_space<semaphore_mem>>)
    %dma_start3A_16 = tpu.memref_slice %arg4[%multiple_of3A_13] : memref<320000xi32, #tpu.memory_space<hbm>> -> memref<80xi32, #tpu.memory_space<hbm>>
    %dma_start3A_17 = tpu.memref_slice %arg4[%multiple_of3A_13] : memref<320000xi32, #tpu.memory_space<hbm>> -> memref<80xi32, #tpu.memory_space<hbm>>
    tpu.enqueue_dma source(%dma_start3A_17 : memref<80xi32, #tpu.memory_space<hbm>>) target(%arg14 : memref<80xi32, #tpu.memory_space<vmem>>) target_semaphore(%arg36 : memref<!tpu.dma_semaphore, #tpu.memory_space<semaphore_mem>>)
    %add3A_18 = arith.constant 160 : i32
    %add3A_19 = arith.addi %mul3A_4, %add3A_18 : i32
    %multiple_of3A_20 = tpu.assume_multiple %add3A_19, 8 : i32
    %dma_start3A_21 = tpu.memref_slice %arg3[%multiple_of3A_20] : memref<320000xi32, #tpu.memory_space<hbm>> -> memref<80xi32, #tpu.memory_space<hbm>>
    %dma_start3A_22 = tpu.memref_slice %arg3[%multiple_of3A_20] : memref<320000xi32, #tpu.memory_space<hbm>> -> memref<80xi32, #tpu.memory_space<hbm>>
    tpu.enqueue_dma source(%dma_start3A_22 : memref<80xi32, #tpu.memory_space<hbm>>) target(%arg9 : memref<80xi32, #tpu.memory_space<vmem>>) target_semaphore(%arg31 : memref<!tpu.dma_semaphore, #tpu.memory_space<semaphore_mem>>)
    %dma_start3A_23 = tpu.memref_slice %arg4[%multiple_of3A_20] : memref<320000xi32, #tpu.memory_space<hbm>> -> memref<80xi32, #tpu.memory_space<hbm>>
    %dma_start3A_24 = tpu.memref_slice %arg4[%multiple_of3A_20] : memref<320000xi32, #tpu.memory_space<hbm>> -> memref<80xi32, #tpu.memory_space<hbm>>
    tpu.enqueue_dma source(%dma_start3A_24 : memref<80xi32, #tpu.memory_space<hbm>>) target(%arg15 : memref<80xi32, #tpu.memory_space<vmem>>) target_semaphore(%arg37 : memref<!tpu.dma_semaphore, #tpu.memory_space<semaphore_mem>>)
    %add3A_25 = arith.constant 240 : i32
    %add3A_26 = arith.addi %mul3A_4, %add3A_25 : i32
    %multiple_of3A_27 = tpu.assume_multiple %add3A_26, 8 : i32
    %dma_start3A_28 = tpu.memref_slice %arg3[%multiple_of3A_27] : memref<320000xi32, #tpu.memory_space<hbm>> -> memref<80xi32, #tpu.memory_space<hbm>>
    %dma_start3A_29 = tpu.memref_slice %arg3[%multiple_of3A_27] : memref<320000xi32, #tpu.memory_space<hbm>> -> memref<80xi32, #tpu.memory_space<hbm>>
    tpu.enqueue_dma source(%dma_start3A_29 : memref<80xi32, #tpu.memory_space<hbm>>) target(%arg10 : memref<80xi32, #tpu.memory_space<vmem>>) target_semaphore(%arg32 : memref<!tpu.dma_semaphore, #tpu.memory_space<semaphore_mem>>)
    %dma_start3A_30 = tpu.memref_slice %arg4[%multiple_of3A_27] : memref<320000xi32, #tpu.memory_space<hbm>> -> memref<80xi32, #tpu.memory_space<hbm>>
    %dma_start3A_31 = tpu.memref_slice %arg4[%multiple_of3A_27] : memref<320000xi32, #tpu.memory_space<hbm>> -> memref<80xi32, #tpu.memory_space<hbm>>
    tpu.enqueue_dma source(%dma_start3A_31 : memref<80xi32, #tpu.memory_space<hbm>>) target(%arg16 : memref<80xi32, #tpu.memory_space<vmem>>) target_semaphore(%arg38 : memref<!tpu.dma_semaphore, #tpu.memory_space<semaphore_mem>>)
    %add3A_32 = arith.constant 0 : i32
    %add3A_33 = arith.addi %mul3A_4, %add3A_32 : i32
    %multiple_of3A_34 = tpu.assume_multiple %add3A_33, 8 : i32
    %dma_wait3A = tpu.memref_slice %arg3[%multiple_of3A_34] : memref<320000xi32, #tpu.memory_space<hbm>> -> memref<80xi32, #tpu.memory_space<hbm>>
    %dma_wait3A_35 = tpu.memref_slice %arg3[%multiple_of3A_34] : memref<320000xi32, #tpu.memory_space<hbm>> -> memref<80xi32, #tpu.memory_space<hbm>>
    tpu.wait_dma2 semaphore(%arg29 : memref<!tpu.dma_semaphore, #tpu.memory_space<semaphore_mem>>) src(%dma_wait3A_35 : memref<80xi32, #tpu.memory_space<hbm>>) dst(%arg7 : memref<80xi32, #tpu.memory_space<vmem>>)
    %dma_wait3A_36 = tpu.memref_slice %arg4[%multiple_of3A_34] : memref<320000xi32, #tpu.memory_space<hbm>> -> memref<80xi32, #tpu.memory_space<hbm>>
    %dma_wait3A_37 = tpu.memref_slice %arg4[%multiple_of3A_34] : memref<320000xi32, #tpu.memory_space<hbm>> -> memref<80xi32, #tpu.memory_space<hbm>>
    tpu.wait_dma2 semaphore(%arg35 : memref<!tpu.dma_semaphore, #tpu.memory_space<semaphore_mem>>) src(%dma_wait3A_37 : memref<80xi32, #tpu.memory_space<hbm>>) dst(%arg13 : memref<80xi32, #tpu.memory_space<vmem>>)
    %dma_start3A_38 = arith.constant 0 : i32
    %dma_start3A_39 = arith.constant 0 : i32
    %dma_start3A_40 = tpu.memref_slice %arg2[%dma_start3A_38, %dma_start3A_39] : memref<10000x128xf32, #tpu.memory_space<hbm>> -> memref<10000x128xf32, #tpu.memory_space<hbm>>
    tpu.enqueue_indirect_dma source(%dma_start3A_40 : memref<10000x128xf32, #tpu.memory_space<hbm>>) target(%arg19 : memref<80x128xf32, #tpu.memory_space<vmem>>) offsets(%arg7 : memref<80xi32, #tpu.memory_space<vmem>>) semaphore(%arg23 : memref<!tpu.dma_semaphore, #tpu.memory_space<semaphore_mem>>)
    %add3A_41 = arith.constant 80 : i32
    %add3A_42 = arith.addi %mul3A_4, %add3A_41 : i32
    %multiple_of3A_43 = tpu.assume_multiple %add3A_42, 8 : i32
    %dma_wait3A_44 = tpu.memref_slice %arg3[%multiple_of3A_43] : memref<320000xi32, #tpu.memory_space<hbm>> -> memref<80xi32, #tpu.memory_space<hbm>>
    %dma_wait3A_45 = tpu.memref_slice %arg3[%multiple_of3A_43] : memref<320000xi32, #tpu.memory_space<hbm>> -> memref<80xi32, #tpu.memory_space<hbm>>
    tpu.wait_dma2 semaphore(%arg30 : memref<!tpu.dma_semaphore, #tpu.memory_space<semaphore_mem>>) src(%dma_wait3A_45 : memref<80xi32, #tpu.memory_space<hbm>>) dst(%arg8 : memref<80xi32, #tpu.memory_space<vmem>>)
    %dma_wait3A_46 = tpu.memref_slice %arg4[%multiple_of3A_43] : memref<320000xi32, #tpu.memory_space<hbm>> -> memref<80xi32, #tpu.memory_space<hbm>>
    %dma_wait3A_47 = tpu.memref_slice %arg4[%multiple_of3A_43] : memref<320000xi32, #tpu.memory_space<hbm>> -> memref<80xi32, #tpu.memory_space<hbm>>
    tpu.wait_dma2 semaphore(%arg36 : memref<!tpu.dma_semaphore, #tpu.memory_space<semaphore_mem>>) src(%dma_wait3A_47 : memref<80xi32, #tpu.memory_space<hbm>>) dst(%arg14 : memref<80xi32, #tpu.memory_space<vmem>>)
    %dma_start3A_48 = arith.constant 0 : i32
    %dma_start3A_49 = arith.constant 0 : i32
    %dma_start3A_50 = tpu.memref_slice %arg2[%dma_start3A_48, %dma_start3A_49] : memref<10000x128xf32, #tpu.memory_space<hbm>> -> memref<10000x128xf32, #tpu.memory_space<hbm>>
    tpu.enqueue_indirect_dma source(%dma_start3A_50 : memref<10000x128xf32, #tpu.memory_space<hbm>>) target(%arg20 : memref<80x128xf32, #tpu.memory_space<vmem>>) offsets(%arg8 : memref<80xi32, #tpu.memory_space<vmem>>) semaphore(%arg24 : memref<!tpu.dma_semaphore, #tpu.memory_space<semaphore_mem>>)
    %dma_wait3A_51 = arith.constant 0 : i32
    %dma_wait3A_52 = arith.constant 0 : i32
    %dma_wait3A_53 = tpu.memref_slice %arg2[%dma_wait3A_51, %dma_wait3A_52] : memref<10000x128xf32, #tpu.memory_space<hbm>> -> memref<10000x128xf32, #tpu.memory_space<hbm>>
    tpu.wait_indirect_dma semaphore(%arg23 : memref<!tpu.dma_semaphore, #tpu.memory_space<semaphore_mem>>) src(%dma_wait3A_53 : memref<10000x128xf32, #tpu.memory_space<hbm>>) dst(%arg19 : memref<80x128xf32, #tpu.memory_space<vmem>>)
    %dma_start3A_54 = arith.constant 0 : i32
    %dma_start3A_55 = arith.constant 0 : i32
    %dma_start3A_56 = tpu.memref_slice %arg22[%dma_start3A_54, %dma_start3A_55] : memref<10112x128xf32, #tpu.memory_space<vmem_shared>> -> memref<10112x128xf32, #tpu.memory_space<vmem_shared>>
    tpu.enqueue_indirect_dma source(%arg19 : memref<80x128xf32, #tpu.memory_space<vmem>>) target(%dma_start3A_56 : memref<10112x128xf32, #tpu.memory_space<vmem_shared>>) offsets(%arg13 : memref<80xi32, #tpu.memory_space<vmem>>) semaphore(%arg26 : memref<!tpu.dma_semaphore, #tpu.memory_space<semaphore_mem>>) {add = true}
    %add3A_57 = arith.constant 160 : i32
    %add3A_58 = arith.addi %mul3A_4, %add3A_57 : i32
    %multiple_of3A_59 = tpu.assume_multiple %add3A_58, 8 : i32
    %dma_wait3A_60 = tpu.memref_slice %arg3[%multiple_of3A_59] : memref<320000xi32, #tpu.memory_space<hbm>> -> memref<80xi32, #tpu.memory_space<hbm>>
    %dma_wait3A_61 = tpu.memref_slice %arg3[%multiple_of3A_59] : memref<320000xi32, #tpu.memory_space<hbm>> -> memref<80xi32, #tpu.memory_space<hbm>>
    tpu.wait_dma2 semaphore(%arg31 : memref<!tpu.dma_semaphore, #tpu.memory_space<semaphore_mem>>) src(%dma_wait3A_61 : memref<80xi32, #tpu.memory_space<hbm>>) dst(%arg9 : memref<80xi32, #tpu.memory_space<vmem>>)
    %dma_wait3A_62 = tpu.memref_slice %arg4[%multiple_of3A_59] : memref<320000xi32, #tpu.memory_space<hbm>> -> memref<80xi32, #tpu.memory_space<hbm>>
    %dma_wait3A_63 = tpu.memref_slice %arg4[%multiple_of3A_59] : memref<320000xi32, #tpu.memory_space<hbm>> -> memref<80xi32, #tpu.memory_space<hbm>>
    tpu.wait_dma2 semaphore(%arg37 : memref<!tpu.dma_semaphore, #tpu.memory_space<semaphore_mem>>) src(%dma_wait3A_63 : memref<80xi32, #tpu.memory_space<hbm>>) dst(%arg15 : memref<80xi32, #tpu.memory_space<vmem>>)
    %dma_start3A_64 = arith.constant 0 : i32
    %dma_start3A_65 = arith.constant 0 : i32
    %dma_start3A_66 = tpu.memref_slice %arg2[%dma_start3A_64, %dma_start3A_65] : memref<10000x128xf32, #tpu.memory_space<hbm>> -> memref<10000x128xf32, #tpu.memory_space<hbm>>
    tpu.enqueue_indirect_dma source(%dma_start3A_66 : memref<10000x128xf32, #tpu.memory_space<hbm>>) target(%arg21 : memref<80x128xf32, #tpu.memory_space<vmem>>) offsets(%arg9 : memref<80xi32, #tpu.memory_space<vmem>>) semaphore(%arg25 : memref<!tpu.dma_semaphore, #tpu.memory_space<semaphore_mem>>)
    %add3A_67 = arith.constant 320 : i32
    %add3A_68 = arith.addi %mul3A_4, %add3A_67 : i32
    %multiple_of3A_69 = tpu.assume_multiple %add3A_68, 8 : i32
    %dma_start3A_70 = tpu.memref_slice %arg3[%multiple_of3A_69] : memref<320000xi32, #tpu.memory_space<hbm>> -> memref<80xi32, #tpu.memory_space<hbm>>
    %dma_start3A_71 = tpu.memref_slice %arg3[%multiple_of3A_69] : memref<320000xi32, #tpu.memory_space<hbm>> -> memref<80xi32, #tpu.memory_space<hbm>>
    tpu.enqueue_dma source(%dma_start3A_71 : memref<80xi32, #tpu.memory_space<hbm>>) target(%arg11 : memref<80xi32, #tpu.memory_space<vmem>>) target_semaphore(%arg33 : memref<!tpu.dma_semaphore, #tpu.memory_space<semaphore_mem>>)
    %dma_start3A_72 = tpu.memref_slice %arg4[%multiple_of3A_69] : memref<320000xi32, #tpu.memory_space<hbm>> -> memref<80xi32, #tpu.memory_space<hbm>>
    %dma_start3A_73 = tpu.memref_slice %arg4[%multiple_of3A_69] : memref<320000xi32, #tpu.memory_space<hbm>> -> memref<80xi32, #tpu.memory_space<hbm>>
    tpu.enqueue_dma source(%dma_start3A_73 : memref<80xi32, #tpu.memory_space<hbm>>) target(%arg17 : memref<80xi32, #tpu.memory_space<vmem>>) target_semaphore(%arg39 : memref<!tpu.dma_semaphore, #tpu.memory_space<semaphore_mem>>)
    %dma_wait3A_74 = arith.constant 0 : i32
    %dma_wait3A_75 = arith.constant 0 : i32
    %dma_wait3A_76 = tpu.memref_slice %arg2[%dma_wait3A_74, %dma_wait3A_75] : memref<10000x128xf32, #tpu.memory_space<hbm>> -> memref<10000x128xf32, #tpu.memory_space<hbm>>
    tpu.wait_indirect_dma semaphore(%arg24 : memref<!tpu.dma_semaphore, #tpu.memory_space<semaphore_mem>>) src(%dma_wait3A_76 : memref<10000x128xf32, #tpu.memory_space<hbm>>) dst(%arg20 : memref<80x128xf32, #tpu.memory_space<vmem>>)
    %dma_start3A_77 = arith.constant 0 : i32
    %dma_start3A_78 = arith.constant 0 : i32
    %dma_start3A_79 = tpu.memref_slice %arg22[%dma_start3A_77, %dma_start3A_78] : memref<10112x128xf32, #tpu.memory_space<vmem_shared>> -> memref<10112x128xf32, #tpu.memory_space<vmem_shared>>
    tpu.enqueue_indirect_dma source(%arg20 : memref<80x128xf32, #tpu.memory_space<vmem>>) target(%dma_start3A_79 : memref<10112x128xf32, #tpu.memory_space<vmem_shared>>) offsets(%arg14 : memref<80xi32, #tpu.memory_space<vmem>>) semaphore(%arg27 : memref<!tpu.dma_semaphore, #tpu.memory_space<semaphore_mem>>) {add = true}
    %dma_wait3A_80 = arith.constant 0 : i32
    %dma_wait3A_81 = arith.constant 0 : i32
    %dma_wait3A_82 = tpu.memref_slice %arg22[%dma_wait3A_80, %dma_wait3A_81] : memref<10112x128xf32, #tpu.memory_space<vmem_shared>> -> memref<10112x128xf32, #tpu.memory_space<vmem_shared>>
    tpu.wait_indirect_dma semaphore(%arg26 : memref<!tpu.dma_semaphore, #tpu.memory_space<semaphore_mem>>) src(%arg19 : memref<80x128xf32, #tpu.memory_space<vmem>>) dst(%dma_wait3A_82 : memref<10112x128xf32, #tpu.memory_space<vmem_shared>>)
    %add3A_83 = arith.constant 240 : i32
    %add3A_84 = arith.addi %mul3A_4, %add3A_83 : i32
    %multiple_of3A_85 = tpu.assume_multiple %add3A_84, 8 : i32
    %dma_wait3A_86 = tpu.memref_slice %arg3[%multiple_of3A_85] : memref<320000xi32, #tpu.memory_space<hbm>> -> memref<80xi32, #tpu.memory_space<hbm>>
    %dma_wait3A_87 = tpu.memref_slice %arg3[%multiple_of3A_85] : memref<320000xi32, #tpu.memory_space<hbm>> -> memref<80xi32, #tpu.memory_space<hbm>>
    tpu.wait_dma2 semaphore(%arg32 : memref<!tpu.dma_semaphore, #tpu.memory_space<semaphore_mem>>) src(%dma_wait3A_87 : memref<80xi32, #tpu.memory_space<hbm>>) dst(%arg10 : memref<80xi32, #tpu.memory_space<vmem>>)
    %dma_wait3A_88 = tpu.memref_slice %arg4[%multiple_of3A_85] : memref<320000xi32, #tpu.memory_space<hbm>> -> memref<80xi32, #tpu.memory_space<hbm>>
    %dma_wait3A_89 = tpu.memref_slice %arg4[%multiple_of3A_85] : memref<320000xi32, #tpu.memory_space<hbm>> -> memref<80xi32, #tpu.memory_space<hbm>>
    tpu.wait_dma2 semaphore(%arg38 : memref<!tpu.dma_semaphore, #tpu.memory_space<semaphore_mem>>) src(%dma_wait3A_89 : memref<80xi32, #tpu.memory_space<hbm>>) dst(%arg16 : memref<80xi32, #tpu.memory_space<vmem>>)
    %dma_start3A_90 = arith.constant 0 : i32
    %dma_start3A_91 = arith.constant 0 : i32
    %dma_start3A_92 = tpu.memref_slice %arg2[%dma_start3A_90, %dma_start3A_91] : memref<10000x128xf32, #tpu.memory_space<hbm>> -> memref<10000x128xf32, #tpu.memory_space<hbm>>
    tpu.enqueue_indirect_dma source(%dma_start3A_92 : memref<10000x128xf32, #tpu.memory_space<hbm>>) target(%arg19 : memref<80x128xf32, #tpu.memory_space<vmem>>) offsets(%arg10 : memref<80xi32, #tpu.memory_space<vmem>>) semaphore(%arg23 : memref<!tpu.dma_semaphore, #tpu.memory_space<semaphore_mem>>)
    %add3A_93 = arith.constant 400 : i32
    %add3A_94 = arith.addi %mul3A_4, %add3A_93 : i32
    %multiple_of3A_95 = tpu.assume_multiple %add3A_94, 8 : i32
    %dma_start3A_96 = tpu.memref_slice %arg3[%multiple_of3A_95] : memref<320000xi32, #tpu.memory_space<hbm>> -> memref<80xi32, #tpu.memory_space<hbm>>
    %dma_start3A_97 = tpu.memref_slice %arg3[%multiple_of3A_95] : memref<320000xi32, #tpu.memory_space<hbm>> -> memref<80xi32, #tpu.memory_space<hbm>>
    tpu.enqueue_dma source(%dma_start3A_97 : memref<80xi32, #tpu.memory_space<hbm>>) target(%arg12 : memref<80xi32, #tpu.memory_space<vmem>>) target_semaphore(%arg34 : memref<!tpu.dma_semaphore, #tpu.memory_space<semaphore_mem>>)
    %dma_start3A_98 = tpu.memref_slice %arg4[%multiple_of3A_95] : memref<320000xi32, #tpu.memory_space<hbm>> -> memref<80xi32, #tpu.memory_space<hbm>>
    %dma_start3A_99 = tpu.memref_slice %arg4[%multiple_of3A_95] : memref<320000xi32, #tpu.memory_space<hbm>> -> memref<80xi32, #tpu.memory_space<hbm>>
    tpu.enqueue_dma source(%dma_start3A_99 : memref<80xi32, #tpu.memory_space<hbm>>) target(%arg18 : memref<80xi32, #tpu.memory_space<vmem>>) target_semaphore(%arg40 : memref<!tpu.dma_semaphore, #tpu.memory_space<semaphore_mem>>)
    %dma_wait3A_100 = arith.constant 0 : i32
    %dma_wait3A_101 = arith.constant 0 : i32
    %dma_wait3A_102 = tpu.memref_slice %arg2[%dma_wait3A_100, %dma_wait3A_101] : memref<10000x128xf32, #tpu.memory_space<hbm>> -> memref<10000x128xf32, #tpu.memory_space<hbm>>
    tpu.wait_indirect_dma semaphore(%arg25 : memref<!tpu.dma_semaphore, #tpu.memory_space<semaphore_mem>>) src(%dma_wait3A_102 : memref<10000x128xf32, #tpu.memory_space<hbm>>) dst(%arg21 : memref<80x128xf32, #tpu.memory_space<vmem>>)
    %dma_start3A_103 = arith.constant 0 : i32
    %dma_start3A_104 = arith.constant 0 : i32
    %dma_start3A_105 = tpu.memref_slice %arg22[%dma_start3A_103, %dma_start3A_104] : memref<10112x128xf32, #tpu.memory_space<vmem_shared>> -> memref<10112x128xf32, #tpu.memory_space<vmem_shared>>
    tpu.enqueue_indirect_dma source(%arg21 : memref<80x128xf32, #tpu.memory_space<vmem>>) target(%dma_start3A_105 : memref<10112x128xf32, #tpu.memory_space<vmem_shared>>) offsets(%arg15 : memref<80xi32, #tpu.memory_space<vmem>>) semaphore(%arg28 : memref<!tpu.dma_semaphore, #tpu.memory_space<semaphore_mem>>) {add = true}
    %dma_wait3A_106 = arith.constant 0 : i32
    %dma_wait3A_107 = arith.constant 0 : i32
    %dma_wait3A_108 = tpu.memref_slice %arg22[%dma_wait3A_106, %dma_wait3A_107] : memref<10112x128xf32, #tpu.memory_space<vmem_shared>> -> memref<10112x128xf32, #tpu.memory_space<vmem_shared>>
    tpu.wait_indirect_dma semaphore(%arg27 : memref<!tpu.dma_semaphore, #tpu.memory_space<semaphore_mem>>) src(%arg20 : memref<80x128xf32, #tpu.memory_space<vmem>>) dst(%dma_wait3A_108 : memref<10112x128xf32, #tpu.memory_space<vmem_shared>>)
    %add3A_109 = arith.constant 320 : i32
    %add3A_110 = arith.addi %mul3A_4, %add3A_109 : i32
    %multiple_of3A_111 = tpu.assume_multiple %add3A_110, 8 : i32
    %dma_wait3A_112 = tpu.memref_slice %arg3[%multiple_of3A_111] : memref<320000xi32, #tpu.memory_space<hbm>> -> memref<80xi32, #tpu.memory_space<hbm>>
    %dma_wait3A_113 = tpu.memref_slice %arg3[%multiple_of3A_111] : memref<320000xi32, #tpu.memory_space<hbm>> -> memref<80xi32, #tpu.memory_space<hbm>>
    tpu.wait_dma2 semaphore(%arg33 : memref<!tpu.dma_semaphore, #tpu.memory_space<semaphore_mem>>) src(%dma_wait3A_113 : memref<80xi32, #tpu.memory_space<hbm>>) dst(%arg11 : memref<80xi32, #tpu.memory_space<vmem>>)
    %dma_wait3A_114 = tpu.memref_slice %arg4[%multiple_of3A_111] : memref<320000xi32, #tpu.memory_space<hbm>> -> memref<80xi32, #tpu.memory_space<hbm>>
    %dma_wait3A_115 = tpu.memref_slice %arg4[%multiple_of3A_111] : memref<320000xi32, #tpu.memory_space<hbm>> -> memref<80xi32, #tpu.memory_space<hbm>>
    tpu.wait_dma2 semaphore(%arg39 : memref<!tpu.dma_semaphore, #tpu.memory_space<semaphore_mem>>) src(%dma_wait3A_115 : memref<80xi32, #tpu.memory_space<hbm>>) dst(%arg17 : memref<80xi32, #tpu.memory_space<vmem>>)
    %dma_start3A_116 = arith.constant 0 : i32
    %dma_start3A_117 = arith.constant 0 : i32
    %dma_start3A_118 = tpu.memref_slice %arg2[%dma_start3A_116, %dma_start3A_117] : memref<10000x128xf32, #tpu.memory_space<hbm>> -> memref<10000x128xf32, #tpu.memory_space<hbm>>
    tpu.enqueue_indirect_dma source(%dma_start3A_118 : memref<10000x128xf32, #tpu.memory_space<hbm>>) target(%arg20 : memref<80x128xf32, #tpu.memory_space<vmem>>) offsets(%arg11 : memref<80xi32, #tpu.memory_space<vmem>>) semaphore(%arg24 : memref<!tpu.dma_semaphore, #tpu.memory_space<semaphore_mem>>)
    %add3A_119 = arith.constant 480 : i32
    %add3A_120 = arith.addi %mul3A_4, %add3A_119 : i32
    %multiple_of3A_121 = tpu.assume_multiple %add3A_120, 8 : i32
    %dma_start3A_122 = tpu.memref_slice %arg3[%multiple_of3A_121] : memref<320000xi32, #tpu.memory_space<hbm>> -> memref<80xi32, #tpu.memory_space<hbm>>
    %dma_start3A_123 = tpu.memref_slice %arg3[%multiple_of3A_121] : memref<320000xi32, #tpu.memory_space<hbm>> -> memref<80xi32, #tpu.memory_space<hbm>>
    tpu.enqueue_dma source(%dma_start3A_123 : memref<80xi32, #tpu.memory_space<hbm>>) target(%arg7 : memref<80xi32, #tpu.memory_space<vmem>>) target_semaphore(%arg29 : memref<!tpu.dma_semaphore, #tpu.memory_space<semaphore_mem>>)
    %dma_start3A_124 = tpu.memref_slice %arg4[%multiple_of3A_121] : memref<320000xi32, #tpu.memory_space<hbm>> -> memref<80xi32, #tpu.memory_space<hbm>>
    %dma_start3A_125 = tpu.memref_slice %arg4[%multiple_of3A_121] : memref<320000xi32, #tpu.memory_space<hbm>> -> memref<80xi32, #tpu.memory_space<hbm>>
    tpu.enqueue_dma source(%dma_start3A_125 : memref<80xi32, #tpu.memory_space<hbm>>) target(%arg13 : memref<80xi32, #tpu.memory_space<vmem>>) target_semaphore(%arg35 : memref<!tpu.dma_semaphore, #tpu.memory_space<semaphore_mem>>)
    %dma_wait3A_126 = arith.constant 0 : i32
    %dma_wait3A_127 = arith.constant 0 : i32
    %dma_wait3A_128 = tpu.memref_slice %arg2[%dma_wait3A_126, %dma_wait3A_127] : memref<10000x128xf32, #tpu.memory_space<hbm>> -> memref<10000x128xf32, #tpu.memory_space<hbm>>
    tpu.wait_indirect_dma semaphore(%arg23 : memref<!tpu.dma_semaphore, #tpu.memory_space<semaphore_mem>>) src(%dma_wait3A_128 : memref<10000x128xf32, #tpu.memory_space<hbm>>) dst(%arg19 : memref<80x128xf32, #tpu.memory_space<vmem>>)
    %dma_start3A_129 = arith.constant 0 : i32
    %dma_start3A_130 = arith.constant 0 : i32
    %dma_start3A_131 = tpu.memref_slice %arg22[%dma_start3A_129, %dma_start3A_130] : memref<10112x128xf32, #tpu.memory_space<vmem_shared>> -> memref<10112x128xf32, #tpu.memory_space<vmem_shared>>
    tpu.enqueue_indirect_dma source(%arg19 : memref<80x128xf32, #tpu.memory_space<vmem>>) target(%dma_start3A_131 : memref<10112x128xf32, #tpu.memory_space<vmem_shared>>) offsets(%arg16 : memref<80xi32, #tpu.memory_space<vmem>>) semaphore(%arg26 : memref<!tpu.dma_semaphore, #tpu.memory_space<semaphore_mem>>) {add = true}
    %dma_wait3A_132 = arith.constant 0 : i32
    %dma_wait3A_133 = arith.constant 0 : i32
    %dma_wait3A_134 = tpu.memref_slice %arg22[%dma_wait3A_132, %dma_wait3A_133] : memref<10112x128xf32, #tpu.memory_space<vmem_shared>> -> memref<10112x128xf32, #tpu.memory_space<vmem_shared>>
    tpu.wait_indirect_dma semaphore(%arg28 : memref<!tpu.dma_semaphore, #tpu.memory_space<semaphore_mem>>) src(%arg21 : memref<80x128xf32, #tpu.memory_space<vmem>>) dst(%dma_wait3A_134 : memref<10112x128xf32, #tpu.memory_space<vmem_shared>>)
    %add3A_135 = arith.constant 400 : i32
    %add3A_136 = arith.addi %mul3A_4, %add3A_135 : i32
    %multiple_of3A_137 = tpu.assume_multiple %add3A_136, 8 : i32
    %dma_wait3A_138 = tpu.memref_slice %arg3[%multiple_of3A_137] : memref<320000xi32, #tpu.memory_space<hbm>> -> memref<80xi32, #tpu.memory_space<hbm>>
    %dma_wait3A_139 = tpu.memref_slice %arg3[%multiple_of3A_137] : memref<320000xi32, #tpu.memory_space<hbm>> -> memref<80xi32, #tpu.memory_space<hbm>>
    tpu.wait_dma2 semaphore(%arg34 : memref<!tpu.dma_semaphore, #tpu.memory_space<semaphore_mem>>) src(%dma_wait3A_139 : memref<80xi32, #tpu.memory_space<hbm>>) dst(%arg12 : memref<80xi32, #tpu.memory_space<vmem>>)
    %dma_wait3A_140 = tpu.memref_slice %arg4[%multiple_of3A_137] : memref<320000xi32, #tpu.memory_space<hbm>> -> memref<80xi32, #tpu.memory_space<hbm>>
    %dma_wait3A_141 = tpu.memref_slice %arg4[%multiple_of3A_137] : memref<320000xi32, #tpu.memory_space<hbm>> -> memref<80xi32, #tpu.memory_space<hbm>>
    tpu.wait_dma2 semaphore(%arg40 : memref<!tpu.dma_semaphore, #tpu.memory_space<semaphore_mem>>) src(%dma_wait3A_141 : memref<80xi32, #tpu.memory_space<hbm>>) dst(%arg18 : memref<80xi32, #tpu.memory_space<vmem>>)
    %dma_start3A_142 = arith.constant 0 : i32
    %dma_start3A_143 = arith.constant 0 : i32
    %dma_start3A_144 = tpu.memref_slice %arg2[%dma_start3A_142, %dma_start3A_143] : memref<10000x128xf32, #tpu.memory_space<hbm>> -> memref<10000x128xf32, #tpu.memory_space<hbm>>
    tpu.enqueue_indirect_dma source(%dma_start3A_144 : memref<10000x128xf32, #tpu.memory_space<hbm>>) target(%arg21 : memref<80x128xf32, #tpu.memory_space<vmem>>) offsets(%arg12 : memref<80xi32, #tpu.memory_space<vmem>>) semaphore(%arg25 : memref<!tpu.dma_semaphore, #tpu.memory_space<semaphore_mem>>)
    %add3A_145 = arith.constant 560 : i32
    %add3A_146 = arith.addi %mul3A_4, %add3A_145 : i32
    %multiple_of3A_147 = tpu.assume_multiple %add3A_146, 8 : i32
    %dma_start3A_148 = tpu.memref_slice %arg3[%multiple_of3A_147] : memref<320000xi32, #tpu.memory_space<hbm>> -> memref<80xi32, #tpu.memory_space<hbm>>
    %dma_start3A_149 = tpu.memref_slice %arg3[%multiple_of3A_147] : memref<320000xi32, #tpu.memory_space<hbm>> -> memref<80xi32, #tpu.memory_space<hbm>>
    tpu.enqueue_dma source(%dma_start3A_149 : memref<80xi32, #tpu.memory_space<hbm>>) target(%arg8 : memref<80xi32, #tpu.memory_space<vmem>>) target_semaphore(%arg30 : memref<!tpu.dma_semaphore, #tpu.memory_space<semaphore_mem>>)
    %dma_start3A_150 = tpu.memref_slice %arg4[%multiple_of3A_147] : memref<320000xi32, #tpu.memory_space<hbm>> -> memref<80xi32, #tpu.memory_space<hbm>>
    %dma_start3A_151 = tpu.memref_slice %arg4[%multiple_of3A_147] : memref<320000xi32, #tpu.memory_space<hbm>> -> memref<80xi32, #tpu.memory_space<hbm>>
    tpu.enqueue_dma source(%dma_start3A_151 : memref<80xi32, #tpu.memory_space<hbm>>) target(%arg14 : memref<80xi32, #tpu.memory_space<vmem>>) target_semaphore(%arg36 : memref<!tpu.dma_semaphore, #tpu.memory_space<semaphore_mem>>)
    %dma_wait3A_152 = arith.constant 0 : i32
    %dma_wait3A_153 = arith.constant 0 : i32
    %dma_wait3A_154 = tpu.memref_slice %arg2[%dma_wait3A_152, %dma_wait3A_153] : memref<10000x128xf32, #tpu.memory_space<hbm>> -> memref<10000x128xf32, #tpu.memory_space<hbm>>
    tpu.wait_indirect_dma semaphore(%arg24 : memref<!tpu.dma_semaphore, #tpu.memory_space<semaphore_mem>>) src(%dma_wait3A_154 : memref<10000x128xf32, #tpu.memory_space<hbm>>) dst(%arg20 : memref<80x128xf32, #tpu.memory_space<vmem>>)
    %dma_start3A_155 = arith.constant 0 : i32
    %dma_start3A_156 = arith.constant 0 : i32
    %dma_start3A_157 = tpu.memref_slice %arg22[%dma_start3A_155, %dma_start3A_156] : memref<10112x128xf32, #tpu.memory_space<vmem_shared>> -> memref<10112x128xf32, #tpu.memory_space<vmem_shared>>
    tpu.enqueue_indirect_dma source(%arg20 : memref<80x128xf32, #tpu.memory_space<vmem>>) target(%dma_start3A_157 : memref<10112x128xf32, #tpu.memory_space<vmem_shared>>) offsets(%arg17 : memref<80xi32, #tpu.memory_space<vmem>>) semaphore(%arg27 : memref<!tpu.dma_semaphore, #tpu.memory_space<semaphore_mem>>) {add = true}
    %dma_wait3A_158 = arith.constant 0 : i32
    %dma_wait3A_159 = arith.constant 0 : i32
    %dma_wait3A_160 = tpu.memref_slice %arg22[%dma_wait3A_158, %dma_wait3A_159] : memref<10112x128xf32, #tpu.memory_space<vmem_shared>> -> memref<10112x128xf32, #tpu.memory_space<vmem_shared>>
    tpu.wait_indirect_dma semaphore(%arg26 : memref<!tpu.dma_semaphore, #tpu.memory_space<semaphore_mem>>) src(%arg19 : memref<80x128xf32, #tpu.memory_space<vmem>>) dst(%dma_wait3A_160 : memref<10112x128xf32, #tpu.memory_space<vmem_shared>>)
    %add3A_161 = arith.constant 480 : i32
    %add3A_162 = arith.addi %mul3A_4, %add3A_161 : i32
    %multiple_of3A_163 = tpu.assume_multiple %add3A_162, 8 : i32
    %dma_wait3A_164 = tpu.memref_slice %arg3[%multiple_of3A_163] : memref<320000xi32, #tpu.memory_space<hbm>> -> memref<80xi32, #tpu.memory_space<hbm>>
    %dma_wait3A_165 = tpu.memref_slice %arg3[%multiple_of3A_163] : memref<320000xi32, #tpu.memory_space<hbm>> -> memref<80xi32, #tpu.memory_space<hbm>>
    tpu.wait_dma2 semaphore(%arg29 : memref<!tpu.dma_semaphore, #tpu.memory_space<semaphore_mem>>) src(%dma_wait3A_165 : memref<80xi32, #tpu.memory_space<hbm>>) dst(%arg7 : memref<80xi32, #tpu.memory_space<vmem>>)
    %dma_wait3A_166 = tpu.memref_slice %arg4[%multiple_of3A_163] : memref<320000xi32, #tpu.memory_space<hbm>> -> memref<80xi32, #tpu.memory_space<hbm>>
    %dma_wait3A_167 = tpu.memref_slice %arg4[%multiple_of3A_163] : memref<320000xi32, #tpu.memory_space<hbm>> -> memref<80xi32, #tpu.memory_space<hbm>>
    tpu.wait_dma2 semaphore(%arg35 : memref<!tpu.dma_semaphore, #tpu.memory_space<semaphore_mem>>) src(%dma_wait3A_167 : memref<80xi32, #tpu.memory_space<hbm>>) dst(%arg13 : memref<80xi32, #tpu.memory_space<vmem>>)
    %dma_start3A_168 = arith.constant 0 : i32
    %dma_start3A_169 = arith.constant 0 : i32
    %dma_start3A_170 = tpu.memref_slice %arg2[%dma_start3A_168, %dma_start3A_169] : memref<10000x128xf32, #tpu.memory_space<hbm>> -> memref<10000x128xf32, #tpu.memory_space<hbm>>
    tpu.enqueue_indirect_dma source(%dma_start3A_170 : memref<10000x128xf32, #tpu.memory_space<hbm>>) target(%arg19 : memref<80x128xf32, #tpu.memory_space<vmem>>) offsets(%arg7 : memref<80xi32, #tpu.memory_space<vmem>>) semaphore(%arg23 : memref<!tpu.dma_semaphore, #tpu.memory_space<semaphore_mem>>)
    %add3A_171 = arith.constant 640 : i32
    %add3A_172 = arith.addi %mul3A_4, %add3A_171 : i32
    %multiple_of3A_173 = tpu.assume_multiple %add3A_172, 8 : i32
    %dma_start3A_174 = tpu.memref_slice %arg3[%multiple_of3A_173] : memref<320000xi32, #tpu.memory_space<hbm>> -> memref<80xi32, #tpu.memory_space<hbm>>
    %dma_start3A_175 = tpu.memref_slice %arg3[%multiple_of3A_173] : memref<320000xi32, #tpu.memory_space<hbm>> -> memref<80xi32, #tpu.memory_space<hbm>>
    tpu.enqueue_dma source(%dma_start3A_175 : memref<80xi32, #tpu.memory_space<hbm>>) target(%arg9 : memref<80xi32, #tpu.memory_space<vmem>>) target_semaphore(%arg31 : memref<!tpu.dma_semaphore, #tpu.memory_space<semaphore_mem>>)
    %dma_start3A_176 = tpu.memref_slice %arg4[%multiple_of3A_173] : memref<320000xi32, #tpu.memory_space<hbm>> -> memref<80xi32, #tpu.memory_space<hbm>>
    %dma_start3A_177 = tpu.memref_slice %arg4[%multiple_of3A_173] : memref<320000xi32, #tpu.memory_space<hbm>> -> memref<80xi32, #tpu.memory_space<hbm>>
    tpu.enqueue_dma source(%dma_start3A_177 : memref<80xi32, #tpu.memory_space<hbm>>) target(%arg15 : memref<80xi32, #tpu.memory_space<vmem>>) target_semaphore(%arg37 : memref<!tpu.dma_semaphore, #tpu.memory_space<semaphore_mem>>)
    %dma_wait3A_178 = arith.constant 0 : i32
    %dma_wait3A_179 = arith.constant 0 : i32
    %dma_wait3A_180 = tpu.memref_slice %arg2[%dma_wait3A_178, %dma_wait3A_179] : memref<10000x128xf32, #tpu.memory_space<hbm>> -> memref<10000x128xf32, #tpu.memory_space<hbm>>
    tpu.wait_indirect_dma semaphore(%arg25 : memref<!tpu.dma_semaphore, #tpu.memory_space<semaphore_mem>>) src(%dma_wait3A_180 : memref<10000x128xf32, #tpu.memory_space<hbm>>) dst(%arg21 : memref<80x128xf32, #tpu.memory_space<vmem>>)
    %dma_start3A_181 = arith.constant 0 : i32
    %dma_start3A_182 = arith.constant 0 : i32
    %dma_start3A_183 = tpu.memref_slice %arg22[%dma_start3A_181, %dma_start3A_182] : memref<10112x128xf32, #tpu.memory_space<vmem_shared>> -> memref<10112x128xf32, #tpu.memory_space<vmem_shared>>
    tpu.enqueue_indirect_dma source(%arg21 : memref<80x128xf32, #tpu.memory_space<vmem>>) target(%dma_start3A_183 : memref<10112x128xf32, #tpu.memory_space<vmem_shared>>) offsets(%arg18 : memref<80xi32, #tpu.memory_space<vmem>>) semaphore(%arg28 : memref<!tpu.dma_semaphore, #tpu.memory_space<semaphore_mem>>) {add = true}
    %dma_wait3A_184 = arith.constant 0 : i32
    %dma_wait3A_185 = arith.constant 0 : i32
    %dma_wait3A_186 = tpu.memref_slice %arg22[%dma_wait3A_184, %dma_wait3A_185] : memref<10112x128xf32, #tpu.memory_space<vmem_shared>> -> memref<10112x128xf32, #tpu.memory_space<vmem_shared>>
    tpu.wait_indirect_dma semaphore(%arg27 : memref<!tpu.dma_semaphore, #tpu.memory_space<semaphore_mem>>) src(%arg20 : memref<80x128xf32, #tpu.memory_space<vmem>>) dst(%dma_wait3A_186 : memref<10112x128xf32, #tpu.memory_space<vmem_shared>>)
    %add3A_187 = arith.constant 560 : i32
    %add3A_188 = arith.addi %mul3A_4, %add3A_187 : i32
    %multiple_of3A_189 = tpu.assume_multiple %add3A_188, 8 : i32
    %dma_wait3A_190 = tpu.memref_slice %arg3[%multiple_of3A_189] : memref<320000xi32, #tpu.memory_space<hbm>> -> memref<80xi32, #tpu.memory_space<hbm>>
    %dma_wait3A_191 = tpu.memref_slice %arg3[%multiple_of3A_189] : memref<320000xi32, #tpu.memory_space<hbm>> -> memref<80xi32, #tpu.memory_space<hbm>>
    tpu.wait_dma2 semaphore(%arg30 : memref<!tpu.dma_semaphore, #tpu.memory_space<semaphore_mem>>) src(%dma_wait3A_191 : memref<80xi32, #tpu.memory_space<hbm>>) dst(%arg8 : memref<80xi32, #tpu.memory_space<vmem>>)
    %dma_wait3A_192 = tpu.memref_slice %arg4[%multiple_of3A_189] : memref<320000xi32, #tpu.memory_space<hbm>> -> memref<80xi32, #tpu.memory_space<hbm>>
    %dma_wait3A_193 = tpu.memref_slice %arg4[%multiple_of3A_189] : memref<320000xi32, #tpu.memory_space<hbm>> -> memref<80xi32, #tpu.memory_space<hbm>>
    tpu.wait_dma2 semaphore(%arg36 : memref<!tpu.dma_semaphore, #tpu.memory_space<semaphore_mem>>) src(%dma_wait3A_193 : memref<80xi32, #tpu.memory_space<hbm>>) dst(%arg14 : memref<80xi32, #tpu.memory_space<vmem>>)
    %dma_start3A_194 = arith.constant 0 : i32
    %dma_start3A_195 = arith.constant 0 : i32
    %dma_start3A_196 = tpu.memref_slice %arg2[%dma_start3A_194, %dma_start3A_195] : memref<10000x128xf32, #tpu.memory_space<hbm>> -> memref<10000x128xf32, #tpu.memory_space<hbm>>
    tpu.enqueue_indirect_dma source(%dma_start3A_196 : memref<10000x128xf32, #tpu.memory_space<hbm>>) target(%arg20 : memref<80x128xf32, #tpu.memory_space<vmem>>) offsets(%arg8 : memref<80xi32, #tpu.memory_space<vmem>>) semaphore(%arg24 : memref<!tpu.dma_semaphore, #tpu.memory_space<semaphore_mem>>)
    %add3A_197 = arith.constant 720 : i32
    %add3A_198 = arith.addi %mul3A_4, %add3A_197 : i32
    %multiple_of3A_199 = tpu.assume_multiple %add3A_198, 8 : i32
    %dma_start3A_200 = tpu.memref_slice %arg3[%multiple_of3A_199] : memref<320000xi32, #tpu.memory_space<hbm>> -> memref<80xi32, #tpu.memory_space<hbm>>
    %dma_start3A_201 = tpu.memref_slice %arg3[%multiple_of3A_199] : memref<320000xi32, #tpu.memory_space<hbm>> -> memref<80xi32, #tpu.memory_space<hbm>>
    tpu.enqueue_dma source(%dma_start3A_201 : memref<80xi32, #tpu.memory_space<hbm>>) target(%arg10 : memref<80xi32, #tpu.memory_space<vmem>>) target_semaphore(%arg32 : memref<!tpu.dma_semaphore, #tpu.memory_space<semaphore_mem>>)
    %dma_start3A_202 = tpu.memref_slice %arg4[%multiple_of3A_199] : memref<320000xi32, #tpu.memory_space<hbm>> -> memref<80xi32, #tpu.memory_space<hbm>>
    %dma_start3A_203 = tpu.memref_slice %arg4[%multiple_of3A_199] : memref<320000xi32, #tpu.memory_space<hbm>> -> memref<80xi32, #tpu.memory_space<hbm>>
    tpu.enqueue_dma source(%dma_start3A_203 : memref<80xi32, #tpu.memory_space<hbm>>) target(%arg16 : memref<80xi32, #tpu.memory_space<vmem>>) target_semaphore(%arg38 : memref<!tpu.dma_semaphore, #tpu.memory_space<semaphore_mem>>)
    %scan3A = arith.constant 0 : i32
    %scan3A_204 = arith.constant 1 : i32
    %scan3A_205 = arith.constant 19 : i32
    %scan3A_206 = arith.addi %scan3A_204, %scan3A_205 : i32
    %scan3A_207 = arith.constant 1 : i32
    scf.for %scan3A_295 = %scan3A_204 to %scan3A_206 step %scan3A_207  : i32 {
      %mul3A_296 = arith.constant 6 : i32
      %mul3A_297 = arith.muli %mul3A_296, %scan3A_295 : i32
      %add3A_298 = arith.constant 0 : i32
      %add3A_299 = arith.addi %mul3A_297, %add3A_298 : i32
      %dma_wait3A_300 = arith.constant 0 : i32
      %dma_wait3A_301 = arith.constant 0 : i32
      %dma_wait3A_302 = tpu.memref_slice %arg2[%dma_wait3A_300, %dma_wait3A_301] : memref<10000x128xf32, #tpu.memory_space<hbm>> -> memref<10000x128xf32, #tpu.memory_space<hbm>>
      tpu.wait_indirect_dma semaphore(%arg23 : memref<!tpu.dma_semaphore, #tpu.memory_space<semaphore_mem>>) src(%dma_wait3A_302 : memref<10000x128xf32, #tpu.memory_space<hbm>>) dst(%arg19 : memref<80x128xf32, #tpu.memory_space<vmem>>)
      %dma_start3A_303 = arith.constant 0 : i32
      %dma_start3A_304 = arith.constant 0 : i32
      %dma_start3A_305 = tpu.memref_slice %arg22[%dma_start3A_303, %dma_start3A_304] : memref<10112x128xf32, #tpu.memory_space<vmem_shared>> -> memref<10112x128xf32, #tpu.memory_space<vmem_shared>>
      tpu.enqueue_indirect_dma source(%arg19 : memref<80x128xf32, #tpu.memory_space<vmem>>) target(%dma_start3A_305 : memref<10112x128xf32, #tpu.memory_space<vmem_shared>>) offsets(%arg13 : memref<80xi32, #tpu.memory_space<vmem>>) semaphore(%arg26 : memref<!tpu.dma_semaphore, #tpu.memory_space<semaphore_mem>>) {add = true}
      %dma_wait3A_306 = arith.constant 0 : i32
      %dma_wait3A_307 = arith.constant 0 : i32
      %dma_wait3A_308 = tpu.memref_slice %arg22[%dma_wait3A_306, %dma_wait3A_307] : memref<10112x128xf32, #tpu.memory_space<vmem_shared>> -> memref<10112x128xf32, #tpu.memory_space<vmem_shared>>
      tpu.wait_indirect_dma semaphore(%arg28 : memref<!tpu.dma_semaphore, #tpu.memory_space<semaphore_mem>>) src(%arg21 : memref<80x128xf32, #tpu.memory_space<vmem>>) dst(%dma_wait3A_308 : memref<10112x128xf32, #tpu.memory_space<vmem_shared>>)
      %add3A_309 = arith.constant 2 : i32
      %add3A_310 = arith.addi %add3A_299, %add3A_309 : i32
      %mul3A_311 = arith.constant 80 : i32
      %mul3A_312 = arith.muli %add3A_310, %mul3A_311 : i32
      %add3A_313 = arith.addi %mul3A_4, %mul3A_312 : i32
      %multiple_of3A_314 = tpu.assume_multiple %add3A_313, 8 : i32
      %dma_wait3A_315 = tpu.memref_slice %arg3[%multiple_of3A_314] : memref<320000xi32, #tpu.memory_space<hbm>> -> memref<80xi32, #tpu.memory_space<hbm>>
      %dma_wait3A_316 = tpu.memref_slice %arg3[%multiple_of3A_314] : memref<320000xi32, #tpu.memory_space<hbm>> -> memref<80xi32, #tpu.memory_space<hbm>>
      tpu.wait_dma2 semaphore(%arg31 : memref<!tpu.dma_semaphore, #tpu.memory_space<semaphore_mem>>) src(%dma_wait3A_316 : memref<80xi32, #tpu.memory_space<hbm>>) dst(%arg9 : memref<80xi32, #tpu.memory_space<vmem>>)
      %dma_wait3A_317 = tpu.memref_slice %arg4[%multiple_of3A_314] : memref<320000xi32, #tpu.memory_space<hbm>> -> memref<80xi32, #tpu.memory_space<hbm>>
      %dma_wait3A_318 = tpu.memref_slice %arg4[%multiple_of3A_314] : memref<320000xi32, #tpu.memory_space<hbm>> -> memref<80xi32, #tpu.memory_space<hbm>>
      tpu.wait_dma2 semaphore(%arg37 : memref<!tpu.dma_semaphore, #tpu.memory_space<semaphore_mem>>) src(%dma_wait3A_318 : memref<80xi32, #tpu.memory_space<hbm>>) dst(%arg15 : memref<80xi32, #tpu.memory_space<vmem>>)
      %dma_start3A_319 = arith.constant 0 : i32
      %dma_start3A_320 = arith.constant 0 : i32
      %dma_start3A_321 = tpu.memref_slice %arg2[%dma_start3A_319, %dma_start3A_320] : memref<10000x128xf32, #tpu.memory_space<hbm>> -> memref<10000x128xf32, #tpu.memory_space<hbm>>
      tpu.enqueue_indirect_dma source(%dma_start3A_321 : memref<10000x128xf32, #tpu.memory_space<hbm>>) target(%arg21 : memref<80x128xf32, #tpu.memory_space<vmem>>) offsets(%arg9 : memref<80xi32, #tpu.memory_space<vmem>>) semaphore(%arg25 : memref<!tpu.dma_semaphore, #tpu.memory_space<semaphore_mem>>)
      %add3A_322 = arith.constant 4 : i32
      %add3A_323 = arith.addi %add3A_299, %add3A_322 : i32
      %mul3A_324 = arith.constant 80 : i32
      %mul3A_325 = arith.muli %add3A_323, %mul3A_324 : i32
      %add3A_326 = arith.addi %mul3A_4, %mul3A_325 : i32
      %multiple_of3A_327 = tpu.assume_multiple %add3A_326, 8 : i32
      %dma_start3A_328 = tpu.memref_slice %arg3[%multiple_of3A_327] : memref<320000xi32, #tpu.memory_space<hbm>> -> memref<80xi32, #tpu.memory_space<hbm>>
      %dma_start3A_329 = tpu.memref_slice %arg3[%multiple_of3A_327] : memref<320000xi32, #tpu.memory_space<hbm>> -> memref<80xi32, #tpu.memory_space<hbm>>
      tpu.enqueue_dma source(%dma_start3A_329 : memref<80xi32, #tpu.memory_space<hbm>>) target(%arg11 : memref<80xi32, #tpu.memory_space<vmem>>) target_semaphore(%arg33 : memref<!tpu.dma_semaphore, #tpu.memory_space<semaphore_mem>>)
      %dma_start3A_330 = tpu.memref_slice %arg4[%multiple_of3A_327] : memref<320000xi32, #tpu.memory_space<hbm>> -> memref<80xi32, #tpu.memory_space<hbm>>
      %dma_start3A_331 = tpu.memref_slice %arg4[%multiple_of3A_327] : memref<320000xi32, #tpu.memory_space<hbm>> -> memref<80xi32, #tpu.memory_space<hbm>>
      tpu.enqueue_dma source(%dma_start3A_331 : memref<80xi32, #tpu.memory_space<hbm>>) target(%arg17 : memref<80xi32, #tpu.memory_space<vmem>>) target_semaphore(%arg39 : memref<!tpu.dma_semaphore, #tpu.memory_space<semaphore_mem>>)
      %add3A_332 = arith.constant 1 : i32
      %add3A_333 = arith.addi %mul3A_297, %add3A_332 : i32
      %dma_wait3A_334 = arith.constant 0 : i32
      %dma_wait3A_335 = arith.constant 0 : i32
      %dma_wait3A_336 = tpu.memref_slice %arg2[%dma_wait3A_334, %dma_wait3A_335] : memref<10000x128xf32, #tpu.memory_space<hbm>> -> memref<10000x128xf32, #tpu.memory_space<hbm>>
      tpu.wait_indirect_dma semaphore(%arg24 : memref<!tpu.dma_semaphore, #tpu.memory_space<semaphore_mem>>) src(%dma_wait3A_336 : memref<10000x128xf32, #tpu.memory_space<hbm>>) dst(%arg20 : memref<80x128xf32, #tpu.memory_space<vmem>>)
      %dma_start3A_337 = arith.constant 0 : i32
      %dma_start3A_338 = arith.constant 0 : i32
      %dma_start3A_339 = tpu.memref_slice %arg22[%dma_start3A_337, %dma_start3A_338] : memref<10112x128xf32, #tpu.memory_space<vmem_shared>> -> memref<10112x128xf32, #tpu.memory_space<vmem_shared>>
      tpu.enqueue_indirect_dma source(%arg20 : memref<80x128xf32, #tpu.memory_space<vmem>>) target(%dma_start3A_339 : memref<10112x128xf32, #tpu.memory_space<vmem_shared>>) offsets(%arg14 : memref<80xi32, #tpu.memory_space<vmem>>) semaphore(%arg27 : memref<!tpu.dma_semaphore, #tpu.memory_space<semaphore_mem>>) {add = true}
      %dma_wait3A_340 = arith.constant 0 : i32
      %dma_wait3A_341 = arith.constant 0 : i32
      %dma_wait3A_342 = tpu.memref_slice %arg22[%dma_wait3A_340, %dma_wait3A_341] : memref<10112x128xf32, #tpu.memory_space<vmem_shared>> -> memref<10112x128xf32, #tpu.memory_space<vmem_shared>>
      tpu.wait_indirect_dma semaphore(%arg26 : memref<!tpu.dma_semaphore, #tpu.memory_space<semaphore_mem>>) src(%arg19 : memref<80x128xf32, #tpu.memory_space<vmem>>) dst(%dma_wait3A_342 : memref<10112x128xf32, #tpu.memory_space<vmem_shared>>)
      %add3A_343 = arith.constant 2 : i32
      %add3A_344 = arith.addi %add3A_333, %add3A_343 : i32
      %mul3A_345 = arith.constant 80 : i32
      %mul3A_346 = arith.muli %add3A_344, %mul3A_345 : i32
      %add3A_347 = arith.addi %mul3A_4, %mul3A_346 : i32
      %multiple_of3A_348 = tpu.assume_multiple %add3A_347, 8 : i32
      %dma_wait3A_349 = tpu.memref_slice %arg3[%multiple_of3A_348] : memref<320000xi32, #tpu.memory_space<hbm>> -> memref<80xi32, #tpu.memory_space<hbm>>
      %dma_wait3A_350 = tpu.memref_slice %arg3[%multiple_of3A_348] : memref<320000xi32, #tpu.memory_space<hbm>> -> memref<80xi32, #tpu.memory_space<hbm>>
      tpu.wait_dma2 semaphore(%arg32 : memref<!tpu.dma_semaphore, #tpu.memory_space<semaphore_mem>>) src(%dma_wait3A_350 : memref<80xi32, #tpu.memory_space<hbm>>) dst(%arg10 : memref<80xi32, #tpu.memory_space<vmem>>)
      %dma_wait3A_351 = tpu.memref_slice %arg4[%multiple_of3A_348] : memref<320000xi32, #tpu.memory_space<hbm>> -> memref<80xi32, #tpu.memory_space<hbm>>
      %dma_wait3A_352 = tpu.memref_slice %arg4[%multiple_of3A_348] : memref<320000xi32, #tpu.memory_space<hbm>> -> memref<80xi32, #tpu.memory_space<hbm>>
      tpu.wait_dma2 semaphore(%arg38 : memref<!tpu.dma_semaphore, #tpu.memory_space<semaphore_mem>>) src(%dma_wait3A_352 : memref<80xi32, #tpu.memory_space<hbm>>) dst(%arg16 : memref<80xi32, #tpu.memory_space<vmem>>)
      %dma_start3A_353 = arith.constant 0 : i32
      %dma_start3A_354 = arith.constant 0 : i32
      %dma_start3A_355 = tpu.memref_slice %arg2[%dma_start3A_353, %dma_start3A_354] : memref<10000x128xf32, #tpu.memory_space<hbm>> -> memref<10000x128xf32, #tpu.memory_space<hbm>>
      tpu.enqueue_indirect_dma source(%dma_start3A_355 : memref<10000x128xf32, #tpu.memory_space<hbm>>) target(%arg19 : memref<80x128xf32, #tpu.memory_space<vmem>>) offsets(%arg10 : memref<80xi32, #tpu.memory_space<vmem>>) semaphore(%arg23 : memref<!tpu.dma_semaphore, #tpu.memory_space<semaphore_mem>>)
      %add3A_356 = arith.constant 4 : i32
      %add3A_357 = arith.addi %add3A_333, %add3A_356 : i32
      %mul3A_358 = arith.constant 80 : i32
      %mul3A_359 = arith.muli %add3A_357, %mul3A_358 : i32
      %add3A_360 = arith.addi %mul3A_4, %mul3A_359 : i32
      %multiple_of3A_361 = tpu.assume_multiple %add3A_360, 8 : i32
      %dma_start3A_362 = tpu.memref_slice %arg3[%multiple_of3A_361] : memref<320000xi32, #tpu.memory_space<hbm>> -> memref<80xi32, #tpu.memory_space<hbm>>
      %dma_start3A_363 = tpu.memref_slice %arg3[%multiple_of3A_361] : memref<320000xi32, #tpu.memory_space<hbm>> -> memref<80xi32, #tpu.memory_space<hbm>>
      tpu.enqueue_dma source(%dma_start3A_363 : memref<80xi32, #tpu.memory_space<hbm>>) target(%arg12 : memref<80xi32, #tpu.memory_space<vmem>>) target_semaphore(%arg34 : memref<!tpu.dma_semaphore, #tpu.memory_space<semaphore_mem>>)
      %dma_start3A_364 = tpu.memref_slice %arg4[%multiple_of3A_361] : memref<320000xi32, #tpu.memory_space<hbm>> -> memref<80xi32, #tpu.memory_space<hbm>>
      %dma_start3A_365 = tpu.memref_slice %arg4[%multiple_of3A_361] : memref<320000xi32, #tpu.memory_space<hbm>> -> memref<80xi32, #tpu.memory_space<hbm>>
      tpu.enqueue_dma source(%dma_start3A_365 : memref<80xi32, #tpu.memory_space<hbm>>) target(%arg18 : memref<80xi32, #tpu.memory_space<vmem>>) target_semaphore(%arg40 : memref<!tpu.dma_semaphore, #tpu.memory_space<semaphore_mem>>)
      %add3A_366 = arith.constant 2 : i32
      %add3A_367 = arith.addi %mul3A_297, %add3A_366 : i32
      %dma_wait3A_368 = arith.constant 0 : i32
      %dma_wait3A_369 = arith.constant 0 : i32
      %dma_wait3A_370 = tpu.memref_slice %arg2[%dma_wait3A_368, %dma_wait3A_369] : memref<10000x128xf32, #tpu.memory_space<hbm>> -> memref<10000x128xf32, #tpu.memory_space<hbm>>
      tpu.wait_indirect_dma semaphore(%arg25 : memref<!tpu.dma_semaphore, #tpu.memory_space<semaphore_mem>>) src(%dma_wait3A_370 : memref<10000x128xf32, #tpu.memory_space<hbm>>) dst(%arg21 : memref<80x128xf32, #tpu.memory_space<vmem>>)
      %dma_start3A_371 = arith.constant 0 : i32
      %dma_start3A_372 = arith.constant 0 : i32
      %dma_start3A_373 = tpu.memref_slice %arg22[%dma_start3A_371, %dma_start3A_372] : memref<10112x128xf32, #tpu.memory_space<vmem_shared>> -> memref<10112x128xf32, #tpu.memory_space<vmem_shared>>
      tpu.enqueue_indirect_dma source(%arg21 : memref<80x128xf32, #tpu.memory_space<vmem>>) target(%dma_start3A_373 : memref<10112x128xf32, #tpu.memory_space<vmem_shared>>) offsets(%arg15 : memref<80xi32, #tpu.memory_space<vmem>>) semaphore(%arg28 : memref<!tpu.dma_semaphore, #tpu.memory_space<semaphore_mem>>) {add = true}
      %dma_wait3A_374 = arith.constant 0 : i32
      %dma_wait3A_375 = arith.constant 0 : i32
      %dma_wait3A_376 = tpu.memref_slice %arg22[%dma_wait3A_374, %dma_wait3A_375] : memref<10112x128xf32, #tpu.memory_space<vmem_shared>> -> memref<10112x128xf32, #tpu.memory_space<vmem_shared>>
      tpu.wait_indirect_dma semaphore(%arg27 : memref<!tpu.dma_semaphore, #tpu.memory_space<semaphore_mem>>) src(%arg20 : memref<80x128xf32, #tpu.memory_space<vmem>>) dst(%dma_wait3A_376 : memref<10112x128xf32, #tpu.memory_space<vmem_shared>>)
      %add3A_377 = arith.constant 2 : i32
      %add3A_378 = arith.addi %add3A_367, %add3A_377 : i32
      %mul3A_379 = arith.constant 80 : i32
      %mul3A_380 = arith.muli %add3A_378, %mul3A_379 : i32
      %add3A_381 = arith.addi %mul3A_4, %mul3A_380 : i32
      %multiple_of3A_382 = tpu.assume_multiple %add3A_381, 8 : i32
      %dma_wait3A_383 = tpu.memref_slice %arg3[%multiple_of3A_382] : memref<320000xi32, #tpu.memory_space<hbm>> -> memref<80xi32, #tpu.memory_space<hbm>>
      %dma_wait3A_384 = tpu.memref_slice %arg3[%multiple_of3A_382] : memref<320000xi32, #tpu.memory_space<hbm>> -> memref<80xi32, #tpu.memory_space<hbm>>
      tpu.wait_dma2 semaphore(%arg33 : memref<!tpu.dma_semaphore, #tpu.memory_space<semaphore_mem>>) src(%dma_wait3A_384 : memref<80xi32, #tpu.memory_space<hbm>>) dst(%arg11 : memref<80xi32, #tpu.memory_space<vmem>>)
      %dma_wait3A_385 = tpu.memref_slice %arg4[%multiple_of3A_382] : memref<320000xi32, #tpu.memory_space<hbm>> -> memref<80xi32, #tpu.memory_space<hbm>>
      %dma_wait3A_386 = tpu.memref_slice %arg4[%multiple_of3A_382] : memref<320000xi32, #tpu.memory_space<hbm>> -> memref<80xi32, #tpu.memory_space<hbm>>
      tpu.wait_dma2 semaphore(%arg39 : memref<!tpu.dma_semaphore, #tpu.memory_space<semaphore_mem>>) src(%dma_wait3A_386 : memref<80xi32, #tpu.memory_space<hbm>>) dst(%arg17 : memref<80xi32, #tpu.memory_space<vmem>>)
      %dma_start3A_387 = arith.constant 0 : i32
      %dma_start3A_388 = arith.constant 0 : i32
      %dma_start3A_389 = tpu.memref_slice %arg2[%dma_start3A_387, %dma_start3A_388] : memref<10000x128xf32, #tpu.memory_space<hbm>> -> memref<10000x128xf32, #tpu.memory_space<hbm>>
      tpu.enqueue_indirect_dma source(%dma_start3A_389 : memref<10000x128xf32, #tpu.memory_space<hbm>>) target(%arg20 : memref<80x128xf32, #tpu.memory_space<vmem>>) offsets(%arg11 : memref<80xi32, #tpu.memory_space<vmem>>) semaphore(%arg24 : memref<!tpu.dma_semaphore, #tpu.memory_space<semaphore_mem>>)
      %add3A_390 = arith.constant 4 : i32
      %add3A_391 = arith.addi %add3A_367, %add3A_390 : i32
      %mul3A_392 = arith.constant 80 : i32
      %mul3A_393 = arith.muli %add3A_391, %mul3A_392 : i32
      %add3A_394 = arith.addi %mul3A_4, %mul3A_393 : i32
      %multiple_of3A_395 = tpu.assume_multiple %add3A_394, 8 : i32
      %dma_start3A_396 = tpu.memref_slice %arg3[%multiple_of3A_395] : memref<320000xi32, #tpu.memory_space<hbm>> -> memref<80xi32, #tpu.memory_space<hbm>>
      %dma_start3A_397 = tpu.memref_slice %arg3[%multiple_of3A_395] : memref<320000xi32, #tpu.memory_space<hbm>> -> memref<80xi32, #tpu.memory_space<hbm>>
      tpu.enqueue_dma source(%dma_start3A_397 : memref<80xi32, #tpu.memory_space<hbm>>) target(%arg7 : memref<80xi32, #tpu.memory_space<vmem>>) target_semaphore(%arg29 : memref<!tpu.dma_semaphore, #tpu.memory_space<semaphore_mem>>)
      %dma_start3A_398 = tpu.memref_slice %arg4[%multiple_of3A_395] : memref<320000xi32, #tpu.memory_space<hbm>> -> memref<80xi32, #tpu.memory_space<hbm>>
      %dma_start3A_399 = tpu.memref_slice %arg4[%multiple_of3A_395] : memref<320000xi32, #tpu.memory_space<hbm>> -> memref<80xi32, #tpu.memory_space<hbm>>
      tpu.enqueue_dma source(%dma_start3A_399 : memref<80xi32, #tpu.memory_space<hbm>>) target(%arg13 : memref<80xi32, #tpu.memory_space<vmem>>) target_semaphore(%arg35 : memref<!tpu.dma_semaphore, #tpu.memory_space<semaphore_mem>>)
      %add3A_400 = arith.constant 3 : i32
      %add3A_401 = arith.addi %mul3A_297, %add3A_400 : i32
      %dma_wait3A_402 = arith.constant 0 : i32
      %dma_wait3A_403 = arith.constant 0 : i32
      %dma_wait3A_404 = tpu.memref_slice %arg2[%dma_wait3A_402, %dma_wait3A_403] : memref<10000x128xf32, #tpu.memory_space<hbm>> -> memref<10000x128xf32, #tpu.memory_space<hbm>>
      tpu.wait_indirect_dma semaphore(%arg23 : memref<!tpu.dma_semaphore, #tpu.memory_space<semaphore_mem>>) src(%dma_wait3A_404 : memref<10000x128xf32, #tpu.memory_space<hbm>>) dst(%arg19 : memref<80x128xf32, #tpu.memory_space<vmem>>)
      %dma_start3A_405 = arith.constant 0 : i32
      %dma_start3A_406 = arith.constant 0 : i32
      %dma_start3A_407 = tpu.memref_slice %arg22[%dma_start3A_405, %dma_start3A_406] : memref<10112x128xf32, #tpu.memory_space<vmem_shared>> -> memref<10112x128xf32, #tpu.memory_space<vmem_shared>>
      tpu.enqueue_indirect_dma source(%arg19 : memref<80x128xf32, #tpu.memory_space<vmem>>) target(%dma_start3A_407 : memref<10112x128xf32, #tpu.memory_space<vmem_shared>>) offsets(%arg16 : memref<80xi32, #tpu.memory_space<vmem>>) semaphore(%arg26 : memref<!tpu.dma_semaphore, #tpu.memory_space<semaphore_mem>>) {add = true}
      %dma_wait3A_408 = arith.constant 0 : i32
      %dma_wait3A_409 = arith.constant 0 : i32
      %dma_wait3A_410 = tpu.memref_slice %arg22[%dma_wait3A_408, %dma_wait3A_409] : memref<10112x128xf32, #tpu.memory_space<vmem_shared>> -> memref<10112x128xf32, #tpu.memory_space<vmem_shared>>
      tpu.wait_indirect_dma semaphore(%arg28 : memref<!tpu.dma_semaphore, #tpu.memory_space<semaphore_mem>>) src(%arg21 : memref<80x128xf32, #tpu.memory_space<vmem>>) dst(%dma_wait3A_410 : memref<10112x128xf32, #tpu.memory_space<vmem_shared>>)
      %add3A_411 = arith.constant 2 : i32
      %add3A_412 = arith.addi %add3A_401, %add3A_411 : i32
      %mul3A_413 = arith.constant 80 : i32
      %mul3A_414 = arith.muli %add3A_412, %mul3A_413 : i32
      %add3A_415 = arith.addi %mul3A_4, %mul3A_414 : i32
      %multiple_of3A_416 = tpu.assume_multiple %add3A_415, 8 : i32
      %dma_wait3A_417 = tpu.memref_slice %arg3[%multiple_of3A_416] : memref<320000xi32, #tpu.memory_space<hbm>> -> memref<80xi32, #tpu.memory_space<hbm>>
      %dma_wait3A_418 = tpu.memref_slice %arg3[%multiple_of3A_416] : memref<320000xi32, #tpu.memory_space<hbm>> -> memref<80xi32, #tpu.memory_space<hbm>>
      tpu.wait_dma2 semaphore(%arg34 : memref<!tpu.dma_semaphore, #tpu.memory_space<semaphore_mem>>) src(%dma_wait3A_418 : memref<80xi32, #tpu.memory_space<hbm>>) dst(%arg12 : memref<80xi32, #tpu.memory_space<vmem>>)
      %dma_wait3A_419 = tpu.memref_slice %arg4[%multiple_of3A_416] : memref<320000xi32, #tpu.memory_space<hbm>> -> memref<80xi32, #tpu.memory_space<hbm>>
      %dma_wait3A_420 = tpu.memref_slice %arg4[%multiple_of3A_416] : memref<320000xi32, #tpu.memory_space<hbm>> -> memref<80xi32, #tpu.memory_space<hbm>>
      tpu.wait_dma2 semaphore(%arg40 : memref<!tpu.dma_semaphore, #tpu.memory_space<semaphore_mem>>) src(%dma_wait3A_420 : memref<80xi32, #tpu.memory_space<hbm>>) dst(%arg18 : memref<80xi32, #tpu.memory_space<vmem>>)
      %dma_start3A_421 = arith.constant 0 : i32
      %dma_start3A_422 = arith.constant 0 : i32
      %dma_start3A_423 = tpu.memref_slice %arg2[%dma_start3A_421, %dma_start3A_422] : memref<10000x128xf32, #tpu.memory_space<hbm>> -> memref<10000x128xf32, #tpu.memory_space<hbm>>
      tpu.enqueue_indirect_dma source(%dma_start3A_423 : memref<10000x128xf32, #tpu.memory_space<hbm>>) target(%arg21 : memref<80x128xf32, #tpu.memory_space<vmem>>) offsets(%arg12 : memref<80xi32, #tpu.memory_space<vmem>>) semaphore(%arg25 : memref<!tpu.dma_semaphore, #tpu.memory_space<semaphore_mem>>)
      %add3A_424 = arith.constant 4 : i32
      %add3A_425 = arith.addi %add3A_401, %add3A_424 : i32
      %mul3A_426 = arith.constant 80 : i32
      %mul3A_427 = arith.muli %add3A_425, %mul3A_426 : i32
      %add3A_428 = arith.addi %mul3A_4, %mul3A_427 : i32
      %multiple_of3A_429 = tpu.assume_multiple %add3A_428, 8 : i32
      %dma_start3A_430 = tpu.memref_slice %arg3[%multiple_of3A_429] : memref<320000xi32, #tpu.memory_space<hbm>> -> memref<80xi32, #tpu.memory_space<hbm>>
      %dma_start3A_431 = tpu.memref_slice %arg3[%multiple_of3A_429] : memref<320000xi32, #tpu.memory_space<hbm>> -> memref<80xi32, #tpu.memory_space<hbm>>
      tpu.enqueue_dma source(%dma_start3A_431 : memref<80xi32, #tpu.memory_space<hbm>>) target(%arg8 : memref<80xi32, #tpu.memory_space<vmem>>) target_semaphore(%arg30 : memref<!tpu.dma_semaphore, #tpu.memory_space<semaphore_mem>>)
      %dma_start3A_432 = tpu.memref_slice %arg4[%multiple_of3A_429] : memref<320000xi32, #tpu.memory_space<hbm>> -> memref<80xi32, #tpu.memory_space<hbm>>
      %dma_start3A_433 = tpu.memref_slice %arg4[%multiple_of3A_429] : memref<320000xi32, #tpu.memory_space<hbm>> -> memref<80xi32, #tpu.memory_space<hbm>>
      tpu.enqueue_dma source(%dma_start3A_433 : memref<80xi32, #tpu.memory_space<hbm>>) target(%arg14 : memref<80xi32, #tpu.memory_space<vmem>>) target_semaphore(%arg36 : memref<!tpu.dma_semaphore, #tpu.memory_space<semaphore_mem>>)
      %add3A_434 = arith.constant 4 : i32
      %add3A_435 = arith.addi %mul3A_297, %add3A_434 : i32
      %dma_wait3A_436 = arith.constant 0 : i32
      %dma_wait3A_437 = arith.constant 0 : i32
      %dma_wait3A_438 = tpu.memref_slice %arg2[%dma_wait3A_436, %dma_wait3A_437] : memref<10000x128xf32, #tpu.memory_space<hbm>> -> memref<10000x128xf32, #tpu.memory_space<hbm>>
      tpu.wait_indirect_dma semaphore(%arg24 : memref<!tpu.dma_semaphore, #tpu.memory_space<semaphore_mem>>) src(%dma_wait3A_438 : memref<10000x128xf32, #tpu.memory_space<hbm>>) dst(%arg20 : memref<80x128xf32, #tpu.memory_space<vmem>>)
      %dma_start3A_439 = arith.constant 0 : i32
      %dma_start3A_440 = arith.constant 0 : i32
      %dma_start3A_441 = tpu.memref_slice %arg22[%dma_start3A_439, %dma_start3A_440] : memref<10112x128xf32, #tpu.memory_space<vmem_shared>> -> memref<10112x128xf32, #tpu.memory_space<vmem_shared>>
      tpu.enqueue_indirect_dma source(%arg20 : memref<80x128xf32, #tpu.memory_space<vmem>>) target(%dma_start3A_441 : memref<10112x128xf32, #tpu.memory_space<vmem_shared>>) offsets(%arg17 : memref<80xi32, #tpu.memory_space<vmem>>) semaphore(%arg27 : memref<!tpu.dma_semaphore, #tpu.memory_space<semaphore_mem>>) {add = true}
      %dma_wait3A_442 = arith.constant 0 : i32
      %dma_wait3A_443 = arith.constant 0 : i32
      %dma_wait3A_444 = tpu.memref_slice %arg22[%dma_wait3A_442, %dma_wait3A_443] : memref<10112x128xf32, #tpu.memory_space<vmem_shared>> -> memref<10112x128xf32, #tpu.memory_space<vmem_shared>>
      tpu.wait_indirect_dma semaphore(%arg26 : memref<!tpu.dma_semaphore, #tpu.memory_space<semaphore_mem>>) src(%arg19 : memref<80x128xf32, #tpu.memory_space<vmem>>) dst(%dma_wait3A_444 : memref<10112x128xf32, #tpu.memory_space<vmem_shared>>)
      %add3A_445 = arith.constant 2 : i32
      %add3A_446 = arith.addi %add3A_435, %add3A_445 : i32
      %mul3A_447 = arith.constant 80 : i32
      %mul3A_448 = arith.muli %add3A_446, %mul3A_447 : i32
      %add3A_449 = arith.addi %mul3A_4, %mul3A_448 : i32
      %multiple_of3A_450 = tpu.assume_multiple %add3A_449, 8 : i32
      %dma_wait3A_451 = tpu.memref_slice %arg3[%multiple_of3A_450] : memref<320000xi32, #tpu.memory_space<hbm>> -> memref<80xi32, #tpu.memory_space<hbm>>
      %dma_wait3A_452 = tpu.memref_slice %arg3[%multiple_of3A_450] : memref<320000xi32, #tpu.memory_space<hbm>> -> memref<80xi32, #tpu.memory_space<hbm>>
      tpu.wait_dma2 semaphore(%arg29 : memref<!tpu.dma_semaphore, #tpu.memory_space<semaphore_mem>>) src(%dma_wait3A_452 : memref<80xi32, #tpu.memory_space<hbm>>) dst(%arg7 : memref<80xi32, #tpu.memory_space<vmem>>)
      %dma_wait3A_453 = tpu.memref_slice %arg4[%multiple_of3A_450] : memref<320000xi32, #tpu.memory_space<hbm>> -> memref<80xi32, #tpu.memory_space<hbm>>
      %dma_wait3A_454 = tpu.memref_slice %arg4[%multiple_of3A_450] : memref<320000xi32, #tpu.memory_space<hbm>> -> memref<80xi32, #tpu.memory_space<hbm>>
      tpu.wait_dma2 semaphore(%arg35 : memref<!tpu.dma_semaphore, #tpu.memory_space<semaphore_mem>>) src(%dma_wait3A_454 : memref<80xi32, #tpu.memory_space<hbm>>) dst(%arg13 : memref<80xi32, #tpu.memory_space<vmem>>)
      %dma_start3A_455 = arith.constant 0 : i32
      %dma_start3A_456 = arith.constant 0 : i32
      %dma_start3A_457 = tpu.memref_slice %arg2[%dma_start3A_455, %dma_start3A_456] : memref<10000x128xf32, #tpu.memory_space<hbm>> -> memref<10000x128xf32, #tpu.memory_space<hbm>>
      tpu.enqueue_indirect_dma source(%dma_start3A_457 : memref<10000x128xf32, #tpu.memory_space<hbm>>) target(%arg19 : memref<80x128xf32, #tpu.memory_space<vmem>>) offsets(%arg7 : memref<80xi32, #tpu.memory_space<vmem>>) semaphore(%arg23 : memref<!tpu.dma_semaphore, #tpu.memory_space<semaphore_mem>>)
      %add3A_458 = arith.constant 4 : i32
      %add3A_459 = arith.addi %add3A_435, %add3A_458 : i32
      %mul3A_460 = arith.constant 80 : i32
      %mul3A_461 = arith.muli %add3A_459, %mul3A_460 : i32
      %add3A_462 = arith.addi %mul3A_4, %mul3A_461 : i32
      %multiple_of3A_463 = tpu.assume_multiple %add3A_462, 8 : i32
      %dma_start3A_464 = tpu.memref_slice %arg3[%multiple_of3A_463] : memref<320000xi32, #tpu.memory_space<hbm>> -> memref<80xi32, #tpu.memory_space<hbm>>
      %dma_start3A_465 = tpu.memref_slice %arg3[%multiple_of3A_463] : memref<320000xi32, #tpu.memory_space<hbm>> -> memref<80xi32, #tpu.memory_space<hbm>>
      tpu.enqueue_dma source(%dma_start3A_465 : memref<80xi32, #tpu.memory_space<hbm>>) target(%arg9 : memref<80xi32, #tpu.memory_space<vmem>>) target_semaphore(%arg31 : memref<!tpu.dma_semaphore, #tpu.memory_space<semaphore_mem>>)
      %dma_start3A_466 = tpu.memref_slice %arg4[%multiple_of3A_463] : memref<320000xi32, #tpu.memory_space<hbm>> -> memref<80xi32, #tpu.memory_space<hbm>>
      %dma_start3A_467 = tpu.memref_slice %arg4[%multiple_of3A_463] : memref<320000xi32, #tpu.memory_space<hbm>> -> memref<80xi32, #tpu.memory_space<hbm>>
      tpu.enqueue_dma source(%dma_start3A_467 : memref<80xi32, #tpu.memory_space<hbm>>) target(%arg15 : memref<80xi32, #tpu.memory_space<vmem>>) target_semaphore(%arg37 : memref<!tpu.dma_semaphore, #tpu.memory_space<semaphore_mem>>)
      %add3A_468 = arith.constant 5 : i32
      %add3A_469 = arith.addi %mul3A_297, %add3A_468 : i32
      %dma_wait3A_470 = arith.constant 0 : i32
      %dma_wait3A_471 = arith.constant 0 : i32
      %dma_wait3A_472 = tpu.memref_slice %arg2[%dma_wait3A_470, %dma_wait3A_471] : memref<10000x128xf32, #tpu.memory_space<hbm>> -> memref<10000x128xf32, #tpu.memory_space<hbm>>
      tpu.wait_indirect_dma semaphore(%arg25 : memref<!tpu.dma_semaphore, #tpu.memory_space<semaphore_mem>>) src(%dma_wait3A_472 : memref<10000x128xf32, #tpu.memory_space<hbm>>) dst(%arg21 : memref<80x128xf32, #tpu.memory_space<vmem>>)
      %dma_start3A_473 = arith.constant 0 : i32
      %dma_start3A_474 = arith.constant 0 : i32
      %dma_start3A_475 = tpu.memref_slice %arg22[%dma_start3A_473, %dma_start3A_474] : memref<10112x128xf32, #tpu.memory_space<vmem_shared>> -> memref<10112x128xf32, #tpu.memory_space<vmem_shared>>
      tpu.enqueue_indirect_dma source(%arg21 : memref<80x128xf32, #tpu.memory_space<vmem>>) target(%dma_start3A_475 : memref<10112x128xf32, #tpu.memory_space<vmem_shared>>) offsets(%arg18 : memref<80xi32, #tpu.memory_space<vmem>>) semaphore(%arg28 : memref<!tpu.dma_semaphore, #tpu.memory_space<semaphore_mem>>) {add = true}
      %dma_wait3A_476 = arith.constant 0 : i32
      %dma_wait3A_477 = arith.constant 0 : i32
      %dma_wait3A_478 = tpu.memref_slice %arg22[%dma_wait3A_476, %dma_wait3A_477] : memref<10112x128xf32, #tpu.memory_space<vmem_shared>> -> memref<10112x128xf32, #tpu.memory_space<vmem_shared>>
      tpu.wait_indirect_dma semaphore(%arg27 : memref<!tpu.dma_semaphore, #tpu.memory_space<semaphore_mem>>) src(%arg20 : memref<80x128xf32, #tpu.memory_space<vmem>>) dst(%dma_wait3A_478 : memref<10112x128xf32, #tpu.memory_space<vmem_shared>>)
      %add3A_479 = arith.constant 2 : i32
      %add3A_480 = arith.addi %add3A_469, %add3A_479 : i32
      %mul3A_481 = arith.constant 80 : i32
      %mul3A_482 = arith.muli %add3A_480, %mul3A_481 : i32
      %add3A_483 = arith.addi %mul3A_4, %mul3A_482 : i32
      %multiple_of3A_484 = tpu.assume_multiple %add3A_483, 8 : i32
      %dma_wait3A_485 = tpu.memref_slice %arg3[%multiple_of3A_484] : memref<320000xi32, #tpu.memory_space<hbm>> -> memref<80xi32, #tpu.memory_space<hbm>>
      %dma_wait3A_486 = tpu.memref_slice %arg3[%multiple_of3A_484] : memref<320000xi32, #tpu.memory_space<hbm>> -> memref<80xi32, #tpu.memory_space<hbm>>
      tpu.wait_dma2 semaphore(%arg30 : memref<!tpu.dma_semaphore, #tpu.memory_space<semaphore_mem>>) src(%dma_wait3A_486 : memref<80xi32, #tpu.memory_space<hbm>>) dst(%arg8 : memref<80xi32, #tpu.memory_space<vmem>>)
      %dma_wait3A_487 = tpu.memref_slice %arg4[%multiple_of3A_484] : memref<320000xi32, #tpu.memory_space<hbm>> -> memref<80xi32, #tpu.memory_space<hbm>>
      %dma_wait3A_488 = tpu.memref_slice %arg4[%multiple_of3A_484] : memref<320000xi32, #tpu.memory_space<hbm>> -> memref<80xi32, #tpu.memory_space<hbm>>
      tpu.wait_dma2 semaphore(%arg36 : memref<!tpu.dma_semaphore, #tpu.memory_space<semaphore_mem>>) src(%dma_wait3A_488 : memref<80xi32, #tpu.memory_space<hbm>>) dst(%arg14 : memref<80xi32, #tpu.memory_space<vmem>>)
      %dma_start3A_489 = arith.constant 0 : i32
      %dma_start3A_490 = arith.constant 0 : i32
      %dma_start3A_491 = tpu.memref_slice %arg2[%dma_start3A_489, %dma_start3A_490] : memref<10000x128xf32, #tpu.memory_space<hbm>> -> memref<10000x128xf32, #tpu.memory_space<hbm>>
      tpu.enqueue_indirect_dma source(%dma_start3A_491 : memref<10000x128xf32, #tpu.memory_space<hbm>>) target(%arg20 : memref<80x128xf32, #tpu.memory_space<vmem>>) offsets(%arg8 : memref<80xi32, #tpu.memory_space<vmem>>) semaphore(%arg24 : memref<!tpu.dma_semaphore, #tpu.memory_space<semaphore_mem>>)
      %add3A_492 = arith.constant 4 : i32
      %add3A_493 = arith.addi %add3A_469, %add3A_492 : i32
      %mul3A_494 = arith.constant 80 : i32
      %mul3A_495 = arith.muli %add3A_493, %mul3A_494 : i32
      %add3A_496 = arith.addi %mul3A_4, %mul3A_495 : i32
      %multiple_of3A_497 = tpu.assume_multiple %add3A_496, 8 : i32
      %dma_start3A_498 = tpu.memref_slice %arg3[%multiple_of3A_497] : memref<320000xi32, #tpu.memory_space<hbm>> -> memref<80xi32, #tpu.memory_space<hbm>>
      %dma_start3A_499 = tpu.memref_slice %arg3[%multiple_of3A_497] : memref<320000xi32, #tpu.memory_space<hbm>> -> memref<80xi32, #tpu.memory_space<hbm>>
      tpu.enqueue_dma source(%dma_start3A_499 : memref<80xi32, #tpu.memory_space<hbm>>) target(%arg10 : memref<80xi32, #tpu.memory_space<vmem>>) target_semaphore(%arg32 : memref<!tpu.dma_semaphore, #tpu.memory_space<semaphore_mem>>)
      %dma_start3A_500 = tpu.memref_slice %arg4[%multiple_of3A_497] : memref<320000xi32, #tpu.memory_space<hbm>> -> memref<80xi32, #tpu.memory_space<hbm>>
      %dma_start3A_501 = tpu.memref_slice %arg4[%multiple_of3A_497] : memref<320000xi32, #tpu.memory_space<hbm>> -> memref<80xi32, #tpu.memory_space<hbm>>
      tpu.enqueue_dma source(%dma_start3A_501 : memref<80xi32, #tpu.memory_space<hbm>>) target(%arg16 : memref<80xi32, #tpu.memory_space<vmem>>) target_semaphore(%arg38 : memref<!tpu.dma_semaphore, #tpu.memory_space<semaphore_mem>>)
    }
    %scan3A_208 = arith.constant 19 : i32
    %dma_wait3A_209 = arith.constant 0 : i32
    %dma_wait3A_210 = arith.constant 0 : i32
    %dma_wait3A_211 = tpu.memref_slice %arg2[%dma_wait3A_209, %dma_wait3A_210] : memref<10000x128xf32, #tpu.memory_space<hbm>> -> memref<10000x128xf32, #tpu.memory_space<hbm>>
    tpu.wait_indirect_dma semaphore(%arg23 : memref<!tpu.dma_semaphore, #tpu.memory_space<semaphore_mem>>) src(%dma_wait3A_211 : memref<10000x128xf32, #tpu.memory_space<hbm>>) dst(%arg19 : memref<80x128xf32, #tpu.memory_space<vmem>>)
    %dma_start3A_212 = arith.constant 0 : i32
    %dma_start3A_213 = arith.constant 0 : i32
    %dma_start3A_214 = tpu.memref_slice %arg22[%dma_start3A_212, %dma_start3A_213] : memref<10112x128xf32, #tpu.memory_space<vmem_shared>> -> memref<10112x128xf32, #tpu.memory_space<vmem_shared>>
    tpu.enqueue_indirect_dma source(%arg19 : memref<80x128xf32, #tpu.memory_space<vmem>>) target(%dma_start3A_214 : memref<10112x128xf32, #tpu.memory_space<vmem_shared>>) offsets(%arg13 : memref<80xi32, #tpu.memory_space<vmem>>) semaphore(%arg26 : memref<!tpu.dma_semaphore, #tpu.memory_space<semaphore_mem>>) {add = true}
    %dma_wait3A_215 = arith.constant 0 : i32
    %dma_wait3A_216 = arith.constant 0 : i32
    %dma_wait3A_217 = tpu.memref_slice %arg22[%dma_wait3A_215, %dma_wait3A_216] : memref<10112x128xf32, #tpu.memory_space<vmem_shared>> -> memref<10112x128xf32, #tpu.memory_space<vmem_shared>>
    tpu.wait_indirect_dma semaphore(%arg28 : memref<!tpu.dma_semaphore, #tpu.memory_space<semaphore_mem>>) src(%arg21 : memref<80x128xf32, #tpu.memory_space<vmem>>) dst(%dma_wait3A_217 : memref<10112x128xf32, #tpu.memory_space<vmem_shared>>)
    %add3A_218 = arith.constant 9760 : i32
    %add3A_219 = arith.addi %mul3A_4, %add3A_218 : i32
    %multiple_of3A_220 = tpu.assume_multiple %add3A_219, 8 : i32
    %dma_wait3A_221 = tpu.memref_slice %arg3[%multiple_of3A_220] : memref<320000xi32, #tpu.memory_space<hbm>> -> memref<80xi32, #tpu.memory_space<hbm>>
    %dma_wait3A_222 = tpu.memref_slice %arg3[%multiple_of3A_220] : memref<320000xi32, #tpu.memory_space<hbm>> -> memref<80xi32, #tpu.memory_space<hbm>>
    tpu.wait_dma2 semaphore(%arg31 : memref<!tpu.dma_semaphore, #tpu.memory_space<semaphore_mem>>) src(%dma_wait3A_222 : memref<80xi32, #tpu.memory_space<hbm>>) dst(%arg9 : memref<80xi32, #tpu.memory_space<vmem>>)
    %dma_wait3A_223 = tpu.memref_slice %arg4[%multiple_of3A_220] : memref<320000xi32, #tpu.memory_space<hbm>> -> memref<80xi32, #tpu.memory_space<hbm>>
    %dma_wait3A_224 = tpu.memref_slice %arg4[%multiple_of3A_220] : memref<320000xi32, #tpu.memory_space<hbm>> -> memref<80xi32, #tpu.memory_space<hbm>>
    tpu.wait_dma2 semaphore(%arg37 : memref<!tpu.dma_semaphore, #tpu.memory_space<semaphore_mem>>) src(%dma_wait3A_224 : memref<80xi32, #tpu.memory_space<hbm>>) dst(%arg15 : memref<80xi32, #tpu.memory_space<vmem>>)
    %dma_start3A_225 = arith.constant 0 : i32
    %dma_start3A_226 = arith.constant 0 : i32
    %dma_start3A_227 = tpu.memref_slice %arg2[%dma_start3A_225, %dma_start3A_226] : memref<10000x128xf32, #tpu.memory_space<hbm>> -> memref<10000x128xf32, #tpu.memory_space<hbm>>
    tpu.enqueue_indirect_dma source(%dma_start3A_227 : memref<10000x128xf32, #tpu.memory_space<hbm>>) target(%arg21 : memref<80x128xf32, #tpu.memory_space<vmem>>) offsets(%arg9 : memref<80xi32, #tpu.memory_space<vmem>>) semaphore(%arg25 : memref<!tpu.dma_semaphore, #tpu.memory_space<semaphore_mem>>)
    %add3A_228 = arith.constant 9920 : i32
    %add3A_229 = arith.addi %mul3A_4, %add3A_228 : i32
    %multiple_of3A_230 = tpu.assume_multiple %add3A_229, 8 : i32
    %dma_start3A_231 = tpu.memref_slice %arg3[%multiple_of3A_230] : memref<320000xi32, #tpu.memory_space<hbm>> -> memref<80xi32, #tpu.memory_space<hbm>>
    %dma_start3A_232 = tpu.memref_slice %arg3[%multiple_of3A_230] : memref<320000xi32, #tpu.memory_space<hbm>> -> memref<80xi32, #tpu.memory_space<hbm>>
    tpu.enqueue_dma source(%dma_start3A_232 : memref<80xi32, #tpu.memory_space<hbm>>) target(%arg11 : memref<80xi32, #tpu.memory_space<vmem>>) target_semaphore(%arg33 : memref<!tpu.dma_semaphore, #tpu.memory_space<semaphore_mem>>)
    %dma_start3A_233 = tpu.memref_slice %arg4[%multiple_of3A_230] : memref<320000xi32, #tpu.memory_space<hbm>> -> memref<80xi32, #tpu.memory_space<hbm>>
    %dma_start3A_234 = tpu.memref_slice %arg4[%multiple_of3A_230] : memref<320000xi32, #tpu.memory_space<hbm>> -> memref<80xi32, #tpu.memory_space<hbm>>
    tpu.enqueue_dma source(%dma_start3A_234 : memref<80xi32, #tpu.memory_space<hbm>>) target(%arg17 : memref<80xi32, #tpu.memory_space<vmem>>) target_semaphore(%arg39 : memref<!tpu.dma_semaphore, #tpu.memory_space<semaphore_mem>>)
    %dma_wait3A_235 = arith.constant 0 : i32
    %dma_wait3A_236 = arith.constant 0 : i32
    %dma_wait3A_237 = tpu.memref_slice %arg2[%dma_wait3A_235, %dma_wait3A_236] : memref<10000x128xf32, #tpu.memory_space<hbm>> -> memref<10000x128xf32, #tpu.memory_space<hbm>>
    tpu.wait_indirect_dma semaphore(%arg24 : memref<!tpu.dma_semaphore, #tpu.memory_space<semaphore_mem>>) src(%dma_wait3A_237 : memref<10000x128xf32, #tpu.memory_space<hbm>>) dst(%arg20 : memref<80x128xf32, #tpu.memory_space<vmem>>)
    %dma_start3A_238 = arith.constant 0 : i32
    %dma_start3A_239 = arith.constant 0 : i32
    %dma_start3A_240 = tpu.memref_slice %arg22[%dma_start3A_238, %dma_start3A_239] : memref<10112x128xf32, #tpu.memory_space<vmem_shared>> -> memref<10112x128xf32, #tpu.memory_space<vmem_shared>>
    tpu.enqueue_indirect_dma source(%arg20 : memref<80x128xf32, #tpu.memory_space<vmem>>) target(%dma_start3A_240 : memref<10112x128xf32, #tpu.memory_space<vmem_shared>>) offsets(%arg14 : memref<80xi32, #tpu.memory_space<vmem>>) semaphore(%arg27 : memref<!tpu.dma_semaphore, #tpu.memory_space<semaphore_mem>>) {add = true}
    %dma_wait3A_241 = arith.constant 0 : i32
    %dma_wait3A_242 = arith.constant 0 : i32
    %dma_wait3A_243 = tpu.memref_slice %arg22[%dma_wait3A_241, %dma_wait3A_242] : memref<10112x128xf32, #tpu.memory_space<vmem_shared>> -> memref<10112x128xf32, #tpu.memory_space<vmem_shared>>
    tpu.wait_indirect_dma semaphore(%arg26 : memref<!tpu.dma_semaphore, #tpu.memory_space<semaphore_mem>>) src(%arg19 : memref<80x128xf32, #tpu.memory_space<vmem>>) dst(%dma_wait3A_243 : memref<10112x128xf32, #tpu.memory_space<vmem_shared>>)
    %add3A_244 = arith.constant 9840 : i32
    %add3A_245 = arith.addi %mul3A_4, %add3A_244 : i32
    %multiple_of3A_246 = tpu.assume_multiple %add3A_245, 8 : i32
    %dma_wait3A_247 = tpu.memref_slice %arg3[%multiple_of3A_246] : memref<320000xi32, #tpu.memory_space<hbm>> -> memref<80xi32, #tpu.memory_space<hbm>>
    %dma_wait3A_248 = tpu.memref_slice %arg3[%multiple_of3A_246] : memref<320000xi32, #tpu.memory_space<hbm>> -> memref<80xi32, #tpu.memory_space<hbm>>
    tpu.wait_dma2 semaphore(%arg32 : memref<!tpu.dma_semaphore, #tpu.memory_space<semaphore_mem>>) src(%dma_wait3A_248 : memref<80xi32, #tpu.memory_space<hbm>>) dst(%arg10 : memref<80xi32, #tpu.memory_space<vmem>>)
    %dma_wait3A_249 = tpu.memref_slice %arg4[%multiple_of3A_246] : memref<320000xi32, #tpu.memory_space<hbm>> -> memref<80xi32, #tpu.memory_space<hbm>>
    %dma_wait3A_250 = tpu.memref_slice %arg4[%multiple_of3A_246] : memref<320000xi32, #tpu.memory_space<hbm>> -> memref<80xi32, #tpu.memory_space<hbm>>
    tpu.wait_dma2 semaphore(%arg38 : memref<!tpu.dma_semaphore, #tpu.memory_space<semaphore_mem>>) src(%dma_wait3A_250 : memref<80xi32, #tpu.memory_space<hbm>>) dst(%arg16 : memref<80xi32, #tpu.memory_space<vmem>>)
    %dma_start3A_251 = arith.constant 0 : i32
    %dma_start3A_252 = arith.constant 0 : i32
    %dma_start3A_253 = tpu.memref_slice %arg2[%dma_start3A_251, %dma_start3A_252] : memref<10000x128xf32, #tpu.memory_space<hbm>> -> memref<10000x128xf32, #tpu.memory_space<hbm>>
    tpu.enqueue_indirect_dma source(%dma_start3A_253 : memref<10000x128xf32, #tpu.memory_space<hbm>>) target(%arg19 : memref<80x128xf32, #tpu.memory_space<vmem>>) offsets(%arg10 : memref<80xi32, #tpu.memory_space<vmem>>) semaphore(%arg23 : memref<!tpu.dma_semaphore, #tpu.memory_space<semaphore_mem>>)
    %dma_wait3A_254 = arith.constant 0 : i32
    %dma_wait3A_255 = arith.constant 0 : i32
    %dma_wait3A_256 = tpu.memref_slice %arg2[%dma_wait3A_254, %dma_wait3A_255] : memref<10000x128xf32, #tpu.memory_space<hbm>> -> memref<10000x128xf32, #tpu.memory_space<hbm>>
    tpu.wait_indirect_dma semaphore(%arg25 : memref<!tpu.dma_semaphore, #tpu.memory_space<semaphore_mem>>) src(%dma_wait3A_256 : memref<10000x128xf32, #tpu.memory_space<hbm>>) dst(%arg21 : memref<80x128xf32, #tpu.memory_space<vmem>>)
    %dma_start3A_257 = arith.constant 0 : i32
    %dma_start3A_258 = arith.constant 0 : i32
    %dma_start3A_259 = tpu.memref_slice %arg22[%dma_start3A_257, %dma_start3A_258] : memref<10112x128xf32, #tpu.memory_space<vmem_shared>> -> memref<10112x128xf32, #tpu.memory_space<vmem_shared>>
    tpu.enqueue_indirect_dma source(%arg21 : memref<80x128xf32, #tpu.memory_space<vmem>>) target(%dma_start3A_259 : memref<10112x128xf32, #tpu.memory_space<vmem_shared>>) offsets(%arg15 : memref<80xi32, #tpu.memory_space<vmem>>) semaphore(%arg28 : memref<!tpu.dma_semaphore, #tpu.memory_space<semaphore_mem>>) {add = true}
    %dma_wait3A_260 = arith.constant 0 : i32
    %dma_wait3A_261 = arith.constant 0 : i32
    %dma_wait3A_262 = tpu.memref_slice %arg22[%dma_wait3A_260, %dma_wait3A_261] : memref<10112x128xf32, #tpu.memory_space<vmem_shared>> -> memref<10112x128xf32, #tpu.memory_space<vmem_shared>>
    tpu.wait_indirect_dma semaphore(%arg27 : memref<!tpu.dma_semaphore, #tpu.memory_space<semaphore_mem>>) src(%arg20 : memref<80x128xf32, #tpu.memory_space<vmem>>) dst(%dma_wait3A_262 : memref<10112x128xf32, #tpu.memory_space<vmem_shared>>)
    %add3A_263 = arith.constant 9920 : i32
    %add3A_264 = arith.addi %mul3A_4, %add3A_263 : i32
    %multiple_of3A_265 = tpu.assume_multiple %add3A_264, 8 : i32
    %dma_wait3A_266 = tpu.memref_slice %arg3[%multiple_of3A_265] : memref<320000xi32, #tpu.memory_space<hbm>> -> memref<80xi32, #tpu.memory_space<hbm>>
    %dma_wait3A_267 = tpu.memref_slice %arg3[%multiple_of3A_265] : memref<320000xi32, #tpu.memory_space<hbm>> -> memref<80xi32, #tpu.memory_space<hbm>>
    tpu.wait_dma2 semaphore(%arg33 : memref<!tpu.dma_semaphore, #tpu.memory_space<semaphore_mem>>) src(%dma_wait3A_267 : memref<80xi32, #tpu.memory_space<hbm>>) dst(%arg11 : memref<80xi32, #tpu.memory_space<vmem>>)
    %dma_wait3A_268 = tpu.memref_slice %arg4[%multiple_of3A_265] : memref<320000xi32, #tpu.memory_space<hbm>> -> memref<80xi32, #tpu.memory_space<hbm>>
    %dma_wait3A_269 = tpu.memref_slice %arg4[%multiple_of3A_265] : memref<320000xi32, #tpu.memory_space<hbm>> -> memref<80xi32, #tpu.memory_space<hbm>>
    tpu.wait_dma2 semaphore(%arg39 : memref<!tpu.dma_semaphore, #tpu.memory_space<semaphore_mem>>) src(%dma_wait3A_269 : memref<80xi32, #tpu.memory_space<hbm>>) dst(%arg17 : memref<80xi32, #tpu.memory_space<vmem>>)
    %dma_start3A_270 = arith.constant 0 : i32
    %dma_start3A_271 = arith.constant 0 : i32
    %dma_start3A_272 = tpu.memref_slice %arg2[%dma_start3A_270, %dma_start3A_271] : memref<10000x128xf32, #tpu.memory_space<hbm>> -> memref<10000x128xf32, #tpu.memory_space<hbm>>
    tpu.enqueue_indirect_dma source(%dma_start3A_272 : memref<10000x128xf32, #tpu.memory_space<hbm>>) target(%arg20 : memref<80x128xf32, #tpu.memory_space<vmem>>) offsets(%arg11 : memref<80xi32, #tpu.memory_space<vmem>>) semaphore(%arg24 : memref<!tpu.dma_semaphore, #tpu.memory_space<semaphore_mem>>)
    %dma_wait3A_273 = arith.constant 0 : i32
    %dma_wait3A_274 = arith.constant 0 : i32
    %dma_wait3A_275 = tpu.memref_slice %arg2[%dma_wait3A_273, %dma_wait3A_274] : memref<10000x128xf32, #tpu.memory_space<hbm>> -> memref<10000x128xf32, #tpu.memory_space<hbm>>
    tpu.wait_indirect_dma semaphore(%arg23 : memref<!tpu.dma_semaphore, #tpu.memory_space<semaphore_mem>>) src(%dma_wait3A_275 : memref<10000x128xf32, #tpu.memory_space<hbm>>) dst(%arg19 : memref<80x128xf32, #tpu.memory_space<vmem>>)
    %dma_start3A_276 = arith.constant 0 : i32
    %dma_start3A_277 = arith.constant 0 : i32
    %dma_start3A_278 = tpu.memref_slice %arg22[%dma_start3A_276, %dma_start3A_277] : memref<10112x128xf32, #tpu.memory_space<vmem_shared>> -> memref<10112x128xf32, #tpu.memory_space<vmem_shared>>
    tpu.enqueue_indirect_dma source(%arg19 : memref<80x128xf32, #tpu.memory_space<vmem>>) target(%dma_start3A_278 : memref<10112x128xf32, #tpu.memory_space<vmem_shared>>) offsets(%arg16 : memref<80xi32, #tpu.memory_space<vmem>>) semaphore(%arg26 : memref<!tpu.dma_semaphore, #tpu.memory_space<semaphore_mem>>) {add = true}
    %dma_wait3A_279 = arith.constant 0 : i32
    %dma_wait3A_280 = arith.constant 0 : i32
    %dma_wait3A_281 = tpu.memref_slice %arg22[%dma_wait3A_279, %dma_wait3A_280] : memref<10112x128xf32, #tpu.memory_space<vmem_shared>> -> memref<10112x128xf32, #tpu.memory_space<vmem_shared>>
    tpu.wait_indirect_dma semaphore(%arg28 : memref<!tpu.dma_semaphore, #tpu.memory_space<semaphore_mem>>) src(%arg21 : memref<80x128xf32, #tpu.memory_space<vmem>>) dst(%dma_wait3A_281 : memref<10112x128xf32, #tpu.memory_space<vmem_shared>>)
    %dma_wait3A_282 = arith.constant 0 : i32
    %dma_wait3A_283 = arith.constant 0 : i32
    %dma_wait3A_284 = tpu.memref_slice %arg2[%dma_wait3A_282, %dma_wait3A_283] : memref<10000x128xf32, #tpu.memory_space<hbm>> -> memref<10000x128xf32, #tpu.memory_space<hbm>>
    tpu.wait_indirect_dma semaphore(%arg24 : memref<!tpu.dma_semaphore, #tpu.memory_space<semaphore_mem>>) src(%dma_wait3A_284 : memref<10000x128xf32, #tpu.memory_space<hbm>>) dst(%arg20 : memref<80x128xf32, #tpu.memory_space<vmem>>)
    %dma_start3A_285 = arith.constant 0 : i32
    %dma_start3A_286 = arith.constant 0 : i32
    %dma_start3A_287 = tpu.memref_slice %arg22[%dma_start3A_285, %dma_start3A_286] : memref<10112x128xf32, #tpu.memory_space<vmem_shared>> -> memref<10112x128xf32, #tpu.memory_space<vmem_shared>>
    tpu.enqueue_indirect_dma source(%arg20 : memref<80x128xf32, #tpu.memory_space<vmem>>) target(%dma_start3A_287 : memref<10112x128xf32, #tpu.memory_space<vmem_shared>>) offsets(%arg17 : memref<80xi32, #tpu.memory_space<vmem>>) semaphore(%arg27 : memref<!tpu.dma_semaphore, #tpu.memory_space<semaphore_mem>>) {add = true}
    %dma_wait3A_288 = arith.constant 0 : i32
    %dma_wait3A_289 = arith.constant 0 : i32
    %dma_wait3A_290 = tpu.memref_slice %arg22[%dma_wait3A_288, %dma_wait3A_289] : memref<10112x128xf32, #tpu.memory_space<vmem_shared>> -> memref<10112x128xf32, #tpu.memory_space<vmem_shared>>
    tpu.wait_indirect_dma semaphore(%arg26 : memref<!tpu.dma_semaphore, #tpu.memory_space<semaphore_mem>>) src(%arg19 : memref<80x128xf32, #tpu.memory_space<vmem>>) dst(%dma_wait3A_290 : memref<10112x128xf32, #tpu.memory_space<vmem_shared>>)
    %dma_wait3A_291 = arith.constant 0 : i32
    %dma_wait3A_292 = arith.constant 0 : i32
    %dma_wait3A_293 = tpu.memref_slice %arg22[%dma_wait3A_291, %dma_wait3A_292] : memref<10112x128xf32, #tpu.memory_space<vmem_shared>> -> memref<10112x128xf32, #tpu.memory_space<vmem_shared>>
    tpu.wait_indirect_dma semaphore(%arg27 : memref<!tpu.dma_semaphore, #tpu.memory_space<semaphore_mem>>) src(%arg20 : memref<80x128xf32, #tpu.memory_space<vmem>>) dst(%dma_wait3A_293 : memref<10112x128xf32, #tpu.memory_space<vmem_shared>>)
    %barrier3A_294 = arith.constant 0 : index
    tpu.barrier barrier_id(%barrier3A_294)
    "tpu.region"() ({
      %run_scoped3A = tpu.sem_alloc : memref<!tpu.dma_semaphore, #tpu.memory_space<semaphore_mem>>
      %dma_start3A_295 = arith.constant 0 : i32
      %dma_start3A_296 = tpu.memref_slice %arg6[%arg0, %mul3A_2, %dma_start3A_295] : memref<2x10112x128xf32, #tpu.memory_space<hbm>> -> memref<1x632x128xf32, #tpu.memory_space<hbm>>
      %dma_start3A_297 = tpu.memref_squeeze %dma_start3A_296 : memref<1x632x128xf32, #tpu.memory_space<hbm>> -> memref<632x128xf32, #tpu.memory_space<hbm>>
      %dma_start3A_298 = arith.constant 0 : i32
      %dma_start3A_299 = tpu.memref_slice %arg22[%mul3A_2, %dma_start3A_298] : memref<10112x128xf32, #tpu.memory_space<vmem_shared>> -> memref<632x128xf32, #tpu.memory_space<vmem_shared>>
      tpu.enqueue_dma source(%dma_start3A_299 : memref<632x128xf32, #tpu.memory_space<vmem_shared>>) target(%dma_start3A_297 : memref<632x128xf32, #tpu.memory_space<hbm>>) target_semaphore(%run_scoped3A : memref<!tpu.dma_semaphore, #tpu.memory_space<semaphore_mem>>)
      %dma_wait3A_300 = arith.constant 0 : i32
      %dma_wait3A_301 = tpu.memref_slice %arg6[%arg0, %mul3A_2, %dma_wait3A_300] : memref<2x10112x128xf32, #tpu.memory_space<hbm>> -> memref<1x632x128xf32, #tpu.memory_space<hbm>>
      %dma_wait3A_302 = tpu.memref_squeeze %dma_wait3A_301 : memref<1x632x128xf32, #tpu.memory_space<hbm>> -> memref<632x128xf32, #tpu.memory_space<hbm>>
      %dma_wait3A_303 = arith.constant 0 : i32
      %dma_wait3A_304 = tpu.memref_slice %arg22[%mul3A_2, %dma_wait3A_303] : memref<10112x128xf32, #tpu.memory_space<vmem_shared>> -> memref<632x128xf32, #tpu.memory_space<vmem_shared>>
      tpu.wait_dma2 semaphore(%run_scoped3A : memref<!tpu.dma_semaphore, #tpu.memory_space<semaphore_mem>>) src(%dma_wait3A_304 : memref<632x128xf32, #tpu.memory_space<vmem_shared>>) dst(%dma_wait3A_302 : memref<632x128xf32, #tpu.memory_space<hbm>>)
      tpu.yield
    }) : () -> ()
    return
  }
}

module attributes {stable_mosaic.version = 14 : i64} {
  func.func @body(%arg0: i32, %arg1: memref<10000x128xf32, #tpu.memory_space<vmem>>, %arg2: memref<128x128xf32, #tpu.memory_space<vmem>>, %arg3: memref<10000x128xf32, #tpu.memory_space<vmem>>) attributes {dimension_semantics = [#tpu.dimension_semantics<arbitrary>], iteration_bounds = array<i64: 1>, scalar_prefetch = 0 : i64, scratch_operands = 0 : i64, tpu.core_type = #tpu.core_type<tc>, window_params = [{transform_indices = @transform_0, window_bounds = array<i64: 10000, 128>}, {pipeline_mode = #tpu.pipeline_mode<synchronous>, transform_indices = @transform_1, window_bounds = array<i64: 128, 128>}, {transform_indices = @transform_2, window_bounds = array<i64: 10000, 128>}]} {
    %get3A = arith.constant 0 : index
    %get3A_0 = arith.constant 0 : index
    %get3A_1 = vector.load %arg1[%get3A, %get3A_0] : memref<10000x128xf32, #tpu.memory_space<vmem>>, vector<10000x128xf32>
    %get3A_2 = arith.constant 0 : index
    %get3A_3 = arith.constant 0 : index
    %get3A_4 = vector.load %arg2[%get3A_2, %get3A_3] : memref<128x128xf32, #tpu.memory_space<vmem>>, vector<128x128xf32>
    %dot_general3A = arith.constant dense<0.000000e+00> : vector<10000x128xf32>
    %dot_general3A_5 = tpu.matmul %get3A_1, %get3A_4, %dot_general3A {dimension_numbers = #tpu.dot_dimension_numbers<[1], [1], [0], [0], [0, 0, 1, 0], [], []>, transpose_lhs_hint = false} : vector<10000x128xf32>, vector<128x128xf32>, vector<10000x128xf32> -> vector<10000x128xf32>
    %swap3A = arith.constant 0 : index
    %swap3A_6 = arith.constant 0 : index
    %swap3A_7 = vector.load %arg3[%swap3A, %swap3A_6] : memref<10000x128xf32, #tpu.memory_space<vmem>>, vector<10000x128xf32>
    tpu.vector_store %arg3[%swap3A, %swap3A_6], %dot_general3A_5 {strides = array<i32>} : memref<10000x128xf32, #tpu.memory_space<vmem>>, vector<10000x128xf32>,
    return
  }
  func.func @transform_0(%arg0: i32) -> (i32, i32) {
    %c0_i32 = arith.constant 0 : i32
    %c0_i32_0 = arith.constant 0 : i32
    return %arg0, %c0_i32 : i32, i32
  }
  func.func @transform_1(%arg0: i32) -> (i32, i32) {
    %c0_i32 = arith.constant 0 : i32
    %c0_i32_0 = arith.constant 0 : i32
    %c0_i32_1 = arith.constant 0 : i32
    return %c0_i32, %c0_i32_0 : i32, i32
  }
  func.func @transform_2(%arg0: i32) -> (i32, i32) {
    %c0_i32 = arith.constant 0 : i32
    %c0_i32_0 = arith.constant 0 : i32
    return %arg0, %c0_i32 : i32, i32
  }
}

module attributes {stable_mosaic.version = 14 : i64} {
  func.func @body(%arg0: i32, %arg1: memref<2x2000x128xf32, #tpu.memory_space<vmem>>, %arg2: memref<2000x32xf32, #tpu.memory_space<vmem>>, %arg3: memref<2000x128xf32, #tpu.memory_space<vmem>>, %arg4: memref<128x128xf32, #tpu.memory_space<vmem>>, %arg5: memref<1x128xf32, #tpu.memory_space<vmem>>, %arg6: memref<128x128xf32, #tpu.memory_space<vmem>>, %arg7: memref<2000x128xf32, #tpu.memory_space<vmem>>, %arg8: memref<2000x128xf32, #tpu.memory_space<vmem>>) attributes {dimension_semantics = [#tpu.dimension_semantics<arbitrary>], iteration_bounds = array<i64: 5>, scalar_prefetch = 0 : i64, scratch_operands = 0 : i64, tpu.core_type = #tpu.core_type<tc>, window_params = [{transform_indices = @transform_0, window_bounds = array<i64: 2, 2000, 128>}, {transform_indices = @transform_1, window_bounds = array<i64: 2000, 32>}, {transform_indices = @transform_2, window_bounds = array<i64: 2000, 128>}, {pipeline_mode = #tpu.pipeline_mode<synchronous>, transform_indices = @transform_3, window_bounds = array<i64: 128, 128>}, {pipeline_mode = #tpu.pipeline_mode<synchronous>, transform_indices = @transform_4, window_bounds = array<i64: 1, 128>}, {pipeline_mode = #tpu.pipeline_mode<synchronous>, transform_indices = @transform_5, window_bounds = array<i64: 128, 128>}, {transform_indices = @transform_6, window_bounds = array<i64: 2000, 128>}, {transform_indices = @transform_7, window_bounds = array<i64: 2000, 128>}]} {
    %get3A = arith.constant 0 : index
    %get3A_0 = arith.constant 0 : index
    %get3A_1 = arith.constant 0 : index
    %get3A_2 = vector.load %arg1[%get3A, %get3A_0, %get3A_1] : memref<2x2000x128xf32, #tpu.memory_space<vmem>>, vector<1x2000x128xf32>
    %get3A_3 = vector.shape_cast %get3A_2 : vector<1x2000x128xf32> to vector<2000x128xf32>
    %get3A_4 = arith.constant 1 : index
    %get3A_5 = arith.constant 0 : index
    %get3A_6 = arith.constant 0 : index
    %get3A_7 = vector.load %arg1[%get3A_4, %get3A_5, %get3A_6] : memref<2x2000x128xf32, #tpu.memory_space<vmem>>, vector<1x2000x128xf32>
    %get3A_8 = vector.shape_cast %get3A_7 : vector<1x2000x128xf32> to vector<2000x128xf32>
    %add3A = arith.addf %get3A_3, %get3A_8 : vector<2000x128xf32>
    %get3A_9 = arith.constant 0 : index
    %get3A_10 = arith.constant 0 : index
    %get3A_11 = vector.load %arg4[%get3A_9, %get3A_10] : memref<128x128xf32, #tpu.memory_space<vmem>>, vector<128x128xf32>
    %dot_general3A = arith.constant dense<0.000000e+00> : vector<2000x128xf32>
    %dot_general3A_12 = tpu.matmul %add3A, %get3A_11, %dot_general3A {dimension_numbers = #tpu.dot_dimension_numbers<[1], [1], [0], [0], [0, 0, 1, 0], [], []>, transpose_lhs_hint = false} : vector<2000x128xf32>, vector<128x128xf32>, vector<2000x128xf32> -> vector<2000x128xf32>
    %get3A_13 = arith.constant 0 : index
    %get3A_14 = arith.constant 0 : index
    %get3A_15 = vector.load %arg2[%get3A_13, %get3A_14] : memref<2000x32xf32, #tpu.memory_space<vmem>>, vector<2000x32xf32>
    %reduce_sum3A = arith.constant dense<0.000000e+00> : vector<2000xf32>
    %reduce_sum3A_16 = vector.multi_reduction <add>, %get3A_15, %reduce_sum3A [1] : vector<2000x32xf32> to vector<2000xf32>
    %broadcast_in_dim3A = vector.shape_cast %reduce_sum3A_16 : vector<2000xf32> to vector<2000x1xf32>
    %max3A = arith.constant 1.000000e+00 : f32
    %max3A_17 = vector.broadcast %max3A : f32 to vector<2000x1xf32>
    %max3A_18 = arith.maximumf %broadcast_in_dim3A, %max3A_17 : vector<2000x1xf32>
    %div3A = vector.broadcast %max3A_18 : vector<2000x1xf32> to vector<2000x128xf32>
    %div3A_19 = arith.divf %dot_general3A_12, %div3A : vector<2000x128xf32>
    %get3A_20 = arith.constant 0 : index
    %get3A_21 = arith.constant 0 : index
    %get3A_22 = vector.load %arg5[%get3A_20, %get3A_21] : memref<1x128xf32, #tpu.memory_space<vmem>>, vector<1x128xf32>
    %add3A_23 = vector.broadcast %get3A_22 : vector<1x128xf32> to vector<2000x128xf32>
    %add3A_24 = arith.addf %div3A_19, %add3A_23 : vector<2000x128xf32>
    %get3A_25 = arith.constant 0 : index
    %get3A_26 = arith.constant 0 : index
    %get3A_27 = vector.load %arg3[%get3A_25, %get3A_26] : memref<2000x128xf32, #tpu.memory_space<vmem>>, vector<2000x128xf32>
    %add3A_28 = arith.addf %add3A_24, %get3A_27 : vector<2000x128xf32>
    %mul3A = arith.mulf %add3A_28, %add3A_28 : vector<2000x128xf32>
    %reduce_sum3A_29 = arith.constant dense<0.000000e+00> : vector<2000xf32>
    %reduce_sum3A_30 = vector.multi_reduction <add>, %mul3A, %reduce_sum3A_29 [1] : vector<2000x128xf32> to vector<2000xf32>
    %broadcast_in_dim3A_31 = vector.shape_cast %reduce_sum3A_30 : vector<2000xf32> to vector<2000x1xf32>
    %sqrt3A = math.sqrt %broadcast_in_dim3A_31 : vector<2000x1xf32>
    %max3A_32 = arith.constant 9.99999996E-13 : f32
    %max3A_33 = vector.broadcast %max3A_32 : f32 to vector<2000x1xf32>
    %max3A_34 = arith.maximumf %sqrt3A, %max3A_33 : vector<2000x1xf32>
    %div3A_35 = vector.broadcast %max3A_34 : vector<2000x1xf32> to vector<2000x128xf32>
    %div3A_36 = arith.divf %add3A_28, %div3A_35 : vector<2000x128xf32>
    %max3A_37 = arith.constant 0.000000e+00 : f32
    %max3A_38 = vector.broadcast %max3A_37 : f32 to vector<2000x128xf32>
    %max3A_39 = arith.maximumf %div3A_36, %max3A_38 : vector<2000x128xf32>
    %swap3A = arith.constant 0 : index
    %swap3A_40 = arith.constant 0 : index
    %swap3A_41 = vector.load %arg7[%swap3A, %swap3A_40] : memref<2000x128xf32, #tpu.memory_space<vmem>>, vector<2000x128xf32>
    tpu.vector_store %arg7[%swap3A, %swap3A_40], %max3A_39 {strides = array<i32>} : memref<2000x128xf32, #tpu.memory_space<vmem>>, vector<2000x128xf32>,
    %get3A_42 = arith.constant 0 : index
    %get3A_43 = arith.constant 0 : index
    %get3A_44 = vector.load %arg6[%get3A_42, %get3A_43] : memref<128x128xf32, #tpu.memory_space<vmem>>, vector<128x128xf32>
    %dot_general3A_45 = arith.constant dense<0.000000e+00> : vector<2000x128xf32>
    %dot_general3A_46 = tpu.matmul %max3A_39, %get3A_44, %dot_general3A_45 {dimension_numbers = #tpu.dot_dimension_numbers<[1], [1], [0], [0], [0, 0, 1, 0], [], []>, transpose_lhs_hint = false} : vector<2000x128xf32>, vector<128x128xf32>, vector<2000x128xf32> -> vector<2000x128xf32>
    %swap3A_47 = arith.constant 0 : index
    %swap3A_48 = arith.constant 0 : index
    %swap3A_49 = vector.load %arg8[%swap3A_47, %swap3A_48] : memref<2000x128xf32, #tpu.memory_space<vmem>>, vector<2000x128xf32>
    tpu.vector_store %arg8[%swap3A_47, %swap3A_48], %dot_general3A_46 {strides = array<i32>} : memref<2000x128xf32, #tpu.memory_space<vmem>>, vector<2000x128xf32>,
    return
  }
  func.func @transform_0(%arg0: i32) -> (i32, i32, i32) {
    %c0_i32 = arith.constant 0 : i32
    %c0_i32_0 = arith.constant 0 : i32
    %c0_i32_1 = arith.constant 0 : i32
    return %c0_i32, %arg0, %c0_i32_0 : i32, i32, i32
  }
  func.func @transform_1(%arg0: i32) -> (i32, i32) {
    %c0_i32 = arith.constant 0 : i32
    %c0_i32_0 = arith.constant 0 : i32
    return %arg0, %c0_i32 : i32, i32
  }
  func.func @transform_2(%arg0: i32) -> (i32, i32) {
    %c0_i32 = arith.constant 0 : i32
    %c0_i32_0 = arith.constant 0 : i32
    return %arg0, %c0_i32 : i32, i32
  }
  func.func @transform_3(%arg0: i32) -> (i32, i32) {
    %c0_i32 = arith.constant 0 : i32
    %c0_i32_0 = arith.constant 0 : i32
    %c0_i32_1 = arith.constant 0 : i32
    return %c0_i32, %c0_i32_0 : i32, i32
  }
  func.func @transform_4(%arg0: i32) -> (i32, i32) {
    %c0_i32 = arith.constant 0 : i32
    %c0_i32_0 = arith.constant 0 : i32
    %c0_i32_1 = arith.constant 0 : i32
    return %c0_i32, %c0_i32_0 : i32, i32
  }
  func.func @transform_5(%arg0: i32) -> (i32, i32) {
    %c0_i32 = arith.constant 0 : i32
    %c0_i32_0 = arith.constant 0 : i32
    %c0_i32_1 = arith.constant 0 : i32
    return %c0_i32, %c0_i32_0 : i32, i32
  }
  func.func @transform_6(%arg0: i32) -> (i32, i32) {
    %c0_i32 = arith.constant 0 : i32
    %c0_i32_0 = arith.constant 0 : i32
    return %arg0, %c0_i32 : i32, i32
  }
  func.func @transform_7(%arg0: i32) -> (i32, i32) {
    %c0_i32 = arith.constant 0 : i32
    %c0_i32_0 = arith.constant 0 : i32
    return %arg0, %c0_i32 : i32, i32
  }
}

module attributes {stable_mosaic.version = 14 : i64} {
  func.func @body(%arg0: i32, %arg1: memref<2x2000x128xf32, #tpu.memory_space<vmem>>, %arg2: memref<2000x32xf32, #tpu.memory_space<vmem>>, %arg3: memref<2000x128xf32, #tpu.memory_space<vmem>>, %arg4: memref<128x128xf32, #tpu.memory_space<vmem>>, %arg5: memref<1x128xf32, #tpu.memory_space<vmem>>, %arg6: memref<2000x128xf32, #tpu.memory_space<vmem>>) attributes {dimension_semantics = [#tpu.dimension_semantics<arbitrary>], iteration_bounds = array<i64: 5>, scalar_prefetch = 0 : i64, scratch_operands = 0 : i64, tpu.core_type = #tpu.core_type<tc>, window_params = [{transform_indices = @transform_0, window_bounds = array<i64: 2, 2000, 128>}, {transform_indices = @transform_1, window_bounds = array<i64: 2000, 32>}, {transform_indices = @transform_2, window_bounds = array<i64: 2000, 128>}, {pipeline_mode = #tpu.pipeline_mode<synchronous>, transform_indices = @transform_3, window_bounds = array<i64: 128, 128>}, {pipeline_mode = #tpu.pipeline_mode<synchronous>, transform_indices = @transform_4, window_bounds = array<i64: 1, 128>}, {transform_indices = @transform_5, window_bounds = array<i64: 2000, 128>}]} {
    %get3A = arith.constant 0 : index
    %get3A_0 = arith.constant 0 : index
    %get3A_1 = arith.constant 0 : index
    %get3A_2 = vector.load %arg1[%get3A, %get3A_0, %get3A_1] : memref<2x2000x128xf32, #tpu.memory_space<vmem>>, vector<1x2000x128xf32>
    %get3A_3 = vector.shape_cast %get3A_2 : vector<1x2000x128xf32> to vector<2000x128xf32>
    %get3A_4 = arith.constant 1 : index
    %get3A_5 = arith.constant 0 : index
    %get3A_6 = arith.constant 0 : index
    %get3A_7 = vector.load %arg1[%get3A_4, %get3A_5, %get3A_6] : memref<2x2000x128xf32, #tpu.memory_space<vmem>>, vector<1x2000x128xf32>
    %get3A_8 = vector.shape_cast %get3A_7 : vector<1x2000x128xf32> to vector<2000x128xf32>
    %add3A = arith.addf %get3A_3, %get3A_8 : vector<2000x128xf32>
    %get3A_9 = arith.constant 0 : index
    %get3A_10 = arith.constant 0 : index
    %get3A_11 = vector.load %arg4[%get3A_9, %get3A_10] : memref<128x128xf32, #tpu.memory_space<vmem>>, vector<128x128xf32>
    %dot_general3A = arith.constant dense<0.000000e+00> : vector<2000x128xf32>
    %dot_general3A_12 = tpu.matmul %add3A, %get3A_11, %dot_general3A {dimension_numbers = #tpu.dot_dimension_numbers<[1], [1], [0], [0], [0, 0, 1, 0], [], []>, transpose_lhs_hint = false} : vector<2000x128xf32>, vector<128x128xf32>, vector<2000x128xf32> -> vector<2000x128xf32>
    %get3A_13 = arith.constant 0 : index
    %get3A_14 = arith.constant 0 : index
    %get3A_15 = vector.load %arg2[%get3A_13, %get3A_14] : memref<2000x32xf32, #tpu.memory_space<vmem>>, vector<2000x32xf32>
    %reduce_sum3A = arith.constant dense<0.000000e+00> : vector<2000xf32>
    %reduce_sum3A_16 = vector.multi_reduction <add>, %get3A_15, %reduce_sum3A [1] : vector<2000x32xf32> to vector<2000xf32>
    %broadcast_in_dim3A = vector.shape_cast %reduce_sum3A_16 : vector<2000xf32> to vector<2000x1xf32>
    %max3A = arith.constant 1.000000e+00 : f32
    %max3A_17 = vector.broadcast %max3A : f32 to vector<2000x1xf32>
    %max3A_18 = arith.maximumf %broadcast_in_dim3A, %max3A_17 : vector<2000x1xf32>
    %div3A = vector.broadcast %max3A_18 : vector<2000x1xf32> to vector<2000x128xf32>
    %div3A_19 = arith.divf %dot_general3A_12, %div3A : vector<2000x128xf32>
    %get3A_20 = arith.constant 0 : index
    %get3A_21 = arith.constant 0 : index
    %get3A_22 = vector.load %arg5[%get3A_20, %get3A_21] : memref<1x128xf32, #tpu.memory_space<vmem>>, vector<1x128xf32>
    %add3A_23 = vector.broadcast %get3A_22 : vector<1x128xf32> to vector<2000x128xf32>
    %add3A_24 = arith.addf %div3A_19, %add3A_23 : vector<2000x128xf32>
    %get3A_25 = arith.constant 0 : index
    %get3A_26 = arith.constant 0 : index
    %get3A_27 = vector.load %arg3[%get3A_25, %get3A_26] : memref<2000x128xf32, #tpu.memory_space<vmem>>, vector<2000x128xf32>
    %add3A_28 = arith.addf %add3A_24, %get3A_27 : vector<2000x128xf32>
    %swap3A = arith.constant 0 : index
    %swap3A_29 = arith.constant 0 : index
    %swap3A_30 = vector.load %arg6[%swap3A, %swap3A_29] : memref<2000x128xf32, #tpu.memory_space<vmem>>, vector<2000x128xf32>
    tpu.vector_store %arg6[%swap3A, %swap3A_29], %add3A_28 {strides = array<i32>} : memref<2000x128xf32, #tpu.memory_space<vmem>>, vector<2000x128xf32>,
    return
  }
  func.func @transform_0(%arg0: i32) -> (i32, i32, i32) {
    %c0_i32 = arith.constant 0 : i32
    %c0_i32_0 = arith.constant 0 : i32
    %c0_i32_1 = arith.constant 0 : i32
    return %c0_i32, %arg0, %c0_i32_0 : i32, i32, i32
  }
  func.func @transform_1(%arg0: i32) -> (i32, i32) {
    %c0_i32 = arith.constant 0 : i32
    %c0_i32_0 = arith.constant 0 : i32
    return %arg0, %c0_i32 : i32, i32
  }
  func.func @transform_2(%arg0: i32) -> (i32, i32) {
    %c0_i32 = arith.constant 0 : i32
    %c0_i32_0 = arith.constant 0 : i32
    return %arg0, %c0_i32 : i32, i32
  }
  func.func @transform_3(%arg0: i32) -> (i32, i32) {
    %c0_i32 = arith.constant 0 : i32
    %c0_i32_0 = arith.constant 0 : i32
    %c0_i32_1 = arith.constant 0 : i32
    return %c0_i32, %c0_i32_0 : i32, i32
  }
  func.func @transform_4(%arg0: i32) -> (i32, i32) {
    %c0_i32 = arith.constant 0 : i32
    %c0_i32_0 = arith.constant 0 : i32
    %c0_i32_1 = arith.constant 0 : i32
    return %c0_i32, %c0_i32_0 : i32, i32
  }
  func.func @transform_5(%arg0: i32) -> (i32, i32) {
    %c0_i32 = arith.constant 0 : i32
    %c0_i32_0 = arith.constant 0 : i32
    return %arg0, %c0_i32 : i32, i32
  }
}

</mosaic_0001>

<sc_bundles>
// kernel: kernel.10.cloned.1.call-start
scs
__scs_entry_jumppad:
0x0: {  	(pc) =	sbr.rel $0x88, $3  }
0x1: {  	(tag) =	ssettag $0x0;
	lr =	simm.s32 $0x1  }
0x2: {  	[smem:$0x3F99] =	sst lr;
	_ =	strace $0xD0000000  }
0x3: {  	_ = 	snop  }
0x4: {  	_ = 	snop  }
0x5: {  	_ = 	snop  }
0x6: {  	_ = 	snop  }
0x7: {  	_ = 	snop  }
__scs_overlays_trampoline_lowered:
0x8: {  	[smem:$0x3FA8] =	sst s0  }
0x9: {  	[smem:$0x3FA9] =	sst s1  }
0xa: {  	[smem:$0x3FAA] =	sst s2  }
0xb: {  	[smem:$0x3FAB] =	sst s3  }
0xc: {  	[smem:$0x3FAC] =	sst s4  }
0xd: {  	[smem:$0x3FAD] =	sst s5  }
0xe: {  	[smem:$0x3FAE] =	sst s6  }
0xf: {  	[smem:$0x3FAF] =	sst s7  }
0x10: {  	[smem:$0x3FB0] =	sst s8  }
0x11: {  	[smem:$0x3FB1] =	sst s9;
	s0 =	simm.s32 @!p0 $0x0  }
0x12: {  	s1 =	sld [smem:$0x3F97];
	s0 =	simm.s32 @p0 $0x1  }
0x13: {  	[smem:$0x3FB2] =	sst s0;
	s0 =	simm.s32 @!p1 $0x0  }
0x14: {  	s2 =	sld [smem:$0x3F96];
	s0 =	simm.s32 @p1 $0x1  }
0x15: {  	[smem:$0x3FB3] =	sst s0;
	s0 =	simm.s32 @!p2 $0x0  }
0x16: {  	s3 =	sld [smem:$0x3FDB];
	s0 =	simm.s32 @p2 $0x1  }
0x17: {  	s4 =	simm.s32 $0x1BF5;
	[smem:$0x3FB5] =	sst s0  }
0x18: {  	s0 =	sld [smem:$0x3F98];
	_ =	swait.ge [sflag:s4], $0x0  }
0x19: {  	s7 =	sld [smem:$0x3F99]  }
0x1a: {  	s8 =	sadd.s32 $0xFFFFE003, lr  }
0x1b: {  	s9 =	sadd.s32 $0xFFFFFEF7, lr;
	s5 =	simm.s32 $0xFFFFFFFF;
	p2 =	slt.u32 s8, $0xFFFFF086  }
0x1c: {  	p1 =	slt.u32 s9, $0xF7A;
	s5 =	simm.s32 @!p2 $0x0  }
0x1d: {  	s5 =	simm.s32 @p1 $0x1;
	p0 =	seq.s32 s7, s2  }
0x1e: {  	s7 =	smul.u32 @!p0 $0xF7A, s2;
	p2 =	seq.s32 @!p0 s5, $0x0  }
0x1f: {  	s9 =	smul.u32 $0xF7A, s1;
	s8 =	simm.s32 @!p0 $0x1BF5;
	p2 =	por !p2, p0  }
0x20: {  	[sflag:s8] =	ssyncset.s32 @!p0 $0xFFFFF086;
	s6 =	sadd.s32 @!p0 s3, s7;
	s7 =	simm.s32 @!p0 $0x108  }
0x21: {  	s3 =	sadd.s32 s3, s9;
	s6 =	sadd.s32 @!p0 $0x88, s6;
	s7 =	simm.s32 @p2 $0x1082  }
0x22: {  	[simem:s7], [sflag:s8] =	dma.local @!p0 [hbm:s6], $0xF7A  }
0x23: {  	s9 =	sor.u32 $0xD0000000, s2;
	s6 =	simm.s32 $0x108;
	_ =	swait.ge @!p0 [sflag:s8], $0x0  }
0x24: {  	s3 =	sadd.s32 $0x88, s3;
	s6 =	simm.s32 @!p1 $0x1082;
	[sflag:s4] =	ssyncset.s32 $0xFFFFF086  }
0x25: {  	[simem:s6], [sflag:s4] =	dma.local [hbm:s3], $0xF7A  }
0x26: {  	[smem:$0x3F99] =	sst s1;
	(tag) =	ssettag s2;
	_ =	strace s9  }
0x27: {  	s1 =	sld [smem:$0x3FA9]  }
0x28: {  	s2 =	sld [smem:$0x3FAA]  }
0x29: {  	s4 =	sld [smem:$0x3FAC]  }
0x2a: {  	p0 =	seq.s32 s5, $0x0;
	s5 =	sld [smem:$0x3FAD]  }
0x2b: {  	s6 =	sld [smem:$0x3FAE]  }
0x2c: {  	s7 =	sld [smem:$0x3FAF]  }
0x2d: {  	s3 =	simm.s32 $0x108;
	s8 =	sld [smem:$0x3FB0]  }
0x2e: {  	s3 =	simm.s32 @!p0 $0x1082;
	s9 =	sld [smem:$0x3FB1]  }
0x2f: {  	lr =	sadd.s32 s0, s3;
	s0 =	sld [smem:$0x3FA8]  }
0x30: {  	s3 =	sld [smem:$0x3FAB]  }
0x31: {  	[smem:$0x3FB4] =	sst s10  }
0x32: {  	s10 =	sld [smem:$0x3FB2];
	_ =	sdelay $0x3  }
0x33: {  	p0 =	seq.s32 s10, $0x1;
	s10 =	sld [smem:$0x3FB4];
	_ =	sdelay $0x3  }
0x34: {  	[smem:$0x3FB4] =	sst s10  }
0x35: {  	s10 =	sld [smem:$0x3FB3];
	_ =	sdelay $0x3  }
0x36: {  	p1 =	seq.s32 s10, $0x1;
	s10 =	sld [smem:$0x3FB4];
	_ =	sdelay $0x3  }
0x37: {  	[smem:$0x3FB4] =	sst s10  }
0x38: {  	s10 =	sld [smem:$0x3FB5]  }
0x39: {  	_ = 	snop;
	(pc) =	sbr.ind lr, $3  }
0x3a: {  	_ = 	snop  }
0x3b: {  	_ = 	snop  }
0x3c: {  	p2 =	seq.s32 s10, $0x1;
	s10 =	sld [smem:$0x3FB4]  }
0x3d: {  	_ =	shalt  }
0x3e: {  	_ =	shalt  }
0x3f: {  	_ =	shalt  }
0x40: {  	_ =	shalt  }
0x41: {  	_ =	shalt  }
0x42: {  	_ =	shalt  }
0x43: {  	_ =	shalt  }
0x44: {  	_ =	shalt  }
0x45: {  	_ =	shalt  }
0x46: {  	_ =	shalt  }
0x47: {  	_ =	shalt  }
0x48: {  	_ =	shalt  }
0x49: {  	_ =	shalt  }
0x4a: {  	_ =	shalt  }
0x4b: {  	_ =	shalt  }
0x4c: {  	_ =	shalt  }
0x4d: {  	_ =	shalt  }
0x4e: {  	_ =	shalt  }
0x4f: {  	_ =	shalt  }
0x50: {  	_ =	shalt  }
0x51: {  	_ =	shalt  }
0x52: {  	_ =	shalt  }
0x53: {  	_ =	shalt  }
0x54: {  	_ =	shalt  }
0x55: {  	_ =	shalt  }
0x56: {  	_ =	shalt  }
0x57: {  	_ =	shalt  }
0x58: {  	_ =	shalt  }
0x59: {  	_ =	shalt  }
0x5a: {  	_ =	shalt  }
0x5b: {  	_ =	shalt  }
0x5c: {  	_ =	shalt  }
0x5d: {  	_ =	shalt  }
0x5e: {  	_ =	shalt  }
0x5f: {  	_ =	shalt  }
0x60: {  	_ =	shalt  }
0x61: {  	_ =	shalt  }
0x62: {  	_ =	shalt  }
0x63: {  	_ =	shalt  }
0x64: {  	_ =	shalt  }
0x65: {  	_ =	shalt  }
0x66: {  	_ =	shalt  }
0x67: {  	_ =	shalt  }
0x68: {  	_ =	shalt  }
0x69: {  	_ =	shalt  }
0x6a: {  	_ =	shalt  }
0x6b: {  	_ =	shalt  }
0x6c: {  	_ =	shalt  }
0x6d: {  	_ =	shalt  }
0x6e: {  	_ =	shalt  }
0x6f: {  	_ =	shalt  }
0x70: {  	_ =	shalt  }
0x71: {  	_ =	shalt  }
0x72: {  	_ =	shalt  }
0x73: {  	_ =	shalt  }
0x74: {  	_ =	shalt  }
0x75: {  	_ =	shalt  }
0x76: {  	_ =	shalt  }
0x77: {  	_ =	shalt  }
0x78: {  	_ =	shalt  }
0x79: {  	_ =	shalt  }
0x7a: {  	_ =	shalt  }
0x7b: {  	_ =	shalt  }
0x7c: {  	_ =	shalt  }
0x7d: {  	_ =	shalt  }
0x7e: {  	_ =	shalt  }
0x7f: {  	_ =	shalt  }
0x80: {  	_ =	shalt  }
0x81: {  	_ =	shalt  }
0x82: {  	_ =	shalt  }
0x83: {  	_ =	shalt  }
0x84: {  	_ =	shalt  }
0x85: {  	_ =	shalt  }
0x86: {  	_ =	shalt  }
0x87: {  	_ =	shalt  }
.Lfunc_end0:
.L_simem_size_0:
called_computation.1_lowered:
.L_overlay_start_0:
0x88: {  	s2 =	sld [smem:$0x3FD9]  }
0x89: {  	s3 =	sld [smem:$0x3FFE];
	_ =	sdelay $0x1  }
0x8a: {  	s1 =	srdreg.scid  }
0x8b: {  	s0 =	sand.u32 $0x1, s1  }
0x8c: {  	s17 =	sshll.u32 s0, $0xA;
	s2 =	sadd.s32 s3, s2  }
0x8d: {  	s2 =	sadd.s32 s2, s17  }
0x8e: {  	[smem:$0x3FC0] =	sst s2  }
0x8f: {  	_ = 	snop  }
0x90: {  	s2 =	sld [smem:$0x3FD0];
	(tm) =	ssettm $0x1  }
0x91: {  	s18 =	sld [smem:$0x3FFB];
	_ =	sdelay $0x3  }
0x92: {  	_ =	strace s18  }
0x93: {  	s3 =	sld [smem:$0x3FFC];
	_ =	sdelay $0x3  }
0x94: {  	_ =	strace s3  }
0x95: {  	s3 =	sld [smem:$0x3FFD];
	_ =	sdelay $0x3  }
0x96: {  	_ =	strace s3  }
0x97: {  	_ =	strace $0x8FFFFFFF  }
0x98: {  	s19 =	sld [smem:$0x3FDB];
	_ =	sdelay $0x1  }
0x99: {  	s4 =	simm.s32 $_scs_section_size  }
0x9a: {  	s5 =	simm.s32 $_size__tile_overlayer_lowered;
	s6 =	simm.s32 $_tile_overlayer_lowered  }
0x9b: {  	s22 =	simm.s32 $0x1BFF;
	s21 =	sshll.u32 s6, $0x1;
	s3 =	sadd.s32 s4, s19  }
0x9c: {  	s7 =	simm.s32 $0x0;
	s20 =	sshll.u32 s5, $0x1;
	s5 =	sadd.s32 s21, s3  }
0x9d: {  	[timem:s7], [sflag:s22] =	dma.local [hbm:s5], s20  }
0x9e: {  	_ =	swait.ge [sflag:s22], s20  }
0x9f: {  	s4 =	ssub.s32 $0x0, s20;
	[sflag:s22] =	ssyncset.done $0x0  }
0xa0: {  	[sflag:s22] =	ssyncadd.s32 s4;
	_ =	sdelay $0x1  }
0xa1: {  	s23 =	simm.s32 $0x1B8B  }
0xa2: {  	_ =	swait.ge [sflag:s23], $0x1  }
0xa3: {  	[sflag:s23] =	ssyncset.done $0x0  }
0xa4: {  	s25 =	simm.s32 $0x1B8E;
	s24 =	sld [smem:$0x3FFE];
	[sflag:s23] =	ssyncadd.s32 $0xFFFFFFFF  }
0xa5: {  	s26 =	simm.s32 $execute0_lowered;
	[smem:$0x3FD2] =	sst s25  }
0xa6: {  	s5 =	sshll.u32 s26, $0x1;
	_ =	strace $0x80000049;
	[dreg:$0x1] =	wrdreg $0xFFFFFFFF  }
0xa7: {  	s28 =	simm.s32 $_size_execute0_lowered;
	s3 =	sadd.s32 s3, s5;
	[dreg:$0x0] =	wrdreg $0x0  }
0xa8: {  	s5 =	sshll.u32 s28, $0x1;
	[dreg:$0x2] =	wrdreg s3  }
0xa9: {  	[dreg:$0x3] =	wrdreg s5  }
0xaa: {  	[dreg:$0x4] =	wrdreg $0xC0  }
0xab: {  	_ =	task [dreg:s7], $0x5FFFF  }
0xac: {  	[dreg:$0x1] =	wrdreg $0xFFFFFFFF  }
0xad: {  	[dreg:$0x0] =	wrdreg $0x60  }
0xae: {  	[dreg:$0x2] =	wrdreg s2  }
0xaf: {  	[dreg:$0x3] =	wrdreg s24  }
0xb0: {  	[dreg:$0x4] =	wrdreg $0x7E000  }
0xb1: {  	[dreg:$0x5] =	wrdreg $0x9  }
0xb2: {  	_ =	task.clear_ibuf [dreg:s7], $0x6FFFF;
	_ =	strace $0x90000049  }
0xb3: {  	s29 =	simm.s32 $0x9;
	_ =	strace $0x8000004B  }
0xb4: {  	_ =	swait.ge [sflag:s29], $0x1  }
0xb5: {  	[sflag:s29] =	ssyncadd.s32 $0xFFFFFFFF  }
0xb6: {  	_ =	strace $0x9000004B  }
0xb7: {  	_ =	sfence  }
0xb8: {  	s30 =	sld [smem:$0x0];
	_ =	sdelay $0x2  }
0xb9: {  	s31 =	sshll.u32 s1, $0xD;
	s1 =	sshrl.u32 s1, $0x2  }
0xba: {  	s3 =	sand.u32 $0x4000, s31;
	s1 =	sadd.s32 s1, s30  }
0xbb: {  	s0 =	sor.u32 s3, s0;
	s1 =	sshll.u32 s1, $0x11  }
0xbc: {  	s0 =	sor.u32 s1, s0  }
0xbd: {  	s0 =	sadd.s32 $0x8F2B, s0  }
0xbe: {  	[sflag:s0] =	ssyncadd.remote.s32 $0x1  }
0xbf: {  	_ =	sfence.sel $0xFFFF  }
0xc0: {  	[dreg:$0x0] =	wrdreg $0xFFFFFFFF;
	(pc) =	sbr.abs _section_cstart, $3  }
0xc1: {  	[dreg:$0x1] =	wrdreg $0xFFFFFFFF  }
0xc2: {  	_ =	task.clear_ibuf [dreg:s7], $0x2FFFF;
	_ =	strace $0x9FFFFFFF  }
0xc3: {  	(tm) =	ssettm $0x7FFFFFFF  }
tec
execute0_lowered:
.L_overlay_start_1:
0x0: {  	(tag) =	ssettag $0x1  }
0x1: {  	s0 =	rddreg [dreg:$0x1]  }
0x2: {  	s1 =	rddreg [dreg:$0x2]  }
0x3: {  	s2 =	srdreg.scid;
	s13 =	stileid.u32  }
0x4: {  	s9 =	sand.u32 $0x1, s2;
	s5 =	sshll.u32 s13, $0x1;
	s7 =	smul.u32 $0x13C00, s13  }
0x5: {  	s4 =	simm.s32 $0x0;
	s20 =	smul.u32 $0x4E20, s13;
	s5 =	sor.u32 s9, s5  }
0x6: {  	[smem:$0x7FF] =	sst s4;
	s6 =	sadd.s32 $0xBC00, s0;
	s8 =	smul.u32 $0x2710, s5  }
0x7: {  	s2 =	smul.u32 $0x13C000, s9;
	_ =	strace $0x8000004A;
	s10 =	ssub.s32 $0x2, s9  }
0x8: {  	s9 =	smul.u32 $0x2710, s9;
	s5 =	sadd.s32 $0x1E00, s0;
	s8 =	sshrl.u32 s8, $0x3  }
0x9: {  	s11 =	sshrl.u32 s10, $0x1;
	s2 =	sadd.s32 s7, s2;
	s18 =	sadd.s32 $0xA, s8  }
0xa: {  	s7 =	sshrl.u32 s2, $0x3;
	s2 =	ssub.s32 s10, s11;
	s19 =	sadd.s32 s6, s18  }
0xb: {  	s21 =	sadd.s32 $0x14, s8;
	s10 =	sadd.s32 s5, s18;
	[dreg:$0x10] =	wrdreg s19  }
0xc: {  	s9 =	sadd.s32 s9, s20;
	s14 =	sadd.s32 s6, s21;
	[dreg:$0x11] =	wrdreg s10  }
0xd: {  	s12 =	sadd.s32 $0x1E, s8;
	s11 =	sadd.s32 s5, s21;
	[dreg:$0x12] =	wrdreg s14  }
0xe: {  	s30 =	sadd.s32 $0x4B0, s9;
	s22 =	sadd.s32 s6, s12;
	[dreg:$0x13] =	wrdreg s11  }
0xf: {  	s24 =	sadd.s32 $0x28, s8;
	s23 =	sadd.s32 s5, s12;
	[dreg:$0x14] =	wrdreg s22  }
0x10: {  	s26 =	sadd.s32 $0x32, s8;
	s25 =	sadd.s32 s6, s24;
	[dreg:$0x15] =	wrdreg s23  }
0x11: {  	s3 =	sshrl.u32 s30, $0x3;
	s31 =	sadd.s32 s6, s26;
	[dreg:$0x16] =	wrdreg s25  }
0x12: {  	s12 =	sadd.s32 s3, s5;
	[dreg:$0x18] =	wrdreg s31  }
0x13: {  	s15 =	sadd.s32 s3, s6;
	s18 =	sadd.s32 $0x410, s9;
	[dreg:$0x4] =	wrdreg s12  }
0x14: {  	s11 =	sadd.s32 s5, s24;
	s10 =	sadd.s32 s5, s26;
	[dreg:$0x5] =	wrdreg s15  }
0x15: {  	s14 =	sadd.s32 $0x460, s9;
	s20 =	sshrl.u32 s18, $0x3;
	[dreg:$0x17] =	wrdreg s11  }
0x16: {  	s22 =	sadd.s32 $0x3C0, s9;
	[dreg:$0x19] =	wrdreg s10;
	s21 =	sadd.s32 s20, s5  }
0x17: {  	s25 =	sadd.s32 $0x3C, s8;
	s23 =	sadd.s32 s20, s6;
	[dreg:$0x8] =	wrdreg s21  }
0x18: {  	s31 =	sadd.s32 $0x370, s9;
	s30 =	sadd.s32 s6, s25;
	[dreg:$0x9] =	wrdreg s23  }
0x19: {  	s18 =	sadd.s32 $0x5A, s8;
	s12 =	sadd.s32 s5, s25;
	[dreg:$0x1a] =	wrdreg s30  }
0x1a: {  	s16 =	sshrl.u32 s14, $0x3;
	s20 =	sadd.s32 s5, s18;
	[dreg:$0x1b] =	wrdreg s12  }
0x1b: {  	s24 =	sshrl.u32 s22, $0x3;
	s22 =	sadd.s32 s5, s8;
	[smem:$0x7F4] =	sst s20  }
0x1c: {  	s10 =	sshrl.u32 s31, $0x3;
	s31 =	smax.u32 s2, $0x1;
	[smem:$0x7F6] =	sst s22  }
0x1d: {  	s17 =	sadd.s32 s16, s5;
	[smem:$0x7FC] =	sst s31  }
0x1e: {  	s19 =	sadd.s32 s16, s6;
	[dreg:$0x6] =	wrdreg s17  }
0x1f: {  	s26 =	sadd.s32 s24, s5;
	[dreg:$0x7] =	wrdreg s19  }
0x20: {  	s28 =	simm.s32 $0x8;
	s11 =	sadd.s32 s24, s6;
	[dreg:$0xa] =	wrdreg s26  }
0x21: {  	s9 =	sadd.s32 $0x320, s9;
	s3 =	sadd.s32 s10, s5;
	[dreg:$0xb] =	wrdreg s11  }
0x22: {  	s9 =	sshrl.u32 s9, $0x3;
	s10 =	sadd.s32 s10, s6;
	[dreg:$0xc] =	wrdreg s3  }
0x23: {  	s29 =	simm.s32 $0xE;
	s14 =	sadd.s32 s9, s5;
	[dreg:$0xd] =	wrdreg s10  }
0x24: {  	s12 =	sadd.s32 $0x46, s8;
	s21 =	sadd.s32 s6, s8;
	[dreg:$0xe] =	wrdreg s14  }
0x25: {  	s16 =	sadd.s32 $0x50, s8;
	s9 =	sadd.s32 s9, s6;
	[smem:$0x7F5] =	sst s21  }
0x26: {  	s24 =	sadd.s32 s7, s0;
	s0 =	sadd.s32 $0x15A00, s0;
	[dreg:$0xf] =	wrdreg s9  }
0x27: {  	s8 =	sadd.s32 $0x4D8, s8;
	s15 =	sadd.s32 s6, s12;
	[smem:$0x7F9] =	sst s0  }
0x28: {  	s23 =	smul.u32 $0x4F000, s13;
	s11 =	sadd.s32 s5, s12;
	[dreg:$0x1c] =	wrdreg s15  }
0x29: {  	s20 =	simm.s32 $0x7;
	s17 =	sadd.s32 s6, s16;
	[dreg:$0x1d] =	wrdreg s11  }
0x2a: {  	s10 =	sadd.s32 s5, s16;
	s19 =	sadd.s32 s6, s18;
	[dreg:$0x1e] =	wrdreg s17  }
0x2b: {  	s6 =	sadd.s32 s6, s8;
	s5 =	sadd.s32 s5, s8;
	[dreg:$0x1f] =	wrdreg s10  }
0x2c: {  	s26 =	sshll.u32 s13, $0x6;
	s30 =	sadd.s32 $0x18200, s24;
	[smem:$0x7F3] =	sst s19  }
0x2d: {  	s21 =	simm.s32 $0xD;
	s14 =	simm.s32 $0x50;
	[smem:$0x7F7] =	sst s6  }
0x2e: {  	s8 =	simm.s32 $0xC;
	s9 =	simm.s32 $0x12;
	[smem:$0x7F8] =	sst s5  }
0x2f: {  	s25 =	sshrl.u32 s23, $0x2;
	s11 =	sor.u32 $0x1C13, s26;
	[smem:$0x7FB] =	sst s30  }
0x30: {  	s23 =	simm.s32 $0x13;
	s0 =	sadd.s32 s25, s1;
	[smem:$0x7FD] =	sst s11  }
0x31: {  	s5 =	simm.s32 $0x0;
	[smem:$0x7FA] =	sst s0;
	s0 =	simm.s32 $0x80  }
.LBB2_1:
0x32: {  	s10 =	sld [smem:$0x7FA];
	_ =	sdelay $0x1  }
0x33: {  	s3 =	sld [smem:$0x7F9]  }
0x34: {  	[smem:$0x7F1] =	sst s5;
	s2 =	sshrl.u32 s10, $0x3  }
0x35: {  	[smem:$0x7F2] =	sst s2  }
0x36: {  	[spmem:s2], [sflag:s11] =	dma.local [hbm:s3], $0x2780  }
0x37: {  	_ =	swait.ge [sflag:s23], $0x2780  }
0x38: {  	[sflag:s23] =	ssyncset.done $0x0  }
0x39: {  	[sflag:s23] =	ssyncadd.s32 $0xFFFFD880  }
0x3a: {  	[bflag:$0x0] =	sbarrier.arrive $0xFFFF  }
0x3b: {  	s6 =	sld [smem:$0x7F5];
	_ =	sdelay $0x1  }
0x3c: {  	s7 =	sld [smem:$0x7F6]  }
0x3d: {  	[tilespmem:s4], [sflag:$0x7] =	stream.linear.gather [hbm4b:s6+s4], $0x50, $0x38;
	[tilespmem:$0x1BA00] =	vst v63  }
0x3e: {  	s1 =	simm.s32 $0x300  }
0x3f: {  	[tilespmem:s1], [sflag:$0xD] =	stream.linear.gather [hbm4b:s7+s4], $0x50, $0x38;
	[tilespmem:$0x1BA00] =	vst v63  }
0x40: {  	s13 =	rddreg [dreg:$0x10]  }
0x41: {  	[tilespmem:s0], [sflag:$0x8] =	stream.linear.gather [hbm4b:s13+s4], $0x50, $0x38;
	[tilespmem:$0x1BA00] =	vst v63  }
0x42: {  	s16 =	simm.s32 $0x380;
	s15 =	rddreg [dreg:$0x11]  }
0x43: {  	[tilespmem:s16], [sflag:$0xE] =	stream.linear.gather [hbm4b:s15+s4], $0x50, $0x38;
	[tilespmem:$0x1BA00] =	vst v63  }
0x44: {  	s18 =	simm.s32 $0x100;
	s17 =	rddreg [dreg:$0x12]  }
0x45: {  	[tilespmem:s18], [sflag:$0x9] =	stream.linear.gather [hbm4b:s17+s4], $0x50, $0x38;
	[tilespmem:$0x1BA00] =	vst v63  }
0x46: {  	s22 =	simm.s32 $0x400;
	s19 =	rddreg [dreg:$0x13]  }
0x47: {  	[tilespmem:s22], [sflag:$0xF] =	stream.linear.gather [hbm4b:s19+s4], $0x50, $0x38;
	[tilespmem:$0x1BA00] =	vst v63  }
0x48: {  	s24 =	simm.s32 $0x180;
	s23 =	rddreg [dreg:$0x14]  }
0x49: {  	[tilespmem:s24], [sflag:$0xA] =	stream.linear.gather [hbm4b:s23+s4], $0x50, $0x38;
	[tilespmem:$0x1BA00] =	vst v63  }
0x4a: {  	s26 =	simm.s32 $0x480;
	s25 =	rddreg [dreg:$0x15]  }
0x4b: {  	[tilespmem:s26], [sflag:$0x10] =	stream.linear.gather [hbm4b:s25+s4], $0x50, $0x38;
	[tilespmem:$0x1BA00] =	vst v63  }
0x4c: {  	_ =	swait.ge [sflag:s20], $0x50  }
0x4d: {  	[sflag:s20] =	ssyncset.done $0x0  }
0x4e: {  	[sflag:s20] =	ssyncadd.s32 $0xFFFFFFB0  }
0x4f: {  	_ =	swait.ge [sflag:s21], $0x50  }
0x50: {  	[sflag:s21] =	ssyncset.done $0x0  }
0x51: {  	[sflag:s21] =	ssyncadd.s32 $0xFFFFFFB0  }
0x52: {  	s18 =	simm.s32 $0x600;
	s1 =	rddreg [dreg:$0x0]  }
0x53: {  	[tilespmem:s18], [sflag:$0x1] =	stream.indirect.gather [hbm4b:s1+s14], $0x80, s4, s14, $0xb8;
	[tilespmem:$0x1BA00] =	vst v63  }
0x54: {  	_ =	swait.ge [sflag:s28], $0x50  }
0x55: {  	[sflag:s28] =	ssyncset.done $0x0  }
0x56: {  	[sflag:s28] =	ssyncadd.s32 $0xFFFFFFB0  }
0x57: {  	_ =	swait.ge [sflag:s29], $0x50  }
0x58: {  	[sflag:s29] =	ssyncset.done $0x0  }
0x59: {  	s22 =	simm.s32 $0x2E00;
	s19 =	simm.s32 $0x1;
	[sflag:s29] =	ssyncadd.s32 $0xFFFFFFB0  }
0x5a: {  	[tilespmem:s22], [sflag:$0x2] =	stream.indirect.gather [hbm4b:s1+s14], $0x80, s0, s14, $0xb8;
	[tilespmem:$0x1BA00] =	vst v63  }
0x5b: {  	_ =	swait.ge [sflag:s19], $0x2800  }
0x5c: {  	[sflag:s19] =	ssyncset.done $0x0  }
0x5d: {  	[sflag:s19] =	ssyncadd.s32 $0xFFFFD800  }
0x5e: {  	s5 =	simm.s32 $0x9;
	s11 =	simm.s32 $0x300;
	s3 =	rddreg [dreg:$0x2]  }
0x5f: {  	[spmem:s3] =	stream.indirect.scatter.add.f32 [tilespmem:s18], [sflag:$0x4], $0x80, s11, s14, $0xb8;
	[tilespmem:$0x1BA00] =	vst v63  }
0x60: {  	_ =	swait.ge [sflag:s5], $0x50  }
0x61: {  	[sflag:s5] =	ssyncset.done $0x0  }
0x62: {  	s11 =	simm.s32 $0xF;
	[sflag:s5] =	ssyncadd.s32 $0xFFFFFFB0  }
0x63: {  	_ =	swait.ge [sflag:s11], $0x50  }
0x64: {  	[sflag:s11] =	ssyncset.done $0x0  }
0x65: {  	s6 =	simm.s32 $0x100;
	s23 =	simm.s32 $0x5600;
	[sflag:s11] =	ssyncadd.s32 $0xFFFFFFB0  }
0x66: {  	[tilespmem:s23], [sflag:$0x3] =	stream.indirect.gather [hbm4b:s1+s14], $0x80, s6, s14, $0xb8;
	[tilespmem:$0x1BA00] =	vst v63  }
0x67: {  	s31 =	simm.s32 $0x200;
	s30 =	rddreg [dreg:$0x16]  }
0x68: {  	[tilespmem:s31], [sflag:$0xB] =	stream.linear.gather [hbm4b:s30+s4], $0x50, $0x38;
	[tilespmem:$0x1BA00] =	vst v63  }
0x69: {  	s13 =	simm.s32 $0x500;
	s25 =	simm.s32 $0x2;
	s6 =	rddreg [dreg:$0x17]  }
0x6a: {  	[tilespmem:s13], [sflag:$0x11] =	stream.linear.gather [hbm4b:s6+s4], $0x50, $0x38;
	[tilespmem:$0x1BA00] =	vst v63  }
0x6b: {  	_ =	swait.ge [sflag:s25], $0x2800  }
0x6c: {  	[sflag:s25] =	ssyncset.done $0x0  }
0x6d: {  	s12 =	simm.s32 $0x380;
	s26 =	simm.s32 $0x4;
	[sflag:s25] =	ssyncadd.s32 $0xFFFFD800  }
0x6e: {  	[spmem:s3] =	stream.indirect.scatter.add.f32 [tilespmem:s22], [sflag:$0x5], $0x80, s12, s14, $0xb8;
	[tilespmem:$0x1BA00] =	vst v63  }
0x6f: {  	_ =	swait.ge [sflag:s26], $0x2800  }
0x70: {  	[sflag:s26] =	ssyncset.done $0x0  }
0x71: {  	s6 =	simm.s32 $0xA;
	[sflag:s26] =	ssyncadd.s32 $0xFFFFD800  }
0x72: {  	_ =	swait.ge [sflag:s6], $0x50  }
0x73: {  	[sflag:s6] =	ssyncset.done $0x0  }
0x74: {  	s12 =	simm.s32 $0x10;
	[sflag:s6] =	ssyncadd.s32 $0xFFFFFFB0  }
0x75: {  	_ =	swait.ge [sflag:s12], $0x50  }
0x76: {  	[sflag:s12] =	ssyncset.done $0x0  }
0x77: {  	s2 =	simm.s32 $0x180;
	[sflag:s12] =	ssyncadd.s32 $0xFFFFFFB0  }
0x78: {  	[tilespmem:s18], [sflag:$0x1] =	stream.indirect.gather [hbm4b:s1+s14], $0x80, s2, s14, $0xb8;
	[tilespmem:$0x1BA00] =	vst v63  }
0x79: {  	s16 =	simm.s32 $0x280;
	s15 =	rddreg [dreg:$0x18]  }
0x7a: {  	[tilespmem:s16], [sflag:$0xC] =	stream.linear.gather [hbm4b:s15+s4], $0x50, $0x38;
	[tilespmem:$0x1BA00] =	vst v63  }
0x7b: {  	s30 =	simm.s32 $0x580;
	s17 =	rddreg [dreg:$0x19]  }
0x7c: {  	[tilespmem:s30], [sflag:$0x12] =	stream.linear.gather [hbm4b:s17+s4], $0x50, $0x38;
	[tilespmem:$0x1BA00] =	vst v63  }
0x7d: {  	s30 =	simm.s32 $0x3  }
0x7e: {  	_ =	swait.ge [sflag:s30], $0x2800  }
0x7f: {  	[sflag:s30] =	ssyncset.done $0x0  }
0x80: {  	s7 =	simm.s32 $0x400;
	s2 =	simm.s32 $0x5;
	[sflag:s30] =	ssyncadd.s32 $0xFFFFD800  }
0x81: {  	[spmem:s3] =	stream.indirect.scatter.add.f32 [tilespmem:s23], [sflag:$0x6], $0x80, s7, s14, $0xb8;
	[tilespmem:$0x1BA00] =	vst v63  }
0x82: {  	_ =	swait.ge [sflag:s2], $0x2800  }
0x83: {  	[sflag:s2] =	ssyncset.done $0x0  }
0x84: {  	s13 =	simm.s32 $0xB;
	[sflag:s2] =	ssyncadd.s32 $0xFFFFD800  }
0x85: {  	_ =	swait.ge [sflag:s13], $0x50  }
0x86: {  	[sflag:s13] =	ssyncset.done $0x0  }
0x87: {  	s16 =	simm.s32 $0x11;
	[sflag:s13] =	ssyncadd.s32 $0xFFFFFFB0  }
0x88: {  	_ =	swait.ge [sflag:s16], $0x50  }
0x89: {  	[sflag:s16] =	ssyncset.done $0x0  }
0x8a: {  	[sflag:s16] =	ssyncadd.s32 $0xFFFFFFB0  }
0x8b: {  	[tilespmem:s22], [sflag:$0x2] =	stream.indirect.gather [hbm4b:s1+s14], $0x80, s31, s14, $0xb8;
	[tilespmem:$0x1BA00] =	vst v63  }
0x8c: {  	s7 =	rddreg [dreg:$0x1a]  }
0x8d: {  	[tilespmem:s4], [sflag:$0x7] =	stream.linear.gather [hbm4b:s7+s4], $0x50, $0x38;
	[tilespmem:$0x1BA00] =	vst v63  }
0x8e: {  	s24 =	simm.s32 $0x300;
	s7 =	rddreg [dreg:$0x1b]  }
0x8f: {  	[tilespmem:s24], [sflag:$0xD] =	stream.linear.gather [hbm4b:s7+s4], $0x50, $0x38;
	[tilespmem:$0x1BA00] =	vst v63  }
0x90: {  	_ =	swait.ge [sflag:s19], $0x2800  }
0x91: {  	[sflag:s19] =	ssyncset.done $0x0  }
0x92: {  	s10 =	simm.s32 $0x480;
	s7 =	simm.s32 $0x6;
	[sflag:s19] =	ssyncadd.s32 $0xFFFFD800  }
0x93: {  	[spmem:s3] =	stream.indirect.scatter.add.f32 [tilespmem:s18], [sflag:$0x4], $0x80, s10, s14, $0xb8;
	[tilespmem:$0x1BA00] =	vst v63  }
0x94: {  	_ =	swait.ge [sflag:s7], $0x2800  }
0x95: {  	[sflag:s7] =	ssyncset.done $0x0  }
0x96: {  	[sflag:s7] =	ssyncadd.s32 $0xFFFFD800  }
0x97: {  	_ =	swait.ge [sflag:s8], $0x50  }
0x98: {  	[sflag:s8] =	ssyncset.done $0x0  }
0x99: {  	[sflag:s8] =	ssyncadd.s32 $0xFFFFFFB0  }
0x9a: {  	_ =	swait.ge [sflag:s9], $0x50  }
0x9b: {  	[sflag:s9] =	ssyncset.done $0x0  }
0x9c: {  	s15 =	simm.s32 $0x280;
	[sflag:s9] =	ssyncadd.s32 $0xFFFFFFB0  }
0x9d: {  	[tilespmem:s23], [sflag:$0x3] =	stream.indirect.gather [hbm4b:s1+s14], $0x80, s15, s14, $0xb8;
	[tilespmem:$0x1BA00] =	vst v63  }
0x9e: {  	s24 =	rddreg [dreg:$0x1c]  }
0x9f: {  	[tilespmem:s0], [sflag:$0x8] =	stream.linear.gather [hbm4b:s24+s4], $0x50, $0x38;
	[tilespmem:$0x1BA00] =	vst v63  }
0xa0: {  	s15 =	rddreg [dreg:$0x1d];
	s24 =	simm.s32 $0x380  }
0xa1: {  	[tilespmem:s24], [sflag:$0xE] =	stream.linear.gather [hbm4b:s15+s4], $0x50, $0x38;
	[tilespmem:$0x1BA00] =	vst v63  }
0xa2: {  	_ =	swait.ge [sflag:s25], $0x2800  }
0xa3: {  	[sflag:s25] =	ssyncset.done $0x0  }
0xa4: {  	s15 =	simm.s32 $0x500;
	[sflag:s25] =	ssyncadd.s32 $0xFFFFD800  }
0xa5: {  	[spmem:s3] =	stream.indirect.scatter.add.f32 [tilespmem:s22], [sflag:$0x5], $0x80, s15, s14, $0xb8;
	[tilespmem:$0x1BA00] =	vst v63  }
0xa6: {  	_ =	swait.ge [sflag:s26], $0x2800  }
0xa7: {  	[sflag:s26] =	ssyncset.done $0x0  }
0xa8: {  	[sflag:s26] =	ssyncadd.s32 $0xFFFFD800  }
0xa9: {  	_ =	swait.ge [sflag:s20], $0x50  }
0xaa: {  	[sflag:s20] =	ssyncset.done $0x0  }
0xab: {  	[sflag:s20] =	ssyncadd.s32 $0xFFFFFFB0  }
0xac: {  	_ =	swait.ge [sflag:s21], $0x50  }
0xad: {  	[sflag:s21] =	ssyncset.done $0x0  }
0xae: {  	[sflag:s21] =	ssyncadd.s32 $0xFFFFFFB0  }
0xaf: {  	[tilespmem:s18], [sflag:$0x1] =	stream.indirect.gather [hbm4b:s1+s14], $0x80, s4, s14, $0xb8;
	[tilespmem:$0x1BA00] =	vst v63  }
0xb0: {  	s15 =	simm.s32 $0x100;
	s24 =	rddreg [dreg:$0x1e]  }
0xb1: {  	[tilespmem:s15], [sflag:$0x9] =	stream.linear.gather [hbm4b:s24+s4], $0x50, $0x38;
	[tilespmem:$0x1BA00] =	vst v63  }
0xb2: {  	s17 =	simm.s32 $0x400;
	s24 =	rddreg [dreg:$0x1f]  }
0xb3: {  	[tilespmem:s17], [sflag:$0xF] =	stream.linear.gather [hbm4b:s24+s4], $0x50, $0x38;
	[tilespmem:$0x1BA00] =	vst v63  }
0xb4: {  	_ =	swait.ge [sflag:s30], $0x2800  }
0xb5: {  	[sflag:s30] =	ssyncset.done $0x0  }
0xb6: {  	s17 =	simm.s32 $0x580;
	[sflag:s30] =	ssyncadd.s32 $0xFFFFD800  }
0xb7: {  	[spmem:s3] =	stream.indirect.scatter.add.f32 [tilespmem:s23], [sflag:$0x6], $0x80, s17, s14, $0xb8;
	[tilespmem:$0x1BA00] =	vst v63  }
0xb8: {  	_ =	swait.ge [sflag:s2], $0x2800  }
0xb9: {  	[sflag:s2] =	ssyncset.done $0x0  }
0xba: {  	[sflag:s2] =	ssyncadd.s32 $0xFFFFD800  }
0xbb: {  	_ =	swait.ge [sflag:s28], $0x50  }
0xbc: {  	[sflag:s28] =	ssyncset.done $0x0  }
0xbd: {  	[sflag:s28] =	ssyncadd.s32 $0xFFFFFFB0  }
0xbe: {  	_ =	swait.ge [sflag:s29], $0x50  }
0xbf: {  	[sflag:s29] =	ssyncset.done $0x0  }
0xc0: {  	s24 =	sld [smem:$0x7F3];
	[sflag:s29] =	ssyncadd.s32 $0xFFFFFFB0  }
0xc1: {  	[tilespmem:s22], [sflag:$0x2] =	stream.indirect.gather [hbm4b:s1+s14], $0x80, s0, s14, $0xb8;
	[tilespmem:$0x1BA00] =	vst v63  }
0xc2: {  	s17 =	simm.s32 $0x180;
	s10 =	sld [smem:$0x7F4]  }
0xc3: {  	[tilespmem:s17], [sflag:$0xA] =	stream.linear.gather [hbm4b:s24+s4], $0x50, $0x38;
	[tilespmem:$0x1BA00] =	vst v63  }
0xc4: {  	s24 =	simm.s32 $0x480  }
0xc5: {  	[tilespmem:s24], [sflag:$0x10] =	stream.linear.gather [hbm4b:s10+s4], $0x50, $0x38;
	[tilespmem:$0x1BA00] =	vst v63  }
0xc6: {  	_ =	swait.ge [sflag:s19], $0x2800  }
0xc7: {  	[sflag:s19] =	ssyncset.done $0x0  }
0xc8: {  	s24 =	simm.s32 $0x300;
	[sflag:s19] =	ssyncadd.s32 $0xFFFFD800  }
0xc9: {  	[spmem:s3] =	stream.indirect.scatter.add.f32 [tilespmem:s18], [sflag:$0x4], $0x80, s24, s14, $0xb8;
	[tilespmem:$0x1BA00] =	vst v63  }
0xca: {  	_ =	swait.ge [sflag:s7], $0x2800  }
0xcb: {  	[sflag:s7] =	ssyncset.done $0x0  }
0xcc: {  	[sflag:s7] =	ssyncadd.s32 $0xFFFFD800  }
0xcd: {  	_ =	swait.ge [sflag:s5], $0x50  }
0xce: {  	[sflag:s5] =	ssyncset.done $0x0  }
0xcf: {  	[sflag:s5] =	ssyncadd.s32 $0xFFFFFFB0  }
0xd0: {  	_ =	swait.ge [sflag:s11], $0x50  }
0xd1: {  	[sflag:s11] =	ssyncset.done $0x0  }
0xd2: {  	s10 =	rddreg [dreg:$0xf];
	[sflag:s11] =	ssyncadd.s32 $0xFFFFFFB0  }
0xd3: {  	[tilespmem:s23], [sflag:$0x3] =	stream.indirect.gather [hbm4b:s1+s14], $0x80, s15, s14, $0xb8;
	[tilespmem:$0x1BA00] =	vst v63  }
0xd4: {  	s5 =	rddreg [dreg:$0xe];
	s10 =	sadd.s32 $0x0, s10  }
0xd5: {  	[tilespmem:s31], [sflag:$0xB] =	stream.linear.gather [hbm4b:s10+s4], $0x50, $0x38;
	[tilespmem:$0x1BA00] =	vst v63  }
0xd6: {  	s11 =	sadd.s32 $0x0, s5;
	s15 =	simm.s32 $0x500  }
0xd7: {  	[tilespmem:s15], [sflag:$0x11] =	stream.linear.gather [hbm4b:s11+s4], $0x50, $0x38;
	[tilespmem:$0x1BA00] =	vst v63  }
0xd8: {  	_ =	swait.ge [sflag:s25], $0x2800  }
0xd9: {  	[sflag:s25] =	ssyncset.done $0x0  }
0xda: {  	s15 =	simm.s32 $0x380;
	[sflag:s25] =	ssyncadd.s32 $0xFFFFD800  }
0xdb: {  	[spmem:s3] =	stream.indirect.scatter.add.f32 [tilespmem:s22], [sflag:$0x5], $0x80, s15, s14, $0xb8;
	[tilespmem:$0x1BA00] =	vst v63  }
0xdc: {  	_ =	swait.ge [sflag:s26], $0x2800  }
0xdd: {  	[sflag:s26] =	ssyncset.done $0x0  }
0xde: {  	[sflag:s26] =	ssyncadd.s32 $0xFFFFD800  }
0xdf: {  	_ =	swait.ge [sflag:s6], $0x50  }
0xe0: {  	[sflag:s6] =	ssyncset.done $0x0  }
0xe1: {  	[sflag:s6] =	ssyncadd.s32 $0xFFFFFFB0  }
0xe2: {  	_ =	swait.ge [sflag:s12], $0x50  }
0xe3: {  	[sflag:s12] =	ssyncset.done $0x0  }
0xe4: {  	s5 =	rddreg [dreg:$0xd];
	[sflag:s12] =	ssyncadd.s32 $0xFFFFFFB0  }
0xe5: {  	[tilespmem:s18], [sflag:$0x1] =	stream.indirect.gather [hbm4b:s1+s14], $0x80, s17, s14, $0xb8;
	[tilespmem:$0x1BA00] =	vst v63  }
0xe6: {  	s6 =	rddreg [dreg:$0xc];
	s10 =	sadd.s32 $0x0, s5;
	s5 =	simm.s32 $0x280  }
0xe7: {  	[tilespmem:s5], [sflag:$0xC] =	stream.linear.gather [hbm4b:s10+s4], $0x50, $0x38;
	[tilespmem:$0x1BA00] =	vst v63  }
0xe8: {  	s11 =	sadd.s32 $0x0, s6;
	s12 =	simm.s32 $0x580  }
0xe9: {  	[tilespmem:s12], [sflag:$0x12] =	stream.linear.gather [hbm4b:s11+s4], $0x50, $0x38;
	[tilespmem:$0x1BA00] =	vst v63  }
0xea: {  	_ =	swait.ge [sflag:s30], $0x2800  }
0xeb: {  	[sflag:s30] =	ssyncset.done $0x0  }
0xec: {  	s12 =	simm.s32 $0x400;
	[sflag:s30] =	ssyncadd.s32 $0xFFFFD800  }
0xed: {  	[spmem:s3] =	stream.indirect.scatter.add.f32 [tilespmem:s23], [sflag:$0x6], $0x80, s12, s14, $0xb8;
	[tilespmem:$0x1BA00] =	vst v63  }
0xee: {  	_ =	swait.ge [sflag:s2], $0x2800  }
0xef: {  	[sflag:s2] =	ssyncset.done $0x0  }
0xf0: {  	[sflag:s2] =	ssyncadd.s32 $0xFFFFD800  }
0xf1: {  	_ =	swait.ge [sflag:s13], $0x50  }
0xf2: {  	[sflag:s13] =	ssyncset.done $0x0  }
0xf3: {  	[sflag:s13] =	ssyncadd.s32 $0xFFFFFFB0  }
0xf4: {  	_ =	swait.ge [sflag:s16], $0x50  }
0xf5: {  	[sflag:s16] =	ssyncset.done $0x0  }
0xf6: {  	s11 =	rddreg [dreg:$0xb];
	[sflag:s16] =	ssyncadd.s32 $0xFFFFFFB0  }
0xf7: {  	[tilespmem:s22], [sflag:$0x2] =	stream.indirect.gather [hbm4b:s1+s14], $0x80, s31, s14, $0xb8;
	[tilespmem:$0x1BA00] =	vst v63  }
0xf8: {  	s13 =	rddreg [dreg:$0xa];
	s10 =	sadd.s32 $0x0, s11  }
0xf9: {  	[tilespmem:s4], [sflag:$0x7] =	stream.linear.gather [hbm4b:s10+s4], $0x50, $0x38;
	[tilespmem:$0x1BA00] =	vst v63  }
0xfa: {  	s16 =	sadd.s32 $0x0, s13  }
0xfb: {  	[tilespmem:s24], [sflag:$0xD] =	stream.linear.gather [hbm4b:s16+s4], $0x50, $0x38;
	[tilespmem:$0x1BA00] =	vst v63  }
0xfc: {  	_ =	swait.ge [sflag:s19], $0x2800  }
0xfd: {  	[sflag:s19] =	ssyncset.done $0x0  }
0xfe: {  	s31 =	simm.s32 $0x480;
	[sflag:s19] =	ssyncadd.s32 $0xFFFFD800  }
0xff: {  	[spmem:s3] =	stream.indirect.scatter.add.f32 [tilespmem:s18], [sflag:$0x4], $0x80, s31, s14, $0xb8;
	[tilespmem:$0x1BA00] =	vst v63  }
0x100: {  	_ =	swait.ge [sflag:s7], $0x2800  }
0x101: {  	[sflag:s7] =	ssyncset.done $0x0  }
0x102: {  	[sflag:s7] =	ssyncadd.s32 $0xFFFFD800  }
0x103: {  	_ =	swait.ge [sflag:s8], $0x50  }
0x104: {  	[sflag:s8] =	ssyncset.done $0x0  }
0x105: {  	[sflag:s8] =	ssyncadd.s32 $0xFFFFFFB0  }
0x106: {  	_ =	swait.ge [sflag:s9], $0x50  }
0x107: {  	[sflag:s9] =	ssyncset.done $0x0  }
0x108: {  	s11 =	rddreg [dreg:$0x9];
	[sflag:s9] =	ssyncadd.s32 $0xFFFFFFB0  }
0x109: {  	[tilespmem:s23], [sflag:$0x3] =	stream.indirect.gather [hbm4b:s1+s14], $0x80, s5, s14, $0xb8;
	[tilespmem:$0x1BA00] =	vst v63  }
0x10a: {  	s13 =	rddreg [dreg:$0x8];
	s10 =	sadd.s32 $0x0, s11  }
0x10b: {  	[tilespmem:s0], [sflag:$0x8] =	stream.linear.gather [hbm4b:s10+s4], $0x50, $0x38;
	[tilespmem:$0x1BA00] =	vst v63  }
0x10c: {  	s16 =	sadd.s32 $0x0, s13  }
0x10d: {  	[tilespmem:s15], [sflag:$0xE] =	stream.linear.gather [hbm4b:s16+s4], $0x50, $0x38;
	[tilespmem:$0x1BA00] =	vst v63  }
0x10e: {  	_ =	swait.ge [sflag:s25], $0x2800  }
0x10f: {  	[sflag:s25] =	ssyncset.done $0x0  }
0x110: {  	s19 =	simm.s32 $0x500;
	[sflag:s25] =	ssyncadd.s32 $0xFFFFD800  }
0x111: {  	[spmem:s3] =	stream.indirect.scatter.add.f32 [tilespmem:s22], [sflag:$0x5], $0x80, s19, s14, $0xb8;
	[tilespmem:$0x1BA00] =	vst v63  }
0x112: {  	_ =	swait.ge [sflag:s26], $0x2800  }
0x113: {  	[sflag:s26] =	ssyncset.done $0x0  }
0x114: {  	[sflag:s26] =	ssyncadd.s32 $0xFFFFD800  }
0x115: {  	_ =	swait.ge [sflag:s20], $0x50  }
0x116: {  	[sflag:s20] =	ssyncset.done $0x0  }
0x117: {  	[sflag:s20] =	ssyncadd.s32 $0xFFFFFFB0  }
0x118: {  	_ =	swait.ge [sflag:s21], $0x50  }
0x119: {  	[sflag:s21] =	ssyncset.done $0x0  }
0x11a: {  	s20 =	rddreg [dreg:$0x7];
	[sflag:s21] =	ssyncadd.s32 $0xFFFFFFB0  }
0x11b: {  	[tilespmem:s18], [sflag:$0x1] =	stream.indirect.gather [hbm4b:s1+s14], $0x80, s4, s14, $0xb8;
	[tilespmem:$0x1BA00] =	vst v63  }
0x11c: {  	s25 =	simm.s32 $0x100;
	s24 =	rddreg [dreg:$0x6];
	s10 =	sadd.s32 $0x0, s20  }
0x11d: {  	[tilespmem:s25], [sflag:$0x9] =	stream.linear.gather [hbm4b:s10+s4], $0x50, $0x38;
	[tilespmem:$0x1BA00] =	vst v63  }
0x11e: {  	s26 =	sadd.s32 $0x0, s24  }
0x11f: {  	[tilespmem:s12], [sflag:$0xF] =	stream.linear.gather [hbm4b:s26+s4], $0x50, $0x38;
	[tilespmem:$0x1BA00] =	vst v63  }
0x120: {  	_ =	swait.ge [sflag:s30], $0x2800  }
0x121: {  	[sflag:s30] =	ssyncset.done $0x0  }
0x122: {  	s6 =	simm.s32 $0x580;
	[sflag:s30] =	ssyncadd.s32 $0xFFFFD800  }
0x123: {  	[spmem:s3] =	stream.indirect.scatter.add.f32 [tilespmem:s23], [sflag:$0x6], $0x80, s6, s14, $0xb8;
	[tilespmem:$0x1BA00] =	vst v63  }
0x124: {  	_ =	swait.ge [sflag:s2], $0x2800  }
0x125: {  	[sflag:s2] =	ssyncset.done $0x0  }
0x126: {  	[sflag:s2] =	ssyncadd.s32 $0xFFFFD800  }
0x127: {  	_ =	swait.ge [sflag:s28], $0x50  }
0x128: {  	[sflag:s28] =	ssyncset.done $0x0  }
0x129: {  	[sflag:s28] =	ssyncadd.s32 $0xFFFFFFB0  }
0x12a: {  	_ =	swait.ge [sflag:s29], $0x50  }
0x12b: {  	s17 =	simm.s32 $0x180;
	s9 =	simm.s32 $0xC;
	[sflag:s29] =	ssyncset.done $0x0  }
0x12c: {  	s15 =	simm.s32 $0x12;
	s30 =	rddreg [dreg:$0x5];
	[sflag:s29] =	ssyncadd.s32 $0xFFFFFFB0  }
0x12d: {  	[tilespmem:s22], [sflag:$0x2] =	stream.indirect.gather [hbm4b:s1+s14], $0x80, s0, s14, $0xb8;
	[tilespmem:$0x1BA00] =	vst v63  }
0x12e: {  	s21 =	simm.s32 $0x7;
	s31 =	rddreg [dreg:$0x4];
	s10 =	sadd.s32 $0x0, s30  }
0x12f: {  	[tilespmem:s17], [sflag:$0xA] =	stream.linear.gather [hbm4b:s10+s4], $0x50, $0x38;
	[tilespmem:$0x1BA00] =	vst v63  }
0x130: {  	s11 =	sadd.s32 $0x0, s31;
	s29 =	simm.s32 $0x8;
	s10 =	simm.s32 $0x3C  }
.LBB2_2:
0x131: {  	s13 =	simm.s32 $0x480;
	s25 =	simm.s32 $0x1  }
0x132: {  	[tilespmem:s13], [sflag:$0x10] =	stream.linear.gather [hbm4b:s11+s4], $0x50, $0x38;
	[tilespmem:$0x1BA00] =	vst v63  }
0x133: {  	_ =	swait.ge [sflag:s25], $0x2800  }
0x134: {  	[sflag:s25] =	ssyncset.done $0x0  }
0x135: {  	s0 =	simm.s32 $0x300;
	[sflag:s25] =	ssyncadd.s32 $0xFFFFD800  }
0x136: {  	s18 =	simm.s32 $0x600;
	s5 =	simm.s32 $0x6;
	s19 =	rddreg [dreg:$0x2]  }
0x137: {  	[spmem:s19] =	stream.indirect.scatter.add.f32 [tilespmem:s18], [sflag:$0x4], $0x80, s0, s14, $0xb8;
	[tilespmem:$0x1BA00] =	vst v63  }
0x138: {  	_ =	swait.ge [sflag:s5], $0x2800  }
0x139: {  	[sflag:s5] =	ssyncset.done $0x0  }
0x13a: {  	s12 =	simm.s32 $0x9;
	[sflag:s5] =	ssyncadd.s32 $0xFFFFD800  }
0x13b: {  	_ =	swait.ge [sflag:s12], $0x50  }
0x13c: {  	[sflag:s12] =	ssyncset.done $0x0  }
0x13d: {  	s24 =	simm.s32 $0xF;
	[sflag:s12] =	ssyncadd.s32 $0xFFFFFFB0  }
0x13e: {  	_ =	swait.ge [sflag:s24], $0x50  }
0x13f: {  	[sflag:s24] =	ssyncset.done $0x0  }
0x140: {  	s16 =	simm.s32 $0x100;
	s23 =	rddreg [dreg:$0xf];
	[sflag:s24] =	ssyncadd.s32 $0xFFFFFFB0  }
0x141: {  	s1 =	simm.s32 $0x5600;
	s11 =	smov.u32 s10;
	s3 =	rddreg [dreg:$0x0]  }
0x142: {  	[tilespmem:s1], [sflag:$0x3] =	stream.indirect.gather [hbm4b:s3+s14], $0x80, s16, s14, $0xb8;
	[tilespmem:$0x1BA00] =	vst v63  }
0x143: {  	s31 =	simm.s32 $0x200;
	s24 =	rddreg [dreg:$0xe];
	s23 =	sadd.s32 s11, s23  }
0x144: {  	[tilespmem:s31], [sflag:$0xB] =	stream.linear.gather [hbm4b:s23+s4], $0x50, $0x38;
	[tilespmem:$0x1BA00] =	vst v63  }
0x145: {  	s6 =	simm.s32 $0x500;
	s26 =	sadd.s32 s11, s24  }
0x146: {  	[tilespmem:s6], [sflag:$0x11] =	stream.linear.gather [hbm4b:s26+s4], $0x50, $0x38;
	[tilespmem:$0x1BA00] =	vst v63  }
0x147: {  	s26 =	simm.s32 $0x2  }
0x148: {  	_ =	swait.ge [sflag:s26], $0x2800  }
0x149: {  	s22 =	simm.s32 $0x2E00;
	[sflag:s26] =	ssyncset.done $0x0  }
0x14a: {  	s30 =	simm.s32 $0x4;
	s12 =	simm.s32 $0x380;
	[sflag:s26] =	ssyncadd.s32 $0xFFFFD800  }
0x14b: {  	[spmem:s19] =	stream.indirect.scatter.add.f32 [tilespmem:s22], [sflag:$0x5], $0x80, s12, s14, $0xb8;
	[tilespmem:$0x1BA00] =	vst v63  }
0x14c: {  	_ =	swait.ge [sflag:s30], $0x2800  }
0x14d: {  	[sflag:s30] =	ssyncset.done $0x0  }
0x14e: {  	s17 =	simm.s32 $0xA;
	[sflag:s30] =	ssyncadd.s32 $0xFFFFD800  }
0x14f: {  	_ =	swait.ge [sflag:s17], $0x50  }
0x150: {  	[sflag:s17] =	ssyncset.done $0x0  }
0x151: {  	s28 =	simm.s32 $0x10;
	[sflag:s17] =	ssyncadd.s32 $0xFFFFFFB0  }
0x152: {  	_ =	swait.ge [sflag:s28], $0x50  }
0x153: {  	[sflag:s28] =	ssyncset.done $0x0  }
0x154: {  	s20 =	simm.s32 $0x180;
	s2 =	rddreg [dreg:$0xd];
	[sflag:s28] =	ssyncadd.s32 $0xFFFFFFB0  }
0x155: {  	[tilespmem:s18], [sflag:$0x1] =	stream.indirect.gather [hbm4b:s3+s14], $0x80, s20, s14, $0xb8;
	[tilespmem:$0x1BA00] =	vst v63  }
0x156: {  	s8 =	simm.s32 $0x280;
	s7 =	rddreg [dreg:$0xc];
	s23 =	sadd.s32 s11, s2  }
0x157: {  	[tilespmem:s8], [sflag:$0xC] =	stream.linear.gather [hbm4b:s23+s4], $0x50, $0x38;
	[tilespmem:$0x1BA00] =	vst v63  }
0x158: {  	s17 =	sadd.s32 s11, s7;
	s28 =	simm.s32 $0x580;
	s2 =	simm.s32 $0x3  }
0x159: {  	[tilespmem:s28], [sflag:$0x12] =	stream.linear.gather [hbm4b:s17+s4], $0x50, $0x38;
	[tilespmem:$0x1BA00] =	vst v63  }
0x15a: {  	_ =	swait.ge [sflag:s2], $0x2800  }
0x15b: {  	[sflag:s2] =	ssyncset.done $0x0  }
0x15c: {  	s7 =	simm.s32 $0x5;
	s17 =	simm.s32 $0x400;
	[sflag:s2] =	ssyncadd.s32 $0xFFFFD800  }
0x15d: {  	[spmem:s19] =	stream.indirect.scatter.add.f32 [tilespmem:s1], [sflag:$0x6], $0x80, s17, s14, $0xb8;
	[tilespmem:$0x1BA00] =	vst v63  }
0x15e: {  	_ =	swait.ge [sflag:s7], $0x2800  }
0x15f: {  	[sflag:s7] =	ssyncset.done $0x0  }
0x160: {  	s24 =	simm.s32 $0xB;
	[sflag:s7] =	ssyncadd.s32 $0xFFFFD800  }
0x161: {  	_ =	swait.ge [sflag:s24], $0x50  }
0x162: {  	[sflag:s24] =	ssyncset.done $0x0  }
0x163: {  	[sflag:s24] =	ssyncadd.s32 $0xFFFFFFB0;
	s24 =	simm.s32 $0x11  }
0x164: {  	_ =	swait.ge [sflag:s24], $0x50  }
0x165: {  	[sflag:s24] =	ssyncset.done $0x0  }
0x166: {  	s23 =	rddreg [dreg:$0xb];
	[sflag:s24] =	ssyncadd.s32 $0xFFFFFFB0  }
0x167: {  	[tilespmem:s22], [sflag:$0x2] =	stream.indirect.gather [hbm4b:s3+s14], $0x80, s31, s14, $0xb8;
	[tilespmem:$0x1BA00] =	vst v63  }
0x168: {  	s24 =	rddreg [dreg:$0xa];
	s23 =	sadd.s32 s11, s23  }
0x169: {  	[tilespmem:s4], [sflag:$0x7] =	stream.linear.gather [hbm4b:s23+s4], $0x50, $0x38;
	[tilespmem:$0x1BA00] =	vst v63  }
0x16a: {  	s24 =	sadd.s32 s11, s24  }
0x16b: {  	[tilespmem:s0], [sflag:$0xD] =	stream.linear.gather [hbm4b:s24+s4], $0x50, $0x38;
	[tilespmem:$0x1BA00] =	vst v63  }
0x16c: {  	_ =	swait.ge [sflag:s25], $0x2800  }
0x16d: {  	[sflag:s25] =	ssyncset.done $0x0  }
0x16e: {  	[sflag:s25] =	ssyncadd.s32 $0xFFFFD800  }
0x16f: {  	[spmem:s19] =	stream.indirect.scatter.add.f32 [tilespmem:s18], [sflag:$0x4], $0x80, s13, s14, $0xb8;
	[tilespmem:$0x1BA00] =	vst v63  }
0x170: {  	_ =	swait.ge [sflag:s5], $0x2800  }
0x171: {  	[sflag:s5] =	ssyncset.done $0x0  }
0x172: {  	[sflag:s5] =	ssyncadd.s32 $0xFFFFD800  }
0x173: {  	_ =	swait.ge [sflag:s9], $0x50  }
0x174: {  	[sflag:s9] =	ssyncset.done $0x0  }
0x175: {  	[sflag:s9] =	ssyncadd.s32 $0xFFFFFFB0  }
0x176: {  	_ =	swait.ge [sflag:s15], $0x50  }
0x177: {  	[sflag:s15] =	ssyncset.done $0x0  }
0x178: {  	s5 =	rddreg [dreg:$0x9];
	[sflag:s15] =	ssyncadd.s32 $0xFFFFFFB0  }
0x179: {  	[tilespmem:s1], [sflag:$0x3] =	stream.indirect.gather [hbm4b:s3+s14], $0x80, s8, s14, $0xb8;
	[tilespmem:$0x1BA00] =	vst v63  }
0x17a: {  	s0 =	simm.s32 $0x80;
	s13 =	rddreg [dreg:$0x8];
	s23 =	sadd.s32 s11, s5  }
0x17b: {  	[tilespmem:s0], [sflag:$0x8] =	stream.linear.gather [hbm4b:s23+s4], $0x50, $0x38;
	[tilespmem:$0x1BA00] =	vst v63  }
0x17c: {  	s25 =	sadd.s32 s11, s13  }
0x17d: {  	[tilespmem:s12], [sflag:$0xE] =	stream.linear.gather [hbm4b:s25+s4], $0x50, $0x38;
	[tilespmem:$0x1BA00] =	vst v63  }
0x17e: {  	_ =	swait.ge [sflag:s26], $0x2800  }
0x17f: {  	[sflag:s26] =	ssyncset.done $0x0  }
0x180: {  	[sflag:s26] =	ssyncadd.s32 $0xFFFFD800  }
0x181: {  	[spmem:s19] =	stream.indirect.scatter.add.f32 [tilespmem:s22], [sflag:$0x5], $0x80, s6, s14, $0xb8;
	[tilespmem:$0x1BA00] =	vst v63  }
0x182: {  	_ =	swait.ge [sflag:s30], $0x2800  }
0x183: {  	[sflag:s30] =	ssyncset.done $0x0  }
0x184: {  	[sflag:s30] =	ssyncadd.s32 $0xFFFFD800  }
0x185: {  	_ =	swait.ge [sflag:s21], $0x50  }
0x186: {  	[sflag:s21] =	ssyncset.done $0x0  }
0x187: {  	s30 =	simm.s32 $0xD;
	[sflag:s21] =	ssyncadd.s32 $0xFFFFFFB0  }
0x188: {  	_ =	swait.ge [sflag:s30], $0x50  }
0x189: {  	[sflag:s30] =	ssyncset.done $0x0  }
0x18a: {  	s6 =	rddreg [dreg:$0x7];
	[sflag:s30] =	ssyncadd.s32 $0xFFFFFFB0  }
0x18b: {  	[tilespmem:s18], [sflag:$0x1] =	stream.indirect.gather [hbm4b:s3+s14], $0x80, s4, s14, $0xb8;
	[tilespmem:$0x1BA00] =	vst v63  }
0x18c: {  	s8 =	rddreg [dreg:$0x6];
	s23 =	sadd.s32 s11, s6  }
0x18d: {  	[tilespmem:s16], [sflag:$0x9] =	stream.linear.gather [hbm4b:s23+s4], $0x50, $0x38;
	[tilespmem:$0x1BA00] =	vst v63  }
0x18e: {  	s25 =	sadd.s32 s11, s8  }
0x18f: {  	[tilespmem:s17], [sflag:$0xF] =	stream.linear.gather [hbm4b:s25+s4], $0x50, $0x38;
	[tilespmem:$0x1BA00] =	vst v63  }
0x190: {  	_ =	swait.ge [sflag:s2], $0x2800  }
0x191: {  	[sflag:s2] =	ssyncset.done $0x0  }
0x192: {  	[sflag:s2] =	ssyncadd.s32 $0xFFFFD800  }
0x193: {  	[spmem:s19] =	stream.indirect.scatter.add.f32 [tilespmem:s1], [sflag:$0x6], $0x80, s28, s14, $0xb8;
	[tilespmem:$0x1BA00] =	vst v63  }
0x194: {  	_ =	swait.ge [sflag:s7], $0x2800  }
0x195: {  	[sflag:s7] =	ssyncset.done $0x0  }
0x196: {  	[sflag:s7] =	ssyncadd.s32 $0xFFFFD800  }
0x197: {  	_ =	swait.ge [sflag:s29], $0x50  }
0x198: {  	p0 =	sne.s32 s10, $0x438;
	s10 =	sadd.s32 $0x3C, s10;
	[sflag:s29] =	ssyncset.done $0x0  }
0x199: {  	s31 =	simm.s32 $0x300;
	s26 =	simm.s32 $0xE;
	[sflag:s29] =	ssyncadd.s32 $0xFFFFFFB0  }
0x19a: {  	s13 =	simm.s32 $0x380;
	s12 =	simm.s32 $0x100;
	_ =	swait.ge [sflag:s26], $0x50  }
.Ltmp0:
0x19b: {  	[sflag:s26] =	ssyncset.done $0x0;
	s28 =	rddreg [dreg:$0x5];
	(pc) =	sbr.rel @p0 .LBB2_2-.Ltmp0, $4  }
0x19c: {  	s16 =	simm.s32 $0x400;
	s30 =	rddreg [dreg:$0x4];
	[sflag:s26] =	ssyncadd.s32 $0xFFFFFFB0  }
0x19d: {  	[tilespmem:s22], [sflag:$0x2] =	stream.indirect.gather [hbm4b:s3+s14], $0x80, s0, s14, $0xb8;
	[tilespmem:$0x1BA00] =	vst v63  }
0x19e: {  	s17 =	simm.s32 $0x180;
	s23 =	sadd.s32 s11, s28;
	s11 =	sadd.s32 s11, s30  }
0x19f: {  	[tilespmem:s20], [sflag:$0xA] =	stream.linear.gather [hbm4b:s23+s4], $0x50, $0x38;
	[tilespmem:$0x1BA00] =	vst v63  }
0x1a0: {  	s20 =	simm.s32 $0x480;
	s15 =	simm.s32 $0x1  }
0x1a1: {  	[tilespmem:s20], [sflag:$0x10] =	stream.linear.gather [hbm4b:s11+s4], $0x50, $0x38;
	[tilespmem:$0x1BA00] =	vst v63  }
0x1a2: {  	_ =	swait.ge [sflag:s15], $0x2800  }
0x1a3: {  	[sflag:s15] =	ssyncset.done $0x0  }
0x1a4: {  	[sflag:s15] =	ssyncadd.s32 $0xFFFFD800  }
0x1a5: {  	s8 =	simm.s32 $0x600;
	s7 =	simm.s32 $0x6;
	s11 =	rddreg [dreg:$0x2]  }
0x1a6: {  	[spmem:s11] =	stream.indirect.scatter.add.f32 [tilespmem:s8], [sflag:$0x4], $0x80, s31, s14, $0xb8;
	[tilespmem:$0x1BA00] =	vst v63  }
0x1a7: {  	_ =	swait.ge [sflag:s7], $0x2800  }
0x1a8: {  	[sflag:s7] =	ssyncset.done $0x0  }
0x1a9: {  	s5 =	simm.s32 $0x9;
	[sflag:s7] =	ssyncadd.s32 $0xFFFFD800  }
0x1aa: {  	_ =	swait.ge [sflag:s5], $0x50  }
0x1ab: {  	[sflag:s5] =	ssyncset.done $0x0  }
0x1ac: {  	s25 =	simm.s32 $0xF;
	[sflag:s5] =	ssyncadd.s32 $0xFFFFFFB0  }
0x1ad: {  	_ =	swait.ge [sflag:s25], $0x50  }
0x1ae: {  	[sflag:s25] =	ssyncset.done $0x0  }
0x1af: {  	s10 =	sld [smem:$0x7F7];
	[sflag:s25] =	ssyncadd.s32 $0xFFFFFFB0  }
0x1b0: {  	s1 =	simm.s32 $0x5600;
	s3 =	rddreg [dreg:$0x0]  }
0x1b1: {  	[tilespmem:s1], [sflag:$0x3] =	stream.indirect.gather [hbm4b:s3+s14], $0x80, s12, s14, $0xb8;
	[tilespmem:$0x1BA00] =	vst v63  }
0x1b2: {  	s26 =	simm.s32 $0x200;
	s30 =	sld [smem:$0x7F8]  }
0x1b3: {  	[tilespmem:s26], [sflag:$0xB] =	stream.linear.gather [hbm4b:s10+s4], $0x50, $0x38;
	[tilespmem:$0x1BA00] =	vst v63  }
0x1b4: {  	s6 =	simm.s32 $0x500;
	s31 =	simm.s32 $0x2  }
0x1b5: {  	[tilespmem:s6], [sflag:$0x11] =	stream.linear.gather [hbm4b:s30+s4], $0x50, $0x38;
	[tilespmem:$0x1BA00] =	vst v63  }
0x1b6: {  	_ =	swait.ge [sflag:s31], $0x2800  }
0x1b7: {  	[sflag:s31] =	ssyncset.done $0x0  }
0x1b8: {  	s9 =	simm.s32 $0x2E00;
	s18 =	simm.s32 $0x4;
	[sflag:s31] =	ssyncadd.s32 $0xFFFFD800  }
0x1b9: {  	[spmem:s11] =	stream.indirect.scatter.add.f32 [tilespmem:s9], [sflag:$0x5], $0x80, s13, s14, $0xb8;
	[tilespmem:$0x1BA00] =	vst v63  }
0x1ba: {  	_ =	swait.ge [sflag:s18], $0x2800  }
0x1bb: {  	[sflag:s18] =	ssyncset.done $0x0  }
0x1bc: {  	s19 =	simm.s32 $0xA;
	[sflag:s18] =	ssyncadd.s32 $0xFFFFD800  }
0x1bd: {  	_ =	swait.ge [sflag:s19], $0x50  }
0x1be: {  	[sflag:s19] =	ssyncset.done $0x0  }
0x1bf: {  	s21 =	simm.s32 $0x10;
	[sflag:s19] =	ssyncadd.s32 $0xFFFFFFB0  }
0x1c0: {  	_ =	swait.ge [sflag:s21], $0x50  }
0x1c1: {  	[sflag:s21] =	ssyncset.done $0x0  }
0x1c2: {  	s2 =	simm.s32 $0x3;
	[sflag:s21] =	ssyncadd.s32 $0xFFFFFFB0  }
0x1c3: {  	[tilespmem:s8], [sflag:$0x1] =	stream.indirect.gather [hbm4b:s3+s14], $0x80, s17, s14, $0xb8;
	[tilespmem:$0x1BA00] =	vst v63  }
0x1c4: {  	_ =	swait.ge [sflag:s2], $0x2800  }
0x1c5: {  	[sflag:s2] =	ssyncset.done $0x0  }
0x1c6: {  	s22 =	simm.s32 $0x5;
	[sflag:s2] =	ssyncadd.s32 $0xFFFFD800  }
0x1c7: {  	[spmem:s11] =	stream.indirect.scatter.add.f32 [tilespmem:s1], [sflag:$0x6], $0x80, s16, s14, $0xb8;
	[tilespmem:$0x1BA00] =	vst v63  }
0x1c8: {  	_ =	swait.ge [sflag:s22], $0x2800  }
0x1c9: {  	[sflag:s22] =	ssyncset.done $0x0  }
0x1ca: {  	s23 =	simm.s32 $0xB;
	[sflag:s22] =	ssyncadd.s32 $0xFFFFD800  }
0x1cb: {  	_ =	swait.ge [sflag:s23], $0x50  }
0x1cc: {  	[sflag:s23] =	ssyncset.done $0x0  }
0x1cd: {  	s24 =	simm.s32 $0x11;
	[sflag:s23] =	ssyncadd.s32 $0xFFFFFFB0  }
0x1ce: {  	_ =	swait.ge [sflag:s24], $0x50  }
0x1cf: {  	[sflag:s24] =	ssyncset.done $0x0  }
0x1d0: {  	[sflag:s24] =	ssyncadd.s32 $0xFFFFFFB0  }
0x1d1: {  	[tilespmem:s9], [sflag:$0x2] =	stream.indirect.gather [hbm4b:s3+s14], $0x80, s26, s14, $0xb8;
	[tilespmem:$0x1BA00] =	vst v63  }
0x1d2: {  	_ =	swait.ge [sflag:s15], $0x2800  }
0x1d3: {  	[sflag:s15] =	ssyncset.done $0x0  }
0x1d4: {  	[sflag:s15] =	ssyncadd.s32 $0xFFFFD800  }
0x1d5: {  	[spmem:s11] =	stream.indirect.scatter.add.f32 [tilespmem:s8], [sflag:$0x4], $0x80, s20, s14, $0xb8;
	[tilespmem:$0x1BA00] =	vst v63  }
0x1d6: {  	_ =	swait.ge [sflag:s7], $0x2800  }
0x1d7: {  	[sflag:s7] =	ssyncset.done $0x0  }
0x1d8: {  	[sflag:s7] =	ssyncadd.s32 $0xFFFFD800  }
0x1d9: {  	_ =	swait.ge [sflag:s31], $0x2800  }
0x1da: {  	[sflag:s31] =	ssyncset.done $0x0  }
0x1db: {  	[sflag:s31] =	ssyncadd.s32 $0xFFFFD800  }
0x1dc: {  	[spmem:s11] =	stream.indirect.scatter.add.f32 [tilespmem:s9], [sflag:$0x5], $0x80, s6, s14, $0xb8;
	[tilespmem:$0x1BA00] =	vst v63  }
0x1dd: {  	_ =	swait.ge [sflag:s18], $0x2800  }
0x1de: {  	[sflag:s18] =	ssyncset.done $0x0  }
0x1df: {  	[sflag:s18] =	ssyncadd.s32 $0xFFFFD800  }
0x1e0: {  	_ =	swait.ge [sflag:s22], $0x2800  }
0x1e1: {  	[sflag:s22] =	ssyncset.done $0x0  }
0x1e2: {  	[sflag:s22] =	ssyncadd.s32 $0xFFFFD800  }
0x1e3: {  	[bflag:$0x0] =	sbarrier.arrive $0xFFFF  }
0x1e4: {  	s11 =	sld [smem:$0x7FD]  }
0x1e5: {  	s25 =	sld [smem:$0x7FB]  }
0x1e6: {  	s26 =	sld [smem:$0x7F2];
	_ =	sdelay $0x1  }
0x1e7: {  	s23 =	simm.s32 $0x13  }
0x1e8: {  	[hbm:s25], [sflag:s11] =	dma.local [spmem:s26], $0x2780  }
0x1e9: {  	_ =	swait.ge [sflag:s23], $0x2780  }
0x1ea: {  	s30 =	sld [smem:$0x7F1]  }
0x1eb: {  	s31 =	sld [smem:$0x7FC];
	_ =	sdelay $0x1  }
0x1ec: {  	s5 =	sadd.s32 $0x1, s30  }
0x1ed: {  	p0 =	sne.s32 s5, s31  }
.Ltmp1:
0x1ee: {  	_ = 	snop;
	(pc) =	sbr.rel @p0 .LBB2_1-.Ltmp1, $4  }
0x1ef: {  	_ = 	snop  }
0x1f0: {  	s28 =	simm.s32 $0x8;
	s29 =	simm.s32 $0xE  }
0x1f1: {  	s21 =	simm.s32 $0xD;
	s20 =	simm.s32 $0x7;
	[sflag:s23] =	ssyncset.done $0x0  }
0x1f2: {  	s8 =	simm.s32 $0xC;
	s9 =	simm.s32 $0x12;
	[sflag:s23] =	ssyncadd.s32 $0xFFFFD880  }
0x1f3: {  	_ =	sfence.sel $0x180000  }
0x1f4: {  	[bflag:$0x0] =	sbarrier.arrive $0xFFFF  }
0x1f5: {  	_ =	strace $0x9000004A  }
0x1f6: {  	s0 =	stileid.u32;
	[bflag:$0x2] =	sbarrier.arrive $0xFFFF  }
0x1f7: {  	p0 =	sne.s32 s0, $0x0;
	s0 =	rddreg [dreg:$0x3]  }
0x1f8: {  	s0 =	sadd.s32 @!p0 $0x100000, s0  }
0x1f9: {  	[sflag:s0] =	ssyncadd.tile.s32 @!p0 $0x1;
	_ =	shalt  }
.Lfunc_end2:
_tile_overlayer_lowered:
.L_overlay_start_2:
0x1fa: {  	(tag) =	ssettag $0x2  }
0x1fb: {  	s0 =	rddreg [dreg:$0x0];
	s2 =	stileid.u32  }
0x1fc: {  	s1 =	rddreg [dreg:$0x1];
	p0 =	sne.s32 s2, $0x0  }
0x1fd: {  	s3 =	rddreg [dreg:$0x2];
	[bflag:$0x3] =	sbarrier.arrive $0xFFFF;
	s2 =	simm.s32 @!p0 $0x1C13  }
0x1fe: {  	[timem:s3], [sflag:s2] =	dma.local @!p0 [hbm:s0], s1  }
0x1ff: {  	s0 =	simm.s32 @!p0 $0x13  }
0x200: {  	_ =	swait.ge @!p0 [sflag:s0], s1  }
0x201: {  	s1 =	ssub.s32 @!p0 $0x0, s1;
	[sflag:s0] =	ssyncset.done @!p0 $0x0  }
0x202: {  	[sflag:s0] =	ssyncadd.s32 @!p0 s1  }
0x203: {  	[bflag:$0x3] =	sbarrier.arrive $0xFFFF  }
0x204: {  	_ =	shalt  }

// kernel: kernel.7.cloned.1.call-start
scs
__scs_entry_jumppad:
0x0: {  	(pc) =	sbr.rel $0x88, $3  }
0x1: {  	(tag) =	ssettag $0x0;
	lr =	simm.s32 $0x1  }
0x2: {  	[smem:$0x3F99] =	sst lr;
	_ =	strace $0xD0000000  }
0x3: {  	_ = 	snop  }
0x4: {  	_ = 	snop  }
0x5: {  	_ = 	snop  }
0x6: {  	_ = 	snop  }
0x7: {  	_ = 	snop  }
__scs_overlays_trampoline_lowered:
0x8: {  	[smem:$0x3FA8] =	sst s0  }
0x9: {  	[smem:$0x3FA9] =	sst s1  }
0xa: {  	[smem:$0x3FAA] =	sst s2  }
0xb: {  	[smem:$0x3FAB] =	sst s3  }
0xc: {  	[smem:$0x3FAC] =	sst s4  }
0xd: {  	[smem:$0x3FAD] =	sst s5  }
0xe: {  	[smem:$0x3FAE] =	sst s6  }
0xf: {  	[smem:$0x3FAF] =	sst s7  }
0x10: {  	[smem:$0x3FB0] =	sst s8  }
0x11: {  	[smem:$0x3FB1] =	sst s9;
	s0 =	simm.s32 @!p0 $0x0  }
0x12: {  	s1 =	sld [smem:$0x3F97];
	s0 =	simm.s32 @p0 $0x1  }
0x13: {  	[smem:$0x3FB2] =	sst s0;
	s0 =	simm.s32 @!p1 $0x0  }
0x14: {  	s2 =	sld [smem:$0x3F96];
	s0 =	simm.s32 @p1 $0x1  }
0x15: {  	[smem:$0x3FB3] =	sst s0;
	s0 =	simm.s32 @!p2 $0x0  }
0x16: {  	s3 =	sld [smem:$0x3FDB];
	s0 =	simm.s32 @p2 $0x1  }
0x17: {  	s4 =	simm.s32 $0x1BF5;
	[smem:$0x3FB5] =	sst s0  }
0x18: {  	s0 =	sld [smem:$0x3F98];
	_ =	swait.ge [sflag:s4], $0x0  }
0x19: {  	s7 =	sld [smem:$0x3F99]  }
0x1a: {  	s8 =	sadd.s32 $0xFFFFE003, lr  }
0x1b: {  	s9 =	sadd.s32 $0xFFFFFEF7, lr;
	s5 =	simm.s32 $0xFFFFFFFF;
	p2 =	slt.u32 s8, $0xFFFFF086  }
0x1c: {  	p1 =	slt.u32 s9, $0xF7A;
	s5 =	simm.s32 @!p2 $0x0  }
0x1d: {  	s5 =	simm.s32 @p1 $0x1;
	p0 =	seq.s32 s7, s2  }
0x1e: {  	s7 =	smul.u32 @!p0 $0xF7A, s2;
	p2 =	seq.s32 @!p0 s5, $0x0  }
0x1f: {  	s9 =	smul.u32 $0xF7A, s1;
	s8 =	simm.s32 @!p0 $0x1BF5;
	p2 =	por !p2, p0  }
0x20: {  	[sflag:s8] =	ssyncset.s32 @!p0 $0xFFFFF086;
	s6 =	sadd.s32 @!p0 s3, s7;
	s7 =	simm.s32 @!p0 $0x108  }
0x21: {  	s3 =	sadd.s32 s3, s9;
	s6 =	sadd.s32 @!p0 $0x88, s6;
	s7 =	simm.s32 @p2 $0x1082  }
0x22: {  	[simem:s7], [sflag:s8] =	dma.local @!p0 [hbm:s6], $0xF7A  }
0x23: {  	s9 =	sor.u32 $0xD0000000, s2;
	s6 =	simm.s32 $0x108;
	_ =	swait.ge @!p0 [sflag:s8], $0x0  }
0x24: {  	s3 =	sadd.s32 $0x88, s3;
	s6 =	simm.s32 @!p1 $0x1082;
	[sflag:s4] =	ssyncset.s32 $0xFFFFF086  }
0x25: {  	[simem:s6], [sflag:s4] =	dma.local [hbm:s3], $0xF7A  }
0x26: {  	[smem:$0x3F99] =	sst s1;
	(tag) =	ssettag s2;
	_ =	strace s9  }
0x27: {  	s1 =	sld [smem:$0x3FA9]  }
0x28: {  	s2 =	sld [smem:$0x3FAA]  }
0x29: {  	s4 =	sld [smem:$0x3FAC]  }
0x2a: {  	p0 =	seq.s32 s5, $0x0;
	s5 =	sld [smem:$0x3FAD]  }
0x2b: {  	s6 =	sld [smem:$0x3FAE]  }
0x2c: {  	s7 =	sld [smem:$0x3FAF]  }
0x2d: {  	s3 =	simm.s32 $0x108;
	s8 =	sld [smem:$0x3FB0]  }
0x2e: {  	s3 =	simm.s32 @!p0 $0x1082;
	s9 =	sld [smem:$0x3FB1]  }
0x2f: {  	lr =	sadd.s32 s0, s3;
	s0 =	sld [smem:$0x3FA8]  }
0x30: {  	s3 =	sld [smem:$0x3FAB]  }
0x31: {  	[smem:$0x3FB4] =	sst s10  }
0x32: {  	s10 =	sld [smem:$0x3FB2];
	_ =	sdelay $0x3  }
0x33: {  	p0 =	seq.s32 s10, $0x1;
	s10 =	sld [smem:$0x3FB4];
	_ =	sdelay $0x3  }
0x34: {  	[smem:$0x3FB4] =	sst s10  }
0x35: {  	s10 =	sld [smem:$0x3FB3];
	_ =	sdelay $0x3  }
0x36: {  	p1 =	seq.s32 s10, $0x1;
	s10 =	sld [smem:$0x3FB4];
	_ =	sdelay $0x3  }
0x37: {  	[smem:$0x3FB4] =	sst s10  }
0x38: {  	s10 =	sld [smem:$0x3FB5]  }
0x39: {  	_ = 	snop;
	(pc) =	sbr.ind lr, $3  }
0x3a: {  	_ = 	snop  }
0x3b: {  	_ = 	snop  }
0x3c: {  	p2 =	seq.s32 s10, $0x1;
	s10 =	sld [smem:$0x3FB4]  }
0x3d: {  	_ =	shalt  }
0x3e: {  	_ =	shalt  }
0x3f: {  	_ =	shalt  }
0x40: {  	_ =	shalt  }
0x41: {  	_ =	shalt  }
0x42: {  	_ =	shalt  }
0x43: {  	_ =	shalt  }
0x44: {  	_ =	shalt  }
0x45: {  	_ =	shalt  }
0x46: {  	_ =	shalt  }
0x47: {  	_ =	shalt  }
0x48: {  	_ =	shalt  }
0x49: {  	_ =	shalt  }
0x4a: {  	_ =	shalt  }
0x4b: {  	_ =	shalt  }
0x4c: {  	_ =	shalt  }
0x4d: {  	_ =	shalt  }
0x4e: {  	_ =	shalt  }
0x4f: {  	_ =	shalt  }
0x50: {  	_ =	shalt  }
0x51: {  	_ =	shalt  }
0x52: {  	_ =	shalt  }
0x53: {  	_ =	shalt  }
0x54: {  	_ =	shalt  }
0x55: {  	_ =	shalt  }
0x56: {  	_ =	shalt  }
0x57: {  	_ =	shalt  }
0x58: {  	_ =	shalt  }
0x59: {  	_ =	shalt  }
0x5a: {  	_ =	shalt  }
0x5b: {  	_ =	shalt  }
0x5c: {  	_ =	shalt  }
0x5d: {  	_ =	shalt  }
0x5e: {  	_ =	shalt  }
0x5f: {  	_ =	shalt  }
0x60: {  	_ =	shalt  }
0x61: {  	_ =	shalt  }
0x62: {  	_ =	shalt  }
0x63: {  	_ =	shalt  }
0x64: {  	_ =	shalt  }
0x65: {  	_ =	shalt  }
0x66: {  	_ =	shalt  }
0x67: {  	_ =	shalt  }
0x68: {  	_ =	shalt  }
0x69: {  	_ =	shalt  }
0x6a: {  	_ =	shalt  }
0x6b: {  	_ =	shalt  }
0x6c: {  	_ =	shalt  }
0x6d: {  	_ =	shalt  }
0x6e: {  	_ =	shalt  }
0x6f: {  	_ =	shalt  }
0x70: {  	_ =	shalt  }
0x71: {  	_ =	shalt  }
0x72: {  	_ =	shalt  }
0x73: {  	_ =	shalt  }
0x74: {  	_ =	shalt  }
0x75: {  	_ =	shalt  }
0x76: {  	_ =	shalt  }
0x77: {  	_ =	shalt  }
0x78: {  	_ =	shalt  }
0x79: {  	_ =	shalt  }
0x7a: {  	_ =	shalt  }
0x7b: {  	_ =	shalt  }
0x7c: {  	_ =	shalt  }
0x7d: {  	_ =	shalt  }
0x7e: {  	_ =	shalt  }
0x7f: {  	_ =	shalt  }
0x80: {  	_ =	shalt  }
0x81: {  	_ =	shalt  }
0x82: {  	_ =	shalt  }
0x83: {  	_ =	shalt  }
0x84: {  	_ =	shalt  }
0x85: {  	_ =	shalt  }
0x86: {  	_ =	shalt  }
0x87: {  	_ =	shalt  }
.Lfunc_end0:
.L_simem_size_0:
called_computation_lowered:
.L_overlay_start_0:
0x88: {  	s2 =	sld [smem:$0x3FD9]  }
0x89: {  	s3 =	sld [smem:$0x3FFE];
	_ =	sdelay $0x1  }
0x8a: {  	s1 =	srdreg.scid  }
0x8b: {  	s0 =	sand.u32 $0x1, s1  }
0x8c: {  	s17 =	sshll.u32 s0, $0xA;
	s2 =	sadd.s32 s3, s2  }
0x8d: {  	s2 =	sadd.s32 s2, s17  }
0x8e: {  	[smem:$0x3FC0] =	sst s2  }
0x8f: {  	_ = 	snop  }
0x90: {  	s2 =	sld [smem:$0x3FC9]  }
0x91: {  	s18 =	sld [smem:$0x3FD0];
	(tm) =	ssettm $0x1  }
0x92: {  	s4 =	sld [smem:$0x3FFB];
	_ =	sdelay $0x3  }
0x93: {  	_ =	strace s4  }
0x94: {  	s4 =	sld [smem:$0x3FFC];
	_ =	sdelay $0x3  }
0x95: {  	_ =	strace s4  }
0x96: {  	s4 =	sld [smem:$0x3FFD];
	_ =	sdelay $0x3  }
0x97: {  	_ =	strace s4  }
0x98: {  	_ =	strace $0x8FFFFFFF  }
0x99: {  	s19 =	sld [smem:$0x3FDB];
	_ =	sdelay $0x1  }
0x9a: {  	s5 =	simm.s32 $_scs_section_size  }
0x9b: {  	s6 =	simm.s32 $_size__tile_overlayer_lowered;
	s7 =	simm.s32 $_tile_overlayer_lowered  }
0x9c: {  	s22 =	simm.s32 $0x1BFF;
	s21 =	sshll.u32 s7, $0x1;
	s4 =	sadd.s32 s5, s19  }
0x9d: {  	s8 =	simm.s32 $0x0;
	s20 =	sshll.u32 s6, $0x1;
	s6 =	sadd.s32 s21, s4  }
0x9e: {  	[timem:s8], [sflag:s22] =	dma.local [hbm:s6], s20  }
0x9f: {  	_ =	swait.ge [sflag:s22], s20  }
0xa0: {  	s5 =	ssub.s32 $0x0, s20;
	[sflag:s22] =	ssyncset.done $0x0  }
0xa1: {  	[sflag:s22] =	ssyncadd.s32 s5;
	_ =	sdelay $0x1  }
0xa2: {  	s23 =	simm.s32 $0x1B8B  }
0xa3: {  	_ =	swait.ge [sflag:s23], $0x1  }
0xa4: {  	[sflag:s23] =	ssyncset.done $0x0  }
0xa5: {  	s25 =	simm.s32 $0x1B8E;
	s24 =	sld [smem:$0x3FFE];
	[sflag:s23] =	ssyncadd.s32 $0xFFFFFFFF  }
0xa6: {  	s26 =	simm.s32 $execute0_lowered;
	[smem:$0x3FD2] =	sst s25  }
0xa7: {  	s6 =	sshll.u32 s26, $0x1;
	_ =	strace $0x80000046;
	[dreg:$0x1] =	wrdreg $0xFFFFFFFF  }
0xa8: {  	s28 =	simm.s32 $_size_execute0_lowered;
	s4 =	sadd.s32 s4, s6;
	[dreg:$0x0] =	wrdreg $0x0  }
0xa9: {  	s6 =	sshll.u32 s28, $0x1;
	[dreg:$0x2] =	wrdreg s4  }
0xaa: {  	[dreg:$0x3] =	wrdreg s6  }
0xab: {  	[dreg:$0x4] =	wrdreg $0xC0  }
0xac: {  	_ =	task [dreg:s8], $0x5FFFF  }
0xad: {  	[dreg:$0x1] =	wrdreg $0xFFFFFFFF  }
0xae: {  	[dreg:$0x0] =	wrdreg $0x60  }
0xaf: {  	[dreg:$0x2] =	wrdreg s2  }
0xb0: {  	[dreg:$0x3] =	wrdreg s24  }
0xb1: {  	[dreg:$0x4] =	wrdreg s18  }
0xb2: {  	[dreg:$0x5] =	wrdreg $0x7E000  }
0xb3: {  	[dreg:$0x6] =	wrdreg $0x9  }
0xb4: {  	_ =	task.clear_ibuf [dreg:s8], $0x7FFFF;
	_ =	strace $0x90000046  }
0xb5: {  	s29 =	simm.s32 $0x9;
	_ =	strace $0x80000048  }
0xb6: {  	_ =	swait.ge [sflag:s29], $0x1  }
0xb7: {  	[sflag:s29] =	ssyncadd.s32 $0xFFFFFFFF  }
0xb8: {  	_ =	strace $0x90000048  }
0xb9: {  	_ =	sfence  }
0xba: {  	s30 =	sld [smem:$0x0];
	_ =	sdelay $0x2  }
0xbb: {  	s31 =	sshll.u32 s1, $0xD;
	s1 =	sshrl.u32 s1, $0x2  }
0xbc: {  	s3 =	sand.u32 $0x4000, s31;
	s1 =	sadd.s32 s1, s30  }
0xbd: {  	s0 =	sor.u32 s3, s0;
	s1 =	sshll.u32 s1, $0x11  }
0xbe: {  	s0 =	sor.u32 s1, s0  }
0xbf: {  	s0 =	sadd.s32 $0x8F2B, s0  }
0xc0: {  	[sflag:s0] =	ssyncadd.remote.s32 $0x1  }
0xc1: {  	_ =	sfence.sel $0xFFFF  }
0xc2: {  	[dreg:$0x0] =	wrdreg $0xFFFFFFFF;
	(pc) =	sbr.abs _section_cstart, $3  }
0xc3: {  	[dreg:$0x1] =	wrdreg $0xFFFFFFFF  }
0xc4: {  	_ =	task.clear_ibuf [dreg:s8], $0x2FFFF;
	_ =	strace $0x9FFFFFFF  }
0xc5: {  	(tm) =	ssettm $0x7FFFFFFF  }
tec
execute0_lowered:
.L_overlay_start_1:
0x0: {  	(tag) =	ssettag $0x1  }
0x1: {  	s3 =	rddreg [dreg:$0x0]  }
0x2: {  	s0 =	rddreg [dreg:$0x1]  }
0x3: {  	s9 =	rddreg [dreg:$0x2]  }
0x4: {  	s1 =	rddreg [dreg:$0x3]  }
0x5: {  	s2 =	srdreg.scid;
	s16 =	stileid.u32  }
0x6: {  	s4 =	simm.s32 $0x0;
	s31 =	simm.s32 $0x13;
	s28 =	simm.s32 $0x2  }
0x7: {  	s29 =	simm.s32 $0x4;
	s10 =	sand.u32 $0x1, s2;
	s12 =	smul.u32 $0x13C00, s16  }
0x8: {  	s14 =	sshll.u32 s16, $0x1;
	[smem:$0x7FF] =	sst s4;
	s20 =	smul.u32 $0x4E20, s16  }
0x9: {  	s5 =	sadd.s32 $0xBC00, s0;
	s7 =	sadd.s32 $0x1E00, s0;
	s6 =	smul.u32 $0x13C000, s10  }
0xa: {  	s11 =	sor.u32 s10, s14;
	s13 =	ssub.s32 $0x2, s10;
	s10 =	smul.u32 $0x2710, s10  }
0xb: {  	s25 =	sshrl.u32 s16, $0x2;
	_ =	strace $0x80000047;
	s2 =	smul.u32 $0x2710, s11  }
0xc: {  	s26 =	smul.u32 $0x13C00, s25;
	s14 =	sshrl.u32 s13, $0x1;
	s11 =	sshll.u32 s11, $0x7  }
0xd: {  	s6 =	sadd.s32 s12, s6;
	s10 =	sadd.s32 s10, s20;
	s8 =	sshrl.u32 s2, $0x3  }
0xe: {  	s11 =	sand.u32 $0x380, s11;
	s2 =	ssub.s32 s13, s14;
	s15 =	sadd.s32 $0xA, s8  }
0xf: {  	s30 =	sadd.s32 $0x4B0, s10;
	s11 =	sor.u32 s26, s11;
	s17 =	sadd.s32 s5, s15  }
0x10: {  	s18 =	sadd.s32 $0x14, s8;
	s12 =	sadd.s32 s7, s15;
	[dreg:$0x11] =	wrdreg s17  }
0x11: {  	s21 =	sadd.s32 $0x1E, s8;
	s19 =	sadd.s32 s5, s18;
	[dreg:$0x12] =	wrdreg s12  }
0x12: {  	s25 =	sadd.s32 $0x3C0, s10;
	s15 =	sadd.s32 s5, s21;
	[dreg:$0x13] =	wrdreg s19  }
0x13: {  	s22 =	sadd.s32 $0x28, s8;
	s13 =	sadd.s32 s7, s21;
	[dreg:$0x15] =	wrdreg s15  }
0x14: {  	s6 =	sshrl.u32 s6, $0x3;
	s23 =	sadd.s32 s5, s22;
	[dreg:$0x16] =	wrdreg s13  }
0x15: {  	s11 =	sshrl.u32 s11, $0x3;
	s24 =	sadd.s32 s7, s22;
	[dreg:$0x17] =	wrdreg s23  }
0x16: {  	s14 =	sadd.s32 $0x32, s8;
	s9 =	sadd.s32 s9, s11;
	[dreg:$0x18] =	wrdreg s24  }
0x17: {  	s12 =	sadd.s32 s7, s18;
	s13 =	sshrl.u32 s30, $0x3;
	[dreg:$0x1b] =	wrdreg s9  }
0x18: {  	s21 =	sadd.s32 $0x410, s10;
	[dreg:$0x14] =	wrdreg s12;
	s15 =	sadd.s32 s13, s7  }
0x19: {  	s23 =	sshrl.u32 s21, $0x3;
	s18 =	sadd.s32 s13, s5;
	[dreg:$0x5] =	wrdreg s15  }
0x1a: {  	s17 =	sadd.s32 $0x460, s10;
	s24 =	sadd.s32 s23, s7;
	[dreg:$0x6] =	wrdreg s18  }
0x1b: {  	s19 =	sshrl.u32 s17, $0x3;
	s17 =	sadd.s32 s5, s14;
	[dreg:$0x9] =	wrdreg s24  }
0x1c: {  	s30 =	sshrl.u32 s25, $0x3;
	s26 =	sadd.s32 s23, s5;
	[dreg:$0x19] =	wrdreg s17  }
0x1d: {  	s21 =	sadd.s32 $0x3C, s8;
	s14 =	sadd.s32 s7, s14;
	[dreg:$0xa] =	wrdreg s26  }
0x1e: {  	s13 =	sadd.s32 s30, s5;
	s23 =	sadd.s32 s5, s21;
	[dreg:$0x1a] =	wrdreg s14  }
0x1f: {  	s11 =	sadd.s32 s7, s21;
	s21 =	smul.u32 $0x4F000, s16;
	[dreg:$0xc] =	wrdreg s13  }
0x20: {  	s20 =	sadd.s32 s19, s7;
	s22 =	sadd.s32 s19, s5;
	[dreg:$0x1c] =	wrdreg s23  }
0x21: {  	s18 =	sadd.s32 s30, s7;
	s19 =	sadd.s32 $0x370, s10;
	[dreg:$0x1d] =	wrdreg s11  }
0x22: {  	s26 =	sadd.s32 $0x46, s8;
	s30 =	sadd.s32 $0x50, s8;
	[dreg:$0x7] =	wrdreg s20  }
0x23: {  	s17 =	sadd.s32 s5, s8;
	s11 =	simm.s32 $0x6;
	[dreg:$0x8] =	wrdreg s22  }
0x24: {  	[dreg:$0xb] =	wrdreg s18;
	s12 =	sshrl.u32 s19, $0x3;
	s22 =	sadd.s32 $0x320, s10  }
0x25: {  	s13 =	sadd.s32 s5, s26;
	s10 =	sadd.s32 s7, s26;
	s14 =	sadd.s32 s5, s30  }
0x26: {  	s15 =	sadd.s32 s7, s30;
	[smem:$0x7F3] =	sst s17;
	s18 =	sadd.s32 $0x5A, s8  }
0x27: {  	s19 =	sadd.s32 s7, s8;
	s8 =	sadd.s32 $0x4D8, s8;
	[dreg:$0x1e] =	wrdreg s13  }
0x28: {  	s23 =	sshrl.u32 s21, $0x2;
	s30 =	smax.u32 s2, $0x1;
	[dreg:$0x1f] =	wrdreg s10  }
0x29: {  	s17 =	simm.s32 $0x8;
	s21 =	simm.s32 $0x1BA00;
	[smem:$0x7F1] =	sst s14  }
0x2a: {  	s2 =	simm.s32 $0x10;
	s20 =	sadd.s32 s12, s7;
	[smem:$0x7F2] =	sst s15  }
0x2b: {  	s24 =	sadd.s32 s12, s5;
	s9 =	sshrl.u32 s22, $0x3;
	[smem:$0x7F4] =	sst s19  }
0x2c: {  	s10 =	sadd.s32 s7, s18;
	s22 =	sadd.s32 s6, s0;
	[smem:$0x7FC] =	sst s30  }
0x2d: {  	s0 =	sadd.s32 $0x15A00, s0;
	s13 =	simm.s32 $0x7;
	[dreg:$0xd] =	wrdreg s20  }
0x2e: {  	s14 =	simm.s32 $0xD;
	s15 =	simm.s32 $0x50;
	[dreg:$0xe] =	wrdreg s24  }
0x2f: {  	s19 =	simm.s32 $0x600;
	s12 =	simm.s32 $0xF;
	[smem:$0x7F6] =	sst s10  }
0x30: {  	s6 =	simm.s32 $0x5;
	s25 =	sadd.s32 s9, s7;
	[smem:$0x7F9] =	sst s0  }
0x31: {  	s20 =	sadd.s32 s5, s18;
	s7 =	sadd.s32 s7, s8;
	[dreg:$0xf] =	wrdreg s25  }
0x32: {  	s8 =	sadd.s32 s5, s8;
	s5 =	sadd.s32 s9, s5;
	[smem:$0x7F5] =	sst s20  }
0x33: {  	s24 =	sadd.s32 s23, s1;
	s26 =	sadd.s32 $0x18200, s22;
	[smem:$0x7F7] =	sst s7  }
0x34: {  	s18 =	simm.s32 $0xE;
	s22 =	simm.s32 $0x9;
	[smem:$0x7F8] =	sst s8  }
0x35: {  	s0 =	simm.s32 $0xA;
	s9 =	simm.s32 $0x11;
	[dreg:$0x10] =	wrdreg s5  }
0x36: {  	s23 =	simm.s32 $0x0;
	[smem:$0x7FA] =	sst s24;
	s25 =	sshll.u32 s16, $0x6  }
0x37: {  	[smem:$0x7FB] =	sst s26;
	s24 =	simm.s32 $0x2E00;
	s20 =	simm.s32 $0x1  }
0x38: {  	s16 =	simm.s32 $0x5600;
	s5 =	simm.s32 $0x3;
	s10 =	sor.u32 $0x1C13, s25  }
0x39: {  	v0 =	vimm.f32 $0.0e+00;
	v1 =	vimm.f32 $1.000000000e+00;
	s8 =	simm.s32 $0xB;
	s25 =	simm.s32 $0x80;
	[smem:$0x7FD] =	sst s10  }
.LBB2_1:
0x3a: {  	s7 =	sld [smem:$0x7FA];
	_ =	sdelay $0x1  }
0x3b: {  	s30 =	sld [smem:$0x7F9]  }
0x3c: {  	[smem:$0x7EF] =	sst s23;
	s26 =	sshrl.u32 s7, $0x3  }
0x3d: {  	[smem:$0x7F0] =	sst s26  }
0x3e: {  	[spmem:s26], [sflag:s10] =	dma.local [hbm:s30], $0x2780  }
0x3f: {  	_ =	swait.ge [sflag:s31], $0x2780  }
0x40: {  	[sflag:s31] =	ssyncset.done $0x0  }
0x41: {  	s7 =	simm.s32 $0x40;
	[sflag:s31] =	ssyncadd.s32 $0xFFFFD880;
	s31 =	simm.s32 $0x0  }
.LBB2_2:
0x42: {  	p0 =	sne.s32 s7, $0x9C00;
	[tilespmem:s31+$0x1BA00] =	vst v0;
	s31 =	smov.u32 s7;
	s7 =	sadd.s32 $0x40, s7  }
.Ltmp0:
0x43: {  	(pc) =	sbr.rel @p0 .LBB2_2-.Ltmp0, $2  }
0x44: {  	_ =	sdelay $0x2  }
0x45: {  	s31 =	sshra.s32 s31, $0x2  }
0x46: {  	[tilespmem:s31+$0x1BA00] =	vst v0  }
0x47: {  	[bflag:$0x0] =	sbarrier.arrive $0xFFFF  }
0x48: {  	s10 =	sld [smem:$0x7F3];
	_ =	sdelay $0x1  }
0x49: {  	s7 =	simm.s32 $0x0;
	s1 =	sld [smem:$0x7F4]  }
0x4a: {  	[tilespmem:s7], [sflag:$0x7] =	stream.linear.gather [hbm4b:s10+s7], $0x50, $0x38;
	[tilespmem:$0x1E180] =	vst v63  }
0x4b: {  	s31 =	simm.s32 $0x300  }
0x4c: {  	[tilespmem:s31], [sflag:$0xD] =	stream.linear.gather [hbm4b:s1+s7], $0x50, $0x38;
	[tilespmem:$0x1E180] =	vst v63  }
0x4d: {  	s23 =	rddreg [dreg:$0x11]  }
0x4e: {  	[tilespmem:s25], [sflag:$0x8] =	stream.linear.gather [hbm4b:s23+s7], $0x50, $0x38;
	[tilespmem:$0x1E180] =	vst v63  }
0x4f: {  	s26 =	rddreg [dreg:$0x12];
	s1 =	simm.s32 $0x380  }
0x50: {  	[tilespmem:s1], [sflag:$0xE] =	stream.linear.gather [hbm4b:s26+s7], $0x50, $0x38;
	[tilespmem:$0x1E180] =	vst v63  }
0x51: {  	s23 =	rddreg [dreg:$0x13];
	s26 =	simm.s32 $0x100  }
0x52: {  	[tilespmem:s26], [sflag:$0x9] =	stream.linear.gather [hbm4b:s23+s7], $0x50, $0x38;
	[tilespmem:$0x1E180] =	vst v63  }
0x53: {  	s1 =	rddreg [dreg:$0x14];
	s23 =	simm.s32 $0x400  }
0x54: {  	[tilespmem:s23], [sflag:$0xF] =	stream.linear.gather [hbm4b:s1+s7], $0x50, $0x38;
	[tilespmem:$0x1E180] =	vst v63  }
0x55: {  	s1 =	rddreg [dreg:$0x15];
	s23 =	simm.s32 $0x180  }
0x56: {  	[tilespmem:s23], [sflag:$0xA] =	stream.linear.gather [hbm4b:s1+s7], $0x50, $0x38;
	[tilespmem:$0x1E180] =	vst v63  }
0x57: {  	s1 =	rddreg [dreg:$0x16];
	s23 =	simm.s32 $0x480  }
0x58: {  	[tilespmem:s23], [sflag:$0x10] =	stream.linear.gather [hbm4b:s1+s7], $0x50, $0x38;
	[tilespmem:$0x1E180] =	vst v63  }
0x59: {  	_ =	swait.ge [sflag:s13], $0x50  }
0x5a: {  	[sflag:s13] =	ssyncset.done $0x0  }
0x5b: {  	[sflag:s13] =	ssyncadd.s32 $0xFFFFFFB0  }
0x5c: {  	_ =	swait.ge [sflag:s14], $0x50  }
0x5d: {  	[sflag:s14] =	ssyncset.done $0x0  }
0x5e: {  	[sflag:s14] =	ssyncadd.s32 $0xFFFFFFB0  }
0x5f: {  	[tilespmem:s19], [sflag:$0x1] =	stream.indirect.gather [hbm4b:s3+s15], $0x80, s7, s15, $0xb8;
	[tilespmem:$0x1E180] =	vst v63  }
0x60: {  	_ =	swait.ge [sflag:s17], $0x50  }
0x61: {  	[sflag:s17] =	ssyncset.done $0x0  }
0x62: {  	[sflag:s17] =	ssyncadd.s32 $0xFFFFFFB0  }
0x63: {  	_ =	swait.ge [sflag:s18], $0x50  }
0x64: {  	[sflag:s18] =	ssyncset.done $0x0  }
0x65: {  	[sflag:s18] =	ssyncadd.s32 $0xFFFFFFB0  }
0x66: {  	[tilespmem:s24], [sflag:$0x2] =	stream.indirect.gather [hbm4b:s3+s15], $0x80, s25, s15, $0xb8;
	[tilespmem:$0x1E180] =	vst v63  }
0x67: {  	_ =	swait.ge [sflag:s20], $0x2800  }
0x68: {  	[sflag:s20] =	ssyncset.done $0x0  }
0x69: {  	[sflag:s20] =	ssyncadd.s32 $0xFFFFD800  }
0x6a: {  	s23 =	rddreg [dreg:$0x3]  }
0x6b: {  	[spmem:s23] =	stream.indirect.scatter.add.f32 [tilespmem:s19], [sflag:$0x4], $0x80, s31, s15, $0xb8;
	[tilespmem:$0x1E180] =	vst v63  }
0x6c: {  	v2 =	vld [tilespmem:$0x300];
	_ =	sdelay $0x7  }
0x6d: {  	[tilespmem:v2+s21+$0x0] =	vst.idx.add.f32.msk $0xffff, v1  }
0x6e: {  	v2 =	vld [tilespmem:$0x310];
	_ =	sdelay $0x7  }
0x6f: {  	[tilespmem:v2+s21+$0x0] =	vst.idx.add.f32.msk $0xffff, v1  }
0x70: {  	v2 =	vld [tilespmem:$0x320];
	_ =	sdelay $0x7  }
0x71: {  	[tilespmem:v2+s21+$0x0] =	vst.idx.add.f32.msk $0xffff, v1  }
0x72: {  	v2 =	vld [tilespmem:$0x330];
	_ =	sdelay $0x7  }
0x73: {  	[tilespmem:v2+s21+$0x0] =	vst.idx.add.f32.msk $0xffff, v1  }
0x74: {  	v2 =	vld [tilespmem:$0x340];
	_ =	sdelay $0x7  }
0x75: {  	[tilespmem:v2+s21+$0x0] =	vst.idx.add.f32.msk $0xffff, v1  }
0x76: {  	_ =	swait.ge [sflag:s22], $0x50  }
0x77: {  	[sflag:s22] =	ssyncset.done $0x0  }
0x78: {  	[sflag:s22] =	ssyncadd.s32 $0xFFFFFFB0  }
0x79: {  	_ =	swait.ge [sflag:s12], $0x50  }
0x7a: {  	[sflag:s12] =	ssyncset.done $0x0  }
0x7b: {  	s26 =	simm.s32 $0x100;
	[sflag:s12] =	ssyncadd.s32 $0xFFFFFFB0  }
0x7c: {  	[tilespmem:s16], [sflag:$0x3] =	stream.indirect.gather [hbm4b:s3+s15], $0x80, s26, s15, $0xb8;
	[tilespmem:$0x1E180] =	vst v63  }
0x7d: {  	s18 =	rddreg [dreg:$0x17];
	s12 =	simm.s32 $0x200  }
0x7e: {  	[tilespmem:s12], [sflag:$0xB] =	stream.linear.gather [hbm4b:s18+s7], $0x50, $0x38;
	[tilespmem:$0x1E180] =	vst v63  }
0x7f: {  	s13 =	simm.s32 $0x500;
	s22 =	rddreg [dreg:$0x18]  }
0x80: {  	[tilespmem:s13], [sflag:$0x11] =	stream.linear.gather [hbm4b:s22+s7], $0x50, $0x38;
	[tilespmem:$0x1E180] =	vst v63  }
0x81: {  	_ =	swait.ge [sflag:s28], $0x2800  }
0x82: {  	[sflag:s28] =	ssyncset.done $0x0  }
0x83: {  	s30 =	simm.s32 $0x380;
	[sflag:s28] =	ssyncadd.s32 $0xFFFFD800  }
0x84: {  	[spmem:s23] =	stream.indirect.scatter.add.f32 [tilespmem:s24], [sflag:$0x5], $0x80, s30, s15, $0xb8;
	[tilespmem:$0x1E180] =	vst v63  }
0x85: {  	v2 =	vld [tilespmem:$0x380];
	_ =	sdelay $0x7  }
0x86: {  	[tilespmem:v2+s21+$0x0] =	vst.idx.add.f32.msk $0xffff, v1  }
0x87: {  	v2 =	vld [tilespmem:$0x390];
	_ =	sdelay $0x7  }
0x88: {  	[tilespmem:v2+s21+$0x0] =	vst.idx.add.f32.msk $0xffff, v1  }
0x89: {  	v2 =	vld [tilespmem:$0x3A0];
	_ =	sdelay $0x7  }
0x8a: {  	[tilespmem:v2+s21+$0x0] =	vst.idx.add.f32.msk $0xffff, v1  }
0x8b: {  	v2 =	vld [tilespmem:$0x3B0];
	_ =	sdelay $0x7  }
0x8c: {  	[tilespmem:v2+s21+$0x0] =	vst.idx.add.f32.msk $0xffff, v1  }
0x8d: {  	v2 =	vld [tilespmem:$0x3C0];
	_ =	sdelay $0x7  }
0x8e: {  	[tilespmem:v2+s21+$0x0] =	vst.idx.add.f32.msk $0xffff, v1  }
0x8f: {  	_ =	swait.ge [sflag:s29], $0x2800  }
0x90: {  	[sflag:s29] =	ssyncset.done $0x0  }
0x91: {  	[sflag:s29] =	ssyncadd.s32 $0xFFFFD800  }
0x92: {  	_ =	swait.ge [sflag:s0], $0x50  }
0x93: {  	[sflag:s0] =	ssyncset.done $0x0  }
0x94: {  	[sflag:s0] =	ssyncadd.s32 $0xFFFFFFB0  }
0x95: {  	_ =	swait.ge [sflag:s2], $0x50  }
0x96: {  	[sflag:s2] =	ssyncset.done $0x0  }
0x97: {  	s26 =	simm.s32 $0x180;
	[sflag:s2] =	ssyncadd.s32 $0xFFFFFFB0  }
0x98: {  	[tilespmem:s19], [sflag:$0x1] =	stream.indirect.gather [hbm4b:s3+s15], $0x80, s26, s15, $0xb8;
	[tilespmem:$0x1E180] =	vst v63  }
0x99: {  	s0 =	simm.s32 $0x280;
	s1 =	rddreg [dreg:$0x19]  }
0x9a: {  	[tilespmem:s0], [sflag:$0xC] =	stream.linear.gather [hbm4b:s1+s7], $0x50, $0x38;
	[tilespmem:$0x1E180] =	vst v63  }
0x9b: {  	s22 =	simm.s32 $0x580;
	s2 =	rddreg [dreg:$0x1a]  }
0x9c: {  	[tilespmem:s22], [sflag:$0x12] =	stream.linear.gather [hbm4b:s2+s7], $0x50, $0x38;
	[tilespmem:$0x1E180] =	vst v63  }
0x9d: {  	_ =	swait.ge [sflag:s5], $0x2800  }
0x9e: {  	[sflag:s5] =	ssyncset.done $0x0  }
0x9f: {  	s26 =	simm.s32 $0x400;
	[sflag:s5] =	ssyncadd.s32 $0xFFFFD800  }
0xa0: {  	[spmem:s23] =	stream.indirect.scatter.add.f32 [tilespmem:s16], [sflag:$0x6], $0x80, s26, s15, $0xb8;
	[tilespmem:$0x1E180] =	vst v63  }
0xa1: {  	v2 =	vld [tilespmem:$0x400];
	_ =	sdelay $0x7  }
0xa2: {  	[tilespmem:v2+s21+$0x0] =	vst.idx.add.f32.msk $0xffff, v1  }
0xa3: {  	v2 =	vld [tilespmem:$0x410];
	_ =	sdelay $0x7  }
0xa4: {  	[tilespmem:v2+s21+$0x0] =	vst.idx.add.f32.msk $0xffff, v1  }
0xa5: {  	v2 =	vld [tilespmem:$0x420];
	_ =	sdelay $0x7  }
0xa6: {  	[tilespmem:v2+s21+$0x0] =	vst.idx.add.f32.msk $0xffff, v1  }
0xa7: {  	v2 =	vld [tilespmem:$0x430];
	_ =	sdelay $0x7  }
0xa8: {  	[tilespmem:v2+s21+$0x0] =	vst.idx.add.f32.msk $0xffff, v1  }
0xa9: {  	v2 =	vld [tilespmem:$0x440];
	_ =	sdelay $0x7  }
0xaa: {  	[tilespmem:v2+s21+$0x0] =	vst.idx.add.f32.msk $0xffff, v1  }
0xab: {  	_ =	swait.ge [sflag:s6], $0x2800  }
0xac: {  	[sflag:s6] =	ssyncset.done $0x0  }
0xad: {  	[sflag:s6] =	ssyncadd.s32 $0xFFFFD800  }
0xae: {  	_ =	swait.ge [sflag:s8], $0x50  }
0xaf: {  	[sflag:s8] =	ssyncset.done $0x0  }
0xb0: {  	[sflag:s8] =	ssyncadd.s32 $0xFFFFFFB0  }
0xb1: {  	_ =	swait.ge [sflag:s9], $0x50  }
0xb2: {  	[sflag:s9] =	ssyncset.done $0x0  }
0xb3: {  	[sflag:s9] =	ssyncadd.s32 $0xFFFFFFB0  }
0xb4: {  	[tilespmem:s24], [sflag:$0x2] =	stream.indirect.gather [hbm4b:s3+s15], $0x80, s12, s15, $0xb8;
	[tilespmem:$0x1E180] =	vst v63  }
0xb5: {  	s2 =	rddreg [dreg:$0x1c]  }
0xb6: {  	[tilespmem:s7], [sflag:$0x7] =	stream.linear.gather [hbm4b:s2+s7], $0x50, $0x38;
	[tilespmem:$0x1E180] =	vst v63  }
0xb7: {  	s8 =	rddreg [dreg:$0x1d]  }
0xb8: {  	[tilespmem:s31], [sflag:$0xD] =	stream.linear.gather [hbm4b:s8+s7], $0x50, $0x38;
	[tilespmem:$0x1E180] =	vst v63  }
0xb9: {  	_ =	swait.ge [sflag:s20], $0x2800  }
0xba: {  	[sflag:s20] =	ssyncset.done $0x0  }
0xbb: {  	s8 =	simm.s32 $0x480;
	[sflag:s20] =	ssyncadd.s32 $0xFFFFD800  }
0xbc: {  	[spmem:s23] =	stream.indirect.scatter.add.f32 [tilespmem:s19], [sflag:$0x4], $0x80, s8, s15, $0xb8;
	[tilespmem:$0x1E180] =	vst v63  }
0xbd: {  	v2 =	vld [tilespmem:$0x480];
	_ =	sdelay $0x7  }
0xbe: {  	[tilespmem:v2+s21+$0x0] =	vst.idx.add.f32.msk $0xffff, v1  }
0xbf: {  	v2 =	vld [tilespmem:$0x490];
	_ =	sdelay $0x7  }
0xc0: {  	[tilespmem:v2+s21+$0x0] =	vst.idx.add.f32.msk $0xffff, v1  }
0xc1: {  	v2 =	vld [tilespmem:$0x4A0];
	_ =	sdelay $0x7  }
0xc2: {  	[tilespmem:v2+s21+$0x0] =	vst.idx.add.f32.msk $0xffff, v1  }
0xc3: {  	v2 =	vld [tilespmem:$0x4B0];
	_ =	sdelay $0x7  }
0xc4: {  	[tilespmem:v2+s21+$0x0] =	vst.idx.add.f32.msk $0xffff, v1  }
0xc5: {  	v2 =	vld [tilespmem:$0x4C0];
	_ =	sdelay $0x7  }
0xc6: {  	[tilespmem:v2+s21+$0x0] =	vst.idx.add.f32.msk $0xffff, v1  }
0xc7: {  	_ =	swait.ge [sflag:s11], $0x2800  }
0xc8: {  	[sflag:s11] =	ssyncset.done $0x0  }
0xc9: {  	s2 =	simm.s32 $0xC;
	[sflag:s11] =	ssyncadd.s32 $0xFFFFD800  }
0xca: {  	_ =	swait.ge [sflag:s2], $0x50  }
0xcb: {  	[sflag:s2] =	ssyncset.done $0x0  }
0xcc: {  	s30 =	simm.s32 $0x12;
	[sflag:s2] =	ssyncadd.s32 $0xFFFFFFB0  }
0xcd: {  	_ =	swait.ge [sflag:s30], $0x50  }
0xce: {  	[sflag:s30] =	ssyncset.done $0x0  }
0xcf: {  	s16 =	simm.s32 $0x5600;
	[sflag:s30] =	ssyncadd.s32 $0xFFFFFFB0  }
0xd0: {  	[tilespmem:s16], [sflag:$0x3] =	stream.indirect.gather [hbm4b:s3+s15], $0x80, s0, s15, $0xb8;
	[tilespmem:$0x1E180] =	vst v63  }
0xd1: {  	s9 =	rddreg [dreg:$0x1e]  }
0xd2: {  	[tilespmem:s25], [sflag:$0x8] =	stream.linear.gather [hbm4b:s9+s7], $0x50, $0x38;
	[tilespmem:$0x1E180] =	vst v63  }
0xd3: {  	s24 =	simm.s32 $0x380;
	s12 =	rddreg [dreg:$0x1f]  }
0xd4: {  	[tilespmem:s24], [sflag:$0xE] =	stream.linear.gather [hbm4b:s12+s7], $0x50, $0x38;
	[tilespmem:$0x1E180] =	vst v63  }
0xd5: {  	_ =	swait.ge [sflag:s28], $0x2800  }
0xd6: {  	[sflag:s28] =	ssyncset.done $0x0  }
0xd7: {  	s26 =	simm.s32 $0x2E00;
	[sflag:s28] =	ssyncadd.s32 $0xFFFFD800  }
0xd8: {  	[spmem:s23] =	stream.indirect.scatter.add.f32 [tilespmem:s26], [sflag:$0x5], $0x80, s13, s15, $0xb8;
	[tilespmem:$0x1E180] =	vst v63  }
0xd9: {  	v2 =	vld [tilespmem:$0x500];
	_ =	sdelay $0x7  }
0xda: {  	[tilespmem:v2+s21+$0x0] =	vst.idx.add.f32.msk $0xffff, v1  }
0xdb: {  	v2 =	vld [tilespmem:$0x510];
	_ =	sdelay $0x7  }
0xdc: {  	[tilespmem:v2+s21+$0x0] =	vst.idx.add.f32.msk $0xffff, v1  }
0xdd: {  	v2 =	vld [tilespmem:$0x520];
	_ =	sdelay $0x7  }
0xde: {  	[tilespmem:v2+s21+$0x0] =	vst.idx.add.f32.msk $0xffff, v1  }
0xdf: {  	v2 =	vld [tilespmem:$0x530];
	_ =	sdelay $0x7  }
0xe0: {  	[tilespmem:v2+s21+$0x0] =	vst.idx.add.f32.msk $0xffff, v1  }
0xe1: {  	v2 =	vld [tilespmem:$0x540];
	_ =	sdelay $0x7  }
0xe2: {  	[tilespmem:v2+s21+$0x0] =	vst.idx.add.f32.msk $0xffff, v1  }
0xe3: {  	_ =	swait.ge [sflag:s29], $0x2800  }
0xe4: {  	[sflag:s29] =	ssyncset.done $0x0  }
0xe5: {  	s14 =	simm.s32 $0x7;
	[sflag:s29] =	ssyncadd.s32 $0xFFFFD800  }
0xe6: {  	_ =	swait.ge [sflag:s14], $0x50  }
0xe7: {  	[sflag:s14] =	ssyncset.done $0x0  }
0xe8: {  	s17 =	simm.s32 $0xD;
	[sflag:s14] =	ssyncadd.s32 $0xFFFFFFB0  }
0xe9: {  	_ =	swait.ge [sflag:s17], $0x50  }
0xea: {  	[sflag:s17] =	ssyncset.done $0x0  }
0xeb: {  	s19 =	simm.s32 $0x600;
	s9 =	sld [smem:$0x7F1];
	[sflag:s17] =	ssyncadd.s32 $0xFFFFFFB0  }
0xec: {  	[tilespmem:s19], [sflag:$0x1] =	stream.indirect.gather [hbm4b:s3+s15], $0x80, s7, s15, $0xb8;
	[tilespmem:$0x1E180] =	vst v63  }
0xed: {  	s12 =	simm.s32 $0x100;
	s13 =	sld [smem:$0x7F2]  }
0xee: {  	[tilespmem:s12], [sflag:$0x9] =	stream.linear.gather [hbm4b:s9+s7], $0x50, $0x38;
	[tilespmem:$0x1E180] =	vst v63  }
0xef: {  	s17 =	simm.s32 $0x400  }
0xf0: {  	[tilespmem:s17], [sflag:$0xF] =	stream.linear.gather [hbm4b:s13+s7], $0x50, $0x38;
	[tilespmem:$0x1E180] =	vst v63  }
0xf1: {  	_ =	swait.ge [sflag:s5], $0x2800  }
0xf2: {  	[sflag:s5] =	ssyncset.done $0x0  }
0xf3: {  	[sflag:s5] =	ssyncadd.s32 $0xFFFFD800  }
0xf4: {  	[spmem:s23] =	stream.indirect.scatter.add.f32 [tilespmem:s16], [sflag:$0x6], $0x80, s22, s15, $0xb8;
	[tilespmem:$0x1E180] =	vst v63  }
0xf5: {  	v2 =	vld [tilespmem:$0x580];
	_ =	sdelay $0x7  }
0xf6: {  	[tilespmem:v2+s21+$0x0] =	vst.idx.add.f32.msk $0xffff, v1  }
0xf7: {  	v2 =	vld [tilespmem:$0x590];
	_ =	sdelay $0x7  }
0xf8: {  	[tilespmem:v2+s21+$0x0] =	vst.idx.add.f32.msk $0xffff, v1  }
0xf9: {  	v2 =	vld [tilespmem:$0x5A0];
	_ =	sdelay $0x7  }
0xfa: {  	[tilespmem:v2+s21+$0x0] =	vst.idx.add.f32.msk $0xffff, v1  }
0xfb: {  	v2 =	vld [tilespmem:$0x5B0];
	_ =	sdelay $0x7  }
0xfc: {  	[tilespmem:v2+s21+$0x0] =	vst.idx.add.f32.msk $0xffff, v1  }
0xfd: {  	v2 =	vld [tilespmem:$0x5C0];
	_ =	sdelay $0x7  }
0xfe: {  	[tilespmem:v2+s21+$0x0] =	vst.idx.add.f32.msk $0xffff, v1  }
0xff: {  	_ =	swait.ge [sflag:s6], $0x2800  }
0x100: {  	[sflag:s6] =	ssyncset.done $0x0  }
0x101: {  	s18 =	simm.s32 $0x8;
	[sflag:s6] =	ssyncadd.s32 $0xFFFFD800  }
0x102: {  	_ =	swait.ge [sflag:s18], $0x50  }
0x103: {  	[sflag:s18] =	ssyncset.done $0x0  }
0x104: {  	s1 =	simm.s32 $0xE;
	[sflag:s18] =	ssyncadd.s32 $0xFFFFFFB0  }
0x105: {  	_ =	swait.ge [sflag:s1], $0x50  }
0x106: {  	[sflag:s1] =	ssyncset.done $0x0  }
0x107: {  	s22 =	sld [smem:$0x7F5];
	[sflag:s1] =	ssyncadd.s32 $0xFFFFFFB0  }
0x108: {  	[tilespmem:s26], [sflag:$0x2] =	stream.indirect.gather [hbm4b:s3+s15], $0x80, s25, s15, $0xb8;
	[tilespmem:$0x1E180] =	vst v63  }
0x109: {  	s24 =	simm.s32 $0x180;
	s25 =	sld [smem:$0x7F6]  }
0x10a: {  	[tilespmem:s24], [sflag:$0xA] =	stream.linear.gather [hbm4b:s22+s7], $0x50, $0x38;
	[tilespmem:$0x1E180] =	vst v63  }
0x10b: {  	_ = 	snop  }
0x10c: {  	[tilespmem:s8], [sflag:$0x10] =	stream.linear.gather [hbm4b:s25+s7], $0x50, $0x38;
	[tilespmem:$0x1E180] =	vst v63  }
.LBB2_4:
0x10d: {  	_ =	swait.ge [sflag:s20], $0x2800  }
0x10e: {  	[sflag:s20] =	ssyncset.done $0x0  }
0x10f: {  	[sflag:s20] =	ssyncadd.s32 $0xFFFFD800  }
0x110: {  	[spmem:s23] =	stream.indirect.scatter.add.f32 [tilespmem:s19], [sflag:$0x4], $0x80, s31, s15, $0xb8;
	[tilespmem:$0x1E180] =	vst v63  }
0x111: {  	v2 =	vld [tilespmem:$0x300];
	_ =	sdelay $0x7  }
0x112: {  	[tilespmem:v2+s21+$0x0] =	vst.idx.add.f32.msk $0xffff, v1  }
0x113: {  	v2 =	vld [tilespmem:$0x310];
	_ =	sdelay $0x7  }
0x114: {  	[tilespmem:v2+s21+$0x0] =	vst.idx.add.f32.msk $0xffff, v1  }
0x115: {  	v2 =	vld [tilespmem:$0x320];
	_ =	sdelay $0x7  }
0x116: {  	[tilespmem:v2+s21+$0x0] =	vst.idx.add.f32.msk $0xffff, v1  }
0x117: {  	v2 =	vld [tilespmem:$0x330];
	_ =	sdelay $0x7  }
0x118: {  	[tilespmem:v2+s21+$0x0] =	vst.idx.add.f32.msk $0xffff, v1  }
0x119: {  	v2 =	vld [tilespmem:$0x340];
	_ =	sdelay $0x7  }
0x11a: {  	[tilespmem:v2+s21+$0x0] =	vst.idx.add.f32.msk $0xffff, v1  }
0x11b: {  	_ =	swait.ge [sflag:s11], $0x2800  }
0x11c: {  	[sflag:s11] =	ssyncset.done $0x0  }
0x11d: {  	s0 =	simm.s32 $0x9;
	[sflag:s11] =	ssyncadd.s32 $0xFFFFD800  }
0x11e: {  	_ =	swait.ge [sflag:s0], $0x50  }
0x11f: {  	[sflag:s0] =	ssyncset.done $0x0  }
0x120: {  	s13 =	simm.s32 $0xF;
	[sflag:s0] =	ssyncadd.s32 $0xFFFFFFB0  }
0x121: {  	_ =	swait.ge [sflag:s13], $0x50  }
0x122: {  	[sflag:s13] =	ssyncset.done $0x0  }
0x123: {  	s8 =	simm.s32 $0x100;
	s31 =	rddreg [dreg:$0x10];
	[sflag:s13] =	ssyncadd.s32 $0xFFFFFFB0  }
0x124: {  	[tilespmem:s16], [sflag:$0x3] =	stream.indirect.gather [hbm4b:s3+s15], $0x80, s8, s15, $0xb8;
	[tilespmem:$0x1E180] =	vst v63  }
0x125: {  	s24 =	simm.s32 $0x200;
	s10 =	rddreg [dreg:$0xf];
	s31 =	sadd.s32 s7, s31  }
0x126: {  	[tilespmem:s24], [sflag:$0xB] =	stream.linear.gather [hbm4b:s31+s4], $0x50, $0x38;
	[tilespmem:$0x1E180] =	vst v63  }
0x127: {  	s9 =	simm.s32 $0x500;
	s10 =	sadd.s32 s7, s10  }
0x128: {  	[tilespmem:s9], [sflag:$0x11] =	stream.linear.gather [hbm4b:s10+s4], $0x50, $0x38;
	[tilespmem:$0x1E180] =	vst v63  }
0x129: {  	_ =	swait.ge [sflag:s28], $0x2800  }
0x12a: {  	[sflag:s28] =	ssyncset.done $0x0  }
0x12b: {  	[sflag:s28] =	ssyncadd.s32 $0xFFFFD800  }
0x12c: {  	s23 =	simm.s32 $0x380;
	s1 =	rddreg [dreg:$0x3]  }
0x12d: {  	[spmem:s1] =	stream.indirect.scatter.add.f32 [tilespmem:s26], [sflag:$0x5], $0x80, s23, s15, $0xb8;
	[tilespmem:$0x1E180] =	vst v63  }
0x12e: {  	v2 =	vld [tilespmem:$0x380];
	_ =	sdelay $0x7  }
0x12f: {  	[tilespmem:v2+s21+$0x0] =	vst.idx.add.f32.msk $0xffff, v1  }
0x130: {  	v2 =	vld [tilespmem:$0x390];
	_ =	sdelay $0x7  }
0x131: {  	[tilespmem:v2+s21+$0x0] =	vst.idx.add.f32.msk $0xffff, v1  }
0x132: {  	v2 =	vld [tilespmem:$0x3A0];
	_ =	sdelay $0x7  }
0x133: {  	[tilespmem:v2+s21+$0x0] =	vst.idx.add.f32.msk $0xffff, v1  }
0x134: {  	v2 =	vld [tilespmem:$0x3B0];
	_ =	sdelay $0x7  }
0x135: {  	[tilespmem:v2+s21+$0x0] =	vst.idx.add.f32.msk $0xffff, v1  }
0x136: {  	v2 =	vld [tilespmem:$0x3C0];
	_ =	sdelay $0x7  }
0x137: {  	[tilespmem:v2+s21+$0x0] =	vst.idx.add.f32.msk $0xffff, v1  }
0x138: {  	_ =	swait.ge [sflag:s29], $0x2800  }
0x139: {  	[sflag:s29] =	ssyncset.done $0x0  }
0x13a: {  	s17 =	simm.s32 $0xA;
	[sflag:s29] =	ssyncadd.s32 $0xFFFFD800  }
0x13b: {  	_ =	swait.ge [sflag:s17], $0x50  }
0x13c: {  	[sflag:s17] =	ssyncset.done $0x0  }
0x13d: {  	s22 =	simm.s32 $0x10;
	[sflag:s17] =	ssyncadd.s32 $0xFFFFFFB0  }
0x13e: {  	_ =	swait.ge [sflag:s22], $0x50  }
0x13f: {  	[sflag:s22] =	ssyncset.done $0x0  }
0x140: {  	s12 =	simm.s32 $0x180;
	s1 =	rddreg [dreg:$0xe];
	[sflag:s22] =	ssyncadd.s32 $0xFFFFFFB0  }
0x141: {  	[tilespmem:s19], [sflag:$0x1] =	stream.indirect.gather [hbm4b:s3+s15], $0x80, s12, s15, $0xb8;
	[tilespmem:$0x1E180] =	vst v63  }
0x142: {  	s17 =	simm.s32 $0x280;
	s31 =	rddreg [dreg:$0xd];
	s10 =	sadd.s32 s7, s1  }
0x143: {  	[tilespmem:s17], [sflag:$0xC] =	stream.linear.gather [hbm4b:s10+s4], $0x50, $0x38;
	[tilespmem:$0x1E180] =	vst v63  }
0x144: {  	s13 =	sadd.s32 s7, s31;
	s22 =	simm.s32 $0x580  }
0x145: {  	[tilespmem:s22], [sflag:$0x12] =	stream.linear.gather [hbm4b:s13+s4], $0x50, $0x38;
	[tilespmem:$0x1E180] =	vst v63  }
0x146: {  	_ =	swait.ge [sflag:s5], $0x2800  }
0x147: {  	[sflag:s5] =	ssyncset.done $0x0  }
0x148: {  	[sflag:s5] =	ssyncadd.s32 $0xFFFFD800  }
0x149: {  	s13 =	simm.s32 $0x400;
	s0 =	rddreg [dreg:$0x3]  }
0x14a: {  	[spmem:s0] =	stream.indirect.scatter.add.f32 [tilespmem:s16], [sflag:$0x6], $0x80, s13, s15, $0xb8;
	[tilespmem:$0x1E180] =	vst v63  }
0x14b: {  	v2 =	vld [tilespmem:$0x400];
	_ =	sdelay $0x7  }
0x14c: {  	[tilespmem:v2+s21+$0x0] =	vst.idx.add.f32.msk $0xffff, v1  }
0x14d: {  	v2 =	vld [tilespmem:$0x410];
	_ =	sdelay $0x7  }
0x14e: {  	[tilespmem:v2+s21+$0x0] =	vst.idx.add.f32.msk $0xffff, v1  }
0x14f: {  	v2 =	vld [tilespmem:$0x420];
	_ =	sdelay $0x7  }
0x150: {  	[tilespmem:v2+s21+$0x0] =	vst.idx.add.f32.msk $0xffff, v1  }
0x151: {  	v2 =	vld [tilespmem:$0x430];
	_ =	sdelay $0x7  }
0x152: {  	[tilespmem:v2+s21+$0x0] =	vst.idx.add.f32.msk $0xffff, v1  }
0x153: {  	v2 =	vld [tilespmem:$0x440];
	_ =	sdelay $0x7  }
0x154: {  	[tilespmem:v2+s21+$0x0] =	vst.idx.add.f32.msk $0xffff, v1  }
0x155: {  	_ =	swait.ge [sflag:s6], $0x2800  }
0x156: {  	[sflag:s6] =	ssyncset.done $0x0  }
0x157: {  	s1 =	simm.s32 $0xB;
	[sflag:s6] =	ssyncadd.s32 $0xFFFFD800  }
0x158: {  	_ =	swait.ge [sflag:s1], $0x50  }
0x159: {  	[sflag:s1] =	ssyncset.done $0x0  }
0x15a: {  	s10 =	simm.s32 $0x11;
	[sflag:s1] =	ssyncadd.s32 $0xFFFFFFB0  }
0x15b: {  	_ =	swait.ge [sflag:s10], $0x50  }
0x15c: {  	[sflag:s10] =	ssyncset.done $0x0  }
0x15d: {  	s1 =	rddreg [dreg:$0xc];
	[sflag:s10] =	ssyncadd.s32 $0xFFFFFFB0  }
0x15e: {  	[tilespmem:s26], [sflag:$0x2] =	stream.indirect.gather [hbm4b:s3+s15], $0x80, s24, s15, $0xb8;
	[tilespmem:$0x1E180] =	vst v63  }
0x15f: {  	s31 =	rddreg [dreg:$0xb];
	s10 =	sadd.s32 s7, s1  }
0x160: {  	[tilespmem:s4], [sflag:$0x7] =	stream.linear.gather [hbm4b:s10+s4], $0x50, $0x38;
	[tilespmem:$0x1E180] =	vst v63  }
0x161: {  	s25 =	simm.s32 $0x300;
	s24 =	sadd.s32 s7, s31  }
0x162: {  	[tilespmem:s25], [sflag:$0xD] =	stream.linear.gather [hbm4b:s24+s4], $0x50, $0x38;
	[tilespmem:$0x1E180] =	vst v63  }
0x163: {  	_ =	swait.ge [sflag:s20], $0x2800  }
0x164: {  	[sflag:s20] =	ssyncset.done $0x0  }
0x165: {  	[sflag:s20] =	ssyncadd.s32 $0xFFFFD800  }
0x166: {  	s24 =	simm.s32 $0x480;
	s0 =	rddreg [dreg:$0x3]  }
0x167: {  	[spmem:s0] =	stream.indirect.scatter.add.f32 [tilespmem:s19], [sflag:$0x4], $0x80, s24, s15, $0xb8;
	[tilespmem:$0x1E180] =	vst v63  }
0x168: {  	v2 =	vld [tilespmem:$0x480];
	_ =	sdelay $0x7  }
0x169: {  	[tilespmem:v2+s21+$0x0] =	vst.idx.add.f32.msk $0xffff, v1  }
0x16a: {  	v2 =	vld [tilespmem:$0x490];
	_ =	sdelay $0x7  }
0x16b: {  	[tilespmem:v2+s21+$0x0] =	vst.idx.add.f32.msk $0xffff, v1  }
0x16c: {  	v2 =	vld [tilespmem:$0x4A0];
	_ =	sdelay $0x7  }
0x16d: {  	[tilespmem:v2+s21+$0x0] =	vst.idx.add.f32.msk $0xffff, v1  }
0x16e: {  	v2 =	vld [tilespmem:$0x4B0];
	_ =	sdelay $0x7  }
0x16f: {  	[tilespmem:v2+s21+$0x0] =	vst.idx.add.f32.msk $0xffff, v1  }
0x170: {  	v2 =	vld [tilespmem:$0x4C0];
	_ =	sdelay $0x7  }
0x171: {  	[tilespmem:v2+s21+$0x0] =	vst.idx.add.f32.msk $0xffff, v1  }
0x172: {  	_ =	swait.ge [sflag:s11], $0x2800  }
0x173: {  	[sflag:s11] =	ssyncset.done $0x0  }
0x174: {  	[sflag:s11] =	ssyncadd.s32 $0xFFFFD800  }
0x175: {  	_ =	swait.ge [sflag:s2], $0x50  }
0x176: {  	[sflag:s2] =	ssyncset.done $0x0  }
0x177: {  	[sflag:s2] =	ssyncadd.s32 $0xFFFFFFB0  }
0x178: {  	_ =	swait.ge [sflag:s30], $0x50  }
0x179: {  	[sflag:s30] =	ssyncset.done $0x0  }
0x17a: {  	s1 =	rddreg [dreg:$0xa];
	[sflag:s30] =	ssyncadd.s32 $0xFFFFFFB0  }
0x17b: {  	[tilespmem:s16], [sflag:$0x3] =	stream.indirect.gather [hbm4b:s3+s15], $0x80, s17, s15, $0xb8;
	[tilespmem:$0x1E180] =	vst v63  }
0x17c: {  	s25 =	simm.s32 $0x80;
	s31 =	rddreg [dreg:$0x9];
	s10 =	sadd.s32 s7, s1  }
0x17d: {  	[tilespmem:s25], [sflag:$0x8] =	stream.linear.gather [hbm4b:s10+s4], $0x50, $0x38;
	[tilespmem:$0x1E180] =	vst v63  }
0x17e: {  	s0 =	sadd.s32 s7, s31  }
0x17f: {  	[tilespmem:s23], [sflag:$0xE] =	stream.linear.gather [hbm4b:s0+s4], $0x50, $0x38;
	[tilespmem:$0x1E180] =	vst v63  }
0x180: {  	s23 =	rddreg [dreg:$0x3];
	_ =	swait.ge [sflag:s28], $0x2800  }
0x181: {  	[sflag:s28] =	ssyncset.done $0x0  }
0x182: {  	[sflag:s28] =	ssyncadd.s32 $0xFFFFD800  }
0x183: {  	[spmem:s23] =	stream.indirect.scatter.add.f32 [tilespmem:s26], [sflag:$0x5], $0x80, s9, s15, $0xb8;
	[tilespmem:$0x1E180] =	vst v63  }
0x184: {  	v2 =	vld [tilespmem:$0x500];
	_ =	sdelay $0x7  }
0x185: {  	[tilespmem:v2+s21+$0x0] =	vst.idx.add.f32.msk $0xffff, v1  }
0x186: {  	v2 =	vld [tilespmem:$0x510];
	_ =	sdelay $0x7  }
0x187: {  	[tilespmem:v2+s21+$0x0] =	vst.idx.add.f32.msk $0xffff, v1  }
0x188: {  	v2 =	vld [tilespmem:$0x520];
	_ =	sdelay $0x7  }
0x189: {  	[tilespmem:v2+s21+$0x0] =	vst.idx.add.f32.msk $0xffff, v1  }
0x18a: {  	v2 =	vld [tilespmem:$0x530];
	_ =	sdelay $0x7  }
0x18b: {  	[tilespmem:v2+s21+$0x0] =	vst.idx.add.f32.msk $0xffff, v1  }
0x18c: {  	v2 =	vld [tilespmem:$0x540];
	_ =	sdelay $0x7  }
0x18d: {  	[tilespmem:v2+s21+$0x0] =	vst.idx.add.f32.msk $0xffff, v1  }
0x18e: {  	_ =	swait.ge [sflag:s29], $0x2800  }
0x18f: {  	[sflag:s29] =	ssyncset.done $0x0  }
0x190: {  	[sflag:s29] =	ssyncadd.s32 $0xFFFFD800  }
0x191: {  	_ =	swait.ge [sflag:s14], $0x50  }
0x192: {  	[sflag:s14] =	ssyncset.done $0x0  }
0x193: {  	s17 =	simm.s32 $0xD;
	[sflag:s14] =	ssyncadd.s32 $0xFFFFFFB0  }
0x194: {  	_ =	swait.ge [sflag:s17], $0x50  }
0x195: {  	[sflag:s17] =	ssyncset.done $0x0  }
0x196: {  	s0 =	rddreg [dreg:$0x8];
	[sflag:s17] =	ssyncadd.s32 $0xFFFFFFB0  }
0x197: {  	[tilespmem:s19], [sflag:$0x1] =	stream.indirect.gather [hbm4b:s3+s15], $0x80, s4, s15, $0xb8;
	[tilespmem:$0x1E180] =	vst v63  }
0x198: {  	s31 =	rddreg [dreg:$0x7];
	s10 =	sadd.s32 s7, s0  }
0x199: {  	[tilespmem:s8], [sflag:$0x9] =	stream.linear.gather [hbm4b:s10+s4], $0x50, $0x38;
	[tilespmem:$0x1E180] =	vst v63  }
0x19a: {  	s9 =	sadd.s32 s7, s31  }
0x19b: {  	[tilespmem:s13], [sflag:$0xF] =	stream.linear.gather [hbm4b:s9+s4], $0x50, $0x38;
	[tilespmem:$0x1E180] =	vst v63  }
0x19c: {  	_ =	swait.ge [sflag:s5], $0x2800  }
0x19d: {  	[sflag:s5] =	ssyncset.done $0x0  }
0x19e: {  	[sflag:s5] =	ssyncadd.s32 $0xFFFFD800  }
0x19f: {  	[spmem:s23] =	stream.indirect.scatter.add.f32 [tilespmem:s16], [sflag:$0x6], $0x80, s22, s15, $0xb8;
	[tilespmem:$0x1E180] =	vst v63  }
0x1a0: {  	v2 =	vld [tilespmem:$0x580];
	_ =	sdelay $0x7  }
0x1a1: {  	[tilespmem:v2+s21+$0x0] =	vst.idx.add.f32.msk $0xffff, v1  }
0x1a2: {  	v2 =	vld [tilespmem:$0x590];
	_ =	sdelay $0x7  }
0x1a3: {  	[tilespmem:v2+s21+$0x0] =	vst.idx.add.f32.msk $0xffff, v1  }
0x1a4: {  	v2 =	vld [tilespmem:$0x5A0];
	_ =	sdelay $0x7  }
0x1a5: {  	[tilespmem:v2+s21+$0x0] =	vst.idx.add.f32.msk $0xffff, v1  }
0x1a6: {  	v2 =	vld [tilespmem:$0x5B0];
	_ =	sdelay $0x7  }
0x1a7: {  	[tilespmem:v2+s21+$0x0] =	vst.idx.add.f32.msk $0xffff, v1  }
0x1a8: {  	v2 =	vld [tilespmem:$0x5C0];
	_ =	sdelay $0x7  }
0x1a9: {  	[tilespmem:v2+s21+$0x0] =	vst.idx.add.f32.msk $0xffff, v1  }
0x1aa: {  	_ =	swait.ge [sflag:s6], $0x2800  }
0x1ab: {  	[sflag:s6] =	ssyncset.done $0x0  }
0x1ac: {  	[sflag:s6] =	ssyncadd.s32 $0xFFFFD800  }
0x1ad: {  	_ =	swait.ge [sflag:s18], $0x50  }
0x1ae: {  	[sflag:s18] =	ssyncset.done $0x0  }
0x1af: {  	s13 =	simm.s32 $0xE;
	[sflag:s18] =	ssyncadd.s32 $0xFFFFFFB0  }
0x1b0: {  	_ =	swait.ge [sflag:s13], $0x50  }
0x1b1: {  	p0 =	sne.s32 s7, $0x438;
	[sflag:s13] =	ssyncset.done $0x0  }
0x1b2: {  	s1 =	simm.s32 $0x380;
	s17 =	rddreg [dreg:$0x6];
	[sflag:s13] =	ssyncadd.s32 $0xFFFFFFB0  }
0x1b3: {  	[tilespmem:s26], [sflag:$0x2] =	stream.indirect.gather [hbm4b:s3+s15], $0x80, s25, s15, $0xb8;
	[tilespmem:$0x1E180] =	vst v63  }
.Ltmp1:
0x1b4: {  	s0 =	simm.s32 $0x100;
	s31 =	rddreg [dreg:$0x5];
	(pc) =	sbr.rel @p0 .LBB2_4-.Ltmp1, $4  }
0x1b5: {  	s9 =	simm.s32 $0x180;
	s10 =	sadd.s32 s7, s17;
	s22 =	sadd.s32 s7, s31  }
0x1b6: {  	[tilespmem:s12], [sflag:$0xA] =	stream.linear.gather [hbm4b:s10+s4], $0x50, $0x38;
	[tilespmem:$0x1E180] =	vst v63  }
0x1b7: {  	s31 =	simm.s32 $0x300;
	s13 =	simm.s32 $0x480;
	s7 =	sadd.s32 $0x3C, s7  }
0x1b8: {  	[tilespmem:s24], [sflag:$0x10] =	stream.linear.gather [hbm4b:s22+s4], $0x50, $0x38;
	[tilespmem:$0x1E180] =	vst v63  }
0x1b9: {  	_ =	swait.ge [sflag:s20], $0x2800  }
0x1ba: {  	[sflag:s20] =	ssyncset.done $0x0  }
0x1bb: {  	[sflag:s20] =	ssyncadd.s32 $0xFFFFD800  }
0x1bc: {  	[spmem:s23] =	stream.indirect.scatter.add.f32 [tilespmem:s19], [sflag:$0x4], $0x80, s31, s15, $0xb8;
	[tilespmem:$0x1E180] =	vst v63  }
0x1bd: {  	v2 =	vld [tilespmem:$0x300];
	_ =	sdelay $0x7  }
0x1be: {  	[tilespmem:v2+s21+$0x0] =	vst.idx.add.f32.msk $0xffff, v1  }
0x1bf: {  	v2 =	vld [tilespmem:$0x310];
	_ =	sdelay $0x7  }
0x1c0: {  	[tilespmem:v2+s21+$0x0] =	vst.idx.add.f32.msk $0xffff, v1  }
0x1c1: {  	v2 =	vld [tilespmem:$0x320];
	_ =	sdelay $0x7  }
0x1c2: {  	[tilespmem:v2+s21+$0x0] =	vst.idx.add.f32.msk $0xffff, v1  }
0x1c3: {  	v2 =	vld [tilespmem:$0x330];
	_ =	sdelay $0x7  }
0x1c4: {  	[tilespmem:v2+s21+$0x0] =	vst.idx.add.f32.msk $0xffff, v1  }
0x1c5: {  	v2 =	vld [tilespmem:$0x340];
	_ =	sdelay $0x7  }
0x1c6: {  	[tilespmem:v2+s21+$0x0] =	vst.idx.add.f32.msk $0xffff, v1  }
0x1c7: {  	_ =	swait.ge [sflag:s11], $0x2800  }
0x1c8: {  	[sflag:s11] =	ssyncset.done $0x0  }
0x1c9: {  	s2 =	simm.s32 $0x9;
	[sflag:s11] =	ssyncadd.s32 $0xFFFFD800  }
0x1ca: {  	_ =	swait.ge [sflag:s2], $0x50  }
0x1cb: {  	[sflag:s2] =	ssyncset.done $0x0  }
0x1cc: {  	s30 =	simm.s32 $0xF;
	[sflag:s2] =	ssyncadd.s32 $0xFFFFFFB0  }
0x1cd: {  	_ =	swait.ge [sflag:s30], $0x50  }
0x1ce: {  	[sflag:s30] =	ssyncset.done $0x0  }
0x1cf: {  	s7 =	sld [smem:$0x7F8];
	[sflag:s30] =	ssyncadd.s32 $0xFFFFFFB0  }
0x1d0: {  	[tilespmem:s16], [sflag:$0x3] =	stream.indirect.gather [hbm4b:s3+s15], $0x80, s0, s15, $0xb8;
	[tilespmem:$0x1E180] =	vst v63  }
0x1d1: {  	s12 =	simm.s32 $0x200;
	s2 =	sld [smem:$0x7F7]  }
0x1d2: {  	[tilespmem:s12], [sflag:$0xB] =	stream.linear.gather [hbm4b:s7+s4], $0x50, $0x38;
	[tilespmem:$0x1E180] =	vst v63  }
0x1d3: {  	s10 =	simm.s32 $0x500  }
0x1d4: {  	[tilespmem:s10], [sflag:$0x11] =	stream.linear.gather [hbm4b:s2+s4], $0x50, $0x38;
	[tilespmem:$0x1E180] =	vst v63  }
0x1d5: {  	_ =	swait.ge [sflag:s28], $0x2800  }
0x1d6: {  	[sflag:s28] =	ssyncset.done $0x0  }
0x1d7: {  	[sflag:s28] =	ssyncadd.s32 $0xFFFFD800  }
0x1d8: {  	[spmem:s23] =	stream.indirect.scatter.add.f32 [tilespmem:s26], [sflag:$0x5], $0x80, s1, s15, $0xb8;
	[tilespmem:$0x1E180] =	vst v63  }
0x1d9: {  	v2 =	vld [tilespmem:$0x380];
	_ =	sdelay $0x7  }
0x1da: {  	[tilespmem:v2+s21+$0x0] =	vst.idx.add.f32.msk $0xffff, v1  }
0x1db: {  	v2 =	vld [tilespmem:$0x390];
	_ =	sdelay $0x7  }
0x1dc: {  	[tilespmem:v2+s21+$0x0] =	vst.idx.add.f32.msk $0xffff, v1  }
0x1dd: {  	v2 =	vld [tilespmem:$0x3A0];
	_ =	sdelay $0x7  }
0x1de: {  	[tilespmem:v2+s21+$0x0] =	vst.idx.add.f32.msk $0xffff, v1  }
0x1df: {  	v2 =	vld [tilespmem:$0x3B0];
	_ =	sdelay $0x7  }
0x1e0: {  	[tilespmem:v2+s21+$0x0] =	vst.idx.add.f32.msk $0xffff, v1  }
0x1e1: {  	v2 =	vld [tilespmem:$0x3C0];
	_ =	sdelay $0x7  }
0x1e2: {  	[tilespmem:v2+s21+$0x0] =	vst.idx.add.f32.msk $0xffff, v1  }
0x1e3: {  	_ =	swait.ge [sflag:s29], $0x2800  }
0x1e4: {  	[sflag:s29] =	ssyncset.done $0x0  }
0x1e5: {  	s7 =	simm.s32 $0xA;
	[sflag:s29] =	ssyncadd.s32 $0xFFFFD800  }
0x1e6: {  	_ =	swait.ge [sflag:s7], $0x50  }
0x1e7: {  	[sflag:s7] =	ssyncset.done $0x0  }
0x1e8: {  	s8 =	simm.s32 $0x10;
	[sflag:s7] =	ssyncadd.s32 $0xFFFFFFB0  }
0x1e9: {  	_ =	swait.ge [sflag:s8], $0x50  }
0x1ea: {  	[sflag:s8] =	ssyncset.done $0x0  }
0x1eb: {  	[sflag:s8] =	ssyncadd.s32 $0xFFFFFFB0  }
0x1ec: {  	[tilespmem:s19], [sflag:$0x1] =	stream.indirect.gather [hbm4b:s3+s15], $0x80, s9, s15, $0xb8;
	[tilespmem:$0x1E180] =	vst v63  }
0x1ed: {  	_ =	swait.ge [sflag:s5], $0x2800  }
0x1ee: {  	[sflag:s5] =	ssyncset.done $0x0  }
0x1ef: {  	s14 =	simm.s32 $0x400;
	[sflag:s5] =	ssyncadd.s32 $0xFFFFD800  }
0x1f0: {  	[spmem:s23] =	stream.indirect.scatter.add.f32 [tilespmem:s16], [sflag:$0x6], $0x80, s14, s15, $0xb8;
	[tilespmem:$0x1E180] =	vst v63  }
0x1f1: {  	v2 =	vld [tilespmem:$0x400];
	_ =	sdelay $0x7  }
0x1f2: {  	[tilespmem:v2+s21+$0x0] =	vst.idx.add.f32.msk $0xffff, v1  }
0x1f3: {  	v2 =	vld [tilespmem:$0x410];
	_ =	sdelay $0x7  }
0x1f4: {  	[tilespmem:v2+s21+$0x0] =	vst.idx.add.f32.msk $0xffff, v1  }
0x1f5: {  	v2 =	vld [tilespmem:$0x420];
	_ =	sdelay $0x7  }
0x1f6: {  	[tilespmem:v2+s21+$0x0] =	vst.idx.add.f32.msk $0xffff, v1  }
0x1f7: {  	v2 =	vld [tilespmem:$0x430];
	_ =	sdelay $0x7  }
0x1f8: {  	[tilespmem:v2+s21+$0x0] =	vst.idx.add.f32.msk $0xffff, v1  }
0x1f9: {  	v2 =	vld [tilespmem:$0x440];
	_ =	sdelay $0x7  }
0x1fa: {  	[tilespmem:v2+s21+$0x0] =	vst.idx.add.f32.msk $0xffff, v1  }
0x1fb: {  	_ =	swait.ge [sflag:s6], $0x2800  }
0x1fc: {  	[sflag:s6] =	ssyncset.done $0x0  }
0x1fd: {  	s17 =	simm.s32 $0xB;
	[sflag:s6] =	ssyncadd.s32 $0xFFFFD800  }
0x1fe: {  	_ =	swait.ge [sflag:s17], $0x50  }
0x1ff: {  	[sflag:s17] =	ssyncset.done $0x0  }
0x200: {  	s18 =	simm.s32 $0x11;
	[sflag:s17] =	ssyncadd.s32 $0xFFFFFFB0  }
0x201: {  	_ =	swait.ge [sflag:s18], $0x50  }
0x202: {  	[sflag:s18] =	ssyncset.done $0x0  }
0x203: {  	[sflag:s18] =	ssyncadd.s32 $0xFFFFFFB0  }
0x204: {  	[tilespmem:s26], [sflag:$0x2] =	stream.indirect.gather [hbm4b:s3+s15], $0x80, s12, s15, $0xb8;
	[tilespmem:$0x1E180] =	vst v63  }
0x205: {  	_ =	swait.ge [sflag:s20], $0x2800  }
0x206: {  	[sflag:s20] =	ssyncset.done $0x0  }
0x207: {  	[sflag:s20] =	ssyncadd.s32 $0xFFFFD800  }
0x208: {  	[spmem:s23] =	stream.indirect.scatter.add.f32 [tilespmem:s19], [sflag:$0x4], $0x80, s13, s15, $0xb8;
	[tilespmem:$0x1E180] =	vst v63  }
0x209: {  	v2 =	vld [tilespmem:$0x480];
	_ =	sdelay $0x7  }
0x20a: {  	[tilespmem:v2+s21+$0x0] =	vst.idx.add.f32.msk $0xffff, v1  }
0x20b: {  	v2 =	vld [tilespmem:$0x490];
	_ =	sdelay $0x7  }
0x20c: {  	[tilespmem:v2+s21+$0x0] =	vst.idx.add.f32.msk $0xffff, v1  }
0x20d: {  	v2 =	vld [tilespmem:$0x4A0];
	_ =	sdelay $0x7  }
0x20e: {  	[tilespmem:v2+s21+$0x0] =	vst.idx.add.f32.msk $0xffff, v1  }
0x20f: {  	v2 =	vld [tilespmem:$0x4B0];
	_ =	sdelay $0x7  }
0x210: {  	[tilespmem:v2+s21+$0x0] =	vst.idx.add.f32.msk $0xffff, v1  }
0x211: {  	v2 =	vld [tilespmem:$0x4C0];
	_ =	sdelay $0x7  }
0x212: {  	[tilespmem:v2+s21+$0x0] =	vst.idx.add.f32.msk $0xffff, v1  }
0x213: {  	_ =	swait.ge [sflag:s11], $0x2800  }
0x214: {  	[sflag:s11] =	ssyncset.done $0x0  }
0x215: {  	[sflag:s11] =	ssyncadd.s32 $0xFFFFD800  }
0x216: {  	_ =	swait.ge [sflag:s28], $0x2800  }
0x217: {  	[sflag:s28] =	ssyncset.done $0x0  }
0x218: {  	[sflag:s28] =	ssyncadd.s32 $0xFFFFD800  }
0x219: {  	[spmem:s23] =	stream.indirect.scatter.add.f32 [tilespmem:s26], [sflag:$0x5], $0x80, s10, s15, $0xb8;
	[tilespmem:$0x1E180] =	vst v63  }
0x21a: {  	v2 =	vld [tilespmem:$0x500];
	_ =	sdelay $0x7  }
0x21b: {  	[tilespmem:v2+s21+$0x0] =	vst.idx.add.f32.msk $0xffff, v1  }
0x21c: {  	v2 =	vld [tilespmem:$0x510];
	_ =	sdelay $0x7  }
0x21d: {  	[tilespmem:v2+s21+$0x0] =	vst.idx.add.f32.msk $0xffff, v1  }
0x21e: {  	v2 =	vld [tilespmem:$0x520];
	_ =	sdelay $0x7  }
0x21f: {  	[tilespmem:v2+s21+$0x0] =	vst.idx.add.f32.msk $0xffff, v1  }
0x220: {  	v2 =	vld [tilespmem:$0x530];
	_ =	sdelay $0x7  }
0x221: {  	[tilespmem:v2+s21+$0x0] =	vst.idx.add.f32.msk $0xffff, v1  }
0x222: {  	v2 =	vld [tilespmem:$0x540];
	_ =	sdelay $0x7  }
0x223: {  	[tilespmem:v2+s21+$0x0] =	vst.idx.add.f32.msk $0xffff, v1  }
0x224: {  	_ =	swait.ge [sflag:s29], $0x2800  }
0x225: {  	[sflag:s29] =	ssyncset.done $0x0  }
0x226: {  	[sflag:s29] =	ssyncadd.s32 $0xFFFFD800  }
0x227: {  	_ =	swait.ge [sflag:s6], $0x2800  }
0x228: {  	[sflag:s6] =	ssyncset.done $0x0  }
0x229: {  	[sflag:s6] =	ssyncadd.s32 $0xFFFFD800  }
0x22a: {  	[bflag:$0x0] =	sbarrier.arrive $0xFFFF  }
0x22b: {  	s10 =	sld [smem:$0x7FD]  }
0x22c: {  	s22 =	sld [smem:$0x7FB]  }
0x22d: {  	s23 =	sld [smem:$0x7F0];
	_ =	sdelay $0x1  }
0x22e: {  	s31 =	simm.s32 $0x13  }
0x22f: {  	[hbm:s22], [sflag:s10] =	dma.local [spmem:s23], $0x2780  }
0x230: {  	_ =	swait.ge [sflag:s31], $0x2780  }
0x231: {  	[sflag:s31] =	ssyncset.done $0x0  }
0x232: {  	s24 =	rddreg [dreg:$0x1b];
	[sflag:s31] =	ssyncadd.s32 $0xFFFFD880  }
0x233: {  	[hbm4b:s24+s25] =	stream.strided.scatter [tilespmem:s21], [sflag:$0x13], $0x2780, s14, s25, $0x38;
	[tilespmem:$0x1E180] =	vst v63  }
0x234: {  	_ =	swait.ge [sflag:s31], $0x2780  }
0x235: {  	s26 =	sld [smem:$0x7EF]  }
0x236: {  	s30 =	sld [smem:$0x7FC];
	_ =	sdelay $0x1  }
0x237: {  	s23 =	sadd.s32 $0x1, s26  }
0x238: {  	s0 =	simm.s32 $0xA;
	p0 =	sne.s32 s23, s30  }
.Ltmp2:
0x239: {  	s2 =	simm.s32 $0x10;
	s8 =	simm.s32 $0xB;
	(pc) =	sbr.rel @p0 .LBB2_1-.Ltmp2, $4  }
0x23a: {  	s9 =	simm.s32 $0x11;
	s16 =	simm.s32 $0x5600;
	s17 =	simm.s32 $0x8  }
0x23b: {  	s18 =	simm.s32 $0xE;
	s12 =	simm.s32 $0xF;
	s13 =	simm.s32 $0x7  }
0x23c: {  	s19 =	simm.s32 $0x600;
	s22 =	simm.s32 $0x9;
	[sflag:s31] =	ssyncset.done $0x0  }
0x23d: {  	s14 =	simm.s32 $0xD;
	s24 =	simm.s32 $0x2E00;
	[sflag:s31] =	ssyncadd.s32 $0xFFFFD880  }
0x23e: {  	_ =	sfence.sel $0x180000  }
0x23f: {  	[bflag:$0x0] =	sbarrier.arrive $0xFFFF  }
0x240: {  	_ =	strace $0x90000047  }
0x241: {  	s0 =	stileid.u32;
	[bflag:$0x2] =	sbarrier.arrive $0xFFFF  }
0x242: {  	p0 =	sne.s32 s0, $0x0;
	s0 =	rddreg [dreg:$0x4]  }
0x243: {  	s0 =	sadd.s32 @!p0 $0x100000, s0  }
0x244: {  	[sflag:s0] =	ssyncadd.tile.s32 @!p0 $0x1;
	_ =	shalt  }
.Lfunc_end2:
_tile_overlayer_lowered:
.L_overlay_start_2:
0x245: {  	(tag) =	ssettag $0x2  }
0x246: {  	s0 =	rddreg [dreg:$0x0];
	s2 =	stileid.u32  }
0x247: {  	s1 =	rddreg [dreg:$0x1];
	p0 =	sne.s32 s2, $0x0  }
0x248: {  	s3 =	rddreg [dreg:$0x2];
	[bflag:$0x3] =	sbarrier.arrive $0xFFFF;
	s2 =	simm.s32 @!p0 $0x1C13  }
0x249: {  	[timem:s3], [sflag:s2] =	dma.local @!p0 [hbm:s0], s1  }
0x24a: {  	s0 =	simm.s32 @!p0 $0x13  }
0x24b: {  	_ =	swait.ge @!p0 [sflag:s0], s1  }
0x24c: {  	s1 =	ssub.s32 @!p0 $0x0, s1;
	[sflag:s0] =	ssyncset.done @!p0 $0x0  }
0x24d: {  	[sflag:s0] =	ssyncadd.s32 @!p0 s1  }
0x24e: {  	[bflag:$0x3] =	sbarrier.arrive $0xFFFF  }
0x24f: {  	_ =	shalt  }

</sc_bundles>
